<compile_context>
chip_gen: v7x
topology: tpu7x:2x2x1
jax: 0.10.2.dev20260603
libtpu: 0.0.44.dev20260713+nightly
codegen_flags: <defaults>
</compile_context>

<pallas_src>
import functools

import jax
import jax.numpy as jnp
from jax import lax
from jax.experimental import pallas as pl
from jax.experimental.pallas import tpu as pltpu
from jax.experimental.pallas import tpu_sc as plsc

B = 8
L = 512

NC = 2
NS = 16
NW = NC * NS
ROWS_PER_TILE = (B * L) // NW
SUB = 64
NSUB = ROWS_PER_TILE // SUB


def _softmax_kernel(p_ref, q_ref):
    P = p_ref[...]
    mx = jnp.max(P, axis=1, keepdims=True)
    e = jnp.exp(P - mx)
    q_ref[...] = 1.0 - e / jnp.sum(e, axis=1, keepdims=True)


def _sc_gather_kernel(q_hbm, xs_hbm, ys_hbm, m_hbm, idx_v, ys_v, rows_v,
                      out_v, sem):
    wid = lax.axis_index("s") * NC + lax.axis_index("c")
    b = wid // (NW // B)
    pltpu.sync_copy(ys_hbm.at[pl.ds(b * L, L)], ys_v)
    for sub in range(NSUB):
        base = wid * ROWS_PER_TILE + sub * SUB
        pltpu.sync_copy(xs_hbm.at[pl.ds(base, SUB)], idx_v)
        pltpu.async_copy(q_hbm.at[idx_v], rows_v, sem).wait()

        @plsc.parallel_loop(0, SUB)
        def body(i):
            i16 = jnp.full((16,), i, jnp.int32)
            for g in range(L // 16):
                lanes = lax.iota(jnp.int32, 16) + (g * 16)
                ysg = ys_v[pl.ds(g * 16, 16)]
                vals = plsc.load_gather(rows_v, [i16, ysg])
                plsc.store_scatter(out_v, [i16, lanes], vals)
        pltpu.sync_copy(out_v, m_hbm.at[pl.ds(base, SUB)])


@functools.partial(
    pl.kernel,
    out_type=jax.ShapeDtypeStruct((B * L, L), jnp.float32),
    mesh=plsc.VectorSubcoreMesh(core_axis_name="c", subcore_axis_name="s"),
    compiler_params=pltpu.CompilerParams(needs_layout_passes=False),
    scratch_types=[
        pltpu.VMEM((SUB,), jnp.int32),
        pltpu.VMEM((L,), jnp.int32),
        pltpu.VMEM((SUB, L), jnp.float32),
        pltpu.VMEM((SUB, L), jnp.float32),
        pltpu.SemaphoreType.DMA,
    ],
)
def _sc_gather(q_hbm, xs_hbm, ys_hbm, m_hbm, idx_v, ys_v, rows_v, out_v, sem):
    _sc_gather_kernel(q_hbm, xs_hbm, ys_hbm, m_hbm, idx_v, ys_v, rows_v,
                      out_v, sem)


def _dp_kernel(xs_ref, ys_ref, xlen_ref, ylen_ref, q_ref, m_ref, dn_ref,
               out_ref, t_ref):
    f32 = jnp.float32
    Q = q_ref[...]
    dn0 = dn_ref[0]
    dn1 = dn_ref[1]

    iota_s = lax.broadcasted_iota(jnp.int32, (L, L), 0)
    iota_l = lax.broadcasted_iota(jnp.int32, (L, L), 1)
    qdn = jnp.sum(jnp.where(iota_s == dn0, Q, 0.0), axis=0, keepdims=True)
    qcol = jnp.sum(jnp.where(iota_l == dn1, Q, 0.0), axis=1, keepdims=True)

    cy_rows = []
    cx_rows = []
    for b in range(B):
        xb = xs_ref[pl.ds(b, 1), :]
        ohxT = (jnp.broadcast_to(xb, (L, L)) == iota_s).astype(f32)
        yb = ys_ref[pl.ds(b, 1), :]
        ohyT = (jnp.broadcast_to(yb, (L, L)) == iota_s).astype(f32)
        cyb = lax.dot_general(qdn, ohyT, (((1,), (0,)), ((), ())),
                              preferred_element_type=f32)
        cy_rows.append(cyb)
        cx_rows.append(lax.dot_general(qcol, ohxT, (((0,), (0,)), ((), ())),
                                       preferred_element_type=f32))
        mb = m_ref[pl.ds(b * L, L), :]
        skewed = pltpu.roll(mb - cyb, 0, 1, stride=1, stride_axis=0)
        tb = jnp.transpose(skewed)
        t_ref[:, pl.ds(b, 1), :] = tb.reshape(L, 1, L)

    cy_all = jnp.concatenate(cy_rows, axis=0)
    cxl = jnp.concatenate(cx_rows, axis=0)

    lane = lax.broadcasted_iota(jnp.int32, (B, L), 1)
    xe = xlen_ref[...] - 1
    ye = ylen_ref[...] - 1
    de = xe + ye
    lanekx = lane == jnp.broadcast_to(xe - 1, (B, L))
    ccy_mask = lane <= jnp.broadcast_to(ye - 1, (B, L))
    ccy_at = jnp.sum(jnp.where(ccy_mask, cy_all, 0.0), axis=1, keepdims=True)

    inf = jnp.float32(jnp.inf)

    def one_diag(d, f_prev, r_prev, acc):
        c = (d - 2) & (L - 1)
        tslab = t_ref[pl.ds(c, 1), :, :].reshape(B, L)
        r1 = pltpu.roll(f_prev, 1, 1)
        b0 = jnp.where(d <= L + 1, jnp.float32(0.0), inf)
        r1 = jnp.where(lane == 0, b0, r1)
        f_new = jnp.minimum(jnp.minimum(r_prev + tslab, f_prev), r1 + cxl)
        hit = lanekx & jnp.broadcast_to(de == d, (B, L))
        acc = jnp.where(hit, f_new, acc)
        return f_new, r1, acc

    U = 4

    def step(s, carry):
        f_prev, r_prev, acc = carry
        for r in range(1, U + 1):
            f_prev, r_prev, acc = one_diag(U * s + r, f_prev, r_prev, acc)
        return f_prev, r_prev, acc

    n_steps = (jnp.max(de) + (U - 1)) // U
    init = (jnp.full((B, L), inf, f32), jnp.full((B, L), inf, f32),
            jnp.zeros((B, L), f32))
    _, _, acc = lax.fori_loop(0, n_steps, step, init)

    phi = jnp.sum(acc, axis=1, keepdims=True)
    total = jnp.sum(phi + ccy_at, axis=0, keepdims=True)
    out_ref[...] = total * (1.0 / B)


@jax.jit
def kernel(xs, ys, x_lengths, y_lengths, P, do_nothing_ij):
    Q = pl.pallas_call(
        _softmax_kernel,
        out_shape=jax.ShapeDtypeStruct((L, L), jnp.float32),
        in_specs=[pl.BlockSpec((L, L), lambda: (0, 0))],
        out_specs=pl.BlockSpec((L, L), lambda: (0, 0)),
    )(P)
    M = _sc_gather(Q, xs.reshape(-1), ys.reshape(-1))
    out = pl.pallas_call(
        _dp_kernel,
        out_shape=jax.ShapeDtypeStruct((1, 1), jnp.float32),
        in_specs=[
            pl.BlockSpec((B, L), lambda: (0, 0)),
            pl.BlockSpec((B, L), lambda: (0, 0)),
            pl.BlockSpec((B, 1), lambda: (0, 0)),
            pl.BlockSpec((B, 1), lambda: (0, 0)),
            pl.BlockSpec((L, L), lambda: (0, 0)),
            pl.BlockSpec((B * L, L), lambda: (0, 0)),
            pl.BlockSpec(memory_space=pltpu.SMEM),
        ],
        out_specs=pl.BlockSpec((1, 1), lambda: (0, 0)),
        scratch_shapes=[
            pltpu.VMEM((L, B, L), jnp.float32),
        ],
    )(xs, ys, x_lengths.reshape(B, 1), y_lengths.reshape(B, 1), Q, M,
      do_nothing_ij)
    return out[0, 0]

# --- scband reference (transcript-rebuilt; emitter-appended) ---
"""Pipeline reference for scband-matching-model-34153579938509 (READ-ONLY COPY).

The authoritative reference and input builder live on the scoring server;
editing this copy changes nothing except your own understanding.
"""

import jax, jax.numpy as jnp
import numpy as np

S = 512
A = 512
B = 8
LX = 512
LY = 512


def setup_inputs(seed: int = 0):
    key = jax.random.key(seed)
    k1, k2, k3, k4, k5 = jax.random.split(key, 5)
    xs = jax.random.randint(k1, (B, LX), 0, S, dtype=jnp.int32)
    ys = jax.random.randint(k2, (B, LY), 0, A, dtype=jnp.int32)
    x_lengths = jax.random.randint(k3, (B,), 2, LX + 1, dtype=jnp.int32)
    y_lengths = jax.random.randint(k4, (B,), 2, LY + 1, dtype=jnp.int32)
    P = jax.nn.softmax(jax.random.uniform(k5, (S, A), dtype=jnp.float32), axis=1)
    do_nothing_ij = jnp.array([1, 1], dtype=jnp.int32)
    return {"xs": xs, "ys": ys, "x_lengths": x_lengths, "y_lengths": y_lengths, "P": P, "do_nothing_ij": do_nothing_ij}


def _matching_loss_batch(xs, ys, x_len, y_len, C, dn):
    # Batched min-plus alignment (edit-distance style) DP.
    # D[i, j] = min( D[i-1, j-1] + C[xs[i-1], ys[j-1]],   # match step
    #                D[i-1, j]   + C[xs[i-1], dn[1]],     # advance x only (do-nothing on y)
    #                D[i,   j-1] + C[dn[0],  ys[j-1]] )   # advance y only (do-nothing on x)
    Bsz, Lx = xs.shape
    Ly = ys.shape[1]
    M = C[xs[:, :, None], ys[:, None, :]]          # [B, Lx, Ly] pairwise match costs (gather)
    Cx = C[xs, dn[1]]                              # [B, Lx] skip-x costs
    Cy = C[dn[0], ys]                              # [B, Ly] skip-y costs
    cumCy = jnp.concatenate([jnp.zeros((Bsz, 1), dtype=C.dtype), jnp.cumsum(Cy, axis=1)], axis=1)  # [B, Ly+1]
    D0 = cumCy                                     # boundary row D[0, :]

    def row_step(D_prev, inp):
        m_row, cx = inp                            # [B, Ly], [B]
        d0 = D_prev[:, 0] + cx
        base = jnp.concatenate(
            [d0[:, None], jnp.minimum(D_prev[:, :-1] + m_row, D_prev[:, 1:] + cx[:, None])],
            axis=1,
        )                                          # [B, Ly+1]
        # Within-row recurrence D[i,j] = min(base[j], D[i,j-1] + Cy[j-1]) solved via cummin:
        t = base - cumCy
        D_new = cumCy + jax.lax.cummin(t, axis=1)
        return D_new, D_new

    _, rows = jax.lax.scan(row_step, D0, (jnp.transpose(M, (1, 0, 2)), jnp.transpose(Cx, (1, 0))))
    D_full = jnp.concatenate([D0[None], rows], axis=0)   # [Lx+1, B, Ly+1]
    xe = jnp.clip(x_len, 0, Lx)
    ye = jnp.clip(y_len, 0, Ly)
    costs = D_full[xe, jnp.arange(Bsz), ye]
    return jnp.mean(costs)


def reference(xs, ys, x_lengths, y_lengths, P, do_nothing_ij):
    C = jnp.pad(1.0 - jax.nn.softmax(P, axis=1), ((0, 1), (0, 1)), constant_values=jnp.inf)
    return _matching_loss_batch(xs, ys, x_lengths - 1, y_lengths - 1, C, do_nothing_ij)

if __name__ == "__main__":
    import jax
    _d = setup_inputs()
    print(jax.jit(kernel)(*tuple(_d.values())))

</pallas_src>

<mosaic_0001>
#map = affine_map<(d0, d1) -> (0, 0)>
#map1 = affine_map<(d0, d1) -> (0)>
module attributes {stable_mosaic.version = 14 : i64} {
  func.func @_sc_gather(%arg0: i32, %arg1: i32, %arg2: memref<512x512xf32, #tpu.memory_space<hbm>>, %arg3: memref<4096xi32, #tpu.memory_space<hbm>>, %arg4: memref<4096xi32, #tpu.memory_space<hbm>>, %arg5: memref<4096x512xf32, #tpu.memory_space<hbm>>, %arg6: memref<64xi32, #tpu.memory_space<vmem>>, %arg7: memref<512xi32, #tpu.memory_space<vmem>>, %arg8: memref<64x512xf32, #tpu.memory_space<vmem>>, %arg9: memref<64x512xf32, #tpu.memory_space<vmem>>, %arg10: memref<!tpu.dma_semaphore, #tpu.memory_space<semaphore_mem>>) attributes {dimension_semantics = [#tpu.dimension_semantics<core_parallel>, #tpu.dimension_semantics<subcore_parallel>], iteration_bounds = array<i64: 2, 16>, scalar_prefetch = 0 : i64, scratch_operands = 5 : i64, tpu.core_type = #tpu.core_type<sc_vector_subcore>, window_params = [{transform_indices = #map}, {transform_indices = #map1}, {transform_indices = #map1}, {transform_indices = #map}]} {
    %mul3A = arith.constant 2 : i32
    %mul3A_0 = arith.muli %arg1, %mul3A : i32
    %add3A = arith.addi %mul3A_0, %arg0 : i32
    %jit3A = arith.constant 4 : i32
    %div3A = arith.divsi %add3A, %jit3A : i32
    %sign3A = arith.constant 0 : i32
    %sign3A_1 = arith.cmpi sgt, %add3A, %sign3A : i32
    %sign3A_2 = arith.extui %sign3A_1 : i1 to i32
    %sign3A_3 = arith.constant 0 : i32
    %sign3A_4 = arith.cmpi slt, %add3A, %sign3A_3 : i32
    %sign3A_5 = arith.extui %sign3A_4 : i1 to i32
    %sign3A_6 = arith.subi %sign3A_2, %sign3A_5 : i32
    %sign3A_7 = arith.constant 0 : i32
    %sign3A_8 = arith.cmpi sgt, %jit3A, %sign3A_7 : i32
    %sign3A_9 = arith.extui %sign3A_8 : i1 to i32
    %sign3A_10 = arith.constant 0 : i32
    %sign3A_11 = arith.cmpi slt, %jit3A, %sign3A_10 : i32
    %sign3A_12 = arith.extui %sign3A_11 : i1 to i32
    %sign3A_13 = arith.subi %sign3A_9, %sign3A_12 : i32
    %ne3A = arith.cmpi ne, %sign3A_6, %sign3A_13 : i32
    %rem3A = arith.remsi %add3A, %jit3A : i32
    %ne3A_14 = arith.constant 0 : i32
    %ne3A_15 = arith.cmpi ne, %rem3A, %ne3A_14 : i32
    %and3A = arith.andi %ne3A, %ne3A_15 : i1
    %sub3A = arith.constant 1 : i32
    %sub3A_16 = arith.subi %div3A, %sub3A : i32
    %select_n3A = arith.select %and3A, %sub3A_16, %div3A : i32
    %mul3A_17 = arith.constant 512 : i32
    %mul3A_18 = arith.muli %select_n3A, %mul3A_17 : i32
    "tpu.region"() ({
      %run_scoped3A = tpu.sem_alloc : memref<!tpu.dma_semaphore, #tpu.memory_space<semaphore_mem>>
      %dma_start3A_42 = tpu.memref_slice %arg4[%mul3A_18] : memref<4096xi32, #tpu.memory_space<hbm>> -> memref<512xi32, #tpu.memory_space<hbm>>
      %dma_start3A_43 = tpu.memref_slice %arg4[%mul3A_18] : memref<4096xi32, #tpu.memory_space<hbm>> -> memref<512xi32, #tpu.memory_space<hbm>>
      tpu.enqueue_dma source(%dma_start3A_43 : memref<512xi32, #tpu.memory_space<hbm>>) target(%arg7 : memref<512xi32, #tpu.memory_space<vmem>>) target_semaphore(%run_scoped3A : memref<!tpu.dma_semaphore, #tpu.memory_space<semaphore_mem>>)
      %dma_wait3A_44 = tpu.memref_slice %arg4[%mul3A_18] : memref<4096xi32, #tpu.memory_space<hbm>> -> memref<512xi32, #tpu.memory_space<hbm>>
      %dma_wait3A_45 = tpu.memref_slice %arg4[%mul3A_18] : memref<4096xi32, #tpu.memory_space<hbm>> -> memref<512xi32, #tpu.memory_space<hbm>>
      tpu.wait_dma2 semaphore(%run_scoped3A : memref<!tpu.dma_semaphore, #tpu.memory_space<semaphore_mem>>) src(%dma_wait3A_45 : memref<512xi32, #tpu.memory_space<hbm>>) dst(%arg7 : memref<512xi32, #tpu.memory_space<vmem>>)
      tpu.yield
    }) : () -> ()
    %mul3A_19 = arith.constant 128 : i32
    %mul3A_20 = arith.muli %add3A, %mul3A_19 : i32
    %add3A_21 = arith.constant 0 : i32
    %add3A_22 = arith.addi %mul3A_20, %add3A_21 : i32
    "tpu.region"() ({
      %run_scoped3A = tpu.sem_alloc : memref<!tpu.dma_semaphore, #tpu.memory_space<semaphore_mem>>
      %dma_start3A_42 = tpu.memref_slice %arg3[%add3A_22] : memref<4096xi32, #tpu.memory_space<hbm>> -> memref<64xi32, #tpu.memory_space<hbm>>
      %dma_start3A_43 = tpu.memref_slice %arg3[%add3A_22] : memref<4096xi32, #tpu.memory_space<hbm>> -> memref<64xi32, #tpu.memory_space<hbm>>
      tpu.enqueue_dma source(%dma_start3A_43 : memref<64xi32, #tpu.memory_space<hbm>>) target(%arg6 : memref<64xi32, #tpu.memory_space<vmem>>) target_semaphore(%run_scoped3A : memref<!tpu.dma_semaphore, #tpu.memory_space<semaphore_mem>>)
      %dma_wait3A_44 = tpu.memref_slice %arg3[%add3A_22] : memref<4096xi32, #tpu.memory_space<hbm>> -> memref<64xi32, #tpu.memory_space<hbm>>
      %dma_wait3A_45 = tpu.memref_slice %arg3[%add3A_22] : memref<4096xi32, #tpu.memory_space<hbm>> -> memref<64xi32, #tpu.memory_space<hbm>>
      tpu.wait_dma2 semaphore(%run_scoped3A : memref<!tpu.dma_semaphore, #tpu.memory_space<semaphore_mem>>) src(%dma_wait3A_45 : memref<64xi32, #tpu.memory_space<hbm>>) dst(%arg6 : memref<64xi32, #tpu.memory_space<vmem>>)
      tpu.yield
    }) : () -> ()
    %dma_start3A = arith.constant 0 : i32
    %dma_start3A_23 = arith.constant 0 : i32
    %dma_start3A_24 = tpu.memref_slice %arg2[%dma_start3A, %dma_start3A_23] : memref<512x512xf32, #tpu.memory_space<hbm>> -> memref<512x512xf32, #tpu.memory_space<hbm>>
    tpu.enqueue_indirect_dma source(%dma_start3A_24 : memref<512x512xf32, #tpu.memory_space<hbm>>) target(%arg8 : memref<64x512xf32, #tpu.memory_space<vmem>>) offsets(%arg6 : memref<64xi32, #tpu.memory_space<vmem>>) semaphore(%arg10 : memref<!tpu.dma_semaphore, #tpu.memory_space<semaphore_mem>>)
    %dma_wait3A = arith.constant 0 : i32
    %dma_wait3A_25 = arith.constant 0 : i32
    %dma_wait3A_26 = tpu.memref_slice %arg2[%dma_wait3A, %dma_wait3A_25] : memref<512x512xf32, #tpu.memory_space<hbm>> -> memref<512x512xf32, #tpu.memory_space<hbm>>
    tpu.wait_indirect_dma semaphore(%arg10 : memref<!tpu.dma_semaphore, #tpu.memory_space<semaphore_mem>>) src(%dma_wait3A_26 : memref<512x512xf32, #tpu.memory_space<hbm>>) dst(%arg8 : memref<64x512xf32, #tpu.memory_space<vmem>>)
    %parallel_loop3A = arith.constant 0 : i32
    %parallel_loop3A_27 = arith.constant 64 : i32
    %parallel_loop3A_28 = arith.constant 1 : i32
    scf.for %parallel_loop3A_42 = %parallel_loop3A to %parallel_loop3A_27 step %parallel_loop3A_28  : i32 {
      %parallel_loop3A_43 = vector.broadcast %parallel_loop3A_42 : i32 to vector<16xi32>
      %parallel_loop3A_44 = tpu.iota {dimensions = array<i32: 0>} : vector<16xi32>
      %parallel_loop3A_45 = arith.constant 0 : i32
      %parallel_loop3A_46 = vector.broadcast %parallel_loop3A_45 : i32 to vector<16xi32>
      %parallel_loop3A_47 = arith.addi %parallel_loop3A_44, %parallel_loop3A_46 : vector<16xi32>
      %parallel_loop3A_48 = arith.constant 0 : index
      %parallel_loop3A_49 = tpu.vector_load %arg7[%parallel_loop3A_48] {strides = array<i32>} : memref<512xi32, #tpu.memory_space<vmem>>, vector<16xi32>,
      %parallel_loop3A_50 = tpu.vector_load_idx %arg8[%parallel_loop3A_43, %parallel_loop3A_49] : memref<64x512xf32, #tpu.memory_space<vmem>>[vector<16xi32>, vector<16xi32>], vector<16xf32>,
      tpu.vector_store_idx %arg9[%parallel_loop3A_43, %parallel_loop3A_47], %parallel_loop3A_50 : memref<64x512xf32, #tpu.memory_space<vmem>>[vector<16xi32>, vector<16xi32>], vector<16xf32>,
      %parallel_loop3A_51 = tpu.iota {dimensions = array<i32: 0>} : vector<16xi32>
      %parallel_loop3A_52 = arith.constant 16 : i32
      %parallel_loop3A_53 = vector.broadcast %parallel_loop3A_52 : i32 to vector<16xi32>
      %parallel_loop3A_54 = arith.addi %parallel_loop3A_51, %parallel_loop3A_53 : vector<16xi32>
      %parallel_loop3A_55 = arith.constant 16 : index
      %parallel_loop3A_56 = tpu.vector_load %arg7[%parallel_loop3A_55] {strides = array<i32>} : memref<512xi32, #tpu.memory_space<vmem>>, vector<16xi32>,
      %parallel_loop3A_57 = tpu.vector_load_idx %arg8[%parallel_loop3A_43, %parallel_loop3A_56] : memref<64x512xf32, #tpu.memory_space<vmem>>[vector<16xi32>, vector<16xi32>], vector<16xf32>,
      tpu.vector_store_idx %arg9[%parallel_loop3A_43, %parallel_loop3A_54], %parallel_loop3A_57 : memref<64x512xf32, #tpu.memory_space<vmem>>[vector<16xi32>, vector<16xi32>], vector<16xf32>,
      %parallel_loop3A_58 = tpu.iota {dimensions = array<i32: 0>} : vector<16xi32>
      %parallel_loop3A_59 = arith.constant 32 : i32
      %parallel_loop3A_60 = vector.broadcast %parallel_loop3A_59 : i32 to vector<16xi32>
      %parallel_loop3A_61 = arith.addi %parallel_loop3A_58, %parallel_loop3A_60 : vector<16xi32>
      %parallel_loop3A_62 = arith.constant 32 : index
      %parallel_loop3A_63 = tpu.vector_load %arg7[%parallel_loop3A_62] {strides = array<i32>} : memref<512xi32, #tpu.memory_space<vmem>>, vector<16xi32>,
      %parallel_loop3A_64 = tpu.vector_load_idx %arg8[%parallel_loop3A_43, %parallel_loop3A_63] : memref<64x512xf32, #tpu.memory_space<vmem>>[vector<16xi32>, vector<16xi32>], vector<16xf32>,
      tpu.vector_store_idx %arg9[%parallel_loop3A_43, %parallel_loop3A_61], %parallel_loop3A_64 : memref<64x512xf32, #tpu.memory_space<vmem>>[vector<16xi32>, vector<16xi32>], vector<16xf32>,
      %parallel_loop3A_65 = tpu.iota {dimensions = array<i32: 0>} : vector<16xi32>
      %parallel_loop3A_66 = arith.constant 48 : i32
      %parallel_loop3A_67 = vector.broadcast %parallel_loop3A_66 : i32 to vector<16xi32>
      %parallel_loop3A_68 = arith.addi %parallel_loop3A_65, %parallel_loop3A_67 : vector<16xi32>
      %parallel_loop3A_69 = arith.constant 48 : index
      %parallel_loop3A_70 = tpu.vector_load %arg7[%parallel_loop3A_69] {strides = array<i32>} : memref<512xi32, #tpu.memory_space<vmem>>, vector<16xi32>,
      %parallel_loop3A_71 = tpu.vector_load_idx %arg8[%parallel_loop3A_43, %parallel_loop3A_70] : memref<64x512xf32, #tpu.memory_space<vmem>>[vector<16xi32>, vector<16xi32>], vector<16xf32>,
      tpu.vector_store_idx %arg9[%parallel_loop3A_43, %parallel_loop3A_68], %parallel_loop3A_71 : memref<64x512xf32, #tpu.memory_space<vmem>>[vector<16xi32>, vector<16xi32>], vector<16xf32>,
      %parallel_loop3A_72 = tpu.iota {dimensions = array<i32: 0>} : vector<16xi32>
      %parallel_loop3A_73 = arith.constant 64 : i32
      %parallel_loop3A_74 = vector.broadcast %parallel_loop3A_73 : i32 to vector<16xi32>
      %parallel_loop3A_75 = arith.addi %parallel_loop3A_72, %parallel_loop3A_74 : vector<16xi32>
      %parallel_loop3A_76 = arith.constant 64 : index
      %parallel_loop3A_77 = tpu.vector_load %arg7[%parallel_loop3A_76] {strides = array<i32>} : memref<512xi32, #tpu.memory_space<vmem>>, vector<16xi32>,
      %parallel_loop3A_78 = tpu.vector_load_idx %arg8[%parallel_loop3A_43, %parallel_loop3A_77] : memref<64x512xf32, #tpu.memory_space<vmem>>[vector<16xi32>, vector<16xi32>], vector<16xf32>,
      tpu.vector_store_idx %arg9[%parallel_loop3A_43, %parallel_loop3A_75], %parallel_loop3A_78 : memref<64x512xf32, #tpu.memory_space<vmem>>[vector<16xi32>, vector<16xi32>], vector<16xf32>,
      %parallel_loop3A_79 = tpu.iota {dimensions = array<i32: 0>} : vector<16xi32>
      %parallel_loop3A_80 = arith.constant 80 : i32
      %parallel_loop3A_81 = vector.broadcast %parallel_loop3A_80 : i32 to vector<16xi32>
      %parallel_loop3A_82 = arith.addi %parallel_loop3A_79, %parallel_loop3A_81 : vector<16xi32>
      %parallel_loop3A_83 = arith.constant 80 : index
      %parallel_loop3A_84 = tpu.vector_load %arg7[%parallel_loop3A_83] {strides = array<i32>} : memref<512xi32, #tpu.memory_space<vmem>>, vector<16xi32>,
      %parallel_loop3A_85 = tpu.vector_load_idx %arg8[%parallel_loop3A_43, %parallel_loop3A_84] : memref<64x512xf32, #tpu.memory_space<vmem>>[vector<16xi32>, vector<16xi32>], vector<16xf32>,
      tpu.vector_store_idx %arg9[%parallel_loop3A_43, %parallel_loop3A_82], %parallel_loop3A_85 : memref<64x512xf32, #tpu.memory_space<vmem>>[vector<16xi32>, vector<16xi32>], vector<16xf32>,
      %parallel_loop3A_86 = tpu.iota {dimensions = array<i32: 0>} : vector<16xi32>
      %parallel_loop3A_87 = arith.constant 96 : i32
      %parallel_loop3A_88 = vector.broadcast %parallel_loop3A_87 : i32 to vector<16xi32>
      %parallel_loop3A_89 = arith.addi %parallel_loop3A_86, %parallel_loop3A_88 : vector<16xi32>
      %parallel_loop3A_90 = arith.constant 96 : index
      %parallel_loop3A_91 = tpu.vector_load %arg7[%parallel_loop3A_90] {strides = array<i32>} : memref<512xi32, #tpu.memory_space<vmem>>, vector<16xi32>,
      %parallel_loop3A_92 = tpu.vector_load_idx %arg8[%parallel_loop3A_43, %parallel_loop3A_91] : memref<64x512xf32, #tpu.memory_space<vmem>>[vector<16xi32>, vector<16xi32>], vector<16xf32>,
      tpu.vector_store_idx %arg9[%parallel_loop3A_43, %parallel_loop3A_89], %parallel_loop3A_92 : memref<64x512xf32, #tpu.memory_space<vmem>>[vector<16xi32>, vector<16xi32>], vector<16xf32>,
      %parallel_loop3A_93 = tpu.iota {dimensions = array<i32: 0>} : vector<16xi32>
      %parallel_loop3A_94 = arith.constant 112 : i32
      %parallel_loop3A_95 = vector.broadcast %parallel_loop3A_94 : i32 to vector<16xi32>
      %parallel_loop3A_96 = arith.addi %parallel_loop3A_93, %parallel_loop3A_95 : vector<16xi32>
      %parallel_loop3A_97 = arith.constant 112 : index
      %parallel_loop3A_98 = tpu.vector_load %arg7[%parallel_loop3A_97] {strides = array<i32>} : memref<512xi32, #tpu.memory_space<vmem>>, vector<16xi32>,
      %parallel_loop3A_99 = tpu.vector_load_idx %arg8[%parallel_loop3A_43, %parallel_loop3A_98] : memref<64x512xf32, #tpu.memory_space<vmem>>[vector<16xi32>, vector<16xi32>], vector<16xf32>,
      tpu.vector_store_idx %arg9[%parallel_loop3A_43, %parallel_loop3A_96], %parallel_loop3A_99 : memref<64x512xf32, #tpu.memory_space<vmem>>[vector<16xi32>, vector<16xi32>], vector<16xf32>,
      %parallel_loop3A_100 = tpu.iota {dimensions = array<i32: 0>} : vector<16xi32>
      %parallel_loop3A_101 = arith.constant 128 : i32
      %parallel_loop3A_102 = vector.broadcast %parallel_loop3A_101 : i32 to vector<16xi32>
      %parallel_loop3A_103 = arith.addi %parallel_loop3A_100, %parallel_loop3A_102 : vector<16xi32>
      %parallel_loop3A_104 = arith.constant 128 : index
      %parallel_loop3A_105 = tpu.vector_load %arg7[%parallel_loop3A_104] {strides = array<i32>} : memref<512xi32, #tpu.memory_space<vmem>>, vector<16xi32>,
      %parallel_loop3A_106 = tpu.vector_load_idx %arg8[%parallel_loop3A_43, %parallel_loop3A_105] : memref<64x512xf32, #tpu.memory_space<vmem>>[vector<16xi32>, vector<16xi32>], vector<16xf32>,
      tpu.vector_store_idx %arg9[%parallel_loop3A_43, %parallel_loop3A_103], %parallel_loop3A_106 : memref<64x512xf32, #tpu.memory_space<vmem>>[vector<16xi32>, vector<16xi32>], vector<16xf32>,
      %parallel_loop3A_107 = tpu.iota {dimensions = array<i32: 0>} : vector<16xi32>
      %parallel_loop3A_108 = arith.constant 144 : i32
      %parallel_loop3A_109 = vector.broadcast %parallel_loop3A_108 : i32 to vector<16xi32>
      %parallel_loop3A_110 = arith.addi %parallel_loop3A_107, %parallel_loop3A_109 : vector<16xi32>
      %parallel_loop3A_111 = arith.constant 144 : index
      %parallel_loop3A_112 = tpu.vector_load %arg7[%parallel_loop3A_111] {strides = array<i32>} : memref<512xi32, #tpu.memory_space<vmem>>, vector<16xi32>,
      %parallel_loop3A_113 = tpu.vector_load_idx %arg8[%parallel_loop3A_43, %parallel_loop3A_112] : memref<64x512xf32, #tpu.memory_space<vmem>>[vector<16xi32>, vector<16xi32>], vector<16xf32>,
      tpu.vector_store_idx %arg9[%parallel_loop3A_43, %parallel_loop3A_110], %parallel_loop3A_113 : memref<64x512xf32, #tpu.memory_space<vmem>>[vector<16xi32>, vector<16xi32>], vector<16xf32>,
      %parallel_loop3A_114 = tpu.iota {dimensions = array<i32: 0>} : vector<16xi32>
      %parallel_loop3A_115 = arith.constant 160 : i32
      %parallel_loop3A_116 = vector.broadcast %parallel_loop3A_115 : i32 to vector<16xi32>
      %parallel_loop3A_117 = arith.addi %parallel_loop3A_114, %parallel_loop3A_116 : vector<16xi32>
      %parallel_loop3A_118 = arith.constant 160 : index
      %parallel_loop3A_119 = tpu.vector_load %arg7[%parallel_loop3A_118] {strides = array<i32>} : memref<512xi32, #tpu.memory_space<vmem>>, vector<16xi32>,
      %parallel_loop3A_120 = tpu.vector_load_idx %arg8[%parallel_loop3A_43, %parallel_loop3A_119] : memref<64x512xf32, #tpu.memory_space<vmem>>[vector<16xi32>, vector<16xi32>], vector<16xf32>,
      tpu.vector_store_idx %arg9[%parallel_loop3A_43, %parallel_loop3A_117], %parallel_loop3A_120 : memref<64x512xf32, #tpu.memory_space<vmem>>[vector<16xi32>, vector<16xi32>], vector<16xf32>,
      %parallel_loop3A_121 = tpu.iota {dimensions = array<i32: 0>} : vector<16xi32>
      %parallel_loop3A_122 = arith.constant 176 : i32
      %parallel_loop3A_123 = vector.broadcast %parallel_loop3A_122 : i32 to vector<16xi32>
      %parallel_loop3A_124 = arith.addi %parallel_loop3A_121, %parallel_loop3A_123 : vector<16xi32>
      %parallel_loop3A_125 = arith.constant 176 : index
      %parallel_loop3A_126 = tpu.vector_load %arg7[%parallel_loop3A_125] {strides = array<i32>} : memref<512xi32, #tpu.memory_space<vmem>>, vector<16xi32>,
      %parallel_loop3A_127 = tpu.vector_load_idx %arg8[%parallel_loop3A_43, %parallel_loop3A_126] : memref<64x512xf32, #tpu.memory_space<vmem>>[vector<16xi32>, vector<16xi32>], vector<16xf32>,
      tpu.vector_store_idx %arg9[%parallel_loop3A_43, %parallel_loop3A_124], %parallel_loop3A_127 : memref<64x512xf32, #tpu.memory_space<vmem>>[vector<16xi32>, vector<16xi32>], vector<16xf32>,
      %parallel_loop3A_128 = tpu.iota {dimensions = array<i32: 0>} : vector<16xi32>
      %parallel_loop3A_129 = arith.constant 192 : i32
      %parallel_loop3A_130 = vector.broadcast %parallel_loop3A_129 : i32 to vector<16xi32>
      %parallel_loop3A_131 = arith.addi %parallel_loop3A_128, %parallel_loop3A_130 : vector<16xi32>
      %parallel_loop3A_132 = arith.constant 192 : index
      %parallel_loop3A_133 = tpu.vector_load %arg7[%parallel_loop3A_132] {strides = array<i32>} : memref<512xi32, #tpu.memory_space<vmem>>, vector<16xi32>,
      %parallel_loop3A_134 = tpu.vector_load_idx %arg8[%parallel_loop3A_43, %parallel_loop3A_133] : memref<64x512xf32, #tpu.memory_space<vmem>>[vector<16xi32>, vector<16xi32>], vector<16xf32>,
      tpu.vector_store_idx %arg9[%parallel_loop3A_43, %parallel_loop3A_131], %parallel_loop3A_134 : memref<64x512xf32, #tpu.memory_space<vmem>>[vector<16xi32>, vector<16xi32>], vector<16xf32>,
      %parallel_loop3A_135 = tpu.iota {dimensions = array<i32: 0>} : vector<16xi32>
      %parallel_loop3A_136 = arith.constant 208 : i32
      %parallel_loop3A_137 = vector.broadcast %parallel_loop3A_136 : i32 to vector<16xi32>
      %parallel_loop3A_138 = arith.addi %parallel_loop3A_135, %parallel_loop3A_137 : vector<16xi32>
      %parallel_loop3A_139 = arith.constant 208 : index
      %parallel_loop3A_140 = tpu.vector_load %arg7[%parallel_loop3A_139] {strides = array<i32>} : memref<512xi32, #tpu.memory_space<vmem>>, vector<16xi32>,
      %parallel_loop3A_141 = tpu.vector_load_idx %arg8[%parallel_loop3A_43, %parallel_loop3A_140] : memref<64x512xf32, #tpu.memory_space<vmem>>[vector<16xi32>, vector<16xi32>], vector<16xf32>,
      tpu.vector_store_idx %arg9[%parallel_loop3A_43, %parallel_loop3A_138], %parallel_loop3A_141 : memref<64x512xf32, #tpu.memory_space<vmem>>[vector<16xi32>, vector<16xi32>], vector<16xf32>,
      %parallel_loop3A_142 = tpu.iota {dimensions = array<i32: 0>} : vector<16xi32>
      %parallel_loop3A_143 = arith.constant 224 : i32
      %parallel_loop3A_144 = vector.broadcast %parallel_loop3A_143 : i32 to vector<16xi32>
      %parallel_loop3A_145 = arith.addi %parallel_loop3A_142, %parallel_loop3A_144 : vector<16xi32>
      %parallel_loop3A_146 = arith.constant 224 : index
      %parallel_loop3A_147 = tpu.vector_load %arg7[%parallel_loop3A_146] {strides = array<i32>} : memref<512xi32, #tpu.memory_space<vmem>>, vector<16xi32>,
      %parallel_loop3A_148 = tpu.vector_load_idx %arg8[%parallel_loop3A_43, %parallel_loop3A_147] : memref<64x512xf32, #tpu.memory_space<vmem>>[vector<16xi32>, vector<16xi32>], vector<16xf32>,
      tpu.vector_store_idx %arg9[%parallel_loop3A_43, %parallel_loop3A_145], %parallel_loop3A_148 : memref<64x512xf32, #tpu.memory_space<vmem>>[vector<16xi32>, vector<16xi32>], vector<16xf32>,
      %parallel_loop3A_149 = tpu.iota {dimensions = array<i32: 0>} : vector<16xi32>
      %parallel_loop3A_150 = arith.constant 240 : i32
      %parallel_loop3A_151 = vector.broadcast %parallel_loop3A_150 : i32 to vector<16xi32>
      %parallel_loop3A_152 = arith.addi %parallel_loop3A_149, %parallel_loop3A_151 : vector<16xi32>
      %parallel_loop3A_153 = arith.constant 240 : index
      %parallel_loop3A_154 = tpu.vector_load %arg7[%parallel_loop3A_153] {strides = array<i32>} : memref<512xi32, #tpu.memory_space<vmem>>, vector<16xi32>,
      %parallel_loop3A_155 = tpu.vector_load_idx %arg8[%parallel_loop3A_43, %parallel_loop3A_154] : memref<64x512xf32, #tpu.memory_space<vmem>>[vector<16xi32>, vector<16xi32>], vector<16xf32>,
      tpu.vector_store_idx %arg9[%parallel_loop3A_43, %parallel_loop3A_152], %parallel_loop3A_155 : memref<64x512xf32, #tpu.memory_space<vmem>>[vector<16xi32>, vector<16xi32>], vector<16xf32>,
      %parallel_loop3A_156 = tpu.iota {dimensions = array<i32: 0>} : vector<16xi32>
      %parallel_loop3A_157 = arith.constant 256 : i32
      %parallel_loop3A_158 = vector.broadcast %parallel_loop3A_157 : i32 to vector<16xi32>
      %parallel_loop3A_159 = arith.addi %parallel_loop3A_156, %parallel_loop3A_158 : vector<16xi32>
      %parallel_loop3A_160 = arith.constant 256 : index
      %parallel_loop3A_161 = tpu.vector_load %arg7[%parallel_loop3A_160] {strides = array<i32>} : memref<512xi32, #tpu.memory_space<vmem>>, vector<16xi32>,
      %parallel_loop3A_162 = tpu.vector_load_idx %arg8[%parallel_loop3A_43, %parallel_loop3A_161] : memref<64x512xf32, #tpu.memory_space<vmem>>[vector<16xi32>, vector<16xi32>], vector<16xf32>,
      tpu.vector_store_idx %arg9[%parallel_loop3A_43, %parallel_loop3A_159], %parallel_loop3A_162 : memref<64x512xf32, #tpu.memory_space<vmem>>[vector<16xi32>, vector<16xi32>], vector<16xf32>,
      %parallel_loop3A_163 = tpu.iota {dimensions = array<i32: 0>} : vector<16xi32>
      %parallel_loop3A_164 = arith.constant 272 : i32
      %parallel_loop3A_165 = vector.broadcast %parallel_loop3A_164 : i32 to vector<16xi32>
      %parallel_loop3A_166 = arith.addi %parallel_loop3A_163, %parallel_loop3A_165 : vector<16xi32>
      %parallel_loop3A_167 = arith.constant 272 : index
      %parallel_loop3A_168 = tpu.vector_load %arg7[%parallel_loop3A_167] {strides = array<i32>} : memref<512xi32, #tpu.memory_space<vmem>>, vector<16xi32>,
      %parallel_loop3A_169 = tpu.vector_load_idx %arg8[%parallel_loop3A_43, %parallel_loop3A_168] : memref<64x512xf32, #tpu.memory_space<vmem>>[vector<16xi32>, vector<16xi32>], vector<16xf32>,
      tpu.vector_store_idx %arg9[%parallel_loop3A_43, %parallel_loop3A_166], %parallel_loop3A_169 : memref<64x512xf32, #tpu.memory_space<vmem>>[vector<16xi32>, vector<16xi32>], vector<16xf32>,
      %parallel_loop3A_170 = tpu.iota {dimensions = array<i32: 0>} : vector<16xi32>
      %parallel_loop3A_171 = arith.constant 288 : i32
      %parallel_loop3A_172 = vector.broadcast %parallel_loop3A_171 : i32 to vector<16xi32>
      %parallel_loop3A_173 = arith.addi %parallel_loop3A_170, %parallel_loop3A_172 : vector<16xi32>
      %parallel_loop3A_174 = arith.constant 288 : index
      %parallel_loop3A_175 = tpu.vector_load %arg7[%parallel_loop3A_174] {strides = array<i32>} : memref<512xi32, #tpu.memory_space<vmem>>, vector<16xi32>,
      %parallel_loop3A_176 = tpu.vector_load_idx %arg8[%parallel_loop3A_43, %parallel_loop3A_175] : memref<64x512xf32, #tpu.memory_space<vmem>>[vector<16xi32>, vector<16xi32>], vector<16xf32>,
      tpu.vector_store_idx %arg9[%parallel_loop3A_43, %parallel_loop3A_173], %parallel_loop3A_176 : memref<64x512xf32, #tpu.memory_space<vmem>>[vector<16xi32>, vector<16xi32>], vector<16xf32>,
      %parallel_loop3A_177 = tpu.iota {dimensions = array<i32: 0>} : vector<16xi32>
      %parallel_loop3A_178 = arith.constant 304 : i32
      %parallel_loop3A_179 = vector.broadcast %parallel_loop3A_178 : i32 to vector<16xi32>
      %parallel_loop3A_180 = arith.addi %parallel_loop3A_177, %parallel_loop3A_179 : vector<16xi32>
      %parallel_loop3A_181 = arith.constant 304 : index
      %parallel_loop3A_182 = tpu.vector_load %arg7[%parallel_loop3A_181] {strides = array<i32>} : memref<512xi32, #tpu.memory_space<vmem>>, vector<16xi32>,
      %parallel_loop3A_183 = tpu.vector_load_idx %arg8[%parallel_loop3A_43, %parallel_loop3A_182] : memref<64x512xf32, #tpu.memory_space<vmem>>[vector<16xi32>, vector<16xi32>], vector<16xf32>,
      tpu.vector_store_idx %arg9[%parallel_loop3A_43, %parallel_loop3A_180], %parallel_loop3A_183 : memref<64x512xf32, #tpu.memory_space<vmem>>[vector<16xi32>, vector<16xi32>], vector<16xf32>,
      %parallel_loop3A_184 = tpu.iota {dimensions = array<i32: 0>} : vector<16xi32>
      %parallel_loop3A_185 = arith.constant 320 : i32
      %parallel_loop3A_186 = vector.broadcast %parallel_loop3A_185 : i32 to vector<16xi32>
      %parallel_loop3A_187 = arith.addi %parallel_loop3A_184, %parallel_loop3A_186 : vector<16xi32>
      %parallel_loop3A_188 = arith.constant 320 : index
      %parallel_loop3A_189 = tpu.vector_load %arg7[%parallel_loop3A_188] {strides = array<i32>} : memref<512xi32, #tpu.memory_space<vmem>>, vector<16xi32>,
      %parallel_loop3A_190 = tpu.vector_load_idx %arg8[%parallel_loop3A_43, %parallel_loop3A_189] : memref<64x512xf32, #tpu.memory_space<vmem>>[vector<16xi32>, vector<16xi32>], vector<16xf32>,
      tpu.vector_store_idx %arg9[%parallel_loop3A_43, %parallel_loop3A_187], %parallel_loop3A_190 : memref<64x512xf32, #tpu.memory_space<vmem>>[vector<16xi32>, vector<16xi32>], vector<16xf32>,
      %parallel_loop3A_191 = tpu.iota {dimensions = array<i32: 0>} : vector<16xi32>
      %parallel_loop3A_192 = arith.constant 336 : i32
      %parallel_loop3A_193 = vector.broadcast %parallel_loop3A_192 : i32 to vector<16xi32>
      %parallel_loop3A_194 = arith.addi %parallel_loop3A_191, %parallel_loop3A_193 : vector<16xi32>
      %parallel_loop3A_195 = arith.constant 336 : index
      %parallel_loop3A_196 = tpu.vector_load %arg7[%parallel_loop3A_195] {strides = array<i32>} : memref<512xi32, #tpu.memory_space<vmem>>, vector<16xi32>,
      %parallel_loop3A_197 = tpu.vector_load_idx %arg8[%parallel_loop3A_43, %parallel_loop3A_196] : memref<64x512xf32, #tpu.memory_space<vmem>>[vector<16xi32>, vector<16xi32>], vector<16xf32>,
      tpu.vector_store_idx %arg9[%parallel_loop3A_43, %parallel_loop3A_194], %parallel_loop3A_197 : memref<64x512xf32, #tpu.memory_space<vmem>>[vector<16xi32>, vector<16xi32>], vector<16xf32>,
      %parallel_loop3A_198 = tpu.iota {dimensions = array<i32: 0>} : vector<16xi32>
      %parallel_loop3A_199 = arith.constant 352 : i32
      %parallel_loop3A_200 = vector.broadcast %parallel_loop3A_199 : i32 to vector<16xi32>
      %parallel_loop3A_201 = arith.addi %parallel_loop3A_198, %parallel_loop3A_200 : vector<16xi32>
      %parallel_loop3A_202 = arith.constant 352 : index
      %parallel_loop3A_203 = tpu.vector_load %arg7[%parallel_loop3A_202] {strides = array<i32>} : memref<512xi32, #tpu.memory_space<vmem>>, vector<16xi32>,
      %parallel_loop3A_204 = tpu.vector_load_idx %arg8[%parallel_loop3A_43, %parallel_loop3A_203] : memref<64x512xf32, #tpu.memory_space<vmem>>[vector<16xi32>, vector<16xi32>], vector<16xf32>,
      tpu.vector_store_idx %arg9[%parallel_loop3A_43, %parallel_loop3A_201], %parallel_loop3A_204 : memref<64x512xf32, #tpu.memory_space<vmem>>[vector<16xi32>, vector<16xi32>], vector<16xf32>,
      %parallel_loop3A_205 = tpu.iota {dimensions = array<i32: 0>} : vector<16xi32>
      %parallel_loop3A_206 = arith.constant 368 : i32
      %parallel_loop3A_207 = vector.broadcast %parallel_loop3A_206 : i32 to vector<16xi32>
      %parallel_loop3A_208 = arith.addi %parallel_loop3A_205, %parallel_loop3A_207 : vector<16xi32>
      %parallel_loop3A_209 = arith.constant 368 : index
      %parallel_loop3A_210 = tpu.vector_load %arg7[%parallel_loop3A_209] {strides = array<i32>} : memref<512xi32, #tpu.memory_space<vmem>>, vector<16xi32>,
      %parallel_loop3A_211 = tpu.vector_load_idx %arg8[%parallel_loop3A_43, %parallel_loop3A_210] : memref<64x512xf32, #tpu.memory_space<vmem>>[vector<16xi32>, vector<16xi32>], vector<16xf32>,
      tpu.vector_store_idx %arg9[%parallel_loop3A_43, %parallel_loop3A_208], %parallel_loop3A_211 : memref<64x512xf32, #tpu.memory_space<vmem>>[vector<16xi32>, vector<16xi32>], vector<16xf32>,
      %parallel_loop3A_212 = tpu.iota {dimensions = array<i32: 0>} : vector<16xi32>
      %parallel_loop3A_213 = arith.constant 384 : i32
      %parallel_loop3A_214 = vector.broadcast %parallel_loop3A_213 : i32 to vector<16xi32>
      %parallel_loop3A_215 = arith.addi %parallel_loop3A_212, %parallel_loop3A_214 : vector<16xi32>
      %parallel_loop3A_216 = arith.constant 384 : index
      %parallel_loop3A_217 = tpu.vector_load %arg7[%parallel_loop3A_216] {strides = array<i32>} : memref<512xi32, #tpu.memory_space<vmem>>, vector<16xi32>,
      %parallel_loop3A_218 = tpu.vector_load_idx %arg8[%parallel_loop3A_43, %parallel_loop3A_217] : memref<64x512xf32, #tpu.memory_space<vmem>>[vector<16xi32>, vector<16xi32>], vector<16xf32>,
      tpu.vector_store_idx %arg9[%parallel_loop3A_43, %parallel_loop3A_215], %parallel_loop3A_218 : memref<64x512xf32, #tpu.memory_space<vmem>>[vector<16xi32>, vector<16xi32>], vector<16xf32>,
      %parallel_loop3A_219 = tpu.iota {dimensions = array<i32: 0>} : vector<16xi32>
      %parallel_loop3A_220 = arith.constant 400 : i32
      %parallel_loop3A_221 = vector.broadcast %parallel_loop3A_220 : i32 to vector<16xi32>
      %parallel_loop3A_222 = arith.addi %parallel_loop3A_219, %parallel_loop3A_221 : vector<16xi32>
      %parallel_loop3A_223 = arith.constant 400 : index
      %parallel_loop3A_224 = tpu.vector_load %arg7[%parallel_loop3A_223] {strides = array<i32>} : memref<512xi32, #tpu.memory_space<vmem>>, vector<16xi32>,
      %parallel_loop3A_225 = tpu.vector_load_idx %arg8[%parallel_loop3A_43, %parallel_loop3A_224] : memref<64x512xf32, #tpu.memory_space<vmem>>[vector<16xi32>, vector<16xi32>], vector<16xf32>,
      tpu.vector_store_idx %arg9[%parallel_loop3A_43, %parallel_loop3A_222], %parallel_loop3A_225 : memref<64x512xf32, #tpu.memory_space<vmem>>[vector<16xi32>, vector<16xi32>], vector<16xf32>,
      %parallel_loop3A_226 = tpu.iota {dimensions = array<i32: 0>} : vector<16xi32>
      %parallel_loop3A_227 = arith.constant 416 : i32
      %parallel_loop3A_228 = vector.broadcast %parallel_loop3A_227 : i32 to vector<16xi32>
      %parallel_loop3A_229 = arith.addi %parallel_loop3A_226, %parallel_loop3A_228 : vector<16xi32>
      %parallel_loop3A_230 = arith.constant 416 : index
      %parallel_loop3A_231 = tpu.vector_load %arg7[%parallel_loop3A_230] {strides = array<i32>} : memref<512xi32, #tpu.memory_space<vmem>>, vector<16xi32>,
      %parallel_loop3A_232 = tpu.vector_load_idx %arg8[%parallel_loop3A_43, %parallel_loop3A_231] : memref<64x512xf32, #tpu.memory_space<vmem>>[vector<16xi32>, vector<16xi32>], vector<16xf32>,
      tpu.vector_store_idx %arg9[%parallel_loop3A_43, %parallel_loop3A_229], %parallel_loop3A_232 : memref<64x512xf32, #tpu.memory_space<vmem>>[vector<16xi32>, vector<16xi32>], vector<16xf32>,
      %parallel_loop3A_233 = tpu.iota {dimensions = array<i32: 0>} : vector<16xi32>
      %parallel_loop3A_234 = arith.constant 432 : i32
      %parallel_loop3A_235 = vector.broadcast %parallel_loop3A_234 : i32 to vector<16xi32>
      %parallel_loop3A_236 = arith.addi %parallel_loop3A_233, %parallel_loop3A_235 : vector<16xi32>
      %parallel_loop3A_237 = arith.constant 432 : index
      %parallel_loop3A_238 = tpu.vector_load %arg7[%parallel_loop3A_237] {strides = array<i32>} : memref<512xi32, #tpu.memory_space<vmem>>, vector<16xi32>,
      %parallel_loop3A_239 = tpu.vector_load_idx %arg8[%parallel_loop3A_43, %parallel_loop3A_238] : memref<64x512xf32, #tpu.memory_space<vmem>>[vector<16xi32>, vector<16xi32>], vector<16xf32>,
      tpu.vector_store_idx %arg9[%parallel_loop3A_43, %parallel_loop3A_236], %parallel_loop3A_239 : memref<64x512xf32, #tpu.memory_space<vmem>>[vector<16xi32>, vector<16xi32>], vector<16xf32>,
      %parallel_loop3A_240 = tpu.iota {dimensions = array<i32: 0>} : vector<16xi32>
      %parallel_loop3A_241 = arith.constant 448 : i32
      %parallel_loop3A_242 = vector.broadcast %parallel_loop3A_241 : i32 to vector<16xi32>
      %parallel_loop3A_243 = arith.addi %parallel_loop3A_240, %parallel_loop3A_242 : vector<16xi32>
      %parallel_loop3A_244 = arith.constant 448 : index
      %parallel_loop3A_245 = tpu.vector_load %arg7[%parallel_loop3A_244] {strides = array<i32>} : memref<512xi32, #tpu.memory_space<vmem>>, vector<16xi32>,
      %parallel_loop3A_246 = tpu.vector_load_idx %arg8[%parallel_loop3A_43, %parallel_loop3A_245] : memref<64x512xf32, #tpu.memory_space<vmem>>[vector<16xi32>, vector<16xi32>], vector<16xf32>,
      tpu.vector_store_idx %arg9[%parallel_loop3A_43, %parallel_loop3A_243], %parallel_loop3A_246 : memref<64x512xf32, #tpu.memory_space<vmem>>[vector<16xi32>, vector<16xi32>], vector<16xf32>,
      %parallel_loop3A_247 = tpu.iota {dimensions = array<i32: 0>} : vector<16xi32>
      %parallel_loop3A_248 = arith.constant 464 : i32
      %parallel_loop3A_249 = vector.broadcast %parallel_loop3A_248 : i32 to vector<16xi32>
      %parallel_loop3A_250 = arith.addi %parallel_loop3A_247, %parallel_loop3A_249 : vector<16xi32>
      %parallel_loop3A_251 = arith.constant 464 : index
      %parallel_loop3A_252 = tpu.vector_load %arg7[%parallel_loop3A_251] {strides = array<i32>} : memref<512xi32, #tpu.memory_space<vmem>>, vector<16xi32>,
      %parallel_loop3A_253 = tpu.vector_load_idx %arg8[%parallel_loop3A_43, %parallel_loop3A_252] : memref<64x512xf32, #tpu.memory_space<vmem>>[vector<16xi32>, vector<16xi32>], vector<16xf32>,
      tpu.vector_store_idx %arg9[%parallel_loop3A_43, %parallel_loop3A_250], %parallel_loop3A_253 : memref<64x512xf32, #tpu.memory_space<vmem>>[vector<16xi32>, vector<16xi32>], vector<16xf32>,
      %parallel_loop3A_254 = tpu.iota {dimensions = array<i32: 0>} : vector<16xi32>
      %parallel_loop3A_255 = arith.constant 480 : i32
      %parallel_loop3A_256 = vector.broadcast %parallel_loop3A_255 : i32 to vector<16xi32>
      %parallel_loop3A_257 = arith.addi %parallel_loop3A_254, %parallel_loop3A_256 : vector<16xi32>
      %parallel_loop3A_258 = arith.constant 480 : index
      %parallel_loop3A_259 = tpu.vector_load %arg7[%parallel_loop3A_258] {strides = array<i32>} : memref<512xi32, #tpu.memory_space<vmem>>, vector<16xi32>,
      %parallel_loop3A_260 = tpu.vector_load_idx %arg8[%parallel_loop3A_43, %parallel_loop3A_259] : memref<64x512xf32, #tpu.memory_space<vmem>>[vector<16xi32>, vector<16xi32>], vector<16xf32>,
      tpu.vector_store_idx %arg9[%parallel_loop3A_43, %parallel_loop3A_257], %parallel_loop3A_260 : memref<64x512xf32, #tpu.memory_space<vmem>>[vector<16xi32>, vector<16xi32>], vector<16xf32>,
      %parallel_loop3A_261 = tpu.iota {dimensions = array<i32: 0>} : vector<16xi32>
      %parallel_loop3A_262 = arith.constant 496 : i32
      %parallel_loop3A_263 = vector.broadcast %parallel_loop3A_262 : i32 to vector<16xi32>
      %parallel_loop3A_264 = arith.addi %parallel_loop3A_261, %parallel_loop3A_263 : vector<16xi32>
      %parallel_loop3A_265 = arith.constant 496 : index
      %parallel_loop3A_266 = tpu.vector_load %arg7[%parallel_loop3A_265] {strides = array<i32>} : memref<512xi32, #tpu.memory_space<vmem>>, vector<16xi32>,
      %parallel_loop3A_267 = tpu.vector_load_idx %arg8[%parallel_loop3A_43, %parallel_loop3A_266] : memref<64x512xf32, #tpu.memory_space<vmem>>[vector<16xi32>, vector<16xi32>], vector<16xf32>,
      tpu.vector_store_idx %arg9[%parallel_loop3A_43, %parallel_loop3A_264], %parallel_loop3A_267 : memref<64x512xf32, #tpu.memory_space<vmem>>[vector<16xi32>, vector<16xi32>], vector<16xf32>,
    } {sc.loop_unroll_factor = 1 : i64, sc.parallel_access}
    "tpu.region"() ({
      %run_scoped3A = tpu.sem_alloc : memref<!tpu.dma_semaphore, #tpu.memory_space<semaphore_mem>>
      %dma_start3A_42 = arith.constant 0 : i32
      %dma_start3A_43 = tpu.memref_slice %arg5[%add3A_22, %dma_start3A_42] : memref<4096x512xf32, #tpu.memory_space<hbm>> -> memref<64x512xf32, #tpu.memory_space<hbm>>
      %dma_start3A_44 = arith.constant 0 : i32
      %dma_start3A_45 = tpu.memref_slice %arg5[%add3A_22, %dma_start3A_44] : memref<4096x512xf32, #tpu.memory_space<hbm>> -> memref<64x512xf32, #tpu.memory_space<hbm>>
      tpu.enqueue_dma source(%arg9 : memref<64x512xf32, #tpu.memory_space<vmem>>) target(%dma_start3A_45 : memref<64x512xf32, #tpu.memory_space<hbm>>) target_semaphore(%run_scoped3A : memref<!tpu.dma_semaphore, #tpu.memory_space<semaphore_mem>>)
      %dma_wait3A_46 = arith.constant 0 : i32
      %dma_wait3A_47 = tpu.memref_slice %arg5[%add3A_22, %dma_wait3A_46] : memref<4096x512xf32, #tpu.memory_space<hbm>> -> memref<64x512xf32, #tpu.memory_space<hbm>>
      %dma_wait3A_48 = arith.constant 0 : i32
      %dma_wait3A_49 = tpu.memref_slice %arg5[%add3A_22, %dma_wait3A_48] : memref<4096x512xf32, #tpu.memory_space<hbm>> -> memref<64x512xf32, #tpu.memory_space<hbm>>
      tpu.wait_dma2 semaphore(%run_scoped3A : memref<!tpu.dma_semaphore, #tpu.memory_space<semaphore_mem>>) src(%arg9 : memref<64x512xf32, #tpu.memory_space<vmem>>) dst(%dma_wait3A_49 : memref<64x512xf32, #tpu.memory_space<hbm>>)
      tpu.yield
    }) : () -> ()
    %mul3A_29 = arith.constant 128 : i32
    %mul3A_30 = arith.muli %add3A, %mul3A_29 : i32
    %add3A_31 = arith.constant 64 : i32
    %add3A_32 = arith.addi %mul3A_30, %add3A_31 : i32
    "tpu.region"() ({
      %run_scoped3A = tpu.sem_alloc : memref<!tpu.dma_semaphore, #tpu.memory_space<semaphore_mem>>
      %dma_start3A_42 = tpu.memref_slice %arg3[%add3A_32] : memref<4096xi32, #tpu.memory_space<hbm>> -> memref<64xi32, #tpu.memory_space<hbm>>
      %dma_start3A_43 = tpu.memref_slice %arg3[%add3A_32] : memref<4096xi32, #tpu.memory_space<hbm>> -> memref<64xi32, #tpu.memory_space<hbm>>
      tpu.enqueue_dma source(%dma_start3A_43 : memref<64xi32, #tpu.memory_space<hbm>>) target(%arg6 : memref<64xi32, #tpu.memory_space<vmem>>) target_semaphore(%run_scoped3A : memref<!tpu.dma_semaphore, #tpu.memory_space<semaphore_mem>>)
      %dma_wait3A_44 = tpu.memref_slice %arg3[%add3A_32] : memref<4096xi32, #tpu.memory_space<hbm>> -> memref<64xi32, #tpu.memory_space<hbm>>
      %dma_wait3A_45 = tpu.memref_slice %arg3[%add3A_32] : memref<4096xi32, #tpu.memory_space<hbm>> -> memref<64xi32, #tpu.memory_space<hbm>>
      tpu.wait_dma2 semaphore(%run_scoped3A : memref<!tpu.dma_semaphore, #tpu.memory_space<semaphore_mem>>) src(%dma_wait3A_45 : memref<64xi32, #tpu.memory_space<hbm>>) dst(%arg6 : memref<64xi32, #tpu.memory_space<vmem>>)
      tpu.yield
    }) : () -> ()
    %dma_start3A_33 = arith.constant 0 : i32
    %dma_start3A_34 = arith.constant 0 : i32
    %dma_start3A_35 = tpu.memref_slice %arg2[%dma_start3A_33, %dma_start3A_34] : memref<512x512xf32, #tpu.memory_space<hbm>> -> memref<512x512xf32, #tpu.memory_space<hbm>>
    tpu.enqueue_indirect_dma source(%dma_start3A_35 : memref<512x512xf32, #tpu.memory_space<hbm>>) target(%arg8 : memref<64x512xf32, #tpu.memory_space<vmem>>) offsets(%arg6 : memref<64xi32, #tpu.memory_space<vmem>>) semaphore(%arg10 : memref<!tpu.dma_semaphore, #tpu.memory_space<semaphore_mem>>)
    %dma_wait3A_36 = arith.constant 0 : i32
    %dma_wait3A_37 = arith.constant 0 : i32
    %dma_wait3A_38 = tpu.memref_slice %arg2[%dma_wait3A_36, %dma_wait3A_37] : memref<512x512xf32, #tpu.memory_space<hbm>> -> memref<512x512xf32, #tpu.memory_space<hbm>>
    tpu.wait_indirect_dma semaphore(%arg10 : memref<!tpu.dma_semaphore, #tpu.memory_space<semaphore_mem>>) src(%dma_wait3A_38 : memref<512x512xf32, #tpu.memory_space<hbm>>) dst(%arg8 : memref<64x512xf32, #tpu.memory_space<vmem>>)
    %parallel_loop3A_39 = arith.constant 0 : i32
    %parallel_loop3A_40 = arith.constant 64 : i32
    %parallel_loop3A_41 = arith.constant 1 : i32
    scf.for %parallel_loop3A_42 = %parallel_loop3A_39 to %parallel_loop3A_40 step %parallel_loop3A_41  : i32 {
      %parallel_loop3A_43 = vector.broadcast %parallel_loop3A_42 : i32 to vector<16xi32>
      %parallel_loop3A_44 = tpu.iota {dimensions = array<i32: 0>} : vector<16xi32>
      %parallel_loop3A_45 = arith.constant 0 : i32
      %parallel_loop3A_46 = vector.broadcast %parallel_loop3A_45 : i32 to vector<16xi32>
      %parallel_loop3A_47 = arith.addi %parallel_loop3A_44, %parallel_loop3A_46 : vector<16xi32>
      %parallel_loop3A_48 = arith.constant 0 : index
      %parallel_loop3A_49 = tpu.vector_load %arg7[%parallel_loop3A_48] {strides = array<i32>} : memref<512xi32, #tpu.memory_space<vmem>>, vector<16xi32>,
      %parallel_loop3A_50 = tpu.vector_load_idx %arg8[%parallel_loop3A_43, %parallel_loop3A_49] : memref<64x512xf32, #tpu.memory_space<vmem>>[vector<16xi32>, vector<16xi32>], vector<16xf32>,
      tpu.vector_store_idx %arg9[%parallel_loop3A_43, %parallel_loop3A_47], %parallel_loop3A_50 : memref<64x512xf32, #tpu.memory_space<vmem>>[vector<16xi32>, vector<16xi32>], vector<16xf32>,
      %parallel_loop3A_51 = tpu.iota {dimensions = array<i32: 0>} : vector<16xi32>
      %parallel_loop3A_52 = arith.constant 16 : i32
      %parallel_loop3A_53 = vector.broadcast %parallel_loop3A_52 : i32 to vector<16xi32>
      %parallel_loop3A_54 = arith.addi %parallel_loop3A_51, %parallel_loop3A_53 : vector<16xi32>
      %parallel_loop3A_55 = arith.constant 16 : index
      %parallel_loop3A_56 = tpu.vector_load %arg7[%parallel_loop3A_55] {strides = array<i32>} : memref<512xi32, #tpu.memory_space<vmem>>, vector<16xi32>,
      %parallel_loop3A_57 = tpu.vector_load_idx %arg8[%parallel_loop3A_43, %parallel_loop3A_56] : memref<64x512xf32, #tpu.memory_space<vmem>>[vector<16xi32>, vector<16xi32>], vector<16xf32>,
      tpu.vector_store_idx %arg9[%parallel_loop3A_43, %parallel_loop3A_54], %parallel_loop3A_57 : memref<64x512xf32, #tpu.memory_space<vmem>>[vector<16xi32>, vector<16xi32>], vector<16xf32>,
      %parallel_loop3A_58 = tpu.iota {dimensions = array<i32: 0>} : vector<16xi32>
      %parallel_loop3A_59 = arith.constant 32 : i32
      %parallel_loop3A_60 = vector.broadcast %parallel_loop3A_59 : i32 to vector<16xi32>
      %parallel_loop3A_61 = arith.addi %parallel_loop3A_58, %parallel_loop3A_60 : vector<16xi32>
      %parallel_loop3A_62 = arith.constant 32 : index
      %parallel_loop3A_63 = tpu.vector_load %arg7[%parallel_loop3A_62] {strides = array<i32>} : memref<512xi32, #tpu.memory_space<vmem>>, vector<16xi32>,
      %parallel_loop3A_64 = tpu.vector_load_idx %arg8[%parallel_loop3A_43, %parallel_loop3A_63] : memref<64x512xf32, #tpu.memory_space<vmem>>[vector<16xi32>, vector<16xi32>], vector<16xf32>,
      tpu.vector_store_idx %arg9[%parallel_loop3A_43, %parallel_loop3A_61], %parallel_loop3A_64 : memref<64x512xf32, #tpu.memory_space<vmem>>[vector<16xi32>, vector<16xi32>], vector<16xf32>,
      %parallel_loop3A_65 = tpu.iota {dimensions = array<i32: 0>} : vector<16xi32>
      %parallel_loop3A_66 = arith.constant 48 : i32
      %parallel_loop3A_67 = vector.broadcast %parallel_loop3A_66 : i32 to vector<16xi32>
      %parallel_loop3A_68 = arith.addi %parallel_loop3A_65, %parallel_loop3A_67 : vector<16xi32>
      %parallel_loop3A_69 = arith.constant 48 : index
      %parallel_loop3A_70 = tpu.vector_load %arg7[%parallel_loop3A_69] {strides = array<i32>} : memref<512xi32, #tpu.memory_space<vmem>>, vector<16xi32>,
      %parallel_loop3A_71 = tpu.vector_load_idx %arg8[%parallel_loop3A_43, %parallel_loop3A_70] : memref<64x512xf32, #tpu.memory_space<vmem>>[vector<16xi32>, vector<16xi32>], vector<16xf32>,
      tpu.vector_store_idx %arg9[%parallel_loop3A_43, %parallel_loop3A_68], %parallel_loop3A_71 : memref<64x512xf32, #tpu.memory_space<vmem>>[vector<16xi32>, vector<16xi32>], vector<16xf32>,
      %parallel_loop3A_72 = tpu.iota {dimensions = array<i32: 0>} : vector<16xi32>
      %parallel_loop3A_73 = arith.constant 64 : i32
      %parallel_loop3A_74 = vector.broadcast %parallel_loop3A_73 : i32 to vector<16xi32>
      %parallel_loop3A_75 = arith.addi %parallel_loop3A_72, %parallel_loop3A_74 : vector<16xi32>
      %parallel_loop3A_76 = arith.constant 64 : index
      %parallel_loop3A_77 = tpu.vector_load %arg7[%parallel_loop3A_76] {strides = array<i32>} : memref<512xi32, #tpu.memory_space<vmem>>, vector<16xi32>,
      %parallel_loop3A_78 = tpu.vector_load_idx %arg8[%parallel_loop3A_43, %parallel_loop3A_77] : memref<64x512xf32, #tpu.memory_space<vmem>>[vector<16xi32>, vector<16xi32>], vector<16xf32>,
      tpu.vector_store_idx %arg9[%parallel_loop3A_43, %parallel_loop3A_75], %parallel_loop3A_78 : memref<64x512xf32, #tpu.memory_space<vmem>>[vector<16xi32>, vector<16xi32>], vector<16xf32>,
      %parallel_loop3A_79 = tpu.iota {dimensions = array<i32: 0>} : vector<16xi32>
      %parallel_loop3A_80 = arith.constant 80 : i32
      %parallel_loop3A_81 = vector.broadcast %parallel_loop3A_80 : i32 to vector<16xi32>
      %parallel_loop3A_82 = arith.addi %parallel_loop3A_79, %parallel_loop3A_81 : vector<16xi32>
      %parallel_loop3A_83 = arith.constant 80 : index
      %parallel_loop3A_84 = tpu.vector_load %arg7[%parallel_loop3A_83] {strides = array<i32>} : memref<512xi32, #tpu.memory_space<vmem>>, vector<16xi32>,
      %parallel_loop3A_85 = tpu.vector_load_idx %arg8[%parallel_loop3A_43, %parallel_loop3A_84] : memref<64x512xf32, #tpu.memory_space<vmem>>[vector<16xi32>, vector<16xi32>], vector<16xf32>,
      tpu.vector_store_idx %arg9[%parallel_loop3A_43, %parallel_loop3A_82], %parallel_loop3A_85 : memref<64x512xf32, #tpu.memory_space<vmem>>[vector<16xi32>, vector<16xi32>], vector<16xf32>,
      %parallel_loop3A_86 = tpu.iota {dimensions = array<i32: 0>} : vector<16xi32>
      %parallel_loop3A_87 = arith.constant 96 : i32
      %parallel_loop3A_88 = vector.broadcast %parallel_loop3A_87 : i32 to vector<16xi32>
      %parallel_loop3A_89 = arith.addi %parallel_loop3A_86, %parallel_loop3A_88 : vector<16xi32>
      %parallel_loop3A_90 = arith.constant 96 : index
      %parallel_loop3A_91 = tpu.vector_load %arg7[%parallel_loop3A_90] {strides = array<i32>} : memref<512xi32, #tpu.memory_space<vmem>>, vector<16xi32>,
      %parallel_loop3A_92 = tpu.vector_load_idx %arg8[%parallel_loop3A_43, %parallel_loop3A_91] : memref<64x512xf32, #tpu.memory_space<vmem>>[vector<16xi32>, vector<16xi32>], vector<16xf32>,
      tpu.vector_store_idx %arg9[%parallel_loop3A_43, %parallel_loop3A_89], %parallel_loop3A_92 : memref<64x512xf32, #tpu.memory_space<vmem>>[vector<16xi32>, vector<16xi32>], vector<16xf32>,
      %parallel_loop3A_93 = tpu.iota {dimensions = array<i32: 0>} : vector<16xi32>
      %parallel_loop3A_94 = arith.constant 112 : i32
      %parallel_loop3A_95 = vector.broadcast %parallel_loop3A_94 : i32 to vector<16xi32>
      %parallel_loop3A_96 = arith.addi %parallel_loop3A_93, %parallel_loop3A_95 : vector<16xi32>
      %parallel_loop3A_97 = arith.constant 112 : index
      %parallel_loop3A_98 = tpu.vector_load %arg7[%parallel_loop3A_97] {strides = array<i32>} : memref<512xi32, #tpu.memory_space<vmem>>, vector<16xi32>,
      %parallel_loop3A_99 = tpu.vector_load_idx %arg8[%parallel_loop3A_43, %parallel_loop3A_98] : memref<64x512xf32, #tpu.memory_space<vmem>>[vector<16xi32>, vector<16xi32>], vector<16xf32>,
      tpu.vector_store_idx %arg9[%parallel_loop3A_43, %parallel_loop3A_96], %parallel_loop3A_99 : memref<64x512xf32, #tpu.memory_space<vmem>>[vector<16xi32>, vector<16xi32>], vector<16xf32>,
      %parallel_loop3A_100 = tpu.iota {dimensions = array<i32: 0>} : vector<16xi32>
      %parallel_loop3A_101 = arith.constant 128 : i32
      %parallel_loop3A_102 = vector.broadcast %parallel_loop3A_101 : i32 to vector<16xi32>
      %parallel_loop3A_103 = arith.addi %parallel_loop3A_100, %parallel_loop3A_102 : vector<16xi32>
      %parallel_loop3A_104 = arith.constant 128 : index
      %parallel_loop3A_105 = tpu.vector_load %arg7[%parallel_loop3A_104] {strides = array<i32>} : memref<512xi32, #tpu.memory_space<vmem>>, vector<16xi32>,
      %parallel_loop3A_106 = tpu.vector_load_idx %arg8[%parallel_loop3A_43, %parallel_loop3A_105] : memref<64x512xf32, #tpu.memory_space<vmem>>[vector<16xi32>, vector<16xi32>], vector<16xf32>,
      tpu.vector_store_idx %arg9[%parallel_loop3A_43, %parallel_loop3A_103], %parallel_loop3A_106 : memref<64x512xf32, #tpu.memory_space<vmem>>[vector<16xi32>, vector<16xi32>], vector<16xf32>,
      %parallel_loop3A_107 = tpu.iota {dimensions = array<i32: 0>} : vector<16xi32>
      %parallel_loop3A_108 = arith.constant 144 : i32
      %parallel_loop3A_109 = vector.broadcast %parallel_loop3A_108 : i32 to vector<16xi32>
      %parallel_loop3A_110 = arith.addi %parallel_loop3A_107, %parallel_loop3A_109 : vector<16xi32>
      %parallel_loop3A_111 = arith.constant 144 : index
      %parallel_loop3A_112 = tpu.vector_load %arg7[%parallel_loop3A_111] {strides = array<i32>} : memref<512xi32, #tpu.memory_space<vmem>>, vector<16xi32>,
      %parallel_loop3A_113 = tpu.vector_load_idx %arg8[%parallel_loop3A_43, %parallel_loop3A_112] : memref<64x512xf32, #tpu.memory_space<vmem>>[vector<16xi32>, vector<16xi32>], vector<16xf32>,
      tpu.vector_store_idx %arg9[%parallel_loop3A_43, %parallel_loop3A_110], %parallel_loop3A_113 : memref<64x512xf32, #tpu.memory_space<vmem>>[vector<16xi32>, vector<16xi32>], vector<16xf32>,
      %parallel_loop3A_114 = tpu.iota {dimensions = array<i32: 0>} : vector<16xi32>
      %parallel_loop3A_115 = arith.constant 160 : i32
      %parallel_loop3A_116 = vector.broadcast %parallel_loop3A_115 : i32 to vector<16xi32>
      %parallel_loop3A_117 = arith.addi %parallel_loop3A_114, %parallel_loop3A_116 : vector<16xi32>
      %parallel_loop3A_118 = arith.constant 160 : index
      %parallel_loop3A_119 = tpu.vector_load %arg7[%parallel_loop3A_118] {strides = array<i32>} : memref<512xi32, #tpu.memory_space<vmem>>, vector<16xi32>,
      %parallel_loop3A_120 = tpu.vector_load_idx %arg8[%parallel_loop3A_43, %parallel_loop3A_119] : memref<64x512xf32, #tpu.memory_space<vmem>>[vector<16xi32>, vector<16xi32>], vector<16xf32>,
      tpu.vector_store_idx %arg9[%parallel_loop3A_43, %parallel_loop3A_117], %parallel_loop3A_120 : memref<64x512xf32, #tpu.memory_space<vmem>>[vector<16xi32>, vector<16xi32>], vector<16xf32>,
      %parallel_loop3A_121 = tpu.iota {dimensions = array<i32: 0>} : vector<16xi32>
      %parallel_loop3A_122 = arith.constant 176 : i32
      %parallel_loop3A_123 = vector.broadcast %parallel_loop3A_122 : i32 to vector<16xi32>
      %parallel_loop3A_124 = arith.addi %parallel_loop3A_121, %parallel_loop3A_123 : vector<16xi32>
      %parallel_loop3A_125 = arith.constant 176 : index
      %parallel_loop3A_126 = tpu.vector_load %arg7[%parallel_loop3A_125] {strides = array<i32>} : memref<512xi32, #tpu.memory_space<vmem>>, vector<16xi32>,
      %parallel_loop3A_127 = tpu.vector_load_idx %arg8[%parallel_loop3A_43, %parallel_loop3A_126] : memref<64x512xf32, #tpu.memory_space<vmem>>[vector<16xi32>, vector<16xi32>], vector<16xf32>,
      tpu.vector_store_idx %arg9[%parallel_loop3A_43, %parallel_loop3A_124], %parallel_loop3A_127 : memref<64x512xf32, #tpu.memory_space<vmem>>[vector<16xi32>, vector<16xi32>], vector<16xf32>,
      %parallel_loop3A_128 = tpu.iota {dimensions = array<i32: 0>} : vector<16xi32>
      %parallel_loop3A_129 = arith.constant 192 : i32
      %parallel_loop3A_130 = vector.broadcast %parallel_loop3A_129 : i32 to vector<16xi32>
      %parallel_loop3A_131 = arith.addi %parallel_loop3A_128, %parallel_loop3A_130 : vector<16xi32>
      %parallel_loop3A_132 = arith.constant 192 : index
      %parallel_loop3A_133 = tpu.vector_load %arg7[%parallel_loop3A_132] {strides = array<i32>} : memref<512xi32, #tpu.memory_space<vmem>>, vector<16xi32>,
      %parallel_loop3A_134 = tpu.vector_load_idx %arg8[%parallel_loop3A_43, %parallel_loop3A_133] : memref<64x512xf32, #tpu.memory_space<vmem>>[vector<16xi32>, vector<16xi32>], vector<16xf32>,
      tpu.vector_store_idx %arg9[%parallel_loop3A_43, %parallel_loop3A_131], %parallel_loop3A_134 : memref<64x512xf32, #tpu.memory_space<vmem>>[vector<16xi32>, vector<16xi32>], vector<16xf32>,
      %parallel_loop3A_135 = tpu.iota {dimensions = array<i32: 0>} : vector<16xi32>
      %parallel_loop3A_136 = arith.constant 208 : i32
      %parallel_loop3A_137 = vector.broadcast %parallel_loop3A_136 : i32 to vector<16xi32>
      %parallel_loop3A_138 = arith.addi %parallel_loop3A_135, %parallel_loop3A_137 : vector<16xi32>
      %parallel_loop3A_139 = arith.constant 208 : index
      %parallel_loop3A_140 = tpu.vector_load %arg7[%parallel_loop3A_139] {strides = array<i32>} : memref<512xi32, #tpu.memory_space<vmem>>, vector<16xi32>,
      %parallel_loop3A_141 = tpu.vector_load_idx %arg8[%parallel_loop3A_43, %parallel_loop3A_140] : memref<64x512xf32, #tpu.memory_space<vmem>>[vector<16xi32>, vector<16xi32>], vector<16xf32>,
      tpu.vector_store_idx %arg9[%parallel_loop3A_43, %parallel_loop3A_138], %parallel_loop3A_141 : memref<64x512xf32, #tpu.memory_space<vmem>>[vector<16xi32>, vector<16xi32>], vector<16xf32>,
      %parallel_loop3A_142 = tpu.iota {dimensions = array<i32: 0>} : vector<16xi32>
      %parallel_loop3A_143 = arith.constant 224 : i32
      %parallel_loop3A_144 = vector.broadcast %parallel_loop3A_143 : i32 to vector<16xi32>
      %parallel_loop3A_145 = arith.addi %parallel_loop3A_142, %parallel_loop3A_144 : vector<16xi32>
      %parallel_loop3A_146 = arith.constant 224 : index
      %parallel_loop3A_147 = tpu.vector_load %arg7[%parallel_loop3A_146] {strides = array<i32>} : memref<512xi32, #tpu.memory_space<vmem>>, vector<16xi32>,
      %parallel_loop3A_148 = tpu.vector_load_idx %arg8[%parallel_loop3A_43, %parallel_loop3A_147] : memref<64x512xf32, #tpu.memory_space<vmem>>[vector<16xi32>, vector<16xi32>], vector<16xf32>,
      tpu.vector_store_idx %arg9[%parallel_loop3A_43, %parallel_loop3A_145], %parallel_loop3A_148 : memref<64x512xf32, #tpu.memory_space<vmem>>[vector<16xi32>, vector<16xi32>], vector<16xf32>,
      %parallel_loop3A_149 = tpu.iota {dimensions = array<i32: 0>} : vector<16xi32>
      %parallel_loop3A_150 = arith.constant 240 : i32
      %parallel_loop3A_151 = vector.broadcast %parallel_loop3A_150 : i32 to vector<16xi32>
      %parallel_loop3A_152 = arith.addi %parallel_loop3A_149, %parallel_loop3A_151 : vector<16xi32>
      %parallel_loop3A_153 = arith.constant 240 : index
      %parallel_loop3A_154 = tpu.vector_load %arg7[%parallel_loop3A_153] {strides = array<i32>} : memref<512xi32, #tpu.memory_space<vmem>>, vector<16xi32>,
      %parallel_loop3A_155 = tpu.vector_load_idx %arg8[%parallel_loop3A_43, %parallel_loop3A_154] : memref<64x512xf32, #tpu.memory_space<vmem>>[vector<16xi32>, vector<16xi32>], vector<16xf32>,
      tpu.vector_store_idx %arg9[%parallel_loop3A_43, %parallel_loop3A_152], %parallel_loop3A_155 : memref<64x512xf32, #tpu.memory_space<vmem>>[vector<16xi32>, vector<16xi32>], vector<16xf32>,
      %parallel_loop3A_156 = tpu.iota {dimensions = array<i32: 0>} : vector<16xi32>
      %parallel_loop3A_157 = arith.constant 256 : i32
      %parallel_loop3A_158 = vector.broadcast %parallel_loop3A_157 : i32 to vector<16xi32>
      %parallel_loop3A_159 = arith.addi %parallel_loop3A_156, %parallel_loop3A_158 : vector<16xi32>
      %parallel_loop3A_160 = arith.constant 256 : index
      %parallel_loop3A_161 = tpu.vector_load %arg7[%parallel_loop3A_160] {strides = array<i32>} : memref<512xi32, #tpu.memory_space<vmem>>, vector<16xi32>,
      %parallel_loop3A_162 = tpu.vector_load_idx %arg8[%parallel_loop3A_43, %parallel_loop3A_161] : memref<64x512xf32, #tpu.memory_space<vmem>>[vector<16xi32>, vector<16xi32>], vector<16xf32>,
      tpu.vector_store_idx %arg9[%parallel_loop3A_43, %parallel_loop3A_159], %parallel_loop3A_162 : memref<64x512xf32, #tpu.memory_space<vmem>>[vector<16xi32>, vector<16xi32>], vector<16xf32>,
      %parallel_loop3A_163 = tpu.iota {dimensions = array<i32: 0>} : vector<16xi32>
      %parallel_loop3A_164 = arith.constant 272 : i32
      %parallel_loop3A_165 = vector.broadcast %parallel_loop3A_164 : i32 to vector<16xi32>
      %parallel_loop3A_166 = arith.addi %parallel_loop3A_163, %parallel_loop3A_165 : vector<16xi32>
      %parallel_loop3A_167 = arith.constant 272 : index
      %parallel_loop3A_168 = tpu.vector_load %arg7[%parallel_loop3A_167] {strides = array<i32>} : memref<512xi32, #tpu.memory_space<vmem>>, vector<16xi32>,
      %parallel_loop3A_169 = tpu.vector_load_idx %arg8[%parallel_loop3A_43, %parallel_loop3A_168] : memref<64x512xf32, #tpu.memory_space<vmem>>[vector<16xi32>, vector<16xi32>], vector<16xf32>,
      tpu.vector_store_idx %arg9[%parallel_loop3A_43, %parallel_loop3A_166], %parallel_loop3A_169 : memref<64x512xf32, #tpu.memory_space<vmem>>[vector<16xi32>, vector<16xi32>], vector<16xf32>,
      %parallel_loop3A_170 = tpu.iota {dimensions = array<i32: 0>} : vector<16xi32>
      %parallel_loop3A_171 = arith.constant 288 : i32
      %parallel_loop3A_172 = vector.broadcast %parallel_loop3A_171 : i32 to vector<16xi32>
      %parallel_loop3A_173 = arith.addi %parallel_loop3A_170, %parallel_loop3A_172 : vector<16xi32>
      %parallel_loop3A_174 = arith.constant 288 : index
      %parallel_loop3A_175 = tpu.vector_load %arg7[%parallel_loop3A_174] {strides = array<i32>} : memref<512xi32, #tpu.memory_space<vmem>>, vector<16xi32>,
      %parallel_loop3A_176 = tpu.vector_load_idx %arg8[%parallel_loop3A_43, %parallel_loop3A_175] : memref<64x512xf32, #tpu.memory_space<vmem>>[vector<16xi32>, vector<16xi32>], vector<16xf32>,
      tpu.vector_store_idx %arg9[%parallel_loop3A_43, %parallel_loop3A_173], %parallel_loop3A_176 : memref<64x512xf32, #tpu.memory_space<vmem>>[vector<16xi32>, vector<16xi32>], vector<16xf32>,
      %parallel_loop3A_177 = tpu.iota {dimensions = array<i32: 0>} : vector<16xi32>
      %parallel_loop3A_178 = arith.constant 304 : i32
      %parallel_loop3A_179 = vector.broadcast %parallel_loop3A_178 : i32 to vector<16xi32>
      %parallel_loop3A_180 = arith.addi %parallel_loop3A_177, %parallel_loop3A_179 : vector<16xi32>
      %parallel_loop3A_181 = arith.constant 304 : index
      %parallel_loop3A_182 = tpu.vector_load %arg7[%parallel_loop3A_181] {strides = array<i32>} : memref<512xi32, #tpu.memory_space<vmem>>, vector<16xi32>,
      %parallel_loop3A_183 = tpu.vector_load_idx %arg8[%parallel_loop3A_43, %parallel_loop3A_182] : memref<64x512xf32, #tpu.memory_space<vmem>>[vector<16xi32>, vector<16xi32>], vector<16xf32>,
      tpu.vector_store_idx %arg9[%parallel_loop3A_43, %parallel_loop3A_180], %parallel_loop3A_183 : memref<64x512xf32, #tpu.memory_space<vmem>>[vector<16xi32>, vector<16xi32>], vector<16xf32>,
      %parallel_loop3A_184 = tpu.iota {dimensions = array<i32: 0>} : vector<16xi32>
      %parallel_loop3A_185 = arith.constant 320 : i32
      %parallel_loop3A_186 = vector.broadcast %parallel_loop3A_185 : i32 to vector<16xi32>
      %parallel_loop3A_187 = arith.addi %parallel_loop3A_184, %parallel_loop3A_186 : vector<16xi32>
      %parallel_loop3A_188 = arith.constant 320 : index
      %parallel_loop3A_189 = tpu.vector_load %arg7[%parallel_loop3A_188] {strides = array<i32>} : memref<512xi32, #tpu.memory_space<vmem>>, vector<16xi32>,
      %parallel_loop3A_190 = tpu.vector_load_idx %arg8[%parallel_loop3A_43, %parallel_loop3A_189] : memref<64x512xf32, #tpu.memory_space<vmem>>[vector<16xi32>, vector<16xi32>], vector<16xf32>,
      tpu.vector_store_idx %arg9[%parallel_loop3A_43, %parallel_loop3A_187], %parallel_loop3A_190 : memref<64x512xf32, #tpu.memory_space<vmem>>[vector<16xi32>, vector<16xi32>], vector<16xf32>,
      %parallel_loop3A_191 = tpu.iota {dimensions = array<i32: 0>} : vector<16xi32>
      %parallel_loop3A_192 = arith.constant 336 : i32
      %parallel_loop3A_193 = vector.broadcast %parallel_loop3A_192 : i32 to vector<16xi32>
      %parallel_loop3A_194 = arith.addi %parallel_loop3A_191, %parallel_loop3A_193 : vector<16xi32>
      %parallel_loop3A_195 = arith.constant 336 : index
      %parallel_loop3A_196 = tpu.vector_load %arg7[%parallel_loop3A_195] {strides = array<i32>} : memref<512xi32, #tpu.memory_space<vmem>>, vector<16xi32>,
      %parallel_loop3A_197 = tpu.vector_load_idx %arg8[%parallel_loop3A_43, %parallel_loop3A_196] : memref<64x512xf32, #tpu.memory_space<vmem>>[vector<16xi32>, vector<16xi32>], vector<16xf32>,
      tpu.vector_store_idx %arg9[%parallel_loop3A_43, %parallel_loop3A_194], %parallel_loop3A_197 : memref<64x512xf32, #tpu.memory_space<vmem>>[vector<16xi32>, vector<16xi32>], vector<16xf32>,
      %parallel_loop3A_198 = tpu.iota {dimensions = array<i32: 0>} : vector<16xi32>
      %parallel_loop3A_199 = arith.constant 352 : i32
      %parallel_loop3A_200 = vector.broadcast %parallel_loop3A_199 : i32 to vector<16xi32>
      %parallel_loop3A_201 = arith.addi %parallel_loop3A_198, %parallel_loop3A_200 : vector<16xi32>
      %parallel_loop3A_202 = arith.constant 352 : index
      %parallel_loop3A_203 = tpu.vector_load %arg7[%parallel_loop3A_202] {strides = array<i32>} : memref<512xi32, #tpu.memory_space<vmem>>, vector<16xi32>,
      %parallel_loop3A_204 = tpu.vector_load_idx %arg8[%parallel_loop3A_43, %parallel_loop3A_203] : memref<64x512xf32, #tpu.memory_space<vmem>>[vector<16xi32>, vector<16xi32>], vector<16xf32>,
      tpu.vector_store_idx %arg9[%parallel_loop3A_43, %parallel_loop3A_201], %parallel_loop3A_204 : memref<64x512xf32, #tpu.memory_space<vmem>>[vector<16xi32>, vector<16xi32>], vector<16xf32>,
      %parallel_loop3A_205 = tpu.iota {dimensions = array<i32: 0>} : vector<16xi32>
      %parallel_loop3A_206 = arith.constant 368 : i32
      %parallel_loop3A_207 = vector.broadcast %parallel_loop3A_206 : i32 to vector<16xi32>
      %parallel_loop3A_208 = arith.addi %parallel_loop3A_205, %parallel_loop3A_207 : vector<16xi32>
      %parallel_loop3A_209 = arith.constant 368 : index
      %parallel_loop3A_210 = tpu.vector_load %arg7[%parallel_loop3A_209] {strides = array<i32>} : memref<512xi32, #tpu.memory_space<vmem>>, vector<16xi32>,
      %parallel_loop3A_211 = tpu.vector_load_idx %arg8[%parallel_loop3A_43, %parallel_loop3A_210] : memref<64x512xf32, #tpu.memory_space<vmem>>[vector<16xi32>, vector<16xi32>], vector<16xf32>,
      tpu.vector_store_idx %arg9[%parallel_loop3A_43, %parallel_loop3A_208], %parallel_loop3A_211 : memref<64x512xf32, #tpu.memory_space<vmem>>[vector<16xi32>, vector<16xi32>], vector<16xf32>,
      %parallel_loop3A_212 = tpu.iota {dimensions = array<i32: 0>} : vector<16xi32>
      %parallel_loop3A_213 = arith.constant 384 : i32
      %parallel_loop3A_214 = vector.broadcast %parallel_loop3A_213 : i32 to vector<16xi32>
      %parallel_loop3A_215 = arith.addi %parallel_loop3A_212, %parallel_loop3A_214 : vector<16xi32>
      %parallel_loop3A_216 = arith.constant 384 : index
      %parallel_loop3A_217 = tpu.vector_load %arg7[%parallel_loop3A_216] {strides = array<i32>} : memref<512xi32, #tpu.memory_space<vmem>>, vector<16xi32>,
      %parallel_loop3A_218 = tpu.vector_load_idx %arg8[%parallel_loop3A_43, %parallel_loop3A_217] : memref<64x512xf32, #tpu.memory_space<vmem>>[vector<16xi32>, vector<16xi32>], vector<16xf32>,
      tpu.vector_store_idx %arg9[%parallel_loop3A_43, %parallel_loop3A_215], %parallel_loop3A_218 : memref<64x512xf32, #tpu.memory_space<vmem>>[vector<16xi32>, vector<16xi32>], vector<16xf32>,
      %parallel_loop3A_219 = tpu.iota {dimensions = array<i32: 0>} : vector<16xi32>
      %parallel_loop3A_220 = arith.constant 400 : i32
      %parallel_loop3A_221 = vector.broadcast %parallel_loop3A_220 : i32 to vector<16xi32>
      %parallel_loop3A_222 = arith.addi %parallel_loop3A_219, %parallel_loop3A_221 : vector<16xi32>
      %parallel_loop3A_223 = arith.constant 400 : index
      %parallel_loop3A_224 = tpu.vector_load %arg7[%parallel_loop3A_223] {strides = array<i32>} : memref<512xi32, #tpu.memory_space<vmem>>, vector<16xi32>,
      %parallel_loop3A_225 = tpu.vector_load_idx %arg8[%parallel_loop3A_43, %parallel_loop3A_224] : memref<64x512xf32, #tpu.memory_space<vmem>>[vector<16xi32>, vector<16xi32>], vector<16xf32>,
      tpu.vector_store_idx %arg9[%parallel_loop3A_43, %parallel_loop3A_222], %parallel_loop3A_225 : memref<64x512xf32, #tpu.memory_space<vmem>>[vector<16xi32>, vector<16xi32>], vector<16xf32>,
      %parallel_loop3A_226 = tpu.iota {dimensions = array<i32: 0>} : vector<16xi32>
      %parallel_loop3A_227 = arith.constant 416 : i32
      %parallel_loop3A_228 = vector.broadcast %parallel_loop3A_227 : i32 to vector<16xi32>
      %parallel_loop3A_229 = arith.addi %parallel_loop3A_226, %parallel_loop3A_228 : vector<16xi32>
      %parallel_loop3A_230 = arith.constant 416 : index
      %parallel_loop3A_231 = tpu.vector_load %arg7[%parallel_loop3A_230] {strides = array<i32>} : memref<512xi32, #tpu.memory_space<vmem>>, vector<16xi32>,
      %parallel_loop3A_232 = tpu.vector_load_idx %arg8[%parallel_loop3A_43, %parallel_loop3A_231] : memref<64x512xf32, #tpu.memory_space<vmem>>[vector<16xi32>, vector<16xi32>], vector<16xf32>,
      tpu.vector_store_idx %arg9[%parallel_loop3A_43, %parallel_loop3A_229], %parallel_loop3A_232 : memref<64x512xf32, #tpu.memory_space<vmem>>[vector<16xi32>, vector<16xi32>], vector<16xf32>,
      %parallel_loop3A_233 = tpu.iota {dimensions = array<i32: 0>} : vector<16xi32>
      %parallel_loop3A_234 = arith.constant 432 : i32
      %parallel_loop3A_235 = vector.broadcast %parallel_loop3A_234 : i32 to vector<16xi32>
      %parallel_loop3A_236 = arith.addi %parallel_loop3A_233, %parallel_loop3A_235 : vector<16xi32>
      %parallel_loop3A_237 = arith.constant 432 : index
      %parallel_loop3A_238 = tpu.vector_load %arg7[%parallel_loop3A_237] {strides = array<i32>} : memref<512xi32, #tpu.memory_space<vmem>>, vector<16xi32>,
      %parallel_loop3A_239 = tpu.vector_load_idx %arg8[%parallel_loop3A_43, %parallel_loop3A_238] : memref<64x512xf32, #tpu.memory_space<vmem>>[vector<16xi32>, vector<16xi32>], vector<16xf32>,
      tpu.vector_store_idx %arg9[%parallel_loop3A_43, %parallel_loop3A_236], %parallel_loop3A_239 : memref<64x512xf32, #tpu.memory_space<vmem>>[vector<16xi32>, vector<16xi32>], vector<16xf32>,
      %parallel_loop3A_240 = tpu.iota {dimensions = array<i32: 0>} : vector<16xi32>
      %parallel_loop3A_241 = arith.constant 448 : i32
      %parallel_loop3A_242 = vector.broadcast %parallel_loop3A_241 : i32 to vector<16xi32>
      %parallel_loop3A_243 = arith.addi %parallel_loop3A_240, %parallel_loop3A_242 : vector<16xi32>
      %parallel_loop3A_244 = arith.constant 448 : index
      %parallel_loop3A_245 = tpu.vector_load %arg7[%parallel_loop3A_244] {strides = array<i32>} : memref<512xi32, #tpu.memory_space<vmem>>, vector<16xi32>,
      %parallel_loop3A_246 = tpu.vector_load_idx %arg8[%parallel_loop3A_43, %parallel_loop3A_245] : memref<64x512xf32, #tpu.memory_space<vmem>>[vector<16xi32>, vector<16xi32>], vector<16xf32>,
      tpu.vector_store_idx %arg9[%parallel_loop3A_43, %parallel_loop3A_243], %parallel_loop3A_246 : memref<64x512xf32, #tpu.memory_space<vmem>>[vector<16xi32>, vector<16xi32>], vector<16xf32>,
      %parallel_loop3A_247 = tpu.iota {dimensions = array<i32: 0>} : vector<16xi32>
      %parallel_loop3A_248 = arith.constant 464 : i32
      %parallel_loop3A_249 = vector.broadcast %parallel_loop3A_248 : i32 to vector<16xi32>
      %parallel_loop3A_250 = arith.addi %parallel_loop3A_247, %parallel_loop3A_249 : vector<16xi32>
      %parallel_loop3A_251 = arith.constant 464 : index
      %parallel_loop3A_252 = tpu.vector_load %arg7[%parallel_loop3A_251] {strides = array<i32>} : memref<512xi32, #tpu.memory_space<vmem>>, vector<16xi32>,
      %parallel_loop3A_253 = tpu.vector_load_idx %arg8[%parallel_loop3A_43, %parallel_loop3A_252] : memref<64x512xf32, #tpu.memory_space<vmem>>[vector<16xi32>, vector<16xi32>], vector<16xf32>,
      tpu.vector_store_idx %arg9[%parallel_loop3A_43, %parallel_loop3A_250], %parallel_loop3A_253 : memref<64x512xf32, #tpu.memory_space<vmem>>[vector<16xi32>, vector<16xi32>], vector<16xf32>,
      %parallel_loop3A_254 = tpu.iota {dimensions = array<i32: 0>} : vector<16xi32>
      %parallel_loop3A_255 = arith.constant 480 : i32
      %parallel_loop3A_256 = vector.broadcast %parallel_loop3A_255 : i32 to vector<16xi32>
      %parallel_loop3A_257 = arith.addi %parallel_loop3A_254, %parallel_loop3A_256 : vector<16xi32>
      %parallel_loop3A_258 = arith.constant 480 : index
      %parallel_loop3A_259 = tpu.vector_load %arg7[%parallel_loop3A_258] {strides = array<i32>} : memref<512xi32, #tpu.memory_space<vmem>>, vector<16xi32>,
      %parallel_loop3A_260 = tpu.vector_load_idx %arg8[%parallel_loop3A_43, %parallel_loop3A_259] : memref<64x512xf32, #tpu.memory_space<vmem>>[vector<16xi32>, vector<16xi32>], vector<16xf32>,
      tpu.vector_store_idx %arg9[%parallel_loop3A_43, %parallel_loop3A_257], %parallel_loop3A_260 : memref<64x512xf32, #tpu.memory_space<vmem>>[vector<16xi32>, vector<16xi32>], vector<16xf32>,
      %parallel_loop3A_261 = tpu.iota {dimensions = array<i32: 0>} : vector<16xi32>
      %parallel_loop3A_262 = arith.constant 496 : i32
      %parallel_loop3A_263 = vector.broadcast %parallel_loop3A_262 : i32 to vector<16xi32>
      %parallel_loop3A_264 = arith.addi %parallel_loop3A_261, %parallel_loop3A_263 : vector<16xi32>
      %parallel_loop3A_265 = arith.constant 496 : index
      %parallel_loop3A_266 = tpu.vector_load %arg7[%parallel_loop3A_265] {strides = array<i32>} : memref<512xi32, #tpu.memory_space<vmem>>, vector<16xi32>,
      %parallel_loop3A_267 = tpu.vector_load_idx %arg8[%parallel_loop3A_43, %parallel_loop3A_266] : memref<64x512xf32, #tpu.memory_space<vmem>>[vector<16xi32>, vector<16xi32>], vector<16xf32>,
      tpu.vector_store_idx %arg9[%parallel_loop3A_43, %parallel_loop3A_264], %parallel_loop3A_267 : memref<64x512xf32, #tpu.memory_space<vmem>>[vector<16xi32>, vector<16xi32>], vector<16xf32>,
    } {sc.loop_unroll_factor = 1 : i64, sc.parallel_access}
    "tpu.region"() ({
      %run_scoped3A = tpu.sem_alloc : memref<!tpu.dma_semaphore, #tpu.memory_space<semaphore_mem>>
      %dma_start3A_42 = arith.constant 0 : i32
      %dma_start3A_43 = tpu.memref_slice %arg5[%add3A_32, %dma_start3A_42] : memref<4096x512xf32, #tpu.memory_space<hbm>> -> memref<64x512xf32, #tpu.memory_space<hbm>>
      %dma_start3A_44 = arith.constant 0 : i32
      %dma_start3A_45 = tpu.memref_slice %arg5[%add3A_32, %dma_start3A_44] : memref<4096x512xf32, #tpu.memory_space<hbm>> -> memref<64x512xf32, #tpu.memory_space<hbm>>
      tpu.enqueue_dma source(%arg9 : memref<64x512xf32, #tpu.memory_space<vmem>>) target(%dma_start3A_45 : memref<64x512xf32, #tpu.memory_space<hbm>>) target_semaphore(%run_scoped3A : memref<!tpu.dma_semaphore, #tpu.memory_space<semaphore_mem>>)
      %dma_wait3A_46 = arith.constant 0 : i32
      %dma_wait3A_47 = tpu.memref_slice %arg5[%add3A_32, %dma_wait3A_46] : memref<4096x512xf32, #tpu.memory_space<hbm>> -> memref<64x512xf32, #tpu.memory_space<hbm>>
      %dma_wait3A_48 = arith.constant 0 : i32
      %dma_wait3A_49 = tpu.memref_slice %arg5[%add3A_32, %dma_wait3A_48] : memref<4096x512xf32, #tpu.memory_space<hbm>> -> memref<64x512xf32, #tpu.memory_space<hbm>>
      tpu.wait_dma2 semaphore(%run_scoped3A : memref<!tpu.dma_semaphore, #tpu.memory_space<semaphore_mem>>) src(%arg9 : memref<64x512xf32, #tpu.memory_space<vmem>>) dst(%dma_wait3A_49 : memref<64x512xf32, #tpu.memory_space<hbm>>)
      tpu.yield
    }) : () -> ()
    return
  }
}

module attributes {stable_mosaic.version = 14 : i64} {
  func.func @_softmax_kernel(%arg0: memref<512x512xf32, #tpu.memory_space<vmem>>, %arg1: memref<512x512xf32, #tpu.memory_space<vmem>>) attributes {dimension_semantics = [], scalar_prefetch = 0 : i64, scratch_operands = 0 : i64, tpu.core_type = #tpu.core_type<tc>} {
    %get3A = arith.constant 0 : index
    %get3A_0 = arith.constant 0 : index
    %get3A_1 = vector.load %arg0[%get3A, %get3A_0] : memref<512x512xf32, #tpu.memory_space<vmem>>, vector<512x512xf32>
    %reduce_max3A = arith.constant dense<0xFF800000> : vector<512xf32>
    %reduce_max3A_2 = vector.multi_reduction <maximumf>, %get3A_1, %reduce_max3A [1] : vector<512x512xf32> to vector<512xf32>
    %broadcast_in_dim3A = vector.shape_cast %reduce_max3A_2 : vector<512xf32> to vector<512x1xf32>
    %sub3A = vector.broadcast %broadcast_in_dim3A : vector<512x1xf32> to vector<512x512xf32>
    %sub3A_3 = arith.subf %get3A_1, %sub3A : vector<512x512xf32>
    %exp3A = math.exp %sub3A_3 : vector<512x512xf32>
    %reduce_sum3A = arith.constant dense<0.000000e+00> : vector<512xf32>
    %reduce_sum3A_4 = vector.multi_reduction <add>, %exp3A, %reduce_sum3A [1] : vector<512x512xf32> to vector<512xf32>
    %broadcast_in_dim3A_5 = vector.shape_cast %reduce_sum3A_4 : vector<512xf32> to vector<512x1xf32>
    %div3A = vector.broadcast %broadcast_in_dim3A_5 : vector<512x1xf32> to vector<512x512xf32>
    %div3A_6 = arith.divf %exp3A, %div3A : vector<512x512xf32>
    %sub3A_7 = arith.constant 1.000000e+00 : f32
    %sub3A_8 = vector.broadcast %sub3A_7 : f32 to vector<512x512xf32>
    %sub3A_9 = arith.subf %sub3A_8, %div3A_6 : vector<512x512xf32>
    %swap3A = arith.constant 0 : index
    %swap3A_10 = arith.constant 0 : index
    %swap3A_11 = vector.load %arg1[%swap3A, %swap3A_10] : memref<512x512xf32, #tpu.memory_space<vmem>>, vector<512x512xf32>
    tpu.vector_store %arg1[%swap3A, %swap3A_10], %sub3A_9 {strides = array<i32>} : memref<512x512xf32, #tpu.memory_space<vmem>>, vector<512x512xf32>,
    return
  }
}

module attributes {stable_mosaic.version = 14 : i64} {
  func.func @_dp_kernel(%arg0: memref<8x512xi32, #tpu.memory_space<vmem>>, %arg1: memref<8x512xi32, #tpu.memory_space<vmem>>, %arg2: memref<8x1xi32, #tpu.memory_space<vmem>>, %arg3: memref<8x1xi32, #tpu.memory_space<vmem>>, %arg4: memref<512x512xf32, #tpu.memory_space<vmem>>, %arg5: memref<4096x512xf32, #tpu.memory_space<vmem>>, %arg6: memref<2xi32, #tpu.memory_space<smem>>, %arg7: memref<1x1xf32, #tpu.memory_space<vmem>>, %arg8: memref<512x8x512xf32, #tpu.memory_space<vmem>>) attributes {dimension_semantics = [], scalar_prefetch = 0 : i64, scratch_operands = 1 : i64, tpu.core_type = #tpu.core_type<tc>} {
    %get3A = arith.constant 0 : index
    %get3A_0 = arith.constant 0 : index
    %get3A_1 = vector.load %arg4[%get3A, %get3A_0] : memref<512x512xf32, #tpu.memory_space<vmem>>, vector<512x512xf32>
    %get3A_2 = arith.constant 0 : index
    %get3A_3 = memref.load %arg6[%get3A_2] : memref<2xi32, #tpu.memory_space<smem>>
    %get3A_4 = arith.constant 1 : index
    %get3A_5 = memref.load %arg6[%get3A_4] : memref<2xi32, #tpu.memory_space<smem>>
    %iota3A = tpu.iota {dimensions = array<i32: 0>} : vector<512x512xi32>
    %iota3A_6 = tpu.iota {dimensions = array<i32: 1>} : vector<512x512xi32>
    %eq3A = vector.broadcast %get3A_3 : i32 to vector<512x512xi32>
    %eq3A_7 = arith.cmpi eq, %iota3A, %eq3A : vector<512x512xi32>
    %jit3A = arith.constant 0.000000e+00 : f32
    %broadcast_in_dim3A = vector.broadcast %jit3A : f32 to vector<512x512xf32>
    %select_n3A = arith.select %eq3A_7, %get3A_1, %broadcast_in_dim3A : vector<512x512xi1>, vector<512x512xf32>
    %reduce_sum3A = arith.constant dense<0.000000e+00> : vector<512xf32>
    %reduce_sum3A_8 = vector.multi_reduction <add>, %select_n3A, %reduce_sum3A [0] : vector<512x512xf32> to vector<512xf32>
    %broadcast_in_dim3A_9 = vector.shape_cast %reduce_sum3A_8 : vector<512xf32> to vector<1x512xf32>
    %eq3A_10 = vector.broadcast %get3A_5 : i32 to vector<512x512xi32>
    %eq3A_11 = arith.cmpi eq, %iota3A_6, %eq3A_10 : vector<512x512xi32>
    %jit3A_12 = arith.constant 0.000000e+00 : f32
    %broadcast_in_dim3A_13 = vector.broadcast %jit3A_12 : f32 to vector<512x512xf32>
    %select_n3A_14 = arith.select %eq3A_11, %get3A_1, %broadcast_in_dim3A_13 : vector<512x512xi1>, vector<512x512xf32>
    %reduce_sum3A_15 = arith.constant dense<0.000000e+00> : vector<512xf32>
    %reduce_sum3A_16 = vector.multi_reduction <add>, %select_n3A_14, %reduce_sum3A_15 [1] : vector<512x512xf32> to vector<512xf32>
    %broadcast_in_dim3A_17 = vector.shape_cast %reduce_sum3A_16 : vector<512xf32> to vector<512x1xf32>
    %get3A_18 = arith.constant 0 : index
    %get3A_19 = arith.constant 0 : index
    %get3A_20 = vector.load %arg0[%get3A_18, %get3A_19] : memref<8x512xi32, #tpu.memory_space<vmem>>, vector<1x512xi32>
    %broadcast_in_dim3A_21 = vector.shape_cast %get3A_20 : vector<1x512xi32> to vector<1x512xi32>
    %broadcast_in_dim3A_22 = vector.broadcast %broadcast_in_dim3A_21 : vector<1x512xi32> to vector<512x512xi32>
    %eq3A_23 = arith.cmpi eq, %broadcast_in_dim3A_22, %iota3A : vector<512x512xi32>
    %convert_element_type3A = arith.extui %eq3A_23 : vector<512x512xi1> to vector<512x512xi32>
    %convert_element_type3A_24 = arith.sitofp %convert_element_type3A : vector<512x512xi32> to vector<512x512xf32>
    %get3A_25 = arith.constant 0 : index
    %get3A_26 = arith.constant 0 : index
    %get3A_27 = vector.load %arg1[%get3A_25, %get3A_26] : memref<8x512xi32, #tpu.memory_space<vmem>>, vector<1x512xi32>
    %broadcast_in_dim3A_28 = vector.shape_cast %get3A_27 : vector<1x512xi32> to vector<1x512xi32>
    %broadcast_in_dim3A_29 = vector.broadcast %broadcast_in_dim3A_28 : vector<1x512xi32> to vector<512x512xi32>
    %eq3A_30 = arith.cmpi eq, %broadcast_in_dim3A_29, %iota3A : vector<512x512xi32>
    %convert_element_type3A_31 = arith.extui %eq3A_30 : vector<512x512xi1> to vector<512x512xi32>
    %convert_element_type3A_32 = arith.sitofp %convert_element_type3A_31 : vector<512x512xi32> to vector<512x512xf32>
    %dot_general3A = arith.constant dense<0.000000e+00> : vector<1x512xf32>
    %dot_general3A_33 = tpu.matmul %broadcast_in_dim3A_9, %convert_element_type3A_32, %dot_general3A {dimension_numbers = #tpu.dot_dimension_numbers<[1], [0], [0], [1], [0, 0, 1, 1], [], []>, transpose_lhs_hint = false} : vector<1x512xf32>, vector<512x512xf32>, vector<1x512xf32> -> vector<1x512xf32>
    %dot_general3A_34 = arith.constant dense<0.000000e+00> : vector<1x512xf32>
    %dot_general3A_35 = tpu.matmul %broadcast_in_dim3A_17, %convert_element_type3A_24, %dot_general3A_34 {dimension_numbers = #tpu.dot_dimension_numbers<[0], [0], [1], [1], [0, 1, 1, 1], [], []>, transpose_lhs_hint = false} : vector<512x1xf32>, vector<512x512xf32>, vector<1x512xf32> -> vector<1x512xf32>
    %get3A_36 = arith.constant 0 : index
    %get3A_37 = arith.constant 0 : index
    %get3A_38 = vector.load %arg5[%get3A_36, %get3A_37] : memref<4096x512xf32, #tpu.memory_space<vmem>>, vector<512x512xf32>
    %sub3A = vector.broadcast %dot_general3A_33 : vector<1x512xf32> to vector<512x512xf32>
    %sub3A_39 = arith.subf %get3A_38, %sub3A : vector<512x512xf32>
    %roll3A = arith.constant 0 : i32
    %roll3A_40 = tpu.dynamic_rotate %sub3A_39 by %roll3A dim 1 {stride = 1 : si32, stride_dimension = 0 : si32} : vector<512x512xf32>, i32 -> vector<512x512xf32>
    %transpose3A = tpu.transpose %roll3A_40, [1, 0] : vector<512x512xf32> -> vector<512x512xf32>
    %reshape3A = vector.shape_cast %transpose3A : vector<512x512xf32> to vector<512x1x512xf32>
    %swap3A = arith.constant 0 : index
    %swap3A_41 = arith.constant 0 : index
    %swap3A_42 = arith.constant 0 : index
    %swap3A_43 = vector.load %arg8[%swap3A, %swap3A_41, %swap3A_42] : memref<512x8x512xf32, #tpu.memory_space<vmem>>, vector<512x1x512xf32>
    tpu.vector_store %arg8[%swap3A, %swap3A_41, %swap3A_42], %reshape3A {strides = array<i32>} : memref<512x8x512xf32, #tpu.memory_space<vmem>>, vector<512x1x512xf32>,
    %get3A_44 = arith.constant 1 : index
    %get3A_45 = arith.constant 0 : index
    %get3A_46 = vector.load %arg0[%get3A_44, %get3A_45] : memref<8x512xi32, #tpu.memory_space<vmem>>, vector<1x512xi32>
    %broadcast_in_dim3A_47 = vector.shape_cast %get3A_46 : vector<1x512xi32> to vector<1x512xi32>
    %broadcast_in_dim3A_48 = vector.broadcast %broadcast_in_dim3A_47 : vector<1x512xi32> to vector<512x512xi32>
    %eq3A_49 = arith.cmpi eq, %broadcast_in_dim3A_48, %iota3A : vector<512x512xi32>
    %convert_element_type3A_50 = arith.extui %eq3A_49 : vector<512x512xi1> to vector<512x512xi32>
    %convert_element_type3A_51 = arith.sitofp %convert_element_type3A_50 : vector<512x512xi32> to vector<512x512xf32>
    %get3A_52 = arith.constant 1 : index
    %get3A_53 = arith.constant 0 : index
    %get3A_54 = vector.load %arg1[%get3A_52, %get3A_53] : memref<8x512xi32, #tpu.memory_space<vmem>>, vector<1x512xi32>
    %broadcast_in_dim3A_55 = vector.shape_cast %get3A_54 : vector<1x512xi32> to vector<1x512xi32>
    %broadcast_in_dim3A_56 = vector.broadcast %broadcast_in_dim3A_55 : vector<1x512xi32> to vector<512x512xi32>
    %eq3A_57 = arith.cmpi eq, %broadcast_in_dim3A_56, %iota3A : vector<512x512xi32>
    %convert_element_type3A_58 = arith.extui %eq3A_57 : vector<512x512xi1> to vector<512x512xi32>
    %convert_element_type3A_59 = arith.sitofp %convert_element_type3A_58 : vector<512x512xi32> to vector<512x512xf32>
    %dot_general3A_60 = arith.constant dense<0.000000e+00> : vector<1x512xf32>
    %dot_general3A_61 = tpu.matmul %broadcast_in_dim3A_9, %convert_element_type3A_59, %dot_general3A_60 {dimension_numbers = #tpu.dot_dimension_numbers<[1], [0], [0], [1], [0, 0, 1, 1], [], []>, transpose_lhs_hint = false} : vector<1x512xf32>, vector<512x512xf32>, vector<1x512xf32> -> vector<1x512xf32>
    %dot_general3A_62 = arith.constant dense<0.000000e+00> : vector<1x512xf32>
    %dot_general3A_63 = tpu.matmul %broadcast_in_dim3A_17, %convert_element_type3A_51, %dot_general3A_62 {dimension_numbers = #tpu.dot_dimension_numbers<[0], [0], [1], [1], [0, 1, 1, 1], [], []>, transpose_lhs_hint = false} : vector<512x1xf32>, vector<512x512xf32>, vector<1x512xf32> -> vector<1x512xf32>
    %get3A_64 = arith.constant 512 : index
    %get3A_65 = arith.constant 0 : index
    %get3A_66 = vector.load %arg5[%get3A_64, %get3A_65] : memref<4096x512xf32, #tpu.memory_space<vmem>>, vector<512x512xf32>
    %sub3A_67 = vector.broadcast %dot_general3A_61 : vector<1x512xf32> to vector<512x512xf32>
    %sub3A_68 = arith.subf %get3A_66, %sub3A_67 : vector<512x512xf32>
    %roll3A_69 = arith.constant 0 : i32
    %roll3A_70 = tpu.dynamic_rotate %sub3A_68 by %roll3A_69 dim 1 {stride = 1 : si32, stride_dimension = 0 : si32} : vector<512x512xf32>, i32 -> vector<512x512xf32>
    %transpose3A_71 = tpu.transpose %roll3A_70, [1, 0] : vector<512x512xf32> -> vector<512x512xf32>
    %reshape3A_72 = vector.shape_cast %transpose3A_71 : vector<512x512xf32> to vector<512x1x512xf32>
    %swap3A_73 = arith.constant 0 : index
    %swap3A_74 = arith.constant 1 : index
    %swap3A_75 = arith.constant 0 : index
    %swap3A_76 = vector.load %arg8[%swap3A_73, %swap3A_74, %swap3A_75] : memref<512x8x512xf32, #tpu.memory_space<vmem>>, vector<512x1x512xf32>
    tpu.vector_store %arg8[%swap3A_73, %swap3A_74, %swap3A_75], %reshape3A_72 {strides = array<i32>} : memref<512x8x512xf32, #tpu.memory_space<vmem>>, vector<512x1x512xf32>,
    %get3A_77 = arith.constant 2 : index
    %get3A_78 = arith.constant 0 : index
    %get3A_79 = vector.load %arg0[%get3A_77, %get3A_78] : memref<8x512xi32, #tpu.memory_space<vmem>>, vector<1x512xi32>
    %broadcast_in_dim3A_80 = vector.shape_cast %get3A_79 : vector<1x512xi32> to vector<1x512xi32>
    %broadcast_in_dim3A_81 = vector.broadcast %broadcast_in_dim3A_80 : vector<1x512xi32> to vector<512x512xi32>
    %eq3A_82 = arith.cmpi eq, %broadcast_in_dim3A_81, %iota3A : vector<512x512xi32>
    %convert_element_type3A_83 = arith.extui %eq3A_82 : vector<512x512xi1> to vector<512x512xi32>
    %convert_element_type3A_84 = arith.sitofp %convert_element_type3A_83 : vector<512x512xi32> to vector<512x512xf32>
    %get3A_85 = arith.constant 2 : index
    %get3A_86 = arith.constant 0 : index
    %get3A_87 = vector.load %arg1[%get3A_85, %get3A_86] : memref<8x512xi32, #tpu.memory_space<vmem>>, vector<1x512xi32>
    %broadcast_in_dim3A_88 = vector.shape_cast %get3A_87 : vector<1x512xi32> to vector<1x512xi32>
    %broadcast_in_dim3A_89 = vector.broadcast %broadcast_in_dim3A_88 : vector<1x512xi32> to vector<512x512xi32>
    %eq3A_90 = arith.cmpi eq, %broadcast_in_dim3A_89, %iota3A : vector<512x512xi32>
    %convert_element_type3A_91 = arith.extui %eq3A_90 : vector<512x512xi1> to vector<512x512xi32>
    %convert_element_type3A_92 = arith.sitofp %convert_element_type3A_91 : vector<512x512xi32> to vector<512x512xf32>
    %dot_general3A_93 = arith.constant dense<0.000000e+00> : vector<1x512xf32>
    %dot_general3A_94 = tpu.matmul %broadcast_in_dim3A_9, %convert_element_type3A_92, %dot_general3A_93 {dimension_numbers = #tpu.dot_dimension_numbers<[1], [0], [0], [1], [0, 0, 1, 1], [], []>, transpose_lhs_hint = false} : vector<1x512xf32>, vector<512x512xf32>, vector<1x512xf32> -> vector<1x512xf32>
    %dot_general3A_95 = arith.constant dense<0.000000e+00> : vector<1x512xf32>
    %dot_general3A_96 = tpu.matmul %broadcast_in_dim3A_17, %convert_element_type3A_84, %dot_general3A_95 {dimension_numbers = #tpu.dot_dimension_numbers<[0], [0], [1], [1], [0, 1, 1, 1], [], []>, transpose_lhs_hint = false} : vector<512x1xf32>, vector<512x512xf32>, vector<1x512xf32> -> vector<1x512xf32>
    %get3A_97 = arith.constant 1024 : index
    %get3A_98 = arith.constant 0 : index
    %get3A_99 = vector.load %arg5[%get3A_97, %get3A_98] : memref<4096x512xf32, #tpu.memory_space<vmem>>, vector<512x512xf32>
    %sub3A_100 = vector.broadcast %dot_general3A_94 : vector<1x512xf32> to vector<512x512xf32>
    %sub3A_101 = arith.subf %get3A_99, %sub3A_100 : vector<512x512xf32>
    %roll3A_102 = arith.constant 0 : i32
    %roll3A_103 = tpu.dynamic_rotate %sub3A_101 by %roll3A_102 dim 1 {stride = 1 : si32, stride_dimension = 0 : si32} : vector<512x512xf32>, i32 -> vector<512x512xf32>
    %transpose3A_104 = tpu.transpose %roll3A_103, [1, 0] : vector<512x512xf32> -> vector<512x512xf32>
    %reshape3A_105 = vector.shape_cast %transpose3A_104 : vector<512x512xf32> to vector<512x1x512xf32>
    %swap3A_106 = arith.constant 0 : index
    %swap3A_107 = arith.constant 2 : index
    %swap3A_108 = arith.constant 0 : index
    %swap3A_109 = vector.load %arg8[%swap3A_106, %swap3A_107, %swap3A_108] : memref<512x8x512xf32, #tpu.memory_space<vmem>>, vector<512x1x512xf32>
    tpu.vector_store %arg8[%swap3A_106, %swap3A_107, %swap3A_108], %reshape3A_105 {strides = array<i32>} : memref<512x8x512xf32, #tpu.memory_space<vmem>>, vector<512x1x512xf32>,
    %get3A_110 = arith.constant 3 : index
    %get3A_111 = arith.constant 0 : index
    %get3A_112 = vector.load %arg0[%get3A_110, %get3A_111] : memref<8x512xi32, #tpu.memory_space<vmem>>, vector<1x512xi32>
    %broadcast_in_dim3A_113 = vector.shape_cast %get3A_112 : vector<1x512xi32> to vector<1x512xi32>
    %broadcast_in_dim3A_114 = vector.broadcast %broadcast_in_dim3A_113 : vector<1x512xi32> to vector<512x512xi32>
    %eq3A_115 = arith.cmpi eq, %broadcast_in_dim3A_114, %iota3A : vector<512x512xi32>
    %convert_element_type3A_116 = arith.extui %eq3A_115 : vector<512x512xi1> to vector<512x512xi32>
    %convert_element_type3A_117 = arith.sitofp %convert_element_type3A_116 : vector<512x512xi32> to vector<512x512xf32>
    %get3A_118 = arith.constant 3 : index
    %get3A_119 = arith.constant 0 : index
    %get3A_120 = vector.load %arg1[%get3A_118, %get3A_119] : memref<8x512xi32, #tpu.memory_space<vmem>>, vector<1x512xi32>
    %broadcast_in_dim3A_121 = vector.shape_cast %get3A_120 : vector<1x512xi32> to vector<1x512xi32>
    %broadcast_in_dim3A_122 = vector.broadcast %broadcast_in_dim3A_121 : vector<1x512xi32> to vector<512x512xi32>
    %eq3A_123 = arith.cmpi eq, %broadcast_in_dim3A_122, %iota3A : vector<512x512xi32>
    %convert_element_type3A_124 = arith.extui %eq3A_123 : vector<512x512xi1> to vector<512x512xi32>
    %convert_element_type3A_125 = arith.sitofp %convert_element_type3A_124 : vector<512x512xi32> to vector<512x512xf32>
    %dot_general3A_126 = arith.constant dense<0.000000e+00> : vector<1x512xf32>
    %dot_general3A_127 = tpu.matmul %broadcast_in_dim3A_9, %convert_element_type3A_125, %dot_general3A_126 {dimension_numbers = #tpu.dot_dimension_numbers<[1], [0], [0], [1], [0, 0, 1, 1], [], []>, transpose_lhs_hint = false} : vector<1x512xf32>, vector<512x512xf32>, vector<1x512xf32> -> vector<1x512xf32>
    %dot_general3A_128 = arith.constant dense<0.000000e+00> : vector<1x512xf32>
    %dot_general3A_129 = tpu.matmul %broadcast_in_dim3A_17, %convert_element_type3A_117, %dot_general3A_128 {dimension_numbers = #tpu.dot_dimension_numbers<[0], [0], [1], [1], [0, 1, 1, 1], [], []>, transpose_lhs_hint = false} : vector<512x1xf32>, vector<512x512xf32>, vector<1x512xf32> -> vector<1x512xf32>
    %get3A_130 = arith.constant 1536 : index
    %get3A_131 = arith.constant 0 : index
    %get3A_132 = vector.load %arg5[%get3A_130, %get3A_131] : memref<4096x512xf32, #tpu.memory_space<vmem>>, vector<512x512xf32>
    %sub3A_133 = vector.broadcast %dot_general3A_127 : vector<1x512xf32> to vector<512x512xf32>
    %sub3A_134 = arith.subf %get3A_132, %sub3A_133 : vector<512x512xf32>
    %roll3A_135 = arith.constant 0 : i32
    %roll3A_136 = tpu.dynamic_rotate %sub3A_134 by %roll3A_135 dim 1 {stride = 1 : si32, stride_dimension = 0 : si32} : vector<512x512xf32>, i32 -> vector<512x512xf32>
    %transpose3A_137 = tpu.transpose %roll3A_136, [1, 0] : vector<512x512xf32> -> vector<512x512xf32>
    %reshape3A_138 = vector.shape_cast %transpose3A_137 : vector<512x512xf32> to vector<512x1x512xf32>
    %swap3A_139 = arith.constant 0 : index
    %swap3A_140 = arith.constant 3 : index
    %swap3A_141 = arith.constant 0 : index
    %swap3A_142 = vector.load %arg8[%swap3A_139, %swap3A_140, %swap3A_141] : memref<512x8x512xf32, #tpu.memory_space<vmem>>, vector<512x1x512xf32>
    tpu.vector_store %arg8[%swap3A_139, %swap3A_140, %swap3A_141], %reshape3A_138 {strides = array<i32>} : memref<512x8x512xf32, #tpu.memory_space<vmem>>, vector<512x1x512xf32>,
    %get3A_143 = arith.constant 4 : index
    %get3A_144 = arith.constant 0 : index
    %get3A_145 = vector.load %arg0[%get3A_143, %get3A_144] : memref<8x512xi32, #tpu.memory_space<vmem>>, vector<1x512xi32>
    %broadcast_in_dim3A_146 = vector.shape_cast %get3A_145 : vector<1x512xi32> to vector<1x512xi32>
    %broadcast_in_dim3A_147 = vector.broadcast %broadcast_in_dim3A_146 : vector<1x512xi32> to vector<512x512xi32>
    %eq3A_148 = arith.cmpi eq, %broadcast_in_dim3A_147, %iota3A : vector<512x512xi32>
    %convert_element_type3A_149 = arith.extui %eq3A_148 : vector<512x512xi1> to vector<512x512xi32>
    %convert_element_type3A_150 = arith.sitofp %convert_element_type3A_149 : vector<512x512xi32> to vector<512x512xf32>
    %get3A_151 = arith.constant 4 : index
    %get3A_152 = arith.constant 0 : index
    %get3A_153 = vector.load %arg1[%get3A_151, %get3A_152] : memref<8x512xi32, #tpu.memory_space<vmem>>, vector<1x512xi32>
    %broadcast_in_dim3A_154 = vector.shape_cast %get3A_153 : vector<1x512xi32> to vector<1x512xi32>
    %broadcast_in_dim3A_155 = vector.broadcast %broadcast_in_dim3A_154 : vector<1x512xi32> to vector<512x512xi32>
    %eq3A_156 = arith.cmpi eq, %broadcast_in_dim3A_155, %iota3A : vector<512x512xi32>
    %convert_element_type3A_157 = arith.extui %eq3A_156 : vector<512x512xi1> to vector<512x512xi32>
    %convert_element_type3A_158 = arith.sitofp %convert_element_type3A_157 : vector<512x512xi32> to vector<512x512xf32>
    %dot_general3A_159 = arith.constant dense<0.000000e+00> : vector<1x512xf32>
    %dot_general3A_160 = tpu.matmul %broadcast_in_dim3A_9, %convert_element_type3A_158, %dot_general3A_159 {dimension_numbers = #tpu.dot_dimension_numbers<[1], [0], [0], [1], [0, 0, 1, 1], [], []>, transpose_lhs_hint = false} : vector<1x512xf32>, vector<512x512xf32>, vector<1x512xf32> -> vector<1x512xf32>
    %dot_general3A_161 = arith.constant dense<0.000000e+00> : vector<1x512xf32>
    %dot_general3A_162 = tpu.matmul %broadcast_in_dim3A_17, %convert_element_type3A_150, %dot_general3A_161 {dimension_numbers = #tpu.dot_dimension_numbers<[0], [0], [1], [1], [0, 1, 1, 1], [], []>, transpose_lhs_hint = false} : vector<512x1xf32>, vector<512x512xf32>, vector<1x512xf32> -> vector<1x512xf32>
    %get3A_163 = arith.constant 2048 : index
    %get3A_164 = arith.constant 0 : index
    %get3A_165 = vector.load %arg5[%get3A_163, %get3A_164] : memref<4096x512xf32, #tpu.memory_space<vmem>>, vector<512x512xf32>
    %sub3A_166 = vector.broadcast %dot_general3A_160 : vector<1x512xf32> to vector<512x512xf32>
    %sub3A_167 = arith.subf %get3A_165, %sub3A_166 : vector<512x512xf32>
    %roll3A_168 = arith.constant 0 : i32
    %roll3A_169 = tpu.dynamic_rotate %sub3A_167 by %roll3A_168 dim 1 {stride = 1 : si32, stride_dimension = 0 : si32} : vector<512x512xf32>, i32 -> vector<512x512xf32>
    %transpose3A_170 = tpu.transpose %roll3A_169, [1, 0] : vector<512x512xf32> -> vector<512x512xf32>
    %reshape3A_171 = vector.shape_cast %transpose3A_170 : vector<512x512xf32> to vector<512x1x512xf32>
    %swap3A_172 = arith.constant 0 : index
    %swap3A_173 = arith.constant 4 : index
    %swap3A_174 = arith.constant 0 : index
    %swap3A_175 = vector.load %arg8[%swap3A_172, %swap3A_173, %swap3A_174] : memref<512x8x512xf32, #tpu.memory_space<vmem>>, vector<512x1x512xf32>
    tpu.vector_store %arg8[%swap3A_172, %swap3A_173, %swap3A_174], %reshape3A_171 {strides = array<i32>} : memref<512x8x512xf32, #tpu.memory_space<vmem>>, vector<512x1x512xf32>,
    %get3A_176 = arith.constant 5 : index
    %get3A_177 = arith.constant 0 : index
    %get3A_178 = vector.load %arg0[%get3A_176, %get3A_177] : memref<8x512xi32, #tpu.memory_space<vmem>>, vector<1x512xi32>
    %broadcast_in_dim3A_179 = vector.shape_cast %get3A_178 : vector<1x512xi32> to vector<1x512xi32>
    %broadcast_in_dim3A_180 = vector.broadcast %broadcast_in_dim3A_179 : vector<1x512xi32> to vector<512x512xi32>
    %eq3A_181 = arith.cmpi eq, %broadcast_in_dim3A_180, %iota3A : vector<512x512xi32>
    %convert_element_type3A_182 = arith.extui %eq3A_181 : vector<512x512xi1> to vector<512x512xi32>
    %convert_element_type3A_183 = arith.sitofp %convert_element_type3A_182 : vector<512x512xi32> to vector<512x512xf32>
    %get3A_184 = arith.constant 5 : index
    %get3A_185 = arith.constant 0 : index
    %get3A_186 = vector.load %arg1[%get3A_184, %get3A_185] : memref<8x512xi32, #tpu.memory_space<vmem>>, vector<1x512xi32>
    %broadcast_in_dim3A_187 = vector.shape_cast %get3A_186 : vector<1x512xi32> to vector<1x512xi32>
    %broadcast_in_dim3A_188 = vector.broadcast %broadcast_in_dim3A_187 : vector<1x512xi32> to vector<512x512xi32>
    %eq3A_189 = arith.cmpi eq, %broadcast_in_dim3A_188, %iota3A : vector<512x512xi32>
    %convert_element_type3A_190 = arith.extui %eq3A_189 : vector<512x512xi1> to vector<512x512xi32>
    %convert_element_type3A_191 = arith.sitofp %convert_element_type3A_190 : vector<512x512xi32> to vector<512x512xf32>
    %dot_general3A_192 = arith.constant dense<0.000000e+00> : vector<1x512xf32>
    %dot_general3A_193 = tpu.matmul %broadcast_in_dim3A_9, %convert_element_type3A_191, %dot_general3A_192 {dimension_numbers = #tpu.dot_dimension_numbers<[1], [0], [0], [1], [0, 0, 1, 1], [], []>, transpose_lhs_hint = false} : vector<1x512xf32>, vector<512x512xf32>, vector<1x512xf32> -> vector<1x512xf32>
    %dot_general3A_194 = arith.constant dense<0.000000e+00> : vector<1x512xf32>
    %dot_general3A_195 = tpu.matmul %broadcast_in_dim3A_17, %convert_element_type3A_183, %dot_general3A_194 {dimension_numbers = #tpu.dot_dimension_numbers<[0], [0], [1], [1], [0, 1, 1, 1], [], []>, transpose_lhs_hint = false} : vector<512x1xf32>, vector<512x512xf32>, vector<1x512xf32> -> vector<1x512xf32>
    %get3A_196 = arith.constant 2560 : index
    %get3A_197 = arith.constant 0 : index
    %get3A_198 = vector.load %arg5[%get3A_196, %get3A_197] : memref<4096x512xf32, #tpu.memory_space<vmem>>, vector<512x512xf32>
    %sub3A_199 = vector.broadcast %dot_general3A_193 : vector<1x512xf32> to vector<512x512xf32>
    %sub3A_200 = arith.subf %get3A_198, %sub3A_199 : vector<512x512xf32>
    %roll3A_201 = arith.constant 0 : i32
    %roll3A_202 = tpu.dynamic_rotate %sub3A_200 by %roll3A_201 dim 1 {stride = 1 : si32, stride_dimension = 0 : si32} : vector<512x512xf32>, i32 -> vector<512x512xf32>
    %transpose3A_203 = tpu.transpose %roll3A_202, [1, 0] : vector<512x512xf32> -> vector<512x512xf32>
    %reshape3A_204 = vector.shape_cast %transpose3A_203 : vector<512x512xf32> to vector<512x1x512xf32>
    %swap3A_205 = arith.constant 0 : index
    %swap3A_206 = arith.constant 5 : index
    %swap3A_207 = arith.constant 0 : index
    %swap3A_208 = vector.load %arg8[%swap3A_205, %swap3A_206, %swap3A_207] : memref<512x8x512xf32, #tpu.memory_space<vmem>>, vector<512x1x512xf32>
    tpu.vector_store %arg8[%swap3A_205, %swap3A_206, %swap3A_207], %reshape3A_204 {strides = array<i32>} : memref<512x8x512xf32, #tpu.memory_space<vmem>>, vector<512x1x512xf32>,
    %get3A_209 = arith.constant 6 : index
    %get3A_210 = arith.constant 0 : index
    %get3A_211 = vector.load %arg0[%get3A_209, %get3A_210] : memref<8x512xi32, #tpu.memory_space<vmem>>, vector<1x512xi32>
    %broadcast_in_dim3A_212 = vector.shape_cast %get3A_211 : vector<1x512xi32> to vector<1x512xi32>
    %broadcast_in_dim3A_213 = vector.broadcast %broadcast_in_dim3A_212 : vector<1x512xi32> to vector<512x512xi32>
    %eq3A_214 = arith.cmpi eq, %broadcast_in_dim3A_213, %iota3A : vector<512x512xi32>
    %convert_element_type3A_215 = arith.extui %eq3A_214 : vector<512x512xi1> to vector<512x512xi32>
    %convert_element_type3A_216 = arith.sitofp %convert_element_type3A_215 : vector<512x512xi32> to vector<512x512xf32>
    %get3A_217 = arith.constant 6 : index
    %get3A_218 = arith.constant 0 : index
    %get3A_219 = vector.load %arg1[%get3A_217, %get3A_218] : memref<8x512xi32, #tpu.memory_space<vmem>>, vector<1x512xi32>
    %broadcast_in_dim3A_220 = vector.shape_cast %get3A_219 : vector<1x512xi32> to vector<1x512xi32>
    %broadcast_in_dim3A_221 = vector.broadcast %broadcast_in_dim3A_220 : vector<1x512xi32> to vector<512x512xi32>
    %eq3A_222 = arith.cmpi eq, %broadcast_in_dim3A_221, %iota3A : vector<512x512xi32>
    %convert_element_type3A_223 = arith.extui %eq3A_222 : vector<512x512xi1> to vector<512x512xi32>
    %convert_element_type3A_224 = arith.sitofp %convert_element_type3A_223 : vector<512x512xi32> to vector<512x512xf32>
    %dot_general3A_225 = arith.constant dense<0.000000e+00> : vector<1x512xf32>
    %dot_general3A_226 = tpu.matmul %broadcast_in_dim3A_9, %convert_element_type3A_224, %dot_general3A_225 {dimension_numbers = #tpu.dot_dimension_numbers<[1], [0], [0], [1], [0, 0, 1, 1], [], []>, transpose_lhs_hint = false} : vector<1x512xf32>, vector<512x512xf32>, vector<1x512xf32> -> vector<1x512xf32>
    %dot_general3A_227 = arith.constant dense<0.000000e+00> : vector<1x512xf32>
    %dot_general3A_228 = tpu.matmul %broadcast_in_dim3A_17, %convert_element_type3A_216, %dot_general3A_227 {dimension_numbers = #tpu.dot_dimension_numbers<[0], [0], [1], [1], [0, 1, 1, 1], [], []>, transpose_lhs_hint = false} : vector<512x1xf32>, vector<512x512xf32>, vector<1x512xf32> -> vector<1x512xf32>
    %get3A_229 = arith.constant 3072 : index
    %get3A_230 = arith.constant 0 : index
    %get3A_231 = vector.load %arg5[%get3A_229, %get3A_230] : memref<4096x512xf32, #tpu.memory_space<vmem>>, vector<512x512xf32>
    %sub3A_232 = vector.broadcast %dot_general3A_226 : vector<1x512xf32> to vector<512x512xf32>
    %sub3A_233 = arith.subf %get3A_231, %sub3A_232 : vector<512x512xf32>
    %roll3A_234 = arith.constant 0 : i32
    %roll3A_235 = tpu.dynamic_rotate %sub3A_233 by %roll3A_234 dim 1 {stride = 1 : si32, stride_dimension = 0 : si32} : vector<512x512xf32>, i32 -> vector<512x512xf32>
    %transpose3A_236 = tpu.transpose %roll3A_235, [1, 0] : vector<512x512xf32> -> vector<512x512xf32>
    %reshape3A_237 = vector.shape_cast %transpose3A_236 : vector<512x512xf32> to vector<512x1x512xf32>
    %swap3A_238 = arith.constant 0 : index
    %swap3A_239 = arith.constant 6 : index
    %swap3A_240 = arith.constant 0 : index
    %swap3A_241 = vector.load %arg8[%swap3A_238, %swap3A_239, %swap3A_240] : memref<512x8x512xf32, #tpu.memory_space<vmem>>, vector<512x1x512xf32>
    tpu.vector_store %arg8[%swap3A_238, %swap3A_239, %swap3A_240], %reshape3A_237 {strides = array<i32>} : memref<512x8x512xf32, #tpu.memory_space<vmem>>, vector<512x1x512xf32>,
    %get3A_242 = arith.constant 7 : index
    %get3A_243 = arith.constant 0 : index
    %get3A_244 = vector.load %arg0[%get3A_242, %get3A_243] : memref<8x512xi32, #tpu.memory_space<vmem>>, vector<1x512xi32>
    %broadcast_in_dim3A_245 = vector.shape_cast %get3A_244 : vector<1x512xi32> to vector<1x512xi32>
    %broadcast_in_dim3A_246 = vector.broadcast %broadcast_in_dim3A_245 : vector<1x512xi32> to vector<512x512xi32>
    %eq3A_247 = arith.cmpi eq, %broadcast_in_dim3A_246, %iota3A : vector<512x512xi32>
    %convert_element_type3A_248 = arith.extui %eq3A_247 : vector<512x512xi1> to vector<512x512xi32>
    %convert_element_type3A_249 = arith.sitofp %convert_element_type3A_248 : vector<512x512xi32> to vector<512x512xf32>
    %get3A_250 = arith.constant 7 : index
    %get3A_251 = arith.constant 0 : index
    %get3A_252 = vector.load %arg1[%get3A_250, %get3A_251] : memref<8x512xi32, #tpu.memory_space<vmem>>, vector<1x512xi32>
    %broadcast_in_dim3A_253 = vector.shape_cast %get3A_252 : vector<1x512xi32> to vector<1x512xi32>
    %broadcast_in_dim3A_254 = vector.broadcast %broadcast_in_dim3A_253 : vector<1x512xi32> to vector<512x512xi32>
    %eq3A_255 = arith.cmpi eq, %broadcast_in_dim3A_254, %iota3A : vector<512x512xi32>
    %convert_element_type3A_256 = arith.extui %eq3A_255 : vector<512x512xi1> to vector<512x512xi32>
    %convert_element_type3A_257 = arith.sitofp %convert_element_type3A_256 : vector<512x512xi32> to vector<512x512xf32>
    %dot_general3A_258 = arith.constant dense<0.000000e+00> : vector<1x512xf32>
    %dot_general3A_259 = tpu.matmul %broadcast_in_dim3A_9, %convert_element_type3A_257, %dot_general3A_258 {dimension_numbers = #tpu.dot_dimension_numbers<[1], [0], [0], [1], [0, 0, 1, 1], [], []>, transpose_lhs_hint = false} : vector<1x512xf32>, vector<512x512xf32>, vector<1x512xf32> -> vector<1x512xf32>
    %dot_general3A_260 = arith.constant dense<0.000000e+00> : vector<1x512xf32>
    %dot_general3A_261 = tpu.matmul %broadcast_in_dim3A_17, %convert_element_type3A_249, %dot_general3A_260 {dimension_numbers = #tpu.dot_dimension_numbers<[0], [0], [1], [1], [0, 1, 1, 1], [], []>, transpose_lhs_hint = false} : vector<512x1xf32>, vector<512x512xf32>, vector<1x512xf32> -> vector<1x512xf32>
    %get3A_262 = arith.constant 3584 : index
    %get3A_263 = arith.constant 0 : index
    %get3A_264 = vector.load %arg5[%get3A_262, %get3A_263] : memref<4096x512xf32, #tpu.memory_space<vmem>>, vector<512x512xf32>
    %sub3A_265 = vector.broadcast %dot_general3A_259 : vector<1x512xf32> to vector<512x512xf32>
    %sub3A_266 = arith.subf %get3A_264, %sub3A_265 : vector<512x512xf32>
    %roll3A_267 = arith.constant 0 : i32
    %roll3A_268 = tpu.dynamic_rotate %sub3A_266 by %roll3A_267 dim 1 {stride = 1 : si32, stride_dimension = 0 : si32} : vector<512x512xf32>, i32 -> vector<512x512xf32>
    %transpose3A_269 = tpu.transpose %roll3A_268, [1, 0] : vector<512x512xf32> -> vector<512x512xf32>
    %reshape3A_270 = vector.shape_cast %transpose3A_269 : vector<512x512xf32> to vector<512x1x512xf32>
    %swap3A_271 = arith.constant 0 : index
    %swap3A_272 = arith.constant 7 : index
    %swap3A_273 = arith.constant 0 : index
    %swap3A_274 = vector.load %arg8[%swap3A_271, %swap3A_272, %swap3A_273] : memref<512x8x512xf32, #tpu.memory_space<vmem>>, vector<512x1x512xf32>
    tpu.vector_store %arg8[%swap3A_271, %swap3A_272, %swap3A_273], %reshape3A_270 {strides = array<i32>} : memref<512x8x512xf32, #tpu.memory_space<vmem>>, vector<512x1x512xf32>,
    %concatenate3A = tpu.concatenate %dot_general3A_33, %dot_general3A_61, %dot_general3A_94, %dot_general3A_127, %dot_general3A_160, %dot_general3A_193, %dot_general3A_226, %dot_general3A_259 in 0 : vector<1x512xf32>, vector<1x512xf32>, vector<1x512xf32>, vector<1x512xf32>, vector<1x512xf32>, vector<1x512xf32>, vector<1x512xf32>, vector<1x512xf32> -> vector<8x512xf32>
    %concatenate3A_275 = tpu.concatenate %dot_general3A_35, %dot_general3A_63, %dot_general3A_96, %dot_general3A_129, %dot_general3A_162, %dot_general3A_195, %dot_general3A_228, %dot_general3A_261 in 0 : vector<1x512xf32>, vector<1x512xf32>, vector<1x512xf32>, vector<1x512xf32>, vector<1x512xf32>, vector<1x512xf32>, vector<1x512xf32>, vector<1x512xf32> -> vector<8x512xf32>
    %iota3A_276 = tpu.iota {dimensions = array<i32: 1>} : vector<8x512xi32>
    %get3A_277 = arith.constant 0 : index
    %get3A_278 = arith.constant 0 : index
    %get3A_279 = vector.load %arg2[%get3A_277, %get3A_278] : memref<8x1xi32, #tpu.memory_space<vmem>>, vector<8x1xi32>
    %sub3A_280 = arith.constant 1 : i32
    %sub3A_281 = vector.broadcast %sub3A_280 : i32 to vector<8x1xi32>
    %sub3A_282 = arith.subi %get3A_279, %sub3A_281 : vector<8x1xi32>
    %get3A_283 = arith.constant 0 : index
    %get3A_284 = arith.constant 0 : index
    %get3A_285 = vector.load %arg3[%get3A_283, %get3A_284] : memref<8x1xi32, #tpu.memory_space<vmem>>, vector<8x1xi32>
    %sub3A_286 = arith.constant 1 : i32
    %sub3A_287 = vector.broadcast %sub3A_286 : i32 to vector<8x1xi32>
    %sub3A_288 = arith.subi %get3A_285, %sub3A_287 : vector<8x1xi32>
    %add3A = arith.addi %sub3A_282, %sub3A_288 : vector<8x1xi32>
    %sub3A_289 = arith.constant 1 : i32
    %sub3A_290 = vector.broadcast %sub3A_289 : i32 to vector<8x1xi32>
    %sub3A_291 = arith.subi %sub3A_282, %sub3A_290 : vector<8x1xi32>
    %broadcast_in_dim3A_292 = vector.shape_cast %sub3A_291 : vector<8x1xi32> to vector<8x1xi32>
    %broadcast_in_dim3A_293 = vector.broadcast %broadcast_in_dim3A_292 : vector<8x1xi32> to vector<8x512xi32>
    %eq3A_294 = arith.cmpi eq, %iota3A_276, %broadcast_in_dim3A_293 : vector<8x512xi32>
    %sub3A_295 = arith.constant 1 : i32
    %sub3A_296 = vector.broadcast %sub3A_295 : i32 to vector<8x1xi32>
    %sub3A_297 = arith.subi %sub3A_288, %sub3A_296 : vector<8x1xi32>
    %broadcast_in_dim3A_298 = vector.shape_cast %sub3A_297 : vector<8x1xi32> to vector<8x1xi32>
    %broadcast_in_dim3A_299 = vector.broadcast %broadcast_in_dim3A_298 : vector<8x1xi32> to vector<8x512xi32>
    %le3A = arith.cmpi sle, %iota3A_276, %broadcast_in_dim3A_299 : vector<8x512xi32>
    %jit3A_300 = arith.constant 0.000000e+00 : f32
    %broadcast_in_dim3A_301 = vector.broadcast %jit3A_300 : f32 to vector<8x512xf32>
    %select_n3A_302 = arith.select %le3A, %concatenate3A, %broadcast_in_dim3A_301 : vector<8x512xi1>, vector<8x512xf32>
    %reduce_sum3A_303 = arith.constant dense<0.000000e+00> : vector<8xf32>
    %reduce_sum3A_304 = vector.multi_reduction <add>, %select_n3A_302, %reduce_sum3A_303 [1] : vector<8x512xf32> to vector<8xf32>
    %broadcast_in_dim3A_305 = vector.shape_cast %reduce_sum3A_304 : vector<8xf32> to vector<8x1xf32>
    %reduce_max3A = vector.shape_cast %add3A : vector<8x1xi32> to vector<1x8x1xi32>
    %reduce_max3A_306 = arith.constant dense<-2147483648> : vector<1xi32>
    %reduce_max3A_307 = vector.multi_reduction <maxsi>, %reduce_max3A, %reduce_max3A_306 [1, 2] : vector<1x8x1xi32> to vector<1xi32>
    %reduce_max3A_308 = vector.shape_cast %reduce_max3A_307 : vector<1xi32> to vector<1x1x1xi32>
    %reduce_max3A_309 = vector.extract %reduce_max3A_308[0, 0, 0] : i32 from vector<1x1x1xi32>
    %add3A_310 = arith.constant 3 : i32
    %add3A_311 = arith.addi %reduce_max3A_309, %add3A_310 : i32
    %jit3A_312 = arith.constant 4 : i32
    %div3A = arith.divsi %add3A_311, %jit3A_312 : i32
    %sign3A = arith.constant 0 : i32
    %sign3A_313 = arith.cmpi sgt, %add3A_311, %sign3A : i32
    %sign3A_314 = arith.extui %sign3A_313 : i1 to i32
    %sign3A_315 = arith.constant 0 : i32
    %sign3A_316 = arith.cmpi slt, %add3A_311, %sign3A_315 : i32
    %sign3A_317 = arith.extui %sign3A_316 : i1 to i32
    %sign3A_318 = arith.subi %sign3A_314, %sign3A_317 : i32
    %sign3A_319 = arith.constant 0 : i32
    %sign3A_320 = arith.cmpi sgt, %jit3A_312, %sign3A_319 : i32
    %sign3A_321 = arith.extui %sign3A_320 : i1 to i32
    %sign3A_322 = arith.constant 0 : i32
    %sign3A_323 = arith.cmpi slt, %jit3A_312, %sign3A_322 : i32
    %sign3A_324 = arith.extui %sign3A_323 : i1 to i32
    %sign3A_325 = arith.subi %sign3A_321, %sign3A_324 : i32
    %ne3A = arith.cmpi ne, %sign3A_318, %sign3A_325 : i32
    %rem3A = arith.remsi %add3A_311, %jit3A_312 : i32
    %ne3A_326 = arith.constant 0 : i32
    %ne3A_327 = arith.cmpi ne, %rem3A, %ne3A_326 : i32
    %and3A = arith.andi %ne3A, %ne3A_327 : i1
    %sub3A_328 = arith.constant 1 : i32
    %sub3A_329 = arith.subi %div3A, %sub3A_328 : i32
    %select_n3A_330 = arith.select %and3A, %sub3A_329, %div3A : i32
    %broadcast_in_dim3A_331 = arith.constant 0x7F800000 : f32
    %broadcast_in_dim3A_332 = vector.broadcast %broadcast_in_dim3A_331 : f32 to vector<8x512xf32>
    %broadcast_in_dim3A_333 = arith.constant 0x7F800000 : f32
    %broadcast_in_dim3A_334 = vector.broadcast %broadcast_in_dim3A_333 : f32 to vector<8x512xf32>
    %broadcast_in_dim3A_335 = arith.constant 0.000000e+00 : f32
    %broadcast_in_dim3A_336 = vector.broadcast %broadcast_in_dim3A_335 : f32 to vector<8x512xf32>
    %while3A = arith.constant 0x7F800000 : f32
    %while3A_337 = arith.constant 0 : i32
    %while3A_338 = arith.subi %select_n3A_330, %while3A_337 : i32
    %while3A_339 = arith.addi %while3A_337, %while3A_338 : i32
    %while3A_340 = arith.constant 1 : i32
    %while3A_341 = arith.divsi %while3A_338, %while3A_340 : i32
    %while3A_342 = arith.muli %while3A_341, %while3A_340 : i32
    %while3A_343 = arith.addi %while3A_337, %while3A_342 : i32
    %while3A_344 = arith.constant 1 : i32
    %while3A_345:3 = scf.for %while3A_360 = %while3A_337 to %while3A_343 step %while3A_344 iter_args(%while3A_361 = %broadcast_in_dim3A_332, %while3A_362 = %broadcast_in_dim3A_334, %while3A_363 = %broadcast_in_dim3A_336) -> (vector<8x512xf32>, vector<8x512xf32>, vector<8x512xf32>)  : i32 {
      %mul3A_364 = arith.constant 4 : i32
      %mul3A_365 = arith.muli %mul3A_364, %while3A_360 : i32
      %add3A_366 = arith.constant 1 : i32
      %add3A_367 = arith.addi %mul3A_365, %add3A_366 : i32
      %sub3A_368 = arith.constant 2 : i32
      %sub3A_369 = arith.subi %add3A_367, %sub3A_368 : i32
      %and3A_370 = arith.constant 511 : i32
      %and3A_371 = arith.andi %sub3A_369, %and3A_370 : i32
      %get3A_372 = arith.index_cast %and3A_371 : i32 to index
      %get3A_373 = arith.constant 0 : index
      %get3A_374 = arith.constant 0 : index
      %get3A_375 = vector.load %arg8[%get3A_372, %get3A_373, %get3A_374] : memref<512x8x512xf32, #tpu.memory_space<vmem>>, vector<1x8x512xf32>
      %reshape3A_376 = vector.shape_cast %get3A_375 : vector<1x8x512xf32> to vector<8x512xf32>
      %roll3A_377 = arith.constant 1 : i32
      %roll3A_378 = tpu.dynamic_rotate %while3A_361 by %roll3A_377 dim 1 : vector<8x512xf32>, i32 -> vector<8x512xf32>
      %le3A_379 = arith.constant 513 : i32
      %le3A_380 = arith.cmpi sle, %add3A_367, %le3A_379 : i32
      %jit3A_381 = arith.constant 0.000000e+00 : f32
      %select_n3A_382 = arith.select %le3A_380, %jit3A_381, %while3A : f32
      %eq3A_383 = arith.constant 0 : i32
      %eq3A_384 = vector.broadcast %eq3A_383 : i32 to vector<8x512xi32>
      %eq3A_385 = arith.cmpi eq, %iota3A_276, %eq3A_384 : vector<8x512xi32>
      %broadcast_in_dim3A_386 = vector.broadcast %select_n3A_382 : f32 to vector<8x512xf32>
      %select_n3A_387 = arith.select %eq3A_385, %broadcast_in_dim3A_386, %roll3A_378 : vector<8x512xi1>, vector<8x512xf32>
      %add3A_388 = arith.addf %while3A_362, %reshape3A_376 : vector<8x512xf32>
      %min3A = arith.minimumf %add3A_388, %while3A_361 : vector<8x512xf32>
      %add3A_389 = arith.addf %select_n3A_387, %concatenate3A_275 : vector<8x512xf32>
      %min3A_390 = arith.minimumf %min3A, %add3A_389 : vector<8x512xf32>
      %eq3A_391 = vector.broadcast %add3A_367 : i32 to vector<8x1xi32>
      %eq3A_392 = arith.cmpi eq, %add3A, %eq3A_391 : vector<8x1xi32>
      %broadcast_in_dim3A_393 = vector.shape_cast %eq3A_392 : vector<8x1xi1> to vector<8x1xi1>
      %broadcast_in_dim3A_394 = vector.broadcast %broadcast_in_dim3A_393 : vector<8x1xi1> to vector<8x512xi1>
      %and3A_395 = arith.andi %eq3A_294, %broadcast_in_dim3A_394 : vector<8x512xi1>
      %select_n3A_396 = arith.select %and3A_395, %min3A_390, %while3A_363 : vector<8x512xi1>, vector<8x512xf32>
      %mul3A_397 = arith.constant 4 : i32
      %mul3A_398 = arith.muli %mul3A_397, %while3A_360 : i32
      %add3A_399 = arith.constant 2 : i32
      %add3A_400 = arith.addi %mul3A_398, %add3A_399 : i32
      %sub3A_401 = arith.constant 2 : i32
      %sub3A_402 = arith.subi %add3A_400, %sub3A_401 : i32
      %and3A_403 = arith.constant 511 : i32
      %and3A_404 = arith.andi %sub3A_402, %and3A_403 : i32
      %get3A_405 = arith.index_cast %and3A_404 : i32 to index
      %get3A_406 = arith.constant 0 : index
      %get3A_407 = arith.constant 0 : index
      %get3A_408 = vector.load %arg8[%get3A_405, %get3A_406, %get3A_407] : memref<512x8x512xf32, #tpu.memory_space<vmem>>, vector<1x8x512xf32>
      %reshape3A_409 = vector.shape_cast %get3A_408 : vector<1x8x512xf32> to vector<8x512xf32>
      %roll3A_410 = arith.constant 1 : i32
      %roll3A_411 = tpu.dynamic_rotate %min3A_390 by %roll3A_410 dim 1 : vector<8x512xf32>, i32 -> vector<8x512xf32>
      %le3A_412 = arith.constant 513 : i32
      %le3A_413 = arith.cmpi sle, %add3A_400, %le3A_412 : i32
      %jit3A_414 = arith.constant 0.000000e+00 : f32
      %select_n3A_415 = arith.select %le3A_413, %jit3A_414, %while3A : f32
      %eq3A_416 = arith.constant 0 : i32
      %eq3A_417 = vector.broadcast %eq3A_416 : i32 to vector<8x512xi32>
      %eq3A_418 = arith.cmpi eq, %iota3A_276, %eq3A_417 : vector<8x512xi32>
      %broadcast_in_dim3A_419 = vector.broadcast %select_n3A_415 : f32 to vector<8x512xf32>
      %select_n3A_420 = arith.select %eq3A_418, %broadcast_in_dim3A_419, %roll3A_411 : vector<8x512xi1>, vector<8x512xf32>
      %add3A_421 = arith.addf %select_n3A_387, %reshape3A_409 : vector<8x512xf32>
      %min3A_422 = arith.minimumf %add3A_421, %min3A_390 : vector<8x512xf32>
      %add3A_423 = arith.addf %select_n3A_420, %concatenate3A_275 : vector<8x512xf32>
      %min3A_424 = arith.minimumf %min3A_422, %add3A_423 : vector<8x512xf32>
      %eq3A_425 = vector.broadcast %add3A_400 : i32 to vector<8x1xi32>
      %eq3A_426 = arith.cmpi eq, %add3A, %eq3A_425 : vector<8x1xi32>
      %broadcast_in_dim3A_427 = vector.shape_cast %eq3A_426 : vector<8x1xi1> to vector<8x1xi1>
      %broadcast_in_dim3A_428 = vector.broadcast %broadcast_in_dim3A_427 : vector<8x1xi1> to vector<8x512xi1>
      %and3A_429 = arith.andi %eq3A_294, %broadcast_in_dim3A_428 : vector<8x512xi1>
      %select_n3A_430 = arith.select %and3A_429, %min3A_424, %select_n3A_396 : vector<8x512xi1>, vector<8x512xf32>
      %mul3A_431 = arith.constant 4 : i32
      %mul3A_432 = arith.muli %mul3A_431, %while3A_360 : i32
      %add3A_433 = arith.constant 3 : i32
      %add3A_434 = arith.addi %mul3A_432, %add3A_433 : i32
      %sub3A_435 = arith.constant 2 : i32
      %sub3A_436 = arith.subi %add3A_434, %sub3A_435 : i32
      %and3A_437 = arith.constant 511 : i32
      %and3A_438 = arith.andi %sub3A_436, %and3A_437 : i32
      %get3A_439 = arith.index_cast %and3A_438 : i32 to index
      %get3A_440 = arith.constant 0 : index
      %get3A_441 = arith.constant 0 : index
      %get3A_442 = vector.load %arg8[%get3A_439, %get3A_440, %get3A_441] : memref<512x8x512xf32, #tpu.memory_space<vmem>>, vector<1x8x512xf32>
      %reshape3A_443 = vector.shape_cast %get3A_442 : vector<1x8x512xf32> to vector<8x512xf32>
      %roll3A_444 = arith.constant 1 : i32
      %roll3A_445 = tpu.dynamic_rotate %min3A_424 by %roll3A_444 dim 1 : vector<8x512xf32>, i32 -> vector<8x512xf32>
      %le3A_446 = arith.constant 513 : i32
      %le3A_447 = arith.cmpi sle, %add3A_434, %le3A_446 : i32
      %jit3A_448 = arith.constant 0.000000e+00 : f32
      %select_n3A_449 = arith.select %le3A_447, %jit3A_448, %while3A : f32
      %eq3A_450 = arith.constant 0 : i32
      %eq3A_451 = vector.broadcast %eq3A_450 : i32 to vector<8x512xi32>
      %eq3A_452 = arith.cmpi eq, %iota3A_276, %eq3A_451 : vector<8x512xi32>
      %broadcast_in_dim3A_453 = vector.broadcast %select_n3A_449 : f32 to vector<8x512xf32>
      %select_n3A_454 = arith.select %eq3A_452, %broadcast_in_dim3A_453, %roll3A_445 : vector<8x512xi1>, vector<8x512xf32>
      %add3A_455 = arith.addf %select_n3A_420, %reshape3A_443 : vector<8x512xf32>
      %min3A_456 = arith.minimumf %add3A_455, %min3A_424 : vector<8x512xf32>
      %add3A_457 = arith.addf %select_n3A_454, %concatenate3A_275 : vector<8x512xf32>
      %min3A_458 = arith.minimumf %min3A_456, %add3A_457 : vector<8x512xf32>
      %eq3A_459 = vector.broadcast %add3A_434 : i32 to vector<8x1xi32>
      %eq3A_460 = arith.cmpi eq, %add3A, %eq3A_459 : vector<8x1xi32>
      %broadcast_in_dim3A_461 = vector.shape_cast %eq3A_460 : vector<8x1xi1> to vector<8x1xi1>
      %broadcast_in_dim3A_462 = vector.broadcast %broadcast_in_dim3A_461 : vector<8x1xi1> to vector<8x512xi1>
      %and3A_463 = arith.andi %eq3A_294, %broadcast_in_dim3A_462 : vector<8x512xi1>
      %select_n3A_464 = arith.select %and3A_463, %min3A_458, %select_n3A_430 : vector<8x512xi1>, vector<8x512xf32>
      %mul3A_465 = arith.constant 4 : i32
      %mul3A_466 = arith.muli %mul3A_465, %while3A_360 : i32
      %add3A_467 = arith.constant 4 : i32
      %add3A_468 = arith.addi %mul3A_466, %add3A_467 : i32
      %sub3A_469 = arith.constant 2 : i32
      %sub3A_470 = arith.subi %add3A_468, %sub3A_469 : i32
      %and3A_471 = arith.constant 511 : i32
      %and3A_472 = arith.andi %sub3A_470, %and3A_471 : i32
      %get3A_473 = arith.index_cast %and3A_472 : i32 to index
      %get3A_474 = arith.constant 0 : index
      %get3A_475 = arith.constant 0 : index
      %get3A_476 = vector.load %arg8[%get3A_473, %get3A_474, %get3A_475] : memref<512x8x512xf32, #tpu.memory_space<vmem>>, vector<1x8x512xf32>
      %reshape3A_477 = vector.shape_cast %get3A_476 : vector<1x8x512xf32> to vector<8x512xf32>
      %roll3A_478 = arith.constant 1 : i32
      %roll3A_479 = tpu.dynamic_rotate %min3A_458 by %roll3A_478 dim 1 : vector<8x512xf32>, i32 -> vector<8x512xf32>
      %le3A_480 = arith.constant 513 : i32
      %le3A_481 = arith.cmpi sle, %add3A_468, %le3A_480 : i32
      %jit3A_482 = arith.constant 0.000000e+00 : f32
      %select_n3A_483 = arith.select %le3A_481, %jit3A_482, %while3A : f32
      %eq3A_484 = arith.constant 0 : i32
      %eq3A_485 = vector.broadcast %eq3A_484 : i32 to vector<8x512xi32>
      %eq3A_486 = arith.cmpi eq, %iota3A_276, %eq3A_485 : vector<8x512xi32>
      %broadcast_in_dim3A_487 = vector.broadcast %select_n3A_483 : f32 to vector<8x512xf32>
      %select_n3A_488 = arith.select %eq3A_486, %broadcast_in_dim3A_487, %roll3A_479 : vector<8x512xi1>, vector<8x512xf32>
      %add3A_489 = arith.addf %select_n3A_454, %reshape3A_477 : vector<8x512xf32>
      %min3A_490 = arith.minimumf %add3A_489, %min3A_458 : vector<8x512xf32>
      %add3A_491 = arith.addf %select_n3A_488, %concatenate3A_275 : vector<8x512xf32>
      %min3A_492 = arith.minimumf %min3A_490, %add3A_491 : vector<8x512xf32>
      %eq3A_493 = vector.broadcast %add3A_468 : i32 to vector<8x1xi32>
      %eq3A_494 = arith.cmpi eq, %add3A, %eq3A_493 : vector<8x1xi32>
      %broadcast_in_dim3A_495 = vector.shape_cast %eq3A_494 : vector<8x1xi1> to vector<8x1xi1>
      %broadcast_in_dim3A_496 = vector.broadcast %broadcast_in_dim3A_495 : vector<8x1xi1> to vector<8x512xi1>
      %and3A_497 = arith.andi %eq3A_294, %broadcast_in_dim3A_496 : vector<8x512xi1>
      %select_n3A_498 = arith.select %and3A_497, %min3A_492, %select_n3A_464 : vector<8x512xi1>, vector<8x512xf32>
      scf.yield %min3A_492, %select_n3A_488, %select_n3A_498 : vector<8x512xf32>, vector<8x512xf32>, vector<8x512xf32>
    }
    %while3A_346 = arith.constant 1 : i32
    %while3A_347:3 = scf.for %while3A_360 = %while3A_343 to %while3A_339 step %while3A_346 iter_args(%while3A_361 = %while3A_345#0, %while3A_362 = %while3A_345#1, %while3A_363 = %while3A_345#2) -> (vector<8x512xf32>, vector<8x512xf32>, vector<8x512xf32>)  : i32 {
      %mul3A_364 = arith.constant 4 : i32
      %mul3A_365 = arith.muli %mul3A_364, %while3A_360 : i32
      %add3A_366 = arith.constant 1 : i32
      %add3A_367 = arith.addi %mul3A_365, %add3A_366 : i32
      %sub3A_368 = arith.constant 2 : i32
      %sub3A_369 = arith.subi %add3A_367, %sub3A_368 : i32
      %and3A_370 = arith.constant 511 : i32
      %and3A_371 = arith.andi %sub3A_369, %and3A_370 : i32
      %get3A_372 = arith.index_cast %and3A_371 : i32 to index
      %get3A_373 = arith.constant 0 : index
      %get3A_374 = arith.constant 0 : index
      %get3A_375 = vector.load %arg8[%get3A_372, %get3A_373, %get3A_374] : memref<512x8x512xf32, #tpu.memory_space<vmem>>, vector<1x8x512xf32>
      %reshape3A_376 = vector.shape_cast %get3A_375 : vector<1x8x512xf32> to vector<8x512xf32>
      %roll3A_377 = arith.constant 1 : i32
      %roll3A_378 = tpu.dynamic_rotate %while3A_361 by %roll3A_377 dim 1 : vector<8x512xf32>, i32 -> vector<8x512xf32>
      %le3A_379 = arith.constant 513 : i32
      %le3A_380 = arith.cmpi sle, %add3A_367, %le3A_379 : i32
      %jit3A_381 = arith.constant 0.000000e+00 : f32
      %select_n3A_382 = arith.select %le3A_380, %jit3A_381, %while3A : f32
      %eq3A_383 = arith.constant 0 : i32
      %eq3A_384 = vector.broadcast %eq3A_383 : i32 to vector<8x512xi32>
      %eq3A_385 = arith.cmpi eq, %iota3A_276, %eq3A_384 : vector<8x512xi32>
      %broadcast_in_dim3A_386 = vector.broadcast %select_n3A_382 : f32 to vector<8x512xf32>
      %select_n3A_387 = arith.select %eq3A_385, %broadcast_in_dim3A_386, %roll3A_378 : vector<8x512xi1>, vector<8x512xf32>
      %add3A_388 = arith.addf %while3A_362, %reshape3A_376 : vector<8x512xf32>
      %min3A = arith.minimumf %add3A_388, %while3A_361 : vector<8x512xf32>
      %add3A_389 = arith.addf %select_n3A_387, %concatenate3A_275 : vector<8x512xf32>
      %min3A_390 = arith.minimumf %min3A, %add3A_389 : vector<8x512xf32>
      %eq3A_391 = vector.broadcast %add3A_367 : i32 to vector<8x1xi32>
      %eq3A_392 = arith.cmpi eq, %add3A, %eq3A_391 : vector<8x1xi32>
      %broadcast_in_dim3A_393 = vector.shape_cast %eq3A_392 : vector<8x1xi1> to vector<8x1xi1>
      %broadcast_in_dim3A_394 = vector.broadcast %broadcast_in_dim3A_393 : vector<8x1xi1> to vector<8x512xi1>
      %and3A_395 = arith.andi %eq3A_294, %broadcast_in_dim3A_394 : vector<8x512xi1>
      %select_n3A_396 = arith.select %and3A_395, %min3A_390, %while3A_363 : vector<8x512xi1>, vector<8x512xf32>
      %mul3A_397 = arith.constant 4 : i32
      %mul3A_398 = arith.muli %mul3A_397, %while3A_360 : i32
      %add3A_399 = arith.constant 2 : i32
      %add3A_400 = arith.addi %mul3A_398, %add3A_399 : i32
      %sub3A_401 = arith.constant 2 : i32
      %sub3A_402 = arith.subi %add3A_400, %sub3A_401 : i32
      %and3A_403 = arith.constant 511 : i32
      %and3A_404 = arith.andi %sub3A_402, %and3A_403 : i32
      %get3A_405 = arith.index_cast %and3A_404 : i32 to index
      %get3A_406 = arith.constant 0 : index
      %get3A_407 = arith.constant 0 : index
      %get3A_408 = vector.load %arg8[%get3A_405, %get3A_406, %get3A_407] : memref<512x8x512xf32, #tpu.memory_space<vmem>>, vector<1x8x512xf32>
      %reshape3A_409 = vector.shape_cast %get3A_408 : vector<1x8x512xf32> to vector<8x512xf32>
      %roll3A_410 = arith.constant 1 : i32
      %roll3A_411 = tpu.dynamic_rotate %min3A_390 by %roll3A_410 dim 1 : vector<8x512xf32>, i32 -> vector<8x512xf32>
      %le3A_412 = arith.constant 513 : i32
      %le3A_413 = arith.cmpi sle, %add3A_400, %le3A_412 : i32
      %jit3A_414 = arith.constant 0.000000e+00 : f32
      %select_n3A_415 = arith.select %le3A_413, %jit3A_414, %while3A : f32
      %eq3A_416 = arith.constant 0 : i32
      %eq3A_417 = vector.broadcast %eq3A_416 : i32 to vector<8x512xi32>
      %eq3A_418 = arith.cmpi eq, %iota3A_276, %eq3A_417 : vector<8x512xi32>
      %broadcast_in_dim3A_419 = vector.broadcast %select_n3A_415 : f32 to vector<8x512xf32>
      %select_n3A_420 = arith.select %eq3A_418, %broadcast_in_dim3A_419, %roll3A_411 : vector<8x512xi1>, vector<8x512xf32>
      %add3A_421 = arith.addf %select_n3A_387, %reshape3A_409 : vector<8x512xf32>
      %min3A_422 = arith.minimumf %add3A_421, %min3A_390 : vector<8x512xf32>
      %add3A_423 = arith.addf %select_n3A_420, %concatenate3A_275 : vector<8x512xf32>
      %min3A_424 = arith.minimumf %min3A_422, %add3A_423 : vector<8x512xf32>
      %eq3A_425 = vector.broadcast %add3A_400 : i32 to vector<8x1xi32>
      %eq3A_426 = arith.cmpi eq, %add3A, %eq3A_425 : vector<8x1xi32>
      %broadcast_in_dim3A_427 = vector.shape_cast %eq3A_426 : vector<8x1xi1> to vector<8x1xi1>
      %broadcast_in_dim3A_428 = vector.broadcast %broadcast_in_dim3A_427 : vector<8x1xi1> to vector<8x512xi1>
      %and3A_429 = arith.andi %eq3A_294, %broadcast_in_dim3A_428 : vector<8x512xi1>
      %select_n3A_430 = arith.select %and3A_429, %min3A_424, %select_n3A_396 : vector<8x512xi1>, vector<8x512xf32>
      %mul3A_431 = arith.constant 4 : i32
      %mul3A_432 = arith.muli %mul3A_431, %while3A_360 : i32
      %add3A_433 = arith.constant 3 : i32
      %add3A_434 = arith.addi %mul3A_432, %add3A_433 : i32
      %sub3A_435 = arith.constant 2 : i32
      %sub3A_436 = arith.subi %add3A_434, %sub3A_435 : i32
      %and3A_437 = arith.constant 511 : i32
      %and3A_438 = arith.andi %sub3A_436, %and3A_437 : i32
      %get3A_439 = arith.index_cast %and3A_438 : i32 to index
      %get3A_440 = arith.constant 0 : index
      %get3A_441 = arith.constant 0 : index
      %get3A_442 = vector.load %arg8[%get3A_439, %get3A_440, %get3A_441] : memref<512x8x512xf32, #tpu.memory_space<vmem>>, vector<1x8x512xf32>
      %reshape3A_443 = vector.shape_cast %get3A_442 : vector<1x8x512xf32> to vector<8x512xf32>
      %roll3A_444 = arith.constant 1 : i32
      %roll3A_445 = tpu.dynamic_rotate %min3A_424 by %roll3A_444 dim 1 : vector<8x512xf32>, i32 -> vector<8x512xf32>
      %le3A_446 = arith.constant 513 : i32
      %le3A_447 = arith.cmpi sle, %add3A_434, %le3A_446 : i32
      %jit3A_448 = arith.constant 0.000000e+00 : f32
      %select_n3A_449 = arith.select %le3A_447, %jit3A_448, %while3A : f32
      %eq3A_450 = arith.constant 0 : i32
      %eq3A_451 = vector.broadcast %eq3A_450 : i32 to vector<8x512xi32>
      %eq3A_452 = arith.cmpi eq, %iota3A_276, %eq3A_451 : vector<8x512xi32>
      %broadcast_in_dim3A_453 = vector.broadcast %select_n3A_449 : f32 to vector<8x512xf32>
      %select_n3A_454 = arith.select %eq3A_452, %broadcast_in_dim3A_453, %roll3A_445 : vector<8x512xi1>, vector<8x512xf32>
      %add3A_455 = arith.addf %select_n3A_420, %reshape3A_443 : vector<8x512xf32>
      %min3A_456 = arith.minimumf %add3A_455, %min3A_424 : vector<8x512xf32>
      %add3A_457 = arith.addf %select_n3A_454, %concatenate3A_275 : vector<8x512xf32>
      %min3A_458 = arith.minimumf %min3A_456, %add3A_457 : vector<8x512xf32>
      %eq3A_459 = vector.broadcast %add3A_434 : i32 to vector<8x1xi32>
      %eq3A_460 = arith.cmpi eq, %add3A, %eq3A_459 : vector<8x1xi32>
      %broadcast_in_dim3A_461 = vector.shape_cast %eq3A_460 : vector<8x1xi1> to vector<8x1xi1>
      %broadcast_in_dim3A_462 = vector.broadcast %broadcast_in_dim3A_461 : vector<8x1xi1> to vector<8x512xi1>
      %and3A_463 = arith.andi %eq3A_294, %broadcast_in_dim3A_462 : vector<8x512xi1>
      %select_n3A_464 = arith.select %and3A_463, %min3A_458, %select_n3A_430 : vector<8x512xi1>, vector<8x512xf32>
      %mul3A_465 = arith.constant 4 : i32
      %mul3A_466 = arith.muli %mul3A_465, %while3A_360 : i32
      %add3A_467 = arith.constant 4 : i32
      %add3A_468 = arith.addi %mul3A_466, %add3A_467 : i32
      %sub3A_469 = arith.constant 2 : i32
      %sub3A_470 = arith.subi %add3A_468, %sub3A_469 : i32
      %and3A_471 = arith.constant 511 : i32
      %and3A_472 = arith.andi %sub3A_470, %and3A_471 : i32
      %get3A_473 = arith.index_cast %and3A_472 : i32 to index
      %get3A_474 = arith.constant 0 : index
      %get3A_475 = arith.constant 0 : index
      %get3A_476 = vector.load %arg8[%get3A_473, %get3A_474, %get3A_475] : memref<512x8x512xf32, #tpu.memory_space<vmem>>, vector<1x8x512xf32>
      %reshape3A_477 = vector.shape_cast %get3A_476 : vector<1x8x512xf32> to vector<8x512xf32>
      %roll3A_478 = arith.constant 1 : i32
      %roll3A_479 = tpu.dynamic_rotate %min3A_458 by %roll3A_478 dim 1 : vector<8x512xf32>, i32 -> vector<8x512xf32>
      %le3A_480 = arith.constant 513 : i32
      %le3A_481 = arith.cmpi sle, %add3A_468, %le3A_480 : i32
      %jit3A_482 = arith.constant 0.000000e+00 : f32
      %select_n3A_483 = arith.select %le3A_481, %jit3A_482, %while3A : f32
      %eq3A_484 = arith.constant 0 : i32
      %eq3A_485 = vector.broadcast %eq3A_484 : i32 to vector<8x512xi32>
      %eq3A_486 = arith.cmpi eq, %iota3A_276, %eq3A_485 : vector<8x512xi32>
      %broadcast_in_dim3A_487 = vector.broadcast %select_n3A_483 : f32 to vector<8x512xf32>
      %select_n3A_488 = arith.select %eq3A_486, %broadcast_in_dim3A_487, %roll3A_479 : vector<8x512xi1>, vector<8x512xf32>
      %add3A_489 = arith.addf %select_n3A_454, %reshape3A_477 : vector<8x512xf32>
      %min3A_490 = arith.minimumf %add3A_489, %min3A_458 : vector<8x512xf32>
      %add3A_491 = arith.addf %select_n3A_488, %concatenate3A_275 : vector<8x512xf32>
      %min3A_492 = arith.minimumf %min3A_490, %add3A_491 : vector<8x512xf32>
      %eq3A_493 = vector.broadcast %add3A_468 : i32 to vector<8x1xi32>
      %eq3A_494 = arith.cmpi eq, %add3A, %eq3A_493 : vector<8x1xi32>
      %broadcast_in_dim3A_495 = vector.shape_cast %eq3A_494 : vector<8x1xi1> to vector<8x1xi1>
      %broadcast_in_dim3A_496 = vector.broadcast %broadcast_in_dim3A_495 : vector<8x1xi1> to vector<8x512xi1>
      %and3A_497 = arith.andi %eq3A_294, %broadcast_in_dim3A_496 : vector<8x512xi1>
      %select_n3A_498 = arith.select %and3A_497, %min3A_492, %select_n3A_464 : vector<8x512xi1>, vector<8x512xf32>
      scf.yield %min3A_492, %select_n3A_488, %select_n3A_498 : vector<8x512xf32>, vector<8x512xf32>, vector<8x512xf32>
    }
    %reduce_sum3A_348 = arith.constant dense<0.000000e+00> : vector<8xf32>
    %reduce_sum3A_349 = vector.multi_reduction <add>, %while3A_347#2, %reduce_sum3A_348 [1] : vector<8x512xf32> to vector<8xf32>
    %broadcast_in_dim3A_350 = vector.shape_cast %reduce_sum3A_349 : vector<8xf32> to vector<8x1xf32>
    %add3A_351 = arith.addf %broadcast_in_dim3A_350, %broadcast_in_dim3A_305 : vector<8x1xf32>
    %reduce_sum3A_352 = arith.constant dense<0.000000e+00> : vector<1xf32>
    %reduce_sum3A_353 = vector.multi_reduction <add>, %add3A_351, %reduce_sum3A_352 [0] : vector<8x1xf32> to vector<1xf32>
    %broadcast_in_dim3A_354 = vector.shape_cast %reduce_sum3A_353 : vector<1xf32> to vector<1x1xf32>
    %mul3A = arith.constant 1.250000e-01 : f32
    %mul3A_355 = vector.broadcast %mul3A : f32 to vector<1x1xf32>
    %mul3A_356 = arith.mulf %broadcast_in_dim3A_354, %mul3A_355 : vector<1x1xf32>
    %swap3A_357 = arith.constant 0 : index
    %swap3A_358 = arith.constant 0 : index
    %swap3A_359 = vector.load %arg7[%swap3A_357, %swap3A_358] : memref<1x1xf32, #tpu.memory_space<vmem>>, vector<1x1xf32>
    tpu.vector_store %arg7[%swap3A_357, %swap3A_358], %mul3A_356 {strides = array<i32>} : memref<1x1xf32, #tpu.memory_space<vmem>>, vector<1x1xf32>,
    return
  }
}

</mosaic_0001>

<sc_bundles>
// kernel: kernel.5.cloned.1.call-start
scs
__scs_entry_jumppad:
0x0: {  	(pc) =	sbr.rel $0x88, $3  }
0x1: {  	(tag) =	ssettag $0x0;
	lr =	simm.s32 $0x1  }
0x2: {  	[smem:$0x3F9B] =	sst lr;
	_ =	strace $0xD0000000  }
0x3: {  	_ = 	snop  }
0x4: {  	_ = 	snop  }
0x5: {  	_ = 	snop  }
0x6: {  	_ = 	snop  }
0x7: {  	_ = 	snop  }
__scs_overlays_trampoline_lowered:
0x8: {  	[smem:$0x3FAA] =	sst s0  }
0x9: {  	[smem:$0x3FAB] =	sst s1  }
0xa: {  	[smem:$0x3FAC] =	sst s2  }
0xb: {  	[smem:$0x3FAD] =	sst s3  }
0xc: {  	[smem:$0x3FAE] =	sst s4  }
0xd: {  	[smem:$0x3FAF] =	sst s5  }
0xe: {  	[smem:$0x3FB0] =	sst s6  }
0xf: {  	[smem:$0x3FB1] =	sst s7  }
0x10: {  	[smem:$0x3FB2] =	sst s8  }
0x11: {  	[smem:$0x3FB3] =	sst s9;
	s0 =	simm.s32 @!p0 $0x0  }
0x12: {  	s1 =	sld [smem:$0x3F99];
	s0 =	simm.s32 @p0 $0x1  }
0x13: {  	[smem:$0x3FB4] =	sst s0;
	s0 =	simm.s32 @!p1 $0x0  }
0x14: {  	s2 =	sld [smem:$0x3F98];
	s0 =	simm.s32 @p1 $0x1  }
0x15: {  	[smem:$0x3FB5] =	sst s0;
	s0 =	simm.s32 @!p2 $0x0  }
0x16: {  	s3 =	sld [smem:$0x3FDB];
	s0 =	simm.s32 @p2 $0x1  }
0x17: {  	s4 =	simm.s32 $0x1BF5;
	[smem:$0x3FB7] =	sst s0  }
0x18: {  	s0 =	sld [smem:$0x3F9A];
	_ =	swait.ge [sflag:s4], $0x0  }
0x19: {  	s7 =	sld [smem:$0x3F9B]  }
0x1a: {  	s8 =	sadd.s32 $0xFFFFE003, lr  }
0x1b: {  	s9 =	sadd.s32 $0xFFFFFEF7, lr;
	s5 =	simm.s32 $0xFFFFFFFF;
	p2 =	slt.u32 s8, $0xFFFFF086  }
0x1c: {  	p1 =	slt.u32 s9, $0xF7A;
	s5 =	simm.s32 @!p2 $0x0  }
0x1d: {  	s5 =	simm.s32 @p1 $0x1;
	p0 =	seq.s32 s7, s2  }
0x1e: {  	s7 =	smul.u32 @!p0 $0xF7A, s2;
	p2 =	seq.s32 @!p0 s5, $0x0  }
0x1f: {  	s9 =	smul.u32 $0xF7A, s1;
	s8 =	simm.s32 @!p0 $0x1BF5;
	p2 =	por !p2, p0  }
0x20: {  	[sflag:s8] =	ssyncset.s32 @!p0 $0xFFFFF086;
	s6 =	sadd.s32 @!p0 s3, s7;
	s7 =	simm.s32 @!p0 $0x108  }
0x21: {  	s3 =	sadd.s32 s3, s9;
	s6 =	sadd.s32 @!p0 $0x88, s6;
	s7 =	simm.s32 @p2 $0x1082  }
0x22: {  	[simem:s7], [sflag:s8] =	dma.local @!p0 [hbm:s6], $0xF7A  }
0x23: {  	s9 =	sor.u32 $0xD0000000, s2;
	s6 =	simm.s32 $0x108;
	_ =	swait.ge @!p0 [sflag:s8], $0x0  }
0x24: {  	s3 =	sadd.s32 $0x88, s3;
	s6 =	simm.s32 @!p1 $0x1082;
	[sflag:s4] =	ssyncset.s32 $0xFFFFF086  }
0x25: {  	[simem:s6], [sflag:s4] =	dma.local [hbm:s3], $0xF7A  }
0x26: {  	[smem:$0x3F9B] =	sst s1;
	(tag) =	ssettag s2;
	_ =	strace s9  }
0x27: {  	s1 =	sld [smem:$0x3FAB]  }
0x28: {  	s2 =	sld [smem:$0x3FAC]  }
0x29: {  	s4 =	sld [smem:$0x3FAE]  }
0x2a: {  	p0 =	seq.s32 s5, $0x0;
	s5 =	sld [smem:$0x3FAF]  }
0x2b: {  	s6 =	sld [smem:$0x3FB0]  }
0x2c: {  	s7 =	sld [smem:$0x3FB1]  }
0x2d: {  	s3 =	simm.s32 $0x108;
	s8 =	sld [smem:$0x3FB2]  }
0x2e: {  	s3 =	simm.s32 @!p0 $0x1082;
	s9 =	sld [smem:$0x3FB3]  }
0x2f: {  	lr =	sadd.s32 s0, s3;
	s0 =	sld [smem:$0x3FAA]  }
0x30: {  	s3 =	sld [smem:$0x3FAD]  }
0x31: {  	[smem:$0x3FB6] =	sst s10  }
0x32: {  	s10 =	sld [smem:$0x3FB4];
	_ =	sdelay $0x3  }
0x33: {  	p0 =	seq.s32 s10, $0x1;
	s10 =	sld [smem:$0x3FB6];
	_ =	sdelay $0x3  }
0x34: {  	[smem:$0x3FB6] =	sst s10  }
0x35: {  	s10 =	sld [smem:$0x3FB5];
	_ =	sdelay $0x3  }
0x36: {  	p1 =	seq.s32 s10, $0x1;
	s10 =	sld [smem:$0x3FB6];
	_ =	sdelay $0x3  }
0x37: {  	[smem:$0x3FB6] =	sst s10  }
0x38: {  	s10 =	sld [smem:$0x3FB7]  }
0x39: {  	_ = 	snop;
	(pc) =	sbr.ind lr, $3  }
0x3a: {  	_ = 	snop  }
0x3b: {  	_ = 	snop  }
0x3c: {  	p2 =	seq.s32 s10, $0x1;
	s10 =	sld [smem:$0x3FB6]  }
0x3d: {  	_ =	shalt  }
0x3e: {  	_ =	shalt  }
0x3f: {  	_ =	shalt  }
0x40: {  	_ =	shalt  }
0x41: {  	_ =	shalt  }
0x42: {  	_ =	shalt  }
0x43: {  	_ =	shalt  }
0x44: {  	_ =	shalt  }
0x45: {  	_ =	shalt  }
0x46: {  	_ =	shalt  }
0x47: {  	_ =	shalt  }
0x48: {  	_ =	shalt  }
0x49: {  	_ =	shalt  }
0x4a: {  	_ =	shalt  }
0x4b: {  	_ =	shalt  }
0x4c: {  	_ =	shalt  }
0x4d: {  	_ =	shalt  }
0x4e: {  	_ =	shalt  }
0x4f: {  	_ =	shalt  }
0x50: {  	_ =	shalt  }
0x51: {  	_ =	shalt  }
0x52: {  	_ =	shalt  }
0x53: {  	_ =	shalt  }
0x54: {  	_ =	shalt  }
0x55: {  	_ =	shalt  }
0x56: {  	_ =	shalt  }
0x57: {  	_ =	shalt  }
0x58: {  	_ =	shalt  }
0x59: {  	_ =	shalt  }
0x5a: {  	_ =	shalt  }
0x5b: {  	_ =	shalt  }
0x5c: {  	_ =	shalt  }
0x5d: {  	_ =	shalt  }
0x5e: {  	_ =	shalt  }
0x5f: {  	_ =	shalt  }
0x60: {  	_ =	shalt  }
0x61: {  	_ =	shalt  }
0x62: {  	_ =	shalt  }
0x63: {  	_ =	shalt  }
0x64: {  	_ =	shalt  }
0x65: {  	_ =	shalt  }
0x66: {  	_ =	shalt  }
0x67: {  	_ =	shalt  }
0x68: {  	_ =	shalt  }
0x69: {  	_ =	shalt  }
0x6a: {  	_ =	shalt  }
0x6b: {  	_ =	shalt  }
0x6c: {  	_ =	shalt  }
0x6d: {  	_ =	shalt  }
0x6e: {  	_ =	shalt  }
0x6f: {  	_ =	shalt  }
0x70: {  	_ =	shalt  }
0x71: {  	_ =	shalt  }
0x72: {  	_ =	shalt  }
0x73: {  	_ =	shalt  }
0x74: {  	_ =	shalt  }
0x75: {  	_ =	shalt  }
0x76: {  	_ =	shalt  }
0x77: {  	_ =	shalt  }
0x78: {  	_ =	shalt  }
0x79: {  	_ =	shalt  }
0x7a: {  	_ =	shalt  }
0x7b: {  	_ =	shalt  }
0x7c: {  	_ =	shalt  }
0x7d: {  	_ =	shalt  }
0x7e: {  	_ =	shalt  }
0x7f: {  	_ =	shalt  }
0x80: {  	_ =	shalt  }
0x81: {  	_ =	shalt  }
0x82: {  	_ =	shalt  }
0x83: {  	_ =	shalt  }
0x84: {  	_ =	shalt  }
0x85: {  	_ =	shalt  }
0x86: {  	_ =	shalt  }
0x87: {  	_ =	shalt  }
.Lfunc_end0:
.L_simem_size_0:
called_computation_lowered:
.L_overlay_start_0:
0x88: {  	s2 =	sld [smem:$0x3FD9]  }
0x89: {  	s3 =	sld [smem:$0x3FFE];
	_ =	sdelay $0x1  }
0x8a: {  	s1 =	srdreg.scid  }
0x8b: {  	s0 =	sand.u32 $0x1, s1  }
0x8c: {  	s16 =	sshll.u32 s0, $0xA;
	s2 =	sadd.s32 s3, s2  }
0x8d: {  	s2 =	sadd.s32 s2, s16  }
0x8e: {  	[smem:$0x3FC2] =	sst s2  }
0x8f: {  	_ = 	snop  }
0x90: {  	(tm) =	ssettm $0x1  }
0x91: {  	s17 =	sld [smem:$0x3FFB];
	_ =	sdelay $0x3  }
0x92: {  	_ =	strace s17  }
0x93: {  	s2 =	sld [smem:$0x3FFC];
	_ =	sdelay $0x3  }
0x94: {  	_ =	strace s2  }
0x95: {  	s2 =	sld [smem:$0x3FFD];
	_ =	sdelay $0x3  }
0x96: {  	_ =	strace s2  }
0x97: {  	_ =	strace $0x8FFFFFFF  }
0x98: {  	s18 =	sld [smem:$0x3FDB];
	_ =	sdelay $0x1  }
0x99: {  	s19 =	simm.s32 $_scs_section_size  }
0x9a: {  	s4 =	simm.s32 $_size__tile_overlayer_lowered;
	s5 =	simm.s32 $_tile_overlayer_lowered  }
0x9b: {  	s22 =	simm.s32 $0x1BFF;
	s21 =	sshll.u32 s5, $0x1;
	s2 =	sadd.s32 s19, s18  }
0x9c: {  	s6 =	simm.s32 $0x0;
	s20 =	sshll.u32 s4, $0x1;
	s4 =	sadd.s32 s21, s2  }
0x9d: {  	[timem:s6], [sflag:s22] =	dma.local [hbm:s4], s20  }
0x9e: {  	_ =	swait.ge [sflag:s22], s20  }
0x9f: {  	s3 =	ssub.s32 $0x0, s20;
	[sflag:s22] =	ssyncset.done $0x0  }
0xa0: {  	[sflag:s22] =	ssyncadd.s32 s3;
	_ =	sdelay $0x1  }
0xa1: {  	s23 =	simm.s32 $0x1B8B  }
0xa2: {  	_ =	swait.ge [sflag:s23], $0x1  }
0xa3: {  	[sflag:s23] =	ssyncset.done $0x0  }
0xa4: {  	s25 =	simm.s32 $0x1B8E;
	s24 =	sld [smem:$0x3FFE];
	[sflag:s23] =	ssyncadd.s32 $0xFFFFFFFF  }
0xa5: {  	s26 =	simm.s32 $execute0_lowered;
	[smem:$0x3FD2] =	sst s25  }
0xa6: {  	s4 =	sshll.u32 s26, $0x1;
	_ =	strace $0x80000046;
	[dreg:$0x1] =	wrdreg $0xFFFFFFFF  }
0xa7: {  	s28 =	simm.s32 $_size_execute0_lowered;
	s2 =	sadd.s32 s2, s4;
	[dreg:$0x0] =	wrdreg $0x0  }
0xa8: {  	s4 =	sshll.u32 s28, $0x1;
	[dreg:$0x2] =	wrdreg s2  }
0xa9: {  	[dreg:$0x3] =	wrdreg s4  }
0xaa: {  	[dreg:$0x4] =	wrdreg $0xC0  }
0xab: {  	_ =	task [dreg:s6], $0x5FFFF  }
0xac: {  	[dreg:$0x1] =	wrdreg $0xFFFFFFFF  }
0xad: {  	[dreg:$0x0] =	wrdreg $0x60  }
0xae: {  	[dreg:$0x2] =	wrdreg s24  }
0xaf: {  	[dreg:$0x3] =	wrdreg $0x9  }
0xb0: {  	_ =	task.clear_ibuf [dreg:s6], $0x4FFFF;
	_ =	strace $0x90000046  }
0xb1: {  	s29 =	simm.s32 $0x9;
	_ =	strace $0x80000048  }
0xb2: {  	_ =	swait.ge [sflag:s29], $0x1  }
0xb3: {  	[sflag:s29] =	ssyncadd.s32 $0xFFFFFFFF  }
0xb4: {  	_ =	strace $0x90000048  }
0xb5: {  	_ =	sfence  }
0xb6: {  	s30 =	sld [smem:$0x0];
	_ =	sdelay $0x2  }
0xb7: {  	s31 =	sshll.u32 s1, $0xD;
	s1 =	sshrl.u32 s1, $0x2  }
0xb8: {  	s3 =	sand.u32 $0x4000, s31;
	s1 =	sadd.s32 s1, s30  }
0xb9: {  	s0 =	sor.u32 s3, s0;
	s1 =	sshll.u32 s1, $0x11  }
0xba: {  	s0 =	sor.u32 s1, s0  }
0xbb: {  	s0 =	sadd.s32 $0x8F2B, s0  }
0xbc: {  	[sflag:s0] =	ssyncadd.remote.s32 $0x1  }
0xbd: {  	_ =	sfence.sel $0xFFFF  }
0xbe: {  	[dreg:$0x0] =	wrdreg $0xFFFFFFFF;
	(pc) =	sbr.abs _section_cstart, $3  }
0xbf: {  	[dreg:$0x1] =	wrdreg $0xFFFFFFFF  }
0xc0: {  	_ =	task.clear_ibuf [dreg:s6], $0x2FFFF;
	_ =	strace $0x9FFFFFFF  }
0xc1: {  	(tm) =	ssettm $0x7FFFFFFF  }
tec
execute0_lowered:
.L_overlay_start_1:
0x0: {  	(tag) =	ssettag $0x1  }
0x1: {  	s2 =	simm.s32 $0x0;
	v17 =	vlaneseq.u32  }
0x2: {  	[smem:$0x7FF] =	sst s2;
	v49 =	vor.u32 $0x8, v17  }
0x3: {  	s0 =	rddreg [dreg:$0x0];
	v50 =	vor.u32 $0x10, v17;
	_ =	strace $0x80000047;
	[tilespmem:$0x1FE00] =	vst v49  }
0x4: {  	v51 =	vor.u32 $0x20, v17;
	[tilespmem:$0x1FE10] =	vst v50  }
0x5: {  	v52 =	vor.u32 $0x30, v17;
	[tilespmem:$0x1FE20] =	vst v51  }
0x6: {  	v53 =	vor.u32 $0x40, v17;
	[tilespmem:$0x1FE30] =	vst v52  }
0x7: {  	v54 =	vor.u32 $0x50, v17;
	[tilespmem:$0x1FE40] =	vst v53  }
0x8: {  	v55 =	vor.u32 $0x60, v17;
	[tilespmem:$0x1FE50] =	vst v54  }
0x9: {  	v56 =	vor.u32 $0x420, v17;
	[tilespmem:$0x1FE60] =	vst v55  }
0xa: {  	v57 =	vor.u32 $0x430, v17;
	[tilespmem:$0x1FE70] =	vst v56  }
0xb: {  	v58 =	vor.u32 $0xC20, v17;
	[tilespmem:$0x1FE80] =	vst v57  }
0xc: {  	v59 =	vor.u32 $0xC30, v17;
	[tilespmem:$0x1FE90] =	vst v58  }
0xd: {  	v60 =	vor.u32 $0xC40, v17;
	[tilespmem:$0x1FEA0] =	vst v59  }
0xe: {  	v61 =	vor.u32 $0xC50, v17;
	[tilespmem:$0x1FEB0] =	vst v60  }
0xf: {  	v62 =	vor.u32 $0xC60, v17;
	[tilespmem:$0x1FEC0] =	vst v61  }
0x10: {  	v4 =	vand.u32 $0x7, v17;
	[tilespmem:$0x1FED0] =	vst v62  }
0x11: {  	v21 =	vor.u32 $0x840, v17;
	[tilespmem:$0x1FEE0] =	vst v4  }
0x12: {  	v19 =	vor.u32 $0x830, v17;
	[tilespmem:$0x1FEF0] =	vst v21  }
0x13: {  	v32 =	vor.u32 $0x850, v17;
	[tilespmem:$0x1FF00] =	vst v19  }
0x14: {  	s6 =	stileid.u32;
	s1 =	srdreg.scid;
	s11 =	simm.s32 $0x80;
	v28 =	vor.u32 $0x870, v17;
	[tilespmem:$0x1FF10] =	vst v32  }
0x15: {  	s12 =	simm.s32 $0x2;
	s13 =	simm.s32 $0x280;
	s14 =	simm.s32 $0xA80;
	v22 =	vor.u32 $0xC00, v17;
	[tilespmem:$0x1FF20] =	vst v28  }
0x16: {  	s15 =	simm.s32 $0x1280;
	s16 =	simm.s32 $0x1A80;
	s17 =	simm.s32 $0x2280;
	v30 =	vor.u32 $0xC10, v17;
	[tilespmem:$0x1FF30] =	vst v22  }
0x17: {  	s18 =	simm.s32 $0x2A80;
	s19 =	simm.s32 $0x3280;
	s20 =	simm.s32 $0x3A80;
	v63 =	vor.u32 $0xC70, v17;
	[tilespmem:$0x1FF40] =	vst v30  }
0x18: {  	s21 =	simm.s32 $0x4280;
	s28 =	simm.s32 $0x7280;
	s29 =	simm.s32 $0x7A80;
	v25 =	vor.u32 $0x70, v17;
	[tilespmem:$0x1FF50] =	vst v63  }
0x19: {  	s30 =	simm.s32 $0x1;
	s31 =	simm.s32 $0x8280;
	s3 =	sadd.s32 $0x1600, s0;
	v26 =	vor.u32 $0x400, v17;
	[tilespmem:$0x1FF60] =	vst v25  }
0x1a: {  	s8 =	sadd.s32 $0x9600, s0;
	s4 =	sshll.u32 s6, $0x5;
	s1 =	sand.u32 $0x1, s1;
	v18 =	vor.u32 $0x410, v17;
	[tilespmem:$0x1FF70] =	vst v26  }
0x1b: {  	s6 =	sshll.u32 s6, $0x1;
	s9 =	sadd.s32 $0x9A00, s0;
	v29 =	vor.u32 $0x450, v17;
	s4 =	sand.u32 $0x1C0, s4;
	[tilespmem:$0x1FF80] =	vst v18  }
0x1c: {  	v24 =	vor.u32 $0x460, v17;
	s5 =	ssub.s32 $0x2, s1;
	s1 =	sor.u32 s1, s6;
	s6 =	sadd.s32 $0x1700, s0;
	[tilespmem:$0x1FF90] =	vst v29  }
0x1d: {  	v31 =	vor.u32 $0x810, v17;
	[tilespmem:$0x1FFA0] =	vst v24;
	s4 =	sadd.s32 s4, s0;
	s7 =	sshrl.u32 s5, $0x1;
	s22 =	sshll.u32 s1, $0x4  }
0x1e: {  	v34 =	vor.u32 $0x860, v17;
	[tilespmem:$0x1FFB0] =	vst v31;
	s23 =	sshll.u32 s1, $0x7;
	s24 =	sshll.u32 s1, $0xD;
	s0 =	simm.s32 $0x0  }
0x1f: {  	v33 =	vor.u32 $0x820, v17;
	[tilespmem:$0x1FFC0] =	vst v34;
	s10 =	ssub.s32 s5, s7;
	s4 =	sadd.s32 $0x9800, s4;
	s5 =	sadd.s32 s8, s22  }
0x20: {  	v0 =	vshrl.u32 v17, $0x3;
	v20 =	vor.u32 $0x800, v17;
	[tilespmem:$0x1FFD0] =	vst v33;
	s25 =	sor.u32 $0x40, s23;
	s7 =	sadd.s32 s9, s24;
	s22 =	simm.s32 $0x4A80  }
0x21: {  	v23 =	vor.u32 $0x440, v17;
	v0 =	vmul.u32 $0x8, v0;
	[tilespmem:$0x1FFE0] =	vst v20;
	s23 =	simm.s32 $0x5280;
	s24 =	simm.s32 $0x5A80;
	s26 =	sshrl.u32 s25, $0x3  }
0x22: {  	[tilespmem:$0x1FFF0] =	vst v23;
	s1 =	sshll.u32 s25, $0x6;
	s10 =	smax.u32 s10, $0x1;
	s25 =	simm.s32 $0x6280  }
0x23: {  	vm0 =	vmmov $0xffff;
	v27 =	vor.u32 $0x470, v17;
	[tilespmem:$0x1FDF0] =	vst v0;
	s8 =	sadd.s32 s8, s26;
	s9 =	sadd.s32 s9, s1;
	s26 =	simm.s32 $0x6A80  }
.LBB2_1:
0x24: {  	[tilespmem:s11], [sflag:$0x2] =	stream.linear.gather [hbm4b:s4+s2], $0x200, $0x38;
	[tilespmem:$0x10280] =	vst v63  }
0x25: {  	_ =	swait.ge [sflag:s12], $0x200  }
0x26: {  	[sflag:s12] =	ssyncset.done $0x0  }
0x27: {  	[sflag:s12] =	ssyncadd.s32 $0xFFFFFE00  }
0x28: {  	[tilespmem:s2], [sflag:$0x2] =	stream.linear.gather [hbm4b:s5+s2], $0x40, $0x38;
	[tilespmem:$0x10280] =	vst v63  }
0x29: {  	_ =	swait.ge [sflag:s12], $0x40  }
0x2a: {  	[sflag:s12] =	ssyncset.done $0x0  }
0x2b: {  	[sflag:s12] =	ssyncadd.s32 $0xFFFFFFC0  }
0x2c: {  	v0 =	vld [tilespmem:$0x0];
	_ =	sdelay $0x4  }
0x2d: {  	v2 =	vld [tilespmem:$0x1FDF0];
	v1 =	vshll.u32 v0, $0x2  }
0x2e: {  	v0 =	vand.u32 $0x7, v0;
	v1 =	vand.u32 $0xFFFFFFE0, v1  }
0x2f: {  	v3 =	vld [tilespmem:$0x1FE00];
	v0 =	vor.u32 v0, v1  }
0x30: {  	v1 =	vperm.xlane v0, v4;
	_ =	sdelay $0x1  }
0x31: {  	v1 =	vadd.s32 v2, v1;
	_ =	sdelay $0x1  }
0x32: {  	v0 =	vperm.xlane v0, v3;
	_ =	sdelay $0x1  }
0x33: {  	v0 =	vadd.s32 v2, v0  }
0x34: {  	[tilespmem:s13], [sflag:$0x1] =	stream.indirect_vreg.gather [hbm4b:s3+s2], $0x80, v1, vm0, $0xb8;
	[tilespmem:$0x10280] =	vst v63  }
0x35: {  	_ = 	snop  }
0x36: {  	[tilespmem:s14], [sflag:$0x1] =	stream.indirect_vreg.gather [hbm4b:s6+s2], $0x80, v1, vm0, $0xb8;
	[tilespmem:$0x10280] =	vst v63  }
0x37: {  	_ = 	snop  }
0x38: {  	[tilespmem:s15], [sflag:$0x1] =	stream.indirect_vreg.gather [hbm4b:s3+s2], $0x80, v0, vm0, $0xb8;
	[tilespmem:$0x10280] =	vst v63  }
0x39: {  	_ = 	snop  }
0x3a: {  	[tilespmem:s16], [sflag:$0x1] =	stream.indirect_vreg.gather [hbm4b:s6+s2], $0x80, v0, vm0, $0xb8;
	[tilespmem:$0x10280] =	vst v63  }
0x3b: {  	v0 =	vld [tilespmem:$0x10];
	_ =	sdelay $0x4  }
0x3c: {  	v1 =	vshll.u32 v0, $0x2  }
0x3d: {  	v0 =	vand.u32 $0x7, v0;
	v1 =	vand.u32 $0xFFFFFFE0, v1  }
0x3e: {  	v0 =	vor.u32 v0, v1  }
0x3f: {  	v1 =	vperm.xlane v0, v4;
	_ =	sdelay $0x1  }
0x40: {  	v1 =	vadd.s32 v2, v1;
	_ =	sdelay $0x1  }
0x41: {  	v0 =	vperm.xlane v0, v3;
	_ =	sdelay $0x1  }
0x42: {  	v0 =	vadd.s32 v2, v0  }
0x43: {  	[tilespmem:s17], [sflag:$0x1] =	stream.indirect_vreg.gather [hbm4b:s3+s2], $0x80, v1, vm0, $0xb8;
	[tilespmem:$0x10280] =	vst v63  }
0x44: {  	_ = 	snop  }
0x45: {  	[tilespmem:s18], [sflag:$0x1] =	stream.indirect_vreg.gather [hbm4b:s6+s2], $0x80, v1, vm0, $0xb8;
	[tilespmem:$0x10280] =	vst v63  }
0x46: {  	_ = 	snop  }
0x47: {  	[tilespmem:s19], [sflag:$0x1] =	stream.indirect_vreg.gather [hbm4b:s3+s2], $0x80, v0, vm0, $0xb8;
	[tilespmem:$0x10280] =	vst v63  }
0x48: {  	_ = 	snop  }
0x49: {  	[tilespmem:s20], [sflag:$0x1] =	stream.indirect_vreg.gather [hbm4b:s6+s2], $0x80, v0, vm0, $0xb8;
	[tilespmem:$0x10280] =	vst v63  }
0x4a: {  	v0 =	vld [tilespmem:$0x20];
	_ =	sdelay $0x4  }
0x4b: {  	v1 =	vshll.u32 v0, $0x2  }
0x4c: {  	v0 =	vand.u32 $0x7, v0;
	v1 =	vand.u32 $0xFFFFFFE0, v1  }
0x4d: {  	v0 =	vor.u32 v0, v1  }
0x4e: {  	v1 =	vperm.xlane v0, v4;
	_ =	sdelay $0x1  }
0x4f: {  	v1 =	vadd.s32 v2, v1;
	_ =	sdelay $0x1  }
0x50: {  	v0 =	vperm.xlane v0, v3;
	_ =	sdelay $0x1  }
0x51: {  	v0 =	vadd.s32 v2, v0  }
0x52: {  	[tilespmem:s21], [sflag:$0x1] =	stream.indirect_vreg.gather [hbm4b:s3+s2], $0x80, v1, vm0, $0xb8;
	[tilespmem:$0x10280] =	vst v63  }
0x53: {  	_ = 	snop  }
0x54: {  	[tilespmem:s22], [sflag:$0x1] =	stream.indirect_vreg.gather [hbm4b:s6+s2], $0x80, v1, vm0, $0xb8;
	[tilespmem:$0x10280] =	vst v63  }
0x55: {  	_ = 	snop  }
0x56: {  	[tilespmem:s23], [sflag:$0x1] =	stream.indirect_vreg.gather [hbm4b:s3+s2], $0x80, v0, vm0, $0xb8;
	[tilespmem:$0x10280] =	vst v63  }
0x57: {  	_ = 	snop  }
0x58: {  	[tilespmem:s24], [sflag:$0x1] =	stream.indirect_vreg.gather [hbm4b:s6+s2], $0x80, v0, vm0, $0xb8;
	[tilespmem:$0x10280] =	vst v63  }
0x59: {  	v0 =	vld [tilespmem:$0x30];
	_ =	sdelay $0x4  }
0x5a: {  	v1 =	vshll.u32 v0, $0x2  }
0x5b: {  	v0 =	vand.u32 $0x7, v0;
	v1 =	vand.u32 $0xFFFFFFE0, v1  }
0x5c: {  	v0 =	vor.u32 v0, v1  }
0x5d: {  	v1 =	vperm.xlane v0, v4;
	_ =	sdelay $0x1  }
0x5e: {  	v1 =	vadd.s32 v2, v1;
	_ =	sdelay $0x1  }
0x5f: {  	v0 =	vperm.xlane v0, v3;
	_ =	sdelay $0x1  }
0x60: {  	v0 =	vadd.s32 v2, v0  }
0x61: {  	[tilespmem:s25], [sflag:$0x1] =	stream.indirect_vreg.gather [hbm4b:s3+s2], $0x80, v1, vm0, $0xb8;
	[tilespmem:$0x10280] =	vst v63  }
0x62: {  	_ = 	snop  }
0x63: {  	[tilespmem:s26], [sflag:$0x1] =	stream.indirect_vreg.gather [hbm4b:s6+s2], $0x80, v1, vm0, $0xb8;
	[tilespmem:$0x10280] =	vst v63  }
0x64: {  	_ = 	snop  }
0x65: {  	[tilespmem:s28], [sflag:$0x1] =	stream.indirect_vreg.gather [hbm4b:s3+s2], $0x80, v0, vm0, $0xb8;
	[tilespmem:$0x10280] =	vst v63  }
0x66: {  	_ = 	snop  }
0x67: {  	[tilespmem:s29], [sflag:$0x1] =	stream.indirect_vreg.gather [hbm4b:s6+s2], $0x80, v0, vm0, $0xb8;
	[tilespmem:$0x10280] =	vst v63  }
0x68: {  	_ =	swait.ge [sflag:s30], $0x8000  }
0x69: {  	[sflag:s30] =	ssyncset.done $0x0  }
0x6a: {  	[sflag:s30] =	ssyncadd.s32 $0xFFFF8000  }
0x6b: {  	v0 =	vld [tilespmem:$0x80];
	_ =	sdelay $0x3  }
0x6c: {  	v1 =	vmov s2  }
0x6d: {  	v2 =	vshll.u32 v1, $0x9;
	v3 =	vshll.u32 v0, $0x3  }
0x6e: {  	v39 =	vand.u32 $0x7000, v2;
	v2 =	vand.u32 $0xFFFFFC00, v3  }
0x6f: {  	v1 =	vshll.u32 v1, $0x7;
	v0 =	vand.u32 $0x7F, v0;
	v2 =	vadd.s32 v39, v2  }
0x70: {  	v35 =	vand.u32 $0x380, v1;
	v0 =	vor.u32 v0, v2  }
0x71: {  	v0 =	vor.u32 v35, v0;
	_ =	sdelay $0x3  }
0x72: {  	v38 =	vor.u32 v35, v39  }
0x73: {  	v1 =	vor.u32 v17, v38;
	v0 =	vld.idx.msk [tilespmem:v0+s13+$0x0], $0xffff;
	_ =	sdelay $0x4  }
0x74: {  	[tilespmem:v1+s31+$0x0] =	vst.idx.msk $0xffff, v0  }
0x75: {  	v0 =	vld [tilespmem:$0x90];
	_ =	sdelay $0x4  }
0x76: {  	v1 =	vshll.u32 v0, $0x3  }
0x77: {  	v1 =	vand.u32 $0xFFFFFC00, v1  }
0x78: {  	v0 =	vand.u32 $0x7F, v0;
	v1 =	vadd.s32 v39, v1  }
0x79: {  	v0 =	vor.u32 v0, v1  }
0x7a: {  	v61 =	vld [tilespmem:$0x1FE10];
	v0 =	vor.u32 v35, v0;
	_ =	sdelay $0x4  }
0x7b: {  	v1 =	vor.u32 v61, v38;
	v0 =	vld.idx.msk [tilespmem:v0+s13+$0x0], $0xffff;
	_ =	sdelay $0x4  }
0x7c: {  	[tilespmem:v1+s31+$0x0] =	vst.idx.msk $0xffff, v0  }
0x7d: {  	v0 =	vld [tilespmem:$0xA0];
	_ =	sdelay $0x4  }
0x7e: {  	v1 =	vshll.u32 v0, $0x3  }
0x7f: {  	v1 =	vand.u32 $0xFFFFFC00, v1  }
0x80: {  	v0 =	vand.u32 $0x7F, v0;
	v1 =	vadd.s32 v39, v1  }
0x81: {  	v0 =	vor.u32 v0, v1  }
0x82: {  	v9 =	vld [tilespmem:$0x1FE20];
	v0 =	vor.u32 v35, v0;
	_ =	sdelay $0x4  }
0x83: {  	v1 =	vor.u32 v9, v38;
	v0 =	vld.idx.msk [tilespmem:v0+s13+$0x0], $0xffff;
	_ =	sdelay $0x4  }
0x84: {  	[tilespmem:v1+s31+$0x0] =	vst.idx.msk $0xffff, v0  }
0x85: {  	v0 =	vld [tilespmem:$0xB0];
	_ =	sdelay $0x4  }
0x86: {  	v1 =	vshll.u32 v0, $0x3  }
0x87: {  	v1 =	vand.u32 $0xFFFFFC00, v1  }
0x88: {  	v0 =	vand.u32 $0x7F, v0;
	v1 =	vadd.s32 v39, v1  }
0x89: {  	v0 =	vor.u32 v0, v1  }
0x8a: {  	v7 =	vld [tilespmem:$0x1FE30];
	v0 =	vor.u32 v35, v0;
	_ =	sdelay $0x4  }
0x8b: {  	v1 =	vor.u32 v7, v38;
	v0 =	vld.idx.msk [tilespmem:v0+s13+$0x0], $0xffff;
	_ =	sdelay $0x2  }
0x8c: {  	v2 =	vld [tilespmem:$0x80];
	_ =	sdelay $0x1  }
0x8d: {  	[tilespmem:v1+s31+$0x0] =	vst.idx.msk $0xffff, v0  }
0x8e: {  	s1 =	simm.s32 $0x1;
	v1 =	vld [tilespmem:$0xC0]  }
0x8f: {  	v0 =	vmov s1  }
0x90: {  	v4 =	vshll.u32 v2, $0x3;
	v3 =	vshll.u32 v0, $0x9  }
0x91: {  	v40 =	vand.u32 $0x7000, v3;
	v3 =	vand.u32 $0xFFFFFC00, v4  }
0x92: {  	v2 =	vand.u32 $0x7F, v2;
	v0 =	vshll.u32 v0, $0x7;
	v3 =	vadd.s32 v40, v3  }
0x93: {  	v37 =	vand.u32 $0x380, v0;
	v0 =	vor.u32 v2, v3;
	v2 =	vshll.u32 v1, $0x3  }
0x94: {  	v0 =	vor.u32 v37, v0;
	v2 =	vand.u32 $0xFFFFFC00, v2  }
0x95: {  	v1 =	vand.u32 $0x7F, v1;
	v2 =	vadd.s32 v39, v2  }
0x96: {  	v1 =	vor.u32 v1, v2  }
0x97: {  	v56 =	vld [tilespmem:$0x1FE40];
	v1 =	vor.u32 v35, v1  }
0x98: {  	v36 =	vor.u32 v37, v40  }
0x99: {  	v2 =	vor.u32 v17, v36;
	v0 =	vld.idx.msk [tilespmem:v0+s13+$0x0], $0xffff;
	_ =	sdelay $0x2  }
0x9a: {  	v3 =	vor.u32 v56, v38;
	v1 =	vld.idx.msk [tilespmem:v1+s13+$0x0], $0xffff;
	_ =	sdelay $0x1  }
0x9b: {  	[tilespmem:v2+s31+$0x0] =	vst.idx.msk $0xffff, v0  }
0x9c: {  	v0 =	vld [tilespmem:$0x90];
	_ =	sdelay $0x1  }
0x9d: {  	[tilespmem:v3+s31+$0x0] =	vst.idx.msk $0xffff, v1  }
0x9e: {  	v1 =	vld [tilespmem:$0xD0];
	_ =	sdelay $0x1  }
0x9f: {  	v2 =	vshll.u32 v0, $0x3  }
0xa0: {  	v2 =	vand.u32 $0xFFFFFC00, v2  }
0xa1: {  	v0 =	vand.u32 $0x7F, v0;
	v2 =	vadd.s32 v40, v2  }
0xa2: {  	v0 =	vor.u32 v0, v2;
	v2 =	vshll.u32 v1, $0x3  }
0xa3: {  	v0 =	vor.u32 v37, v0;
	v2 =	vand.u32 $0xFFFFFC00, v2  }
0xa4: {  	v1 =	vand.u32 $0x7F, v1;
	v2 =	vadd.s32 v39, v2  }
0xa5: {  	v1 =	vor.u32 v1, v2  }
0xa6: {  	v47 =	vld [tilespmem:$0x1FE50];
	v1 =	vor.u32 v35, v1;
	_ =	sdelay $0x1  }
0xa7: {  	v2 =	vor.u32 v61, v36;
	v0 =	vld.idx.msk [tilespmem:v0+s13+$0x0], $0xffff;
	_ =	sdelay $0x2  }
0xa8: {  	v3 =	vor.u32 v47, v38;
	v1 =	vld.idx.msk [tilespmem:v1+s13+$0x0], $0xffff;
	_ =	sdelay $0x1  }
0xa9: {  	[tilespmem:v2+s31+$0x0] =	vst.idx.msk $0xffff, v0  }
0xaa: {  	v0 =	vld [tilespmem:$0xA0];
	_ =	sdelay $0x1  }
0xab: {  	[tilespmem:v3+s31+$0x0] =	vst.idx.msk $0xffff, v1  }
0xac: {  	v1 =	vld [tilespmem:$0xE0];
	_ =	sdelay $0x1  }
0xad: {  	v2 =	vshll.u32 v0, $0x3  }
0xae: {  	v2 =	vand.u32 $0xFFFFFC00, v2  }
0xaf: {  	v0 =	vand.u32 $0x7F, v0;
	v2 =	vadd.s32 v40, v2  }
0xb0: {  	v0 =	vor.u32 v0, v2;
	v2 =	vshll.u32 v1, $0x3  }
0xb1: {  	v0 =	vor.u32 v37, v0;
	v2 =	vand.u32 $0xFFFFFC00, v2  }
0xb2: {  	v1 =	vand.u32 $0x7F, v1;
	v2 =	vadd.s32 v39, v2  }
0xb3: {  	v1 =	vor.u32 v1, v2  }
0xb4: {  	v13 =	vld [tilespmem:$0x1FE60];
	v1 =	vor.u32 v35, v1;
	_ =	sdelay $0x1  }
0xb5: {  	v2 =	vor.u32 v9, v36;
	v0 =	vld.idx.msk [tilespmem:v0+s13+$0x0], $0xffff;
	_ =	sdelay $0x2  }
0xb6: {  	v3 =	vor.u32 v13, v38;
	v1 =	vld.idx.msk [tilespmem:v1+s13+$0x0], $0xffff;
	_ =	sdelay $0x1  }
0xb7: {  	[tilespmem:v2+s31+$0x0] =	vst.idx.msk $0xffff, v0  }
0xb8: {  	v0 =	vld [tilespmem:$0xB0];
	_ =	sdelay $0x1  }
0xb9: {  	[tilespmem:v3+s31+$0x0] =	vst.idx.msk $0xffff, v1  }
0xba: {  	v1 =	vld [tilespmem:$0xF0];
	_ =	sdelay $0x1  }
0xbb: {  	v2 =	vshll.u32 v0, $0x3  }
0xbc: {  	v2 =	vand.u32 $0xFFFFFC00, v2  }
0xbd: {  	v0 =	vand.u32 $0x7F, v0;
	v2 =	vadd.s32 v40, v2  }
0xbe: {  	v0 =	vor.u32 v0, v2;
	v2 =	vshll.u32 v1, $0x3  }
0xbf: {  	v0 =	vor.u32 v37, v0;
	v2 =	vand.u32 $0xFFFFFC00, v2  }
0xc0: {  	v1 =	vand.u32 $0x7F, v1;
	v2 =	vadd.s32 v39, v2  }
0xc1: {  	v1 =	vor.u32 v1, v2  }
0xc2: {  	v1 =	vor.u32 v35, v1;
	_ =	sdelay $0x1  }
0xc3: {  	v2 =	vor.u32 v7, v36;
	v0 =	vld.idx.msk [tilespmem:v0+s13+$0x0], $0xffff  }
0xc4: {  	v3 =	vld [tilespmem:$0x80];
	_ =	sdelay $0x1  }
0xc5: {  	v4 =	vor.u32 v25, v38;
	v1 =	vld.idx.msk [tilespmem:v1+s13+$0x0], $0xffff  }
0xc6: {  	s1 =	simm.s32 $0x2  }
0xc7: {  	[tilespmem:v2+s31+$0x0] =	vst.idx.msk $0xffff, v0;
	v2 =	vmov s1  }
0xc8: {  	v6 =	vshll.u32 v3, $0x3;
	v0 =	vld [tilespmem:$0xC0];
	v5 =	vshll.u32 v2, $0x9  }
0xc9: {  	v43 =	vand.u32 $0x7000, v5;
	v5 =	vand.u32 $0xFFFFFC00, v6  }
0xca: {  	[tilespmem:v4+s31+$0x0] =	vst.idx.msk $0xffff, v1;
	v1 =	vshll.u32 v2, $0x7;
	v2 =	vand.u32 $0x7F, v3;
	v3 =	vadd.s32 v43, v5  }
0xcb: {  	v4 =	vld [tilespmem:$0x100];
	v41 =	vand.u32 $0x380, v1;
	v1 =	vor.u32 v2, v3  }
0xcc: {  	v1 =	vor.u32 v41, v1  }
0xcd: {  	v2 =	vshll.u32 v0, $0x3  }
0xce: {  	v2 =	vand.u32 $0xFFFFFC00, v2  }
0xcf: {  	v0 =	vand.u32 $0x7F, v0;
	v2 =	vadd.s32 v40, v2  }
0xd0: {  	v42 =	vor.u32 v41, v43;
	v0 =	vor.u32 v0, v2;
	v2 =	vshll.u32 v4, $0x3  }
0xd1: {  	v3 =	vor.u32 v17, v42;
	v0 =	vor.u32 v37, v0;
	v2 =	vand.u32 $0xFFFFFC00, v2;
	v1 =	vld.idx.msk [tilespmem:v1+s13+$0x0], $0xffff  }
0xd2: {  	v4 =	vand.u32 $0x7F, v4;
	v2 =	vadd.s32 v39, v2  }
0xd3: {  	v2 =	vor.u32 v4, v2  }
0xd4: {  	v2 =	vor.u32 v35, v2;
	_ =	sdelay $0x1  }
0xd5: {  	v4 =	vor.u32 v56, v36;
	v0 =	vld.idx.msk [tilespmem:v0+s13+$0x0], $0xffff;
	[tilespmem:v3+s31+$0x0] =	vst.idx.msk $0xffff, v1  }
0xd6: {  	v1 =	vld [tilespmem:$0x90];
	_ =	sdelay $0x1  }
0xd7: {  	v3 =	vor.u32 v26, v38;
	v2 =	vld.idx.msk [tilespmem:v2+s13+$0x0], $0xffff;
	_ =	sdelay $0x1  }
0xd8: {  	[tilespmem:v4+s31+$0x0] =	vst.idx.msk $0xffff, v0  }
0xd9: {  	v0 =	vld [tilespmem:$0xD0];
	v4 =	vshll.u32 v1, $0x3  }
0xda: {  	v4 =	vand.u32 $0xFFFFFC00, v4  }
0xdb: {  	v1 =	vand.u32 $0x7F, v1;
	[tilespmem:v3+s31+$0x0] =	vst.idx.msk $0xffff, v2;
	v2 =	vadd.s32 v43, v4  }
0xdc: {  	v3 =	vld [tilespmem:$0x110];
	v1 =	vor.u32 v1, v2  }
0xdd: {  	v1 =	vor.u32 v41, v1  }
0xde: {  	v2 =	vshll.u32 v0, $0x3  }
0xdf: {  	v2 =	vand.u32 $0xFFFFFC00, v2  }
0xe0: {  	v0 =	vand.u32 $0x7F, v0;
	v2 =	vadd.s32 v40, v2  }
0xe1: {  	v0 =	vor.u32 v0, v2;
	v2 =	vshll.u32 v3, $0x3  }
0xe2: {  	v4 =	vor.u32 v61, v42;
	v0 =	vor.u32 v37, v0;
	v2 =	vand.u32 $0xFFFFFC00, v2;
	v1 =	vld.idx.msk [tilespmem:v1+s13+$0x0], $0xffff  }
0xe3: {  	v3 =	vand.u32 $0x7F, v3;
	v2 =	vadd.s32 v39, v2  }
0xe4: {  	v2 =	vor.u32 v3, v2  }
0xe5: {  	v2 =	vor.u32 v35, v2;
	_ =	sdelay $0x1  }
0xe6: {  	v0 =	vld.idx.msk [tilespmem:v0+s13+$0x0], $0xffff;
	[tilespmem:v4+s31+$0x0] =	vst.idx.msk $0xffff, v1  }
0xe7: {  	v3 =	vor.u32 v47, v36;
	v1 =	vld [tilespmem:$0xA0];
	_ =	sdelay $0x1  }
0xe8: {  	v4 =	vor.u32 v18, v38;
	v2 =	vld.idx.msk [tilespmem:v2+s13+$0x0], $0xffff;
	_ =	sdelay $0x2  }
0xe9: {  	[tilespmem:v3+s31+$0x0] =	vst.idx.msk $0xffff, v0;
	v3 =	vshll.u32 v1, $0x3  }
0xea: {  	v3 =	vand.u32 $0xFFFFFC00, v3  }
0xeb: {  	v1 =	vand.u32 $0x7F, v1;
	[tilespmem:v4+s31+$0x0] =	vst.idx.msk $0xffff, v2;
	v2 =	vadd.s32 v43, v3  }
0xec: {  	v0 =	vld [tilespmem:$0xE0];
	v1 =	vor.u32 v1, v2  }
0xed: {  	v1 =	vor.u32 v41, v1;
	_ =	sdelay $0x1  }
0xee: {  	v3 =	vld [tilespmem:$0x120];
	_ =	sdelay $0x1  }
0xef: {  	v2 =	vshll.u32 v0, $0x3  }
0xf0: {  	v4 =	vor.u32 v9, v42;
	v2 =	vand.u32 $0xFFFFFC00, v2;
	v1 =	vld.idx.msk [tilespmem:v1+s13+$0x0], $0xffff  }
0xf1: {  	v0 =	vand.u32 $0x7F, v0;
	v2 =	vadd.s32 v40, v2  }
0xf2: {  	v0 =	vor.u32 v0, v2;
	v2 =	vshll.u32 v3, $0x3  }
0xf3: {  	v0 =	vor.u32 v37, v0;
	v2 =	vand.u32 $0xFFFFFC00, v2  }
0xf4: {  	v3 =	vand.u32 $0x7F, v3;
	v2 =	vadd.s32 v39, v2  }
0xf5: {  	v2 =	vor.u32 v3, v2;
	[tilespmem:v4+s31+$0x0] =	vst.idx.msk $0xffff, v1  }
0xf6: {  	v2 =	vor.u32 v35, v2;
	v12 =	vld [tilespmem:$0x1FE70];
	_ =	sdelay $0x1  }
0xf7: {  	v0 =	vld.idx.msk [tilespmem:v0+s13+$0x0], $0xffff  }
0xf8: {  	v3 =	vor.u32 v13, v36;
	v1 =	vld [tilespmem:$0xB0];
	_ =	sdelay $0x1  }
0xf9: {  	v2 =	vld.idx.msk [tilespmem:v2+s13+$0x0], $0xffff;
	v4 =	vor.u32 v12, v38;
	_ =	sdelay $0x2  }
0xfa: {  	[tilespmem:v3+s31+$0x0] =	vst.idx.msk $0xffff, v0;
	v3 =	vshll.u32 v1, $0x3  }
0xfb: {  	v3 =	vand.u32 $0xFFFFFC00, v3  }
0xfc: {  	v0 =	vld [tilespmem:$0xF0];
	v1 =	vand.u32 $0x7F, v1;
	[tilespmem:v4+s31+$0x0] =	vst.idx.msk $0xffff, v2;
	v2 =	vadd.s32 v43, v3  }
0xfd: {  	v1 =	vor.u32 v1, v2  }
0xfe: {  	v1 =	vor.u32 v41, v1;
	_ =	sdelay $0x1  }
0xff: {  	v3 =	vld [tilespmem:$0x130]  }
0x100: {  	v2 =	vshll.u32 v0, $0x3  }
0x101: {  	v2 =	vand.u32 $0xFFFFFC00, v2  }
0x102: {  	v4 =	vor.u32 v7, v42;
	v0 =	vand.u32 $0x7F, v0;
	v2 =	vadd.s32 v40, v2;
	v1 =	vld.idx.msk [tilespmem:v1+s13+$0x0], $0xffff  }
0x103: {  	v0 =	vor.u32 v0, v2  }
0x104: {  	v0 =	vor.u32 v37, v0;
	v2 =	vshll.u32 v3, $0x3  }
0x105: {  	v2 =	vand.u32 $0xFFFFFC00, v2  }
0x106: {  	v3 =	vand.u32 $0x7F, v3;
	v2 =	vadd.s32 v39, v2  }
0x107: {  	v2 =	vor.u32 v3, v2;
	v3 =	vld [tilespmem:$0x80];
	[tilespmem:v4+s31+$0x0] =	vst.idx.msk $0xffff, v1  }
0x108: {  	v2 =	vor.u32 v35, v2;
	v63 =	vld [tilespmem:$0x1FE80]  }
0x109: {  	v5 =	vor.u32 v25, v36;
	v0 =	vld.idx.msk [tilespmem:v0+s13+$0x0], $0xffff  }
0x10a: {  	s1 =	simm.s32 $0x3  }
0x10b: {  	v1 =	vmov s1  }
0x10c: {  	v11 =	vmov v7;
	v4 =	vld [tilespmem:$0xC0];
	v6 =	vshll.u32 v1, $0x9;
	v7 =	vshll.u32 v3, $0x3  }
0x10d: {  	v45 =	vand.u32 $0x7000, v6;
	v2 =	vld.idx.msk [tilespmem:v2+s13+$0x0], $0xffff;
	v6 =	vand.u32 $0xFFFFFC00, v7;
	v8 =	vor.u32 v63, v38  }
0x10e: {  	[tilespmem:v5+s31+$0x0] =	vst.idx.msk $0xffff, v0;
	v0 =	vshll.u32 v1, $0x7;
	v1 =	vand.u32 $0x7F, v3;
	v3 =	vadd.s32 v45, v6  }
0x10f: {  	v5 =	vld [tilespmem:$0x100];
	v46 =	vand.u32 $0x380, v0;
	v0 =	vor.u32 v1, v3  }
0x110: {  	v0 =	vor.u32 v46, v0  }
0x111: {  	v1 =	vshll.u32 v4, $0x3  }
0x112: {  	v1 =	vand.u32 $0xFFFFFC00, v1;
	[tilespmem:v8+s31+$0x0] =	vst.idx.msk $0xffff, v2  }
0x113: {  	v1 =	vadd.s32 v43, v1;
	v2 =	vand.u32 $0x7F, v4;
	v3 =	vld [tilespmem:$0x140]  }
0x114: {  	v44 =	vor.u32 v46, v45;
	v1 =	vor.u32 v2, v1;
	v2 =	vshll.u32 v5, $0x3  }
0x115: {  	v0 =	vld.idx.msk [tilespmem:v0+s13+$0x0], $0xffff;
	v4 =	vor.u32 v17, v44;
	v1 =	vor.u32 v41, v1;
	v2 =	vand.u32 $0xFFFFFC00, v2  }
0x116: {  	v5 =	vand.u32 $0x7F, v5;
	v2 =	vadd.s32 v40, v2  }
0x117: {  	v2 =	vor.u32 v5, v2  }
0x118: {  	v2 =	vor.u32 v37, v2;
	v5 =	vshll.u32 v3, $0x3  }
0x119: {  	v6 =	vor.u32 v56, v42;
	v5 =	vand.u32 $0xFFFFFC00, v5  }
0x11a: {  	[tilespmem:v4+s31+$0x0] =	vst.idx.msk $0xffff, v0;
	v3 =	vand.u32 $0x7F, v3;
	v1 =	vld.idx.msk [tilespmem:v1+s13+$0x0], $0xffff;
	v5 =	vadd.s32 v39, v5  }
0x11b: {  	v0 =	vor.u32 v3, v5;
	v3 =	vld [tilespmem:$0x90]  }
0x11c: {  	v0 =	vor.u32 v35, v0  }
0x11d: {  	v4 =	vor.u32 v26, v36;
	v2 =	vld.idx.msk [tilespmem:v2+s13+$0x0], $0xffff;
	_ =	sdelay $0x1  }
0x11e: {  	[tilespmem:v6+s31+$0x0] =	vst.idx.msk $0xffff, v1  }
0x11f: {  	v1 =	vld [tilespmem:$0xD0];
	v5 =	vshll.u32 v3, $0x3  }
0x120: {  	v6 =	vor.u32 v23, v38;
	v0 =	vld.idx.msk [tilespmem:v0+s13+$0x0], $0xffff;
	v5 =	vand.u32 $0xFFFFFC00, v5  }
0x121: {  	[tilespmem:v4+s31+$0x0] =	vst.idx.msk $0xffff, v2;
	v2 =	vand.u32 $0x7F, v3;
	v3 =	vadd.s32 v45, v5  }
0x122: {  	v4 =	vld [tilespmem:$0x110];
	v2 =	vor.u32 v2, v3  }
0x123: {  	v2 =	vor.u32 v46, v2  }
0x124: {  	v3 =	vshll.u32 v1, $0x3  }
0x125: {  	v3 =	vand.u32 $0xFFFFFC00, v3;
	[tilespmem:v6+s31+$0x0] =	vst.idx.msk $0xffff, v0  }
0x126: {  	v0 =	vand.u32 $0x7F, v1;
	v1 =	vadd.s32 v43, v3;
	v3 =	vld [tilespmem:$0x150]  }
0x127: {  	v0 =	vor.u32 v0, v1;
	v1 =	vshll.u32 v4, $0x3  }
0x128: {  	v5 =	vor.u32 v61, v44;
	v0 =	vor.u32 v41, v0;
	v1 =	vand.u32 $0xFFFFFC00, v1;
	v2 =	vld.idx.msk [tilespmem:v2+s13+$0x0], $0xffff  }
0x129: {  	v4 =	vand.u32 $0x7F, v4;
	v1 =	vadd.s32 v40, v1  }
0x12a: {  	v1 =	vor.u32 v4, v1  }
0x12b: {  	v1 =	vor.u32 v37, v1;
	v4 =	vshll.u32 v3, $0x3  }
0x12c: {  	v6 =	vor.u32 v47, v42;
	v4 =	vand.u32 $0xFFFFFC00, v4  }
0x12d: {  	v3 =	vand.u32 $0x7F, v3;
	v0 =	vld.idx.msk [tilespmem:v0+s13+$0x0], $0xffff;
	v4 =	vadd.s32 v39, v4;
	[tilespmem:v5+s31+$0x0] =	vst.idx.msk $0xffff, v2  }
0x12e: {  	v2 =	vor.u32 v3, v4;
	v3 =	vld [tilespmem:$0xA0]  }
0x12f: {  	v2 =	vor.u32 v35, v2  }
0x130: {  	v4 =	vor.u32 v18, v36;
	v1 =	vld.idx.msk [tilespmem:v1+s13+$0x0], $0xffff;
	_ =	sdelay $0x1  }
0x131: {  	[tilespmem:v6+s31+$0x0] =	vst.idx.msk $0xffff, v0  }
0x132: {  	v0 =	vld [tilespmem:$0xE0];
	v5 =	vshll.u32 v3, $0x3  }
0x133: {  	v6 =	vor.u32 v29, v38;
	v2 =	vld.idx.msk [tilespmem:v2+s13+$0x0], $0xffff;
	v5 =	vand.u32 $0xFFFFFC00, v5  }
0x134: {  	[tilespmem:v4+s31+$0x0] =	vst.idx.msk $0xffff, v1;
	v1 =	vand.u32 $0x7F, v3;
	v3 =	vadd.s32 v45, v5  }
0x135: {  	v4 =	vld [tilespmem:$0x120];
	v1 =	vor.u32 v1, v3  }
0x136: {  	v1 =	vor.u32 v46, v1  }
0x137: {  	v3 =	vshll.u32 v0, $0x3  }
0x138: {  	v3 =	vand.u32 $0xFFFFFC00, v3;
	[tilespmem:v6+s31+$0x0] =	vst.idx.msk $0xffff, v2  }
0x139: {  	v0 =	vand.u32 $0x7F, v0;
	v2 =	vadd.s32 v43, v3;
	v3 =	vld [tilespmem:$0x160]  }
0x13a: {  	v0 =	vor.u32 v0, v2;
	v2 =	vshll.u32 v4, $0x3  }
0x13b: {  	v5 =	vor.u32 v9, v44;
	v0 =	vor.u32 v41, v0;
	v2 =	vand.u32 $0xFFFFFC00, v2;
	v1 =	vld.idx.msk [tilespmem:v1+s13+$0x0], $0xffff  }
0x13c: {  	v4 =	vand.u32 $0x7F, v4;
	v2 =	vadd.s32 v40, v2  }
0x13d: {  	v2 =	vor.u32 v4, v2  }
0x13e: {  	v2 =	vor.u32 v37, v2;
	v4 =	vshll.u32 v3, $0x3  }
0x13f: {  	v6 =	vor.u32 v13, v42;
	v4 =	vand.u32 $0xFFFFFC00, v4  }
0x140: {  	v3 =	vand.u32 $0x7F, v3;
	v0 =	vld.idx.msk [tilespmem:v0+s13+$0x0], $0xffff;
	v4 =	vadd.s32 v39, v4;
	[tilespmem:v5+s31+$0x0] =	vst.idx.msk $0xffff, v1  }
0x141: {  	v1 =	vor.u32 v3, v4;
	v3 =	vld [tilespmem:$0xB0]  }
0x142: {  	v1 =	vor.u32 v35, v1  }
0x143: {  	v4 =	vor.u32 v12, v36;
	v2 =	vld.idx.msk [tilespmem:v2+s13+$0x0], $0xffff;
	_ =	sdelay $0x1  }
0x144: {  	[tilespmem:v6+s31+$0x0] =	vst.idx.msk $0xffff, v0  }
0x145: {  	v0 =	vld [tilespmem:$0xF0];
	v5 =	vshll.u32 v3, $0x3  }
0x146: {  	v6 =	vor.u32 v24, v38;
	v1 =	vld.idx.msk [tilespmem:v1+s13+$0x0], $0xffff;
	v5 =	vand.u32 $0xFFFFFC00, v5  }
0x147: {  	[tilespmem:v4+s31+$0x0] =	vst.idx.msk $0xffff, v2;
	v2 =	vand.u32 $0x7F, v3;
	v3 =	vadd.s32 v45, v5  }
0x148: {  	v4 =	vld [tilespmem:$0x130];
	v2 =	vor.u32 v2, v3  }
0x149: {  	v2 =	vor.u32 v46, v2  }
0x14a: {  	v3 =	vshll.u32 v0, $0x3  }
0x14b: {  	v3 =	vand.u32 $0xFFFFFC00, v3;
	[tilespmem:v6+s31+$0x0] =	vst.idx.msk $0xffff, v1  }
0x14c: {  	v0 =	vand.u32 $0x7F, v0;
	v1 =	vadd.s32 v43, v3;
	v3 =	vld [tilespmem:$0x170]  }
0x14d: {  	v0 =	vor.u32 v0, v1;
	v1 =	vshll.u32 v4, $0x3  }
0x14e: {  	v5 =	vor.u32 v11, v44;
	v0 =	vor.u32 v41, v0;
	v1 =	vand.u32 $0xFFFFFC00, v1;
	v2 =	vld.idx.msk [tilespmem:v2+s13+$0x0], $0xffff  }
0x14f: {  	v4 =	vand.u32 $0x7F, v4;
	v1 =	vadd.s32 v40, v1  }
0x150: {  	v1 =	vor.u32 v4, v1  }
0x151: {  	v4 =	vld [tilespmem:$0x80];
	v1 =	vor.u32 v37, v1;
	v6 =	vshll.u32 v3, $0x3  }
0x152: {  	v7 =	vor.u32 v25, v42;
	v6 =	vand.u32 $0xFFFFFC00, v6  }
0x153: {  	v3 =	vand.u32 $0x7F, v3;
	v0 =	vld.idx.msk [tilespmem:v0+s13+$0x0], $0xffff;
	v6 =	vadd.s32 v39, v6;
	[tilespmem:v5+s31+$0x0] =	vst.idx.msk $0xffff, v2  }
0x154: {  	s1 =	simm.s32 $0x4;
	v2 =	vor.u32 v3, v6;
	v5 =	vld [tilespmem:$0xC0]  }
0x155: {  	v3 =	vmov s1;
	v2 =	vor.u32 v35, v2  }
0x156: {  	v16 =	vmovc v9;
	v9 =	vor.u32 v63, v36;
	v8 =	vshll.u32 v4, $0x3;
	v6 =	vshll.u32 v3, $0x9;
	v1 =	vld.idx.msk [tilespmem:v1+s13+$0x0], $0xffff  }
0x157: {  	v48 =	vand.u32 $0x7000, v6;
	v6 =	vand.u32 $0xFFFFFC00, v8  }
0x158: {  	v4 =	vand.u32 $0x7F, v4;
	v3 =	vshll.u32 v3, $0x7;
	v6 =	vadd.s32 v48, v6;
	[tilespmem:v7+s31+$0x0] =	vst.idx.msk $0xffff, v0  }
0x159: {  	v53 =	vmovc v47;
	v47 =	vand.u32 $0x380, v3;
	v0 =	vor.u32 v4, v6;
	v3 =	vld [tilespmem:$0x100];
	v4 =	vshll.u32 v5, $0x3  }
0x15a: {  	v6 =	vor.u32 v27, v38;
	v0 =	vor.u32 v47, v0;
	v2 =	vld.idx.msk [tilespmem:v2+s13+$0x0], $0xffff;
	v4 =	vand.u32 $0xFFFFFC00, v4  }
0x15b: {  	[tilespmem:v9+s31+$0x0] =	vst.idx.msk $0xffff, v1;
	v1 =	vand.u32 $0x7F, v5;
	v4 =	vadd.s32 v45, v4  }
0x15c: {  	v5 =	vld [tilespmem:$0x140];
	v1 =	vor.u32 v1, v4  }
0x15d: {  	v1 =	vor.u32 v46, v1  }
0x15e: {  	v49 =	vor.u32 v47, v48;
	v4 =	vshll.u32 v3, $0x3  }
0x15f: {  	v7 =	vor.u32 v17, v49;
	v0 =	vld.idx.msk [tilespmem:v0+s13+$0x0], $0xffff;
	v4 =	vand.u32 $0xFFFFFC00, v4;
	[tilespmem:v6+s31+$0x0] =	vst.idx.msk $0xffff, v2  }
0x160: {  	v2 =	vand.u32 $0x7F, v3;
	v3 =	vadd.s32 v43, v4;
	v4 =	vld [tilespmem:$0x180]  }
0x161: {  	v2 =	vor.u32 v2, v3;
	v3 =	vshll.u32 v5, $0x3  }
0x162: {  	v6 =	vor.u32 v56, v44;
	v2 =	vor.u32 v41, v2;
	v3 =	vand.u32 $0xFFFFFC00, v3;
	v1 =	vld.idx.msk [tilespmem:v1+s13+$0x0], $0xffff  }
0x163: {  	v5 =	vand.u32 $0x7F, v5;
	v3 =	vadd.s32 v40, v3  }
0x164: {  	[tilespmem:v7+s31+$0x0] =	vst.idx.msk $0xffff, v0;
	v0 =	vor.u32 v5, v3  }
0x165: {  	v3 =	vld [tilespmem:$0x90];
	v0 =	vor.u32 v37, v0;
	v5 =	vshll.u32 v4, $0x3  }
0x166: {  	v7 =	vor.u32 v26, v42;
	v5 =	vand.u32 $0xFFFFFC00, v5  }
0x167: {  	v4 =	vand.u32 $0x7F, v4;
	v2 =	vld.idx.msk [tilespmem:v2+s13+$0x0], $0xffff;
	v5 =	vadd.s32 v39, v5;
	[tilespmem:v6+s31+$0x0] =	vst.idx.msk $0xffff, v1  }
0x168: {  	v1 =	vor.u32 v4, v5;
	v4 =	vld [tilespmem:$0xD0]  }
0x169: {  	v1 =	vor.u32 v35, v1  }
0x16a: {  	v6 =	vor.u32 v23, v36;
	v5 =	vshll.u32 v3, $0x3;
	v0 =	vld.idx.msk [tilespmem:v0+s13+$0x0], $0xffff  }
0x16b: {  	v5 =	vand.u32 $0xFFFFFC00, v5  }
0x16c: {  	v3 =	vand.u32 $0x7F, v3;
	v5 =	vadd.s32 v48, v5;
	[tilespmem:v7+s31+$0x0] =	vst.idx.msk $0xffff, v2  }
0x16d: {  	v2 =	vor.u32 v3, v5;
	v3 =	vld [tilespmem:$0x110];
	v7 =	vshll.u32 v4, $0x3  }
0x16e: {  	v5 =	vor.u32 v20, v38;
	v2 =	vor.u32 v47, v2;
	v1 =	vld.idx.msk [tilespmem:v1+s13+$0x0], $0xffff;
	v7 =	vand.u32 $0xFFFFFC00, v7  }
0x16f: {  	[tilespmem:v6+s31+$0x0] =	vst.idx.msk $0xffff, v0;
	v0 =	vand.u32 $0x7F, v4;
	v4 =	vadd.s32 v45, v7  }
0x170: {  	v6 =	vld [tilespmem:$0x150];
	v0 =	vor.u32 v0, v4  }
0x171: {  	v0 =	vor.u32 v46, v0  }
0x172: {  	v4 =	vshll.u32 v3, $0x3  }
0x173: {  	v7 =	vor.u32 v61, v49;
	v2 =	vld.idx.msk [tilespmem:v2+s13+$0x0], $0xffff;
	v4 =	vand.u32 $0xFFFFFC00, v4;
	[tilespmem:v5+s31+$0x0] =	vst.idx.msk $0xffff, v1  }
0x174: {  	v1 =	vand.u32 $0x7F, v3;
	v3 =	vadd.s32 v43, v4;
	v4 =	vld [tilespmem:$0x190]  }
0x175: {  	v1 =	vor.u32 v1, v3;
	v3 =	vshll.u32 v6, $0x3  }
0x176: {  	v5 =	vor.u32 v53, v44;
	v1 =	vor.u32 v41, v1;
	v3 =	vand.u32 $0xFFFFFC00, v3;
	v0 =	vld.idx.msk [tilespmem:v0+s13+$0x0], $0xffff  }
0x177: {  	v6 =	vand.u32 $0x7F, v6;
	v3 =	vadd.s32 v40, v3  }
0x178: {  	[tilespmem:v7+s31+$0x0] =	vst.idx.msk $0xffff, v2;
	v2 =	vor.u32 v6, v3  }
0x179: {  	v3 =	vld [tilespmem:$0xA0];
	v2 =	vor.u32 v37, v2;
	v6 =	vshll.u32 v4, $0x3  }
0x17a: {  	v7 =	vor.u32 v18, v42;
	v6 =	vand.u32 $0xFFFFFC00, v6  }
0x17b: {  	v4 =	vand.u32 $0x7F, v4;
	v1 =	vld.idx.msk [tilespmem:v1+s13+$0x0], $0xffff;
	v6 =	vadd.s32 v39, v6;
	[tilespmem:v5+s31+$0x0] =	vst.idx.msk $0xffff, v0  }
0x17c: {  	v0 =	vor.u32 v4, v6;
	v4 =	vld [tilespmem:$0xE0]  }
0x17d: {  	v0 =	vor.u32 v35, v0  }
0x17e: {  	v6 =	vor.u32 v29, v36;
	v5 =	vshll.u32 v3, $0x3;
	v2 =	vld.idx.msk [tilespmem:v2+s13+$0x0], $0xffff  }
0x17f: {  	v5 =	vand.u32 $0xFFFFFC00, v5  }
0x180: {  	v3 =	vand.u32 $0x7F, v3;
	v5 =	vadd.s32 v48, v5;
	[tilespmem:v7+s31+$0x0] =	vst.idx.msk $0xffff, v1  }
0x181: {  	v1 =	vor.u32 v3, v5;
	v3 =	vld [tilespmem:$0x120];
	v7 =	vshll.u32 v4, $0x3  }
0x182: {  	v5 =	vor.u32 v31, v38;
	v1 =	vor.u32 v47, v1;
	v0 =	vld.idx.msk [tilespmem:v0+s13+$0x0], $0xffff;
	v7 =	vand.u32 $0xFFFFFC00, v7  }
0x183: {  	[tilespmem:v6+s31+$0x0] =	vst.idx.msk $0xffff, v2;
	v2 =	vand.u32 $0x7F, v4;
	v4 =	vadd.s32 v45, v7  }
0x184: {  	v6 =	vld [tilespmem:$0x160];
	v2 =	vor.u32 v2, v4  }
0x185: {  	v2 =	vor.u32 v46, v2  }
0x186: {  	v4 =	vshll.u32 v3, $0x3  }
0x187: {  	v7 =	vor.u32 v16, v49;
	v1 =	vld.idx.msk [tilespmem:v1+s13+$0x0], $0xffff;
	v4 =	vand.u32 $0xFFFFFC00, v4;
	[tilespmem:v5+s31+$0x0] =	vst.idx.msk $0xffff, v0  }
0x188: {  	v0 =	vand.u32 $0x7F, v3;
	v3 =	vadd.s32 v43, v4;
	v4 =	vld [tilespmem:$0x1A0]  }
0x189: {  	v50 =	vmov v13;
	v0 =	vor.u32 v0, v3;
	v3 =	vshll.u32 v6, $0x3  }
0x18a: {  	v5 =	vor.u32 v50, v44;
	v0 =	vor.u32 v41, v0;
	v3 =	vand.u32 $0xFFFFFC00, v3;
	v2 =	vld.idx.msk [tilespmem:v2+s13+$0x0], $0xffff  }
0x18b: {  	v6 =	vand.u32 $0x7F, v6;
	v3 =	vadd.s32 v40, v3  }
0x18c: {  	[tilespmem:v7+s31+$0x0] =	vst.idx.msk $0xffff, v1;
	v1 =	vor.u32 v6, v3  }
0x18d: {  	v13 =	vmov v12;
	v3 =	vld [tilespmem:$0xB0];
	v1 =	vor.u32 v37, v1;
	v6 =	vshll.u32 v4, $0x3  }
0x18e: {  	v7 =	vor.u32 v13, v42;
	v6 =	vand.u32 $0xFFFFFC00, v6  }
0x18f: {  	v4 =	vand.u32 $0x7F, v4;
	v0 =	vld.idx.msk [tilespmem:v0+s13+$0x0], $0xffff;
	v6 =	vadd.s32 v39, v6;
	[tilespmem:v5+s31+$0x0] =	vst.idx.msk $0xffff, v2  }
0x190: {  	v2 =	vor.u32 v4, v6;
	v4 =	vld [tilespmem:$0xF0]  }
0x191: {  	s1 =	simm.s32 $0x5;
	v8 =	vld [tilespmem:$0x80];
	v2 =	vor.u32 v35, v2  }
0x192: {  	v9 =	vor.u32 v24, v36;
	v5 =	vmov s1;
	v6 =	vshll.u32 v3, $0x3;
	v1 =	vld.idx.msk [tilespmem:v1+s13+$0x0], $0xffff  }
0x193: {  	v10 =	vshll.u32 v5, $0x7;
	v6 =	vand.u32 $0xFFFFFC00, v6  }
0x194: {  	v5 =	vshll.u32 v5, $0x9;
	v3 =	vand.u32 $0x7F, v3;
	v6 =	vadd.s32 v48, v6;
	[tilespmem:v7+s31+$0x0] =	vst.idx.msk $0xffff, v0  }
0x195: {  	v51 =	vmovc v50;
	v50 =	vand.u32 $0x7000, v5;
	v3 =	vor.u32 v3, v6;
	v5 =	vld [tilespmem:$0x130];
	v7 =	vshll.u32 v4, $0x3  }
0x196: {  	v6 =	vor.u32 v33, v38;
	v3 =	vor.u32 v47, v3;
	v2 =	vld.idx.msk [tilespmem:v2+s13+$0x0], $0xffff;
	v7 =	vand.u32 $0xFFFFFC00, v7  }
0x197: {  	v0 =	vshll.u32 v8, $0x3;
	[tilespmem:v9+s31+$0x0] =	vst.idx.msk $0xffff, v1;
	v1 =	vand.u32 $0x7F, v4;
	v4 =	vadd.s32 v45, v7  }
0x198: {  	v0 =	vand.u32 $0xFFFFFC00, v0;
	v7 =	vld [tilespmem:$0x170];
	v1 =	vor.u32 v1, v4  }
0x199: {  	v8 =	vand.u32 $0x7F, v8;
	v0 =	vadd.s32 v50, v0;
	v1 =	vor.u32 v46, v1  }
0x19a: {  	v0 =	vor.u32 v8, v0;
	v4 =	vshll.u32 v5, $0x3  }
0x19b: {  	v52 =	vand.u32 $0x380, v10;
	v8 =	vor.u32 v11, v49;
	v3 =	vld.idx.msk [tilespmem:v3+s13+$0x0], $0xffff;
	v4 =	vand.u32 $0xFFFFFC00, v4;
	[tilespmem:v6+s31+$0x0] =	vst.idx.msk $0xffff, v2  }
0x19c: {  	v0 =	vor.u32 v52, v0;
	v2 =	vand.u32 $0x7F, v5;
	v4 =	vadd.s32 v43, v4;
	v5 =	vld [tilespmem:$0x1B0]  }
0x19d: {  	v2 =	vor.u32 v2, v4;
	v4 =	vshll.u32 v7, $0x3  }
0x19e: {  	v6 =	vor.u32 v25, v44;
	v4 =	vand.u32 $0xFFFFFC00, v4;
	v1 =	vld.idx.msk [tilespmem:v1+s13+$0x0], $0xffff  }
0x19f: {  	v58 =	vmovc v53;
	v53 =	vor.u32 v52, v50;
	v7 =	vand.u32 $0x7F, v7;
	v4 =	vadd.s32 v40, v4  }
0x1a0: {  	v2 =	vor.u32 v41, v2;
	[tilespmem:v8+s31+$0x0] =	vst.idx.msk $0xffff, v3;
	v3 =	vor.u32 v7, v4  }
0x1a1: {  	v0 =	vld.idx.msk [tilespmem:v0+s13+$0x0], $0xffff;
	v4 =	vor.u32 v17, v53;
	v3 =	vor.u32 v37, v3;
	v8 =	vshll.u32 v5, $0x3  }
0x1a2: {  	v8 =	vand.u32 $0xFFFFFC00, v8  }
0x1a3: {  	v7 =	vld [tilespmem:$0xC0];
	v5 =	vand.u32 $0x7F, v5;
	v8 =	vadd.s32 v39, v8;
	[tilespmem:v6+s31+$0x0] =	vst.idx.msk $0xffff, v1  }
0x1a4: {  	v1 =	vor.u32 v5, v8;
	v5 =	vld [tilespmem:$0x100]  }
0x1a5: {  	v9 =	vor.u32 v63, v42;
	v2 =	vld.idx.msk [tilespmem:v2+s13+$0x0], $0xffff  }
0x1a6: {  	[tilespmem:v4+s31+$0x0] =	vst.idx.msk $0xffff, v0;
	v4 =	vor.u32 v27, v36;
	v3 =	vld.idx.msk [tilespmem:v3+s13+$0x0], $0xffff;
	_ =	sdelay $0x1  }
0x1a7: {  	v1 =	vor.u32 v35, v1;
	v0 =	vshll.u32 v7, $0x3  }
0x1a8: {  	v0 =	vand.u32 $0xFFFFFC00, v0;
	v8 =	vshll.u32 v5, $0x3  }
0x1a9: {  	v6 =	vld [tilespmem:$0x90];
	v7 =	vand.u32 $0x7F, v7;
	v0 =	vadd.s32 v48, v0;
	[tilespmem:v9+s31+$0x0] =	vst.idx.msk $0xffff, v2;
	v8 =	vand.u32 $0xFFFFFC00, v8  }
0x1aa: {  	v0 =	vor.u32 v7, v0;
	v2 =	vld [tilespmem:$0x140];
	[tilespmem:v4+s31+$0x0] =	vst.idx.msk $0xffff, v3;
	v4 =	vand.u32 $0x7F, v5;
	v5 =	vadd.s32 v45, v8  }
0x1ab: {  	v0 =	vor.u32 v47, v0;
	v4 =	vor.u32 v4, v5  }
0x1ac: {  	v7 =	vor.u32 v19, v38;
	v1 =	vld.idx.msk [tilespmem:v1+s13+$0x0], $0xffff;
	v4 =	vor.u32 v46, v4;
	_ =	sdelay $0x1  }
0x1ad: {  	v3 =	vshll.u32 v6, $0x3;
	v8 =	vld [tilespmem:$0x180]  }
0x1ae: {  	v9 =	vor.u32 v56, v49;
	v3 =	vand.u32 $0xFFFFFC00, v3;
	v5 =	vshll.u32 v2, $0x3  }
0x1af: {  	v6 =	vand.u32 $0x7F, v6;
	v3 =	vadd.s32 v50, v3;
	v0 =	vld.idx.msk [tilespmem:v0+s13+$0x0], $0xffff;
	v5 =	vand.u32 $0xFFFFFC00, v5  }
0x1b0: {  	[tilespmem:v7+s31+$0x0] =	vst.idx.msk $0xffff, v1;
	v1 =	vor.u32 v6, v3;
	v6 =	vor.u32 v26, v44;
	v4 =	vld.idx.msk [tilespmem:v4+s13+$0x0], $0xffff  }
0x1b1: {  	v2 =	vand.u32 $0x7F, v2;
	v3 =	vadd.s32 v43, v5;
	v5 =	vld [tilespmem:$0x1C0]  }
0x1b2: {  	v2 =	vor.u32 v2, v3;
	v3 =	vshll.u32 v8, $0x3  }
0x1b3: {  	v1 =	vor.u32 v52, v1;
	v3 =	vand.u32 $0xFFFFFC00, v3  }
0x1b4: {  	v7 =	vand.u32 $0x7F, v8;
	v3 =	vadd.s32 v40, v3;
	[tilespmem:v9+s31+$0x0] =	vst.idx.msk $0xffff, v0  }
0x1b5: {  	v2 =	vor.u32 v41, v2;
	v0 =	vor.u32 v7, v3;
	[tilespmem:v6+s31+$0x0] =	vst.idx.msk $0xffff, v4  }
0x1b6: {  	v16 =	vmovc v12;
	v12 =	vmovc v63;
	v63 =	vmov v56;
	v0 =	vor.u32 v37, v0;
	v7 =	vshll.u32 v5, $0x3;
	v56 =	vld [tilespmem:$0x1FFE0]  }
0x1b7: {  	v3 =	vld [tilespmem:$0xD0];
	v7 =	vand.u32 $0xFFFFFC00, v7  }
0x1b8: {  	v8 =	vor.u32 v61, v53;
	v1 =	vld.idx.msk [tilespmem:v1+s13+$0x0], $0xffff;
	v5 =	vand.u32 $0x7F, v5;
	v7 =	vadd.s32 v39, v7  }
0x1b9: {  	v4 =	vor.u32 v5, v7;
	v5 =	vld [tilespmem:$0x110]  }
0x1ba: {  	v9 =	vor.u32 v23, v42;
	v2 =	vld.idx.msk [tilespmem:v2+s13+$0x0], $0xffff  }
0x1bb: {  	v0 =	vld.idx.msk [tilespmem:v0+s13+$0x0], $0xffff;
	v6 =	vor.u32 v56, v36  }
0x1bc: {  	v7 =	vshll.u32 v3, $0x3  }
0x1bd: {  	v4 =	vor.u32 v35, v4;
	[tilespmem:v8+s31+$0x0] =	vst.idx.msk $0xffff, v1;
	v1 =	vand.u32 $0xFFFFFC00, v7  }
0x1be: {  	v3 =	vand.u32 $0x7F, v3;
	v1 =	vadd.s32 v48, v1;
	v8 =	vshll.u32 v5, $0x3  }
0x1bf: {  	v7 =	vld [tilespmem:$0xA0];
	[tilespmem:v9+s31+$0x0] =	vst.idx.msk $0xffff, v2;
	v1 =	vor.u32 v3, v1;
	v8 =	vand.u32 $0xFFFFFC00, v8  }
0x1c0: {  	v2 =	vld [tilespmem:$0x150];
	v1 =	vor.u32 v47, v1;
	[tilespmem:v6+s31+$0x0] =	vst.idx.msk $0xffff, v0;
	v0 =	vand.u32 $0x7F, v5;
	v5 =	vadd.s32 v45, v8  }
0x1c1: {  	v0 =	vor.u32 v0, v5  }
0x1c2: {  	v3 =	vor.u32 v21, v38;
	v4 =	vld.idx.msk [tilespmem:v4+s13+$0x0], $0xffff;
	v0 =	vor.u32 v46, v0;
	_ =	sdelay $0x2  }
0x1c3: {  	v8 =	vand.u32 $0x7F, v7;
	v1 =	vld.idx.msk [tilespmem:v1+s13+$0x0], $0xffff;
	v5 =	vshll.u32 v7, $0x3;
	v7 =	vshll.u32 v2, $0x3  }
0x1c4: {  	v9 =	vor.u32 v58, v49;
	v6 =	vld [tilespmem:$0x190];
	v7 =	vand.u32 $0xFFFFFC00, v7  }
0x1c5: {  	[tilespmem:v3+s31+$0x0] =	vst.idx.msk $0xffff, v4;
	v4 =	vadd.s32 v43, v7;
	v7 =	vor.u32 v18, v44;
	v0 =	vld.idx.msk [tilespmem:v0+s13+$0x0], $0xffff;
	_ =	sdelay $0x1  }
0x1c6: {  	v2 =	vand.u32 $0x7F, v2;
	v5 =	vand.u32 $0xFFFFFC00, v5  }
0x1c7: {  	v3 =	vadd.s32 v50, v5;
	v5 =	vld [tilespmem:$0x1D0];
	v2 =	vor.u32 v2, v4  }
0x1c8: {  	v3 =	vor.u32 v8, v3;
	v2 =	vor.u32 v41, v2;
	[tilespmem:v9+s31+$0x0] =	vst.idx.msk $0xffff, v1;
	v4 =	vshll.u32 v6, $0x3  }
0x1c9: {  	v3 =	vor.u32 v52, v3;
	v4 =	vand.u32 $0xFFFFFC00, v4;
	[tilespmem:v7+s31+$0x0] =	vst.idx.msk $0xffff, v0  }
0x1ca: {  	v6 =	vand.u32 $0x7F, v6;
	v4 =	vadd.s32 v40, v4;
	v57 =	vld [tilespmem:$0x1FE20]  }
0x1cb: {  	v1 =	vor.u32 v6, v4;
	v4 =	vld [tilespmem:$0xE0]  }
0x1cc: {  	v6 =	vshll.u32 v5, $0x3;
	v1 =	vor.u32 v37, v1  }
0x1cd: {  	v6 =	vand.u32 $0xFFFFFC00, v6;
	v2 =	vld.idx.msk [tilespmem:v2+s13+$0x0], $0xffff  }
0x1ce: {  	v8 =	vor.u32 v29, v42;
	v5 =	vand.u32 $0x7F, v5;
	v3 =	vld.idx.msk [tilespmem:v3+s13+$0x0], $0xffff;
	v6 =	vadd.s32 v39, v6  }
0x1cf: {  	v0 =	vor.u32 v5, v6;
	v6 =	vld [tilespmem:$0x120];
	v5 =	vor.u32 v57, v53  }
0x1d0: {  	v9 =	vshll.u32 v4, $0x3  }
0x1d1: {  	v7 =	vor.u32 v31, v36;
	v0 =	vor.u32 v35, v0;
	v1 =	vld.idx.msk [tilespmem:v1+s13+$0x0], $0xffff;
	v9 =	vand.u32 $0xFFFFFC00, v9  }
0x1d2: {  	v4 =	vand.u32 $0x7F, v4;
	v9 =	vadd.s32 v48, v9  }
0x1d3: {  	[tilespmem:v8+s31+$0x0] =	vst.idx.msk $0xffff, v2;
	v4 =	vor.u32 v4, v9  }
0x1d4: {  	v8 =	vld [tilespmem:$0x160];
	[tilespmem:v5+s31+$0x0] =	vst.idx.msk $0xffff, v3;
	v3 =	vor.u32 v47, v4;
	v4 =	vshll.u32 v6, $0x3  }
0x1d5: {  	v2 =	vor.u32 v32, v38;
	v4 =	vand.u32 $0xFFFFFC00, v4  }
0x1d6: {  	v0 =	vld.idx.msk [tilespmem:v0+s13+$0x0], $0xffff;
	[tilespmem:v7+s31+$0x0] =	vst.idx.msk $0xffff, v1;
	v1 =	vand.u32 $0x7F, v6;
	v4 =	vadd.s32 v45, v4  }
0x1d7: {  	v6 =	vld [tilespmem:$0x1A0];
	v1 =	vor.u32 v1, v4  }
0x1d8: {  	v5 =	vld [tilespmem:$0xB0];
	v1 =	vor.u32 v46, v1  }
0x1d9: {  	s1 =	simm.s32 $0x6;
	v9 =	vshll.u32 v8, $0x3  }
0x1da: {  	v10 =	vor.u32 v51, v49;
	v7 =	vmov s1;
	v9 =	vand.u32 $0xFFFFFC00, v9;
	v3 =	vld.idx.msk [tilespmem:v3+s13+$0x0], $0xffff  }
0x1db: {  	[tilespmem:v2+s31+$0x0] =	vst.idx.msk $0xffff, v0;
	v0 =	vand.u32 $0x7F, v8;
	v2 =	vadd.s32 v43, v9;
	v4 =	vshll.u32 v7, $0x7  }
0x1dc: {  	v14 =	vmovc v11;
	v11 =	vor.u32 v16, v44;
	v0 =	vor.u32 v0, v2;
	v51 =	vand.u32 $0x380, v4;
	v4 =	vld [tilespmem:$0x1E0]  }
0x1dd: {  	v0 =	vor.u32 v41, v0;
	v2 =	vshll.u32 v6, $0x3;
	v9 =	vshll.u32 v5, $0x3;
	v1 =	vld.idx.msk [tilespmem:v1+s13+$0x0], $0xffff  }
0x1de: {  	v8 =	vld [tilespmem:$0x80];
	v6 =	vand.u32 $0x7F, v6;
	v2 =	vand.u32 $0xFFFFFC00, v2;
	v9 =	vand.u32 $0xFFFFFC00, v9  }
0x1df: {  	v5 =	vand.u32 $0x7F, v5;
	v2 =	vadd.s32 v40, v2;
	v9 =	vadd.s32 v50, v9;
	[tilespmem:v10+s31+$0x0] =	vst.idx.msk $0xffff, v3  }
0x1e0: {  	v7 =	vshll.u32 v7, $0x9;
	v2 =	vor.u32 v6, v2;
	v3 =	vor.u32 v5, v9;
	v5 =	vld [tilespmem:$0xF0]  }
0x1e1: {  	v54 =	vand.u32 $0x7000, v7;
	v2 =	vor.u32 v37, v2;
	v6 =	vshll.u32 v4, $0x3  }
0x1e2: {  	v0 =	vld.idx.msk [tilespmem:v0+s13+$0x0], $0xffff;
	v4 =	vand.u32 $0x7F, v4;
	v6 =	vand.u32 $0xFFFFFC00, v6;
	v3 =	vor.u32 v52, v3;
	[tilespmem:v11+s31+$0x0] =	vst.idx.msk $0xffff, v1  }
0x1e3: {  	v9 =	vshll.u32 v8, $0x3;
	v10 =	vor.u32 v24, v42;
	v6 =	vadd.s32 v39, v6;
	v16 =	vld [tilespmem:$0x1FFD0]  }
0x1e4: {  	v7 =	vand.u32 $0xFFFFFC00, v9;
	v1 =	vor.u32 v4, v6;
	v4 =	vand.u32 $0x7F, v8  }
0x1e5: {  	v6 =	vadd.s32 v54, v7;
	v1 =	vor.u32 v35, v1;
	v8 =	vshll.u32 v5, $0x3  }
0x1e6: {  	v9 =	vor.u32 v14, v53;
	v7 =	vld [tilespmem:$0x130];
	v4 =	vor.u32 v4, v6;
	v8 =	vand.u32 $0xFFFFFC00, v8  }
0x1e7: {  	v4 =	vor.u32 v51, v4;
	v3 =	vld.idx.msk [tilespmem:v3+s13+$0x0], $0xffff;
	v5 =	vand.u32 $0x7F, v5;
	v8 =	vadd.s32 v48, v8  }
0x1e8: {  	v2 =	vld.idx.msk [tilespmem:v2+s13+$0x0], $0xffff;
	[tilespmem:v10+s31+$0x0] =	vst.idx.msk $0xffff, v0;
	v0 =	vor.u32 v5, v8;
	v6 =	vor.u32 v16, v36  }
0x1e9: {  	v5 =	vld [tilespmem:$0x170];
	v0 =	vor.u32 v47, v0  }
0x1ea: {  	v8 =	vor.u32 v34, v38;
	v1 =	vld.idx.msk [tilespmem:v1+s13+$0x0], $0xffff  }
0x1eb: {  	v10 =	vshll.u32 v7, $0x3  }
0x1ec: {  	v10 =	vand.u32 $0xFFFFFC00, v10;
	v4 =	vld.idx.msk [tilespmem:v4+s13+$0x0], $0xffff;
	[tilespmem:v9+s31+$0x0] =	vst.idx.msk $0xffff, v3  }
0x1ed: {  	v3 =	vld [tilespmem:$0xC0];
	[tilespmem:v6+s31+$0x0] =	vst.idx.msk $0xffff, v2;
	v2 =	vand.u32 $0x7F, v7;
	v6 =	vadd.s32 v45, v10  }
0x1ee: {  	v55 =	vor.u32 v51, v54;
	v9 =	vor.u32 v25, v49;
	v0 =	vld.idx.msk [tilespmem:v0+s13+$0x0], $0xffff;
	v2 =	vor.u32 v2, v6  }
0x1ef: {  	[tilespmem:v8+s31+$0x0] =	vst.idx.msk $0xffff, v1;
	v1 =	vor.u32 v17, v55;
	v7 =	vld [tilespmem:$0x1B0];
	v6 =	vshll.u32 v5, $0x3;
	v2 =	vor.u32 v46, v2  }
0x1f0: {  	v6 =	vand.u32 $0xFFFFFC00, v6  }
0x1f1: {  	v5 =	vand.u32 $0x7F, v5;
	v6 =	vadd.s32 v43, v6  }
0x1f2: {  	v8 =	vld [tilespmem:$0x1F0];
	v5 =	vor.u32 v5, v6  }
0x1f3: {  	v10 =	vor.u32 v12, v44;
	v5 =	vor.u32 v41, v5;
	[tilespmem:v9+s31+$0x0] =	vst.idx.msk $0xffff, v0  }
0x1f4: {  	[tilespmem:v1+s31+$0x0] =	vst.idx.msk $0xffff, v4;
	v1 =	vshll.u32 v3, $0x3;
	v9 =	vor.u32 v27, v42;
	v6 =	vshll.u32 v7, $0x3;
	v2 =	vld.idx.msk [tilespmem:v2+s13+$0x0], $0xffff  }
0x1f5: {  	v3 =	vand.u32 $0x7F, v3;
	v1 =	vand.u32 $0xFFFFFC00, v1;
	v6 =	vand.u32 $0xFFFFFC00, v6  }
0x1f6: {  	v7 =	vand.u32 $0x7F, v7;
	v1 =	vadd.s32 v50, v1;
	v6 =	vadd.s32 v40, v6  }
0x1f7: {  	v4 =	vld [tilespmem:$0x100];
	v1 =	vor.u32 v3, v1;
	v0 =	vor.u32 v7, v6;
	v6 =	vshll.u32 v8, $0x3  }
0x1f8: {  	v8 =	vand.u32 $0x7F, v8;
	v1 =	vor.u32 v52, v1;
	v6 =	vand.u32 $0xFFFFFC00, v6  }
0x1f9: {  	v0 =	vor.u32 v37, v0;
	v5 =	vld.idx.msk [tilespmem:v5+s13+$0x0], $0xffff;
	v6 =	vadd.s32 v39, v6;
	[tilespmem:v10+s31+$0x0] =	vst.idx.msk $0xffff, v2  }
0x1fa: {  	v2 =	vor.u32 v8, v6;
	v6 =	vld [tilespmem:$0x1FF00]  }
0x1fb: {  	v7 =	vld [tilespmem:$0x90];
	v2 =	vor.u32 v35, v2  }
0x1fc: {  	v8 =	vshll.u32 v4, $0x3;
	v3 =	vld [tilespmem:$0x140]  }
0x1fd: {  	v11 =	vor.u32 v63, v53;
	v8 =	vand.u32 $0xFFFFFC00, v8;
	v1 =	vld.idx.msk [tilespmem:v1+s13+$0x0], $0xffff  }
0x1fe: {  	v4 =	vand.u32 $0x7F, v4;
	v8 =	vadd.s32 v48, v8;
	v0 =	vld.idx.msk [tilespmem:v0+s13+$0x0], $0xffff;
	[tilespmem:v9+s31+$0x0] =	vst.idx.msk $0xffff, v5  }
0x1ff: {  	v4 =	vor.u32 v4, v8;
	v8 =	vld [tilespmem:$0x180];
	v6 =	vor.u32 v6, v36  }
0x200: {  	v5 =	vor.u32 v28, v38;
	v2 =	vld.idx.msk [tilespmem:v2+s13+$0x0], $0xffff  }
0x201: {  	v10 =	vshll.u32 v7, $0x3  }
0x202: {  	v9 =	vand.u32 $0xFFFFFC00, v10;
	v4 =	vor.u32 v47, v4;
	v10 =	vshll.u32 v3, $0x3  }
0x203: {  	v7 =	vand.u32 $0x7F, v7;
	v9 =	vadd.s32 v54, v9;
	v10 =	vand.u32 $0xFFFFFC00, v10;
	[tilespmem:v11+s31+$0x0] =	vst.idx.msk $0xffff, v1  }
0x204: {  	v3 =	vand.u32 $0x7F, v3;
	[tilespmem:v6+s31+$0x0] =	vst.idx.msk $0xffff, v0;
	v0 =	vor.u32 v7, v9;
	v6 =	vadd.s32 v45, v10  }
0x205: {  	v1 =	vand.u32 $0x7F, v8;
	[tilespmem:v5+s31+$0x0] =	vst.idx.msk $0xffff, v2;
	v0 =	vor.u32 v51, v0;
	v3 =	vor.u32 v3, v6  }
0x206: {  	v6 =	vshll.u32 v8, $0x3;
	v8 =	vor.u32 v61, v55;
	v61 =	vld [tilespmem:$0x1FFF0];
	v3 =	vor.u32 v46, v3  }
0x207: {  	v4 =	vld.idx.msk [tilespmem:v4+s13+$0x0], $0xffff;
	v6 =	vand.u32 $0xFFFFFC00, v6  }
0x208: {  	v9 =	vor.u32 v26, v49;
	v7 =	vld [tilespmem:$0x1C0];
	v2 =	vadd.s32 v43, v6  }
0x209: {  	v5 =	vld [tilespmem:$0x200];
	v1 =	vor.u32 v1, v2  }
0x20a: {  	v1 =	vor.u32 v41, v1;
	v0 =	vld.idx.msk [tilespmem:v0+s13+$0x0], $0xffff  }
0x20b: {  	v10 =	vor.u32 v61, v44;
	v3 =	vld.idx.msk [tilespmem:v3+s13+$0x0], $0xffff  }
0x20c: {  	v6 =	vld [tilespmem:$0xD0]  }
0x20d: {  	[tilespmem:v9+s31+$0x0] =	vst.idx.msk $0xffff, v4;
	v2 =	vshll.u32 v7, $0x3  }
0x20e: {  	v9 =	vor.u32 v56, v42;
	v4 =	vld [tilespmem:$0x110];
	v2 =	vand.u32 $0xFFFFFC00, v2  }
0x20f: {  	v7 =	vand.u32 $0x7F, v7;
	v2 =	vadd.s32 v40, v2;
	[tilespmem:v8+s31+$0x0] =	vst.idx.msk $0xffff, v0;
	v0 =	vld.idx.msk [tilespmem:v1+s13+$0x0], $0xffff  }
0x210: {  	v2 =	vor.u32 v7, v2;
	v7 =	vshll.u32 v5, $0x3;
	[tilespmem:v10+s31+$0x0] =	vst.idx.msk $0xffff, v3  }
0x211: {  	v11 =	vshll.u32 v6, $0x3;
	v2 =	vor.u32 v37, v2;
	v7 =	vand.u32 $0xFFFFFC00, v7;
	v14 =	vld [tilespmem:$0x1FEF0]  }
0x212: {  	v6 =	vand.u32 $0x7F, v6;
	v5 =	vand.u32 $0x7F, v5;
	v7 =	vadd.s32 v39, v7  }
0x213: {  	v1 =	vand.u32 $0xFFFFFC00, v11;
	v8 =	vld [tilespmem:$0xA0];
	v3 =	vor.u32 v5, v7;
	v7 =	vshll.u32 v4, $0x3  }
0x214: {  	v1 =	vadd.s32 v50, v1;
	v4 =	vand.u32 $0x7F, v4;
	v5 =	vld [tilespmem:$0x150];
	v7 =	vand.u32 $0xFFFFFC00, v7;
	[tilespmem:v9+s31+$0x0] =	vst.idx.msk $0xffff, v0  }
0x215: {  	v1 =	vor.u32 v6, v1;
	v3 =	vor.u32 v35, v3;
	v7 =	vadd.s32 v48, v7;
	v11 =	vld [tilespmem:$0x1FE50]  }
0x216: {  	v1 =	vor.u32 v52, v1;
	v2 =	vld.idx.msk [tilespmem:v2+s13+$0x0], $0xffff;
	v4 =	vor.u32 v4, v7;
	v6 =	vor.u32 v14, v36  }
0x217: {  	v4 =	vor.u32 v47, v4  }
0x218: {  	v0 =	vand.u32 $0x7F, v8;
	v8 =	vshll.u32 v8, $0x3  }
0x219: {  	v10 =	vor.u32 v22, v38;
	v7 =	vld [tilespmem:$0x190];
	v9 =	vshll.u32 v5, $0x3;
	v8 =	vand.u32 $0xFFFFFC00, v8  }
0x21a: {  	v3 =	vld.idx.msk [tilespmem:v3+s13+$0x0], $0xffff;
	v5 =	vand.u32 $0x7F, v5;
	v9 =	vand.u32 $0xFFFFFC00, v9;
	v11 =	vor.u32 v11, v53  }
0x21b: {  	v1 =	vld.idx.msk [tilespmem:v1+s13+$0x0], $0xffff;
	[tilespmem:v6+s31+$0x0] =	vst.idx.msk $0xffff, v2;
	v2 =	vadd.s32 v54, v8;
	v6 =	vadd.s32 v45, v9  }
0x21c: {  	v4 =	vld.idx.msk [tilespmem:v4+s13+$0x0], $0xffff;
	v0 =	vor.u32 v0, v2;
	v2 =	vor.u32 v5, v6;
	v6 =	vor.u32 v18, v49;
	_ =	sdelay $0x1  }
0x21d: {  	v5 =	vshll.u32 v7, $0x3  }
0x21e: {  	[tilespmem:v10+s31+$0x0] =	vst.idx.msk $0xffff, v3;
	v5 =	vand.u32 $0xFFFFFC00, v5  }
0x21f: {  	v3 =	vand.u32 $0x7F, v7;
	v8 =	vld [tilespmem:$0x1D0];
	v2 =	vor.u32 v46, v2;
	v5 =	vadd.s32 v43, v5;
	[tilespmem:v11+s31+$0x0] =	vst.idx.msk $0xffff, v1  }
0x220: {  	v0 =	vor.u32 v51, v0;
	v3 =	vor.u32 v3, v5;
	[tilespmem:v6+s31+$0x0] =	vst.idx.msk $0xffff, v4  }
0x221: {  	v3 =	vor.u32 v41, v3;
	v13 =	vld [tilespmem:$0x1FFB0]  }
0x222: {  	v1 =	vld [tilespmem:$0x210]  }
0x223: {  	v5 =	vld [tilespmem:$0xE0]  }
0x224: {  	v10 =	vor.u32 v29, v44;
	v7 =	vshll.u32 v8, $0x3;
	v2 =	vld.idx.msk [tilespmem:v2+s13+$0x0], $0xffff  }
0x225: {  	v6 =	vor.u32 v57, v55;
	v7 =	vand.u32 $0xFFFFFC00, v7;
	v0 =	vld.idx.msk [tilespmem:v0+s13+$0x0], $0xffff  }
0x226: {  	s1 =	simm.s32 $0x7;
	v8 =	vand.u32 $0x7F, v8;
	v7 =	vadd.s32 v40, v7;
	v3 =	vld.idx.msk [tilespmem:v3+s13+$0x0], $0xffff;
	v60 =	vor.u32 v13, v42  }
0x227: {  	v9 =	vmov s1;
	v4 =	vor.u32 v8, v7;
	v7 =	vld [tilespmem:$0x120];
	v8 =	vshll.u32 v1, $0x3  }
0x228: {  	v1 =	vand.u32 $0x7F, v1;
	v62 =	vshll.u32 v5, $0x3;
	v8 =	vand.u32 $0xFFFFFC00, v8  }
0x229: {  	v12 =	vld [tilespmem:$0x80];
	v4 =	vor.u32 v37, v4;
	v56 =	vand.u32 $0xFFFFFC00, v62;
	v8 =	vadd.s32 v39, v8;
	[tilespmem:v10+s31+$0x0] =	vst.idx.msk $0xffff, v2  }
0x22a: {  	v5 =	vand.u32 $0x7F, v5;
	v56 =	vadd.s32 v50, v56;
	v1 =	vor.u32 v1, v8;
	v2 =	vld [tilespmem:$0x1FF10];
	[tilespmem:v6+s31+$0x0] =	vst.idx.msk $0xffff, v0  }
0x22b: {  	v11 =	vshll.u32 v9, $0x7;
	v5 =	vor.u32 v5, v56;
	v8 =	vld [tilespmem:$0x160];
	v1 =	vor.u32 v35, v1;
	[tilespmem:v60+s31+$0x0] =	vst.idx.msk $0xffff, v3  }
0x22c: {  	v9 =	vshll.u32 v9, $0x9;
	v0 =	vor.u32 v52, v5;
	v5 =	vshll.u32 v7, $0x3;
	v3 =	vld [tilespmem:$0x1FE60]  }
0x22d: {  	v56 =	vand.u32 $0x7000, v9;
	v10 =	vld [tilespmem:$0xB0];
	v5 =	vand.u32 $0xFFFFFC00, v5  }
0x22e: {  	v9 =	vand.u32 $0x7F, v12;
	v7 =	vand.u32 $0x7F, v7;
	v4 =	vld.idx.msk [tilespmem:v4+s13+$0x0], $0xffff;
	v5 =	vadd.s32 v48, v5  }
0x22f: {  	v12 =	vshll.u32 v12, $0x3;
	v5 =	vor.u32 v7, v5;
	v2 =	vor.u32 v2, v36;
	v7 =	vld [tilespmem:$0x1A0]  }
0x230: {  	v6 =	vor.u32 v30, v38;
	v12 =	vand.u32 $0xFFFFFC00, v12;
	v1 =	vld.idx.msk [tilespmem:v1+s13+$0x0], $0xffff  }
0x231: {  	v12 =	vadd.s32 v56, v12;
	v0 =	vld.idx.msk [tilespmem:v0+s13+$0x0], $0xffff;
	v3 =	vor.u32 v3, v53  }
0x232: {  	v57 =	vand.u32 $0x380, v11;
	v9 =	vor.u32 v9, v12  }
0x233: {  	v9 =	vor.u32 v57, v9;
	v5 =	vor.u32 v47, v5;
	v60 =	vshll.u32 v8, $0x3  }
0x234: {  	v11 =	vand.u32 $0xFFFFFC00, v60;
	[tilespmem:v2+s31+$0x0] =	vst.idx.msk $0xffff, v4;
	v2 =	vshll.u32 v10, $0x3;
	v4 =	vand.u32 $0x7F, v8  }
0x235: {  	v8 =	vadd.s32 v45, v11;
	v10 =	vand.u32 $0x7F, v10;
	v2 =	vand.u32 $0xFFFFFC00, v2;
	v12 =	vld [tilespmem:$0x1FE70];
	[tilespmem:v6+s31+$0x0] =	vst.idx.msk $0xffff, v1  }
0x236: {  	v4 =	vor.u32 v4, v8;
	v8 =	vshll.u32 v7, $0x3;
	v2 =	vadd.s32 v54, v2;
	[tilespmem:v3+s31+$0x0] =	vst.idx.msk $0xffff, v0  }
0x237: {  	v4 =	vor.u32 v46, v4;
	v1 =	vor.u32 v10, v2;
	v2 =	vand.u32 $0x7F, v7;
	v7 =	vld [tilespmem:$0x1FFA0];
	_ =	sdelay $0x1  }
0x238: {  	v11 =	vld [tilespmem:$0x1E0]  }
0x239: {  	v58 =	vor.u32 v57, v56;
	v5 =	vld.idx.msk [tilespmem:v5+s13+$0x0], $0xffff;
	v12 =	vor.u32 v12, v49  }
0x23a: {  	v9 =	vld.idx.msk [tilespmem:v9+s13+$0x0], $0xffff;
	v8 =	vand.u32 $0xFFFFFC00, v8;
	v10 =	vor.u32 v17, v58  }
0x23b: {  	v6 =	vadd.s32 v43, v8;
	v4 =	vld.idx.msk [tilespmem:v4+s13+$0x0], $0xffff;
	v7 =	vor.u32 v7, v44  }
0x23c: {  	v2 =	vor.u32 v2, v6  }
0x23d: {  	v2 =	vor.u32 v41, v2;
	v6 =	vshll.u32 v11, $0x3  }
0x23e: {  	v0 =	vld [tilespmem:$0x220];
	v6 =	vand.u32 $0xFFFFFC00, v6;
	[tilespmem:v12+s31+$0x0] =	vst.idx.msk $0xffff, v5  }
0x23f: {  	v1 =	vor.u32 v51, v1;
	v8 =	vand.u32 $0x7F, v11;
	v6 =	vadd.s32 v40, v6;
	v12 =	vld [tilespmem:$0x1FE30];
	[tilespmem:v10+s31+$0x0] =	vst.idx.msk $0xffff, v9  }
0x240: {  	v3 =	vld [tilespmem:$0xF0];
	v5 =	vor.u32 v8, v6;
	[tilespmem:v7+s31+$0x0] =	vst.idx.msk $0xffff, v4  }
0x241: {  	v5 =	vor.u32 v37, v5;
	v10 =	vld [tilespmem:$0x1FFC0]  }
0x242: {  	v2 =	vld.idx.msk [tilespmem:v2+s13+$0x0], $0xffff  }
0x243: {  	v8 =	vor.u32 v16, v42;
	v6 =	vld [tilespmem:$0x130]  }
0x244: {  	v1 =	vld.idx.msk [tilespmem:v1+s13+$0x0], $0xffff;
	v12 =	vor.u32 v12, v55  }
0x245: {  	v11 =	vshll.u32 v0, $0x3;
	v0 =	vand.u32 $0x7F, v0;
	v7 =	vld [tilespmem:$0x90]  }
0x246: {  	v59 =	vshll.u32 v3, $0x3;
	v11 =	vand.u32 $0xFFFFFC00, v11;
	v5 =	vld.idx.msk [tilespmem:v5+s13+$0x0], $0xffff;
	v10 =	vor.u32 v10, v36  }
0x247: {  	v3 =	vand.u32 $0x7F, v3;
	v59 =	vand.u32 $0xFFFFFC00, v59;
	v11 =	vadd.s32 v39, v11  }
0x248: {  	v59 =	vadd.s32 v50, v59;
	v0 =	vor.u32 v0, v11;
	v9 =	vshll.u32 v6, $0x3;
	[tilespmem:v8+s31+$0x0] =	vst.idx.msk $0xffff, v2  }
0x249: {  	v3 =	vor.u32 v3, v59;
	v0 =	vor.u32 v35, v0;
	v4 =	vld [tilespmem:$0x170];
	[tilespmem:v12+s31+$0x0] =	vst.idx.msk $0xffff, v1;
	v1 =	vand.u32 $0xFFFFFC00, v9  }
0x24a: {  	v3 =	vor.u32 v52, v3;
	v6 =	vand.u32 $0x7F, v6;
	v1 =	vadd.s32 v48, v1;
	v16 =	vld [tilespmem:$0x1FE90]  }
0x24b: {  	v11 =	vshll.u32 v7, $0x3;
	v12 =	vld [tilespmem:$0x1FF60];
	v1 =	vor.u32 v6, v1;
	[tilespmem:v10+s31+$0x0] =	vst.idx.msk $0xffff, v5  }
0x24c: {  	v1 =	vor.u32 v47, v1;
	v5 =	vand.u32 $0xFFFFFC00, v11;
	v11 =	vld [tilespmem:$0x1FE80]  }
0x24d: {  	v2 =	vld [tilespmem:$0x1B0]  }
0x24e: {  	v0 =	vld.idx.msk [tilespmem:v0+s13+$0x0], $0xffff  }
0x24f: {  	v3 =	vld.idx.msk [tilespmem:v3+s13+$0x0], $0xffff;
	v8 =	vor.u32 v16, v38  }
0x250: {  	v9 =	vld [tilespmem:$0xC0];
	v12 =	vor.u32 v12, v53  }
0x251: {  	v6 =	vshll.u32 v4, $0x3;
	v1 =	vld.idx.msk [tilespmem:v1+s13+$0x0], $0xffff;
	v11 =	vor.u32 v11, v49  }
0x252: {  	v7 =	vand.u32 $0x7F, v7;
	v4 =	vand.u32 $0x7F, v4;
	v6 =	vand.u32 $0xFFFFFC00, v6  }
0x253: {  	v6 =	vadd.s32 v45, v6;
	v10 =	vshll.u32 v2, $0x3;
	v5 =	vadd.s32 v56, v5  }
0x254: {  	v4 =	vor.u32 v4, v6;
	v6 =	vld [tilespmem:$0x1F0];
	v5 =	vor.u32 v7, v5;
	v7 =	vand.u32 $0xFFFFFC00, v10;
	[tilespmem:v8+s31+$0x0] =	vst.idx.msk $0xffff, v0  }
0x255: {  	v2 =	vand.u32 $0x7F, v2;
	v7 =	vadd.s32 v43, v7;
	[tilespmem:v12+s31+$0x0] =	vst.idx.msk $0xffff, v3  }
0x256: {  	v4 =	vor.u32 v46, v4;
	v10 =	vshll.u32 v9, $0x3;
	v2 =	vor.u32 v2, v7;
	v3 =	vld [tilespmem:$0x230];
	[tilespmem:v11+s31+$0x0] =	vst.idx.msk $0xffff, v1  }
0x257: {  	v2 =	vor.u32 v41, v2;
	v0 =	vand.u32 $0xFFFFFC00, v10;
	v10 =	vld [tilespmem:$0x1FF00]  }
0x258: {  	v5 =	vor.u32 v57, v5;
	v12 =	vld [tilespmem:$0x1FE10]  }
0x259: {  	v8 =	vand.u32 $0x7F, v9;
	v9 =	vshll.u32 v6, $0x3;
	v0 =	vadd.s32 v54, v0;
	v7 =	vld [tilespmem:$0x100]  }
0x25a: {  	v0 =	vor.u32 v8, v0;
	v8 =	vand.u32 $0xFFFFFC00, v9  }
0x25b: {  	v4 =	vld.idx.msk [tilespmem:v4+s13+$0x0], $0xffff;
	v6 =	vand.u32 $0x7F, v6;
	v9 =	vor.u32 v27, v44;
	v8 =	vadd.s32 v40, v8  }
0x25c: {  	v6 =	vor.u32 v6, v8;
	v2 =	vld.idx.msk [tilespmem:v2+s13+$0x0], $0xffff;
	v10 =	vor.u32 v10, v42  }
0x25d: {  	v5 =	vld.idx.msk [tilespmem:v5+s13+$0x0], $0xffff;
	v6 =	vor.u32 v37, v6;
	v11 =	vshll.u32 v3, $0x3;
	v12 =	vor.u32 v12, v58  }
0x25e: {  	v0 =	vor.u32 v51, v0;
	v15 =	vld [tilespmem:$0x1FF20];
	v62 =	vshll.u32 v7, $0x3;
	v11 =	vand.u32 $0xFFFFFC00, v11  }
0x25f: {  	v8 =	vld [tilespmem:$0x140];
	v3 =	vand.u32 $0x7F, v3;
	v59 =	vand.u32 $0xFFFFFC00, v62;
	v11 =	vadd.s32 v39, v11  }
0x260: {  	v7 =	vand.u32 $0x7F, v7;
	[tilespmem:v9+s31+$0x0] =	vst.idx.msk $0xffff, v4;
	v59 =	vadd.s32 v50, v59;
	v3 =	vor.u32 v3, v11  }
0x261: {  	v4 =	vor.u32 v7, v59;
	v3 =	vor.u32 v35, v3;
	[tilespmem:v10+s31+$0x0] =	vst.idx.msk $0xffff, v2  }
0x262: {  	v4 =	vor.u32 v52, v4;
	v6 =	vld.idx.msk [tilespmem:v6+s13+$0x0], $0xffff;
	[tilespmem:v12+s31+$0x0] =	vst.idx.msk $0xffff, v5  }
0x263: {  	v1 =	vor.u32 v15, v36;
	v10 =	vld [tilespmem:$0x1FEA0]  }
0x264: {  	v0 =	vld.idx.msk [tilespmem:v0+s13+$0x0], $0xffff;
	v9 =	vshll.u32 v8, $0x3  }
0x265: {  	v7 =	vld [tilespmem:$0x180];
	v11 =	vor.u32 v63, v55;
	v9 =	vand.u32 $0xFFFFFC00, v9  }
0x266: {  	s1 =	simm.s32 $0x8;
	v8 =	vand.u32 $0x7F, v8;
	v9 =	vadd.s32 v48, v9;
	v3 =	vld.idx.msk [tilespmem:v3+s13+$0x0], $0xffff  }
0x267: {  	v59 =	vor.u32 v26, v53;
	v4 =	vld.idx.msk [tilespmem:v4+s13+$0x0], $0xffff;
	v2 =	vor.u32 v8, v9;
	v12 =	vmov s1  }
0x268: {  	v5 =	vld [tilespmem:$0x1C0];
	v2 =	vor.u32 v47, v2;
	[tilespmem:v1+s31+$0x0] =	vst.idx.msk $0xffff, v6;
	v1 =	vshll.u32 v12, $0x7;
	v10 =	vor.u32 v10, v38  }
0x269: {  	v8 =	vld [tilespmem:$0xA0];
	[tilespmem:$0x1FDB0] =	vst v1  }
0x26a: {  	v9 =	vshll.u32 v7, $0x3;
	[tilespmem:v11+s31+$0x0] =	vst.idx.msk $0xffff, v0;
	v0 =	vand.u32 $0x7F, v7;
	v7 =	vld [tilespmem:$0x200]  }
0x26b: {  	v9 =	vand.u32 $0xFFFFFC00, v9  }
0x26c: {  	v6 =	vadd.s32 v45, v9;
	[tilespmem:v59+s31+$0x0] =	vst.idx.msk $0xffff, v4  }
0x26d: {  	v60 =	vor.u32 v61, v49;
	v0 =	vor.u32 v0, v6;
	v2 =	vld.idx.msk [tilespmem:v2+s13+$0x0], $0xffff;
	[tilespmem:v10+s31+$0x0] =	vst.idx.msk $0xffff, v3  }
0x26e: {  	v0 =	vor.u32 v46, v0;
	v4 =	vld [tilespmem:$0x1FFE0]  }
0x26f: {  	v59 =	vshll.u32 v7, $0x3  }
0x270: {  	v59 =	vand.u32 $0xFFFFFC00, v59  }
0x271: {  	v7 =	vand.u32 $0x7F, v7;
	v59 =	vadd.s32 v40, v59  }
0x272: {  	v6 =	vshll.u32 v5, $0x3;
	[tilespmem:v60+s31+$0x0] =	vst.idx.msk $0xffff, v2;
	v2 =	vor.u32 v7, v59  }
0x273: {  	v6 =	vand.u32 $0xFFFFFC00, v6;
	v0 =	vld.idx.msk [tilespmem:v0+s13+$0x0], $0xffff;
	v2 =	vor.u32 v37, v2;
	v4 =	vor.u32 v4, v44  }
0x274: {  	v9 =	vld [tilespmem:$0xD0];
	v5 =	vand.u32 $0x7F, v5;
	v6 =	vadd.s32 v43, v6  }
0x275: {  	v5 =	vor.u32 v5, v6;
	v6 =	vld [tilespmem:$0x240]  }
0x276: {  	v10 =	vld [tilespmem:$0x110]  }
0x277: {  	v5 =	vor.u32 v41, v5  }
0x278: {  	v11 =	vshll.u32 v12, $0x9;
	v12 =	vld.idx.msk [tilespmem:v2+s13+$0x0], $0xffff;
	[tilespmem:v4+s31+$0x0] =	vst.idx.msk $0xffff, v0  }
0x279: {  	v2 =	vld [tilespmem:$0x1FF30]  }
0x27a: {  	v1 =	vor.u32 v14, v42;
	v59 =	vshll.u32 v6, $0x3  }
0x27b: {  	v61 =	vshll.u32 v9, $0x3;
	v60 =	vshll.u32 v10, $0x3;
	v59 =	vand.u32 $0xFFFFFC00, v59  }
0x27c: {  	v5 =	vld.idx.msk [tilespmem:v5+s13+$0x0], $0xffff;
	v60 =	vand.u32 $0xFFFFFC00, v60;
	v6 =	vand.u32 $0x7F, v6;
	v59 =	vadd.s32 v39, v59  }
0x27d: {  	v10 =	vand.u32 $0x7F, v10;
	v60 =	vadd.s32 v50, v60;
	v0 =	vor.u32 v6, v59  }
0x27e: {  	v6 =	vor.u32 v10, v60;
	v0 =	vor.u32 v35, v0;
	v10 =	vor.u32 v2, v36;
	v2 =	vld [tilespmem:$0x1FE50]  }
0x27f: {  	v61 =	vand.u32 $0xFFFFFC00, v61  }
0x280: {  	v9 =	vand.u32 $0x7F, v9;
	v61 =	vadd.s32 v54, v61  }
0x281: {  	v7 =	vor.u32 v9, v61;
	v9 =	vld [tilespmem:$0x150];
	[tilespmem:v1+s31+$0x0] =	vst.idx.msk $0xffff, v5  }
0x282: {  	v1 =	vld [tilespmem:$0x1FDB0]  }
0x283: {  	v3 =	vand.u32 $0x7F, v8;
	v8 =	vshll.u32 v8, $0x3;
	v63 =	vor.u32 v2, v55;
	v2 =	vld.idx.msk [tilespmem:v0+s13+$0x0], $0xffff  }
0x284: {  	v8 =	vand.u32 $0xFFFFFC00, v8;
	v0 =	vld [tilespmem:$0x1FF80]  }
0x285: {  	v4 =	vadd.s32 v56, v8  }
0x286: {  	v3 =	vor.u32 v3, v4;
	v4 =	vor.u32 v52, v6;
	v6 =	vshll.u32 v9, $0x3  }
0x287: {  	v6 =	vand.u32 $0xFFFFFC00, v6  }
0x288: {  	v9 =	vand.u32 $0x7F, v9;
	v3 =	vor.u32 v57, v3;
	v6 =	vadd.s32 v48, v6  }
0x289: {  	v60 =	vand.u32 $0x380, v1;
	v1 =	vor.u32 v9, v6;
	v9 =	vor.u32 v0, v53;
	v0 =	vld [tilespmem:$0x1FEB0];
	_ =	sdelay $0x1  }
0x28a: {  	v7 =	vor.u32 v51, v7;
	_ =	sdelay $0x2  }
0x28b: {  	v61 =	vand.u32 $0x7000, v11;
	v11 =	vor.u32 v0, v38;
	v0 =	vld.idx.msk [tilespmem:v3+s13+$0x0], $0xffff  }
0x28c: {  	v62 =	vld [tilespmem:$0x80]  }
0x28d: {  	v7 =	vld.idx.msk [tilespmem:v7+s13+$0x0], $0xffff  }
0x28e: {  	v8 =	vld [tilespmem:$0x190]  }
0x28f: {  	v4 =	vld.idx.msk [tilespmem:v4+s13+$0x0], $0xffff  }
0x290: {  	v5 =	vld [tilespmem:$0x1D0];
	[tilespmem:$0x1FDC0] =	vst v0  }
0x291: {  	[tilespmem:v10+s31+$0x0] =	vst.idx.msk $0xffff, v12  }
0x292: {  	v0 =	vld [tilespmem:$0x1FEC0];
	_ =	sdelay $0x3  }
0x293: {  	[tilespmem:v63+s31+$0x0] =	vst.idx.msk $0xffff, v7  }
0x294: {  	v14 =	vor.u32 v0, v38;
	v0 =	vld [tilespmem:$0x1FF10];
	_ =	sdelay $0x4  }
0x295: {  	v63 =	vor.u32 v0, v42;
	v0 =	vld [tilespmem:$0x1FE20];
	_ =	sdelay $0x1  }
0x296: {  	v6 =	vshll.u32 v8, $0x3  }
0x297: {  	v6 =	vand.u32 $0xFFFFFC00, v6  }
0x298: {  	v8 =	vand.u32 $0x7F, v8;
	v6 =	vadd.s32 v45, v6  }
0x299: {  	v1 =	vor.u32 v47, v1;
	v6 =	vor.u32 v8, v6;
	v8 =	vor.u32 v0, v58;
	v0 =	vld [tilespmem:$0x1FF90];
	_ =	sdelay $0x4  }
0x29a: {  	v3 =	vld.idx.msk [tilespmem:v1+s13+$0x0], $0xffff;
	v1 =	vor.u32 v0, v49  }
0x29b: {  	v12 =	vshll.u32 v5, $0x3;
	v7 =	vld [tilespmem:$0x210];
	[tilespmem:v11+s31+$0x0] =	vst.idx.msk $0xffff, v2  }
0x29c: {  	v6 =	vor.u32 v46, v6;
	v12 =	vand.u32 $0xFFFFFC00, v12;
	v0 =	vld [tilespmem:$0x1FFB0]  }
0x29d: {  	v5 =	vand.u32 $0x7F, v5;
	v12 =	vadd.s32 v43, v12  }
0x29e: {  	[tilespmem:v9+s31+$0x0] =	vst.idx.msk $0xffff, v4;
	v4 =	vor.u32 v5, v12;
	v5 =	vld [tilespmem:$0x250]  }
0x29f: {  	v10 =	vld [tilespmem:$0xE0];
	[tilespmem:v1+s31+$0x0] =	vst.idx.msk $0xffff, v3  }
0x2a0: {  	v11 =	vand.u32 $0x7F, v62;
	v9 =	vshll.u32 v62, $0x3;
	v62 =	vshll.u32 v7, $0x3;
	v3 =	vld [tilespmem:$0x1FDC0]  }
0x2a1: {  	v6 =	vld.idx.msk [tilespmem:v6+s13+$0x0], $0xffff;
	v62 =	vand.u32 $0xFFFFFC00, v62;
	v2 =	vor.u32 v0, v44  }
0x2a2: {  	v7 =	vand.u32 $0x7F, v7;
	v4 =	vor.u32 v41, v4;
	v62 =	vadd.s32 v40, v62  }
0x2a3: {  	v12 =	vld [tilespmem:$0x120];
	v1 =	vor.u32 v7, v62;
	v7 =	vshll.u32 v5, $0x3  }
0x2a4: {  	v9 =	vand.u32 $0xFFFFFC00, v9;
	v7 =	vand.u32 $0xFFFFFC00, v7  }
0x2a5: {  	v0 =	vshll.u32 v10, $0x3;
	v5 =	vand.u32 $0x7F, v5;
	v7 =	vadd.s32 v39, v7;
	[tilespmem:v8+s31+$0x0] =	vst.idx.msk $0xffff, v3  }
0x2a6: {  	v0 =	vand.u32 $0xFFFFFC00, v0;
	[tilespmem:v2+s31+$0x0] =	vst.idx.msk $0xffff, v6;
	v2 =	vor.u32 v5, v7;
	v5 =	vadd.s32 v61, v9;
	v8 =	vld [tilespmem:$0xB0]  }
0x2a7: {  	v10 =	vand.u32 $0x7F, v10;
	v4 =	vld.idx.msk [tilespmem:v4+s13+$0x0], $0xffff;
	v0 =	vadd.s32 v54, v0;
	v5 =	vor.u32 v11, v5  }
0x2a8: {  	v0 =	vor.u32 v10, v0;
	v10 =	vshll.u32 v12, $0x3;
	v5 =	vor.u32 v60, v5  }
0x2a9: {  	v10 =	vand.u32 $0xFFFFFC00, v10  }
0x2aa: {  	v1 =	vor.u32 v37, v1;
	v12 =	vand.u32 $0x7F, v12;
	v10 =	vadd.s32 v50, v10;
	v3 =	vld [tilespmem:$0x160]  }
0x2ab: {  	v0 =	vor.u32 v51, v0;
	v6 =	vor.u32 v12, v10;
	v10 =	vld [tilespmem:$0x1FE60];
	v11 =	vshll.u32 v8, $0x3  }
0x2ac: {  	v7 =	vld [tilespmem:$0x1A0];
	v2 =	vor.u32 v35, v2;
	[tilespmem:v63+s31+$0x0] =	vst.idx.msk $0xffff, v4;
	v4 =	vand.u32 $0xFFFFFC00, v11  }
0x2ad: {  	v6 =	vor.u32 v52, v6;
	v8 =	vand.u32 $0x7F, v8;
	v5 =	vld.idx.msk [tilespmem:v5+s13+$0x0], $0xffff;
	v4 =	vadd.s32 v56, v4  }
0x2ae: {  	v4 =	vor.u32 v8, v4;
	v8 =	vld [tilespmem:$0x1FE70]  }
0x2af: {  	v13 =	vor.u32 v30, v36;
	v1 =	vld.idx.msk [tilespmem:v1+s13+$0x0], $0xffff  }
0x2b0: {  	v0 =	vld.idx.msk [tilespmem:v0+s13+$0x0], $0xffff;
	v9 =	vshll.u32 v3, $0x3;
	v10 =	vor.u32 v10, v55  }
0x2b1: {  	v2 =	vld.idx.msk [tilespmem:v2+s13+$0x0], $0xffff;
	v9 =	vand.u32 $0xFFFFFC00, v9  }
0x2b2: {  	v3 =	vand.u32 $0x7F, v3;
	v6 =	vld.idx.msk [tilespmem:v6+s13+$0x0], $0xffff;
	v9 =	vadd.s32 v48, v9;
	v11 =	vshll.u32 v7, $0x3  }
0x2b3: {  	v3 =	vor.u32 v3, v9;
	v9 =	vld [tilespmem:$0x1E0];
	v11 =	vand.u32 $0xFFFFFC00, v11;
	[tilespmem:$0x1FDD0] =	vst v5;
	v8 =	vor.u32 v8, v53  }
0x2b4: {  	v7 =	vand.u32 $0x7F, v7;
	v11 =	vadd.s32 v45, v11;
	[tilespmem:v13+s31+$0x0] =	vst.idx.msk $0xffff, v1  }
0x2b5: {  	[tilespmem:v10+s31+$0x0] =	vst.idx.msk $0xffff, v0;
	v0 =	vor.u32 v7, v11  }
0x2b6: {  	v3 =	vor.u32 v47, v3;
	v5 =	vor.u32 v57, v4;
	v4 =	vor.u32 v46, v0;
	v0 =	vld [tilespmem:$0x1FFA0]  }
0x2b7: {  	v1 =	vld [tilespmem:$0x1FED0];
	[tilespmem:v14+s31+$0x0] =	vst.idx.msk $0xffff, v2  }
0x2b8: {  	v7 =	vld [tilespmem:$0x220];
	[tilespmem:v8+s31+$0x0] =	vst.idx.msk $0xffff, v6  }
0x2b9: {  	v6 =	vld [tilespmem:$0x1FFD0]  }
0x2ba: {  	v11 =	vshll.u32 v9, $0x3  }
0x2bb: {  	v63 =	vld.idx.msk [tilespmem:v3+s13+$0x0], $0xffff;
	v3 =	vand.u32 $0xFFFFFC00, v11;
	v11 =	vor.u32 v0, v49  }
0x2bc: {  	v9 =	vand.u32 $0x7F, v9;
	v3 =	vadd.s32 v43, v3  }
0x2bd: {  	v2 =	vor.u32 v9, v3;
	v62 =	vor.u32 v1, v38;
	v1 =	vor.u32 v16, v36;
	v0 =	vld [tilespmem:$0x1FFC0]  }
0x2be: {  	v16 =	vor.u32 v41, v2;
	v2 =	vld [tilespmem:$0x1FE30];
	v13 =	vor.u32 v6, v44;
	v6 =	vshll.u32 v7, $0x3  }
0x2bf: {  	v6 =	vand.u32 $0xFFFFFC00, v6  }
0x2c0: {  	v59 =	vor.u32 v60, v61;
	v10 =	vld [tilespmem:$0xF0];
	[tilespmem:v11+s31+$0x0] =	vst.idx.msk $0xffff, v63;
	v7 =	vand.u32 $0x7F, v7;
	v6 =	vadd.s32 v40, v6  }
0x2c1: {  	v12 =	vor.u32 v17, v59;
	v7 =	vor.u32 v7, v6;
	v6 =	vld [tilespmem:$0x1FDD0]  }
0x2c2: {  	v3 =	vor.u32 v0, v42;
	v0 =	vld [tilespmem:$0x130]  }
0x2c3: {  	v5 =	vld.idx.msk [tilespmem:v5+s13+$0x0], $0xffff;
	v2 =	vor.u32 v2, v58;
	_ =	sdelay $0x1  }
0x2c4: {  	v14 =	vld.idx.msk [tilespmem:v4+s13+$0x0], $0xffff  }
0x2c5: {  	v9 =	vshll.u32 v10, $0x3;
	v8 =	vld [tilespmem:$0x260];
	v7 =	vor.u32 v37, v7;
	[tilespmem:v12+s31+$0x0] =	vst.idx.msk $0xffff, v6  }
0x2c6: {  	v4 =	vand.u32 $0xFFFFFC00, v9;
	v9 =	vand.u32 $0x7F, v10;
	v10 =	vshll.u32 v0, $0x3;
	v6 =	vld [tilespmem:$0x170];
	[tilespmem:$0x1FDE0] =	vst v7  }
0x2c7: {  	[tilespmem:v2+s31+$0x0] =	vst.idx.msk $0xffff, v5;
	v2 =	vand.u32 $0xFFFFFC00, v10  }
0x2c8: {  	v0 =	vand.u32 $0x7F, v0;
	v2 =	vadd.s32 v50, v2  }
0x2c9: {  	[tilespmem:v13+s31+$0x0] =	vst.idx.msk $0xffff, v14;
	v2 =	vor.u32 v0, v2  }
0x2ca: {  	v10 =	vor.u32 v52, v2;
	v2 =	vld [tilespmem:$0x1FE80];
	_ =	sdelay $0x4  }
0x2cb: {  	v7 =	vshll.u32 v8, $0x3;
	v5 =	vand.u32 $0x7F, v8;
	v8 =	vor.u32 v2, v53;
	v2 =	vld [tilespmem:$0x1FDE0];
	_ =	sdelay $0x1  }
0x2cc: {  	v4 =	vadd.s32 v54, v4  }
0x2cd: {  	v4 =	vor.u32 v9, v4;
	v7 =	vand.u32 $0xFFFFFC00, v7  }
0x2ce: {  	v12 =	vor.u32 v51, v4;
	v9 =	vld [tilespmem:$0x90];
	v7 =	vadd.s32 v39, v7  }
0x2cf: {  	v4 =	vld.idx.msk [tilespmem:v16+s13+$0x0], $0xffff;
	v7 =	vor.u32 v5, v7  }
0x2d0: {  	v11 =	vld [tilespmem:$0xC0];
	v63 =	vor.u32 v35, v7  }
0x2d1: {  	v5 =	vld [tilespmem:$0x1B0]  }
0x2d2: {  	s1 =	simm.s32 $0x9;
	v0 =	vor.u32 v15, v42;
	v7 =	vshll.u32 v6, $0x3;
	v2 =	vld.idx.msk [tilespmem:v2+s13+$0x0], $0xffff  }
.LBB2_2:
0x2d3: {  	v13 =	vshll.u32 v9, $0x3;
	v12 =	vld.idx.msk [tilespmem:v12+s13+$0x0], $0xffff;
	v14 =	vor.u32 v25, v55;
	v7 =	vand.u32 $0xFFFFFC00, v7  }
0x2d4: {  	v6 =	vand.u32 $0x7F, v6;
	[tilespmem:v3+s31+$0x0] =	vst.idx.msk $0xffff, v4;
	v13 =	vand.u32 $0xFFFFFC00, v13;
	v7 =	vadd.s32 v48, v7  }
0x2d5: {  	v3 =	vand.u32 $0x7F, v9;
	v9 =	vld.idx.msk [tilespmem:v63+s13+$0x0], $0xffff;
	v4 =	vadd.s32 v61, v13;
	v6 =	vor.u32 v6, v7  }
0x2d6: {  	v7 =	vld [tilespmem:$0x1F0];
	v3 =	vor.u32 v3, v4;
	v4 =	vor.u32 v47, v6;
	v6 =	vshll.u32 v5, $0x3  }
0x2d7: {  	v10 =	vld.idx.msk [tilespmem:v10+s13+$0x0], $0xffff;
	v13 =	vshll.u32 v11, $0x3;
	v3 =	vor.u32 v60, v3;
	[tilespmem:v1+s31+$0x0] =	vst.idx.msk $0xffff, v2;
	v6 =	vand.u32 $0xFFFFFC00, v6  }
0x2d8: {  	v13 =	vand.u32 $0xFFFFFC00, v13;
	v5 =	vand.u32 $0x7F, v5;
	[tilespmem:v14+s31+$0x0] =	vst.idx.msk $0xffff, v12;
	v14 =	vld [tilespmem:$0x1FE10];
	v6 =	vadd.s32 v45, v6  }
0x2d9: {  	v1 =	vand.u32 $0x7F, v11;
	v2 =	vadd.s32 v56, v13;
	v5 =	vor.u32 v5, v6;
	v6 =	vld [tilespmem:$0x230]  }
0x2da: {  	v1 =	vor.u32 v1, v2;
	v2 =	vld [tilespmem:$0x100]  }
0x2db: {  	v12 =	vor.u32 v27, v49;
	v11 =	vshll.u32 v7, $0x3;
	v5 =	vor.u32 v46, v5;
	v4 =	vld.idx.msk [tilespmem:v4+s13+$0x0], $0xffff  }
0x2dc: {  	v1 =	vor.u32 v57, v1;
	v11 =	vand.u32 $0xFFFFFC00, v11;
	v3 =	vld.idx.msk [tilespmem:v3+s13+$0x0], $0xffff;
	[tilespmem:v62+s31+$0x0] =	vst.idx.msk $0xffff, v9  }
0x2dd: {  	v7 =	vand.u32 $0x7F, v7;
	v11 =	vadd.s32 v43, v11;
	[tilespmem:v8+s31+$0x0] =	vst.idx.msk $0xffff, v10;
	v10 =	vld [tilespmem:$0x1FE40]  }
0x2de: {  	v7 =	vor.u32 v7, v11;
	v9 =	vld [tilespmem:$0x270];
	v13 =	vshll.u32 v6, $0x3  }
0x2df: {  	v14 =	vor.u32 v14, v59;
	v11 =	vld [tilespmem:$0x140];
	v7 =	vor.u32 v41, v7;
	v13 =	vand.u32 $0xFFFFFC00, v13  }
0x2e0: {  	v8 =	vor.u32 v19, v44;
	v6 =	vand.u32 $0x7F, v6;
	v5 =	vld.idx.msk [tilespmem:v5+s13+$0x0], $0xffff;
	v13 =	vadd.s32 v40, v13  }
0x2e1: {  	v1 =	vld.idx.msk [tilespmem:v1+s13+$0x0], $0xffff;
	[tilespmem:v12+s31+$0x0] =	vst.idx.msk $0xffff, v4;
	v4 =	vor.u32 v6, v13  }
0x2e2: {  	v62 =	vshll.u32 v2, $0x3;
	v4 =	vor.u32 v37, v4  }
0x2e3: {  	v62 =	vand.u32 $0xFFFFFC00, v62;
	v10 =	vor.u32 v10, v58;
	v6 =	vld [tilespmem:$0x180]  }
0x2e4: {  	v2 =	vand.u32 $0x7F, v2;
	v62 =	vadd.s32 v54, v62;
	v13 =	vshll.u32 v11, $0x3;
	v7 =	vld.idx.msk [tilespmem:v7+s13+$0x0], $0xffff;
	[tilespmem:v14+s31+$0x0] =	vst.idx.msk $0xffff, v3  }
0x2e5: {  	v2 =	vor.u32 v2, v62;
	v3 =	vand.u32 $0xFFFFFC00, v13;
	v13 =	vld [tilespmem:$0xA0];
	[tilespmem:v8+s31+$0x0] =	vst.idx.msk $0xffff, v5  }
0x2e6: {  	v2 =	vor.u32 v51, v2;
	v8 =	vld [tilespmem:$0x1C0]  }
0x2e7: {  	v12 =	vshll.u32 v9, $0x3;
	v4 =	vld.idx.msk [tilespmem:v4+s13+$0x0], $0xffff  }
0x2e8: {  	v12 =	vand.u32 $0xFFFFFC00, v12;
	[tilespmem:v10+s31+$0x0] =	vst.idx.msk $0xffff, v1;
	v10 =	vld [tilespmem:$0x1FEA0]  }
0x2e9: {  	v9 =	vand.u32 $0x7F, v9;
	v12 =	vadd.s32 v39, v12  }
0x2ea: {  	v11 =	vand.u32 $0x7F, v11;
	v3 =	vadd.s32 v50, v3;
	v5 =	vor.u32 v9, v12  }
0x2eb: {  	v3 =	vor.u32 v11, v3;
	v9 =	vmov s1;
	v11 =	vshll.u32 v6, $0x3;
	v1 =	vld.idx.msk [tilespmem:v2+s13+$0x0], $0xffff  }
0x2ec: {  	v5 =	vor.u32 v35, v5;
	v12 =	vshll.u32 v9, $0x7;
	v2 =	vand.u32 $0xFFFFFC00, v11;
	v11 =	vld [tilespmem:$0xD0]  }
0x2ed: {  	v3 =	vor.u32 v52, v3;
	[tilespmem:v0+s31+$0x0] =	vst.idx.msk $0xffff, v7;
	v7 =	vand.u32 $0x380, v12;
	v12 =	vld [tilespmem:$0x1FF50];
	v10 =	vor.u32 v10, v36  }
0x2ee: {  	v14 =	vor.u32 v26, v55;
	v39 =	vmov v40  }
0x2ef: {  	v35 =	vmovc v37;
	v37 =	vmovc v41;
	v41 =	vmov v46;
	v6 =	vand.u32 $0x7F, v6;
	v2 =	vadd.s32 v48, v2  }
0x2f0: {  	v46 =	vmovc v47;
	v47 =	vmovc v52;
	v52 =	vmov v51;
	v0 =	vshll.u32 v9, $0x9;
	v2 =	vor.u32 v6, v2;
	v6 =	vld [tilespmem:$0x200]  }
0x2f1: {  	v51 =	vmovc v57;
	v57 =	vmovc v60;
	v0 =	vand.u32 $0x7000, v0;
	v9 =	vshll.u32 v8, $0x3;
	v2 =	vor.u32 v46, v2;
	v5 =	vld.idx.msk [tilespmem:v5+s13+$0x0], $0xffff  }
0x2f2: {  	v60 =	vmov v7;
	v3 =	vld.idx.msk [tilespmem:v3+s13+$0x0], $0xffff;
	v7 =	vand.u32 $0xFFFFFC00, v9;
	v12 =	vor.u32 v12, v38;
	[tilespmem:v10+s31+$0x0] =	vst.idx.msk $0xffff, v4  }
0x2f3: {  	v8 =	vand.u32 $0x7F, v8;
	v7 =	vadd.s32 v45, v7;
	v38 =	vor.u32 v23, v53;
	[tilespmem:v14+s31+$0x0] =	vst.idx.msk $0xffff, v1  }
0x2f4: {  	v40 =	vmovc v43;
	v43 =	vmovc v45;
	v7 =	vor.u32 v8, v7;
	v4 =	vand.u32 $0x7F, v13;
	v10 =	vshll.u32 v13, $0x3;
	v13 =	vld [tilespmem:$0x110]  }
0x2f5: {  	v9 =	vor.u32 v21, v44;
	v45 =	vmovc v48;
	v48 =	vmovc v50;
	v62 =	vshll.u32 v11, $0x3;
	v7 =	vor.u32 v41, v7  }
0x2f6: {  	v50 =	vmovc v54;
	v54 =	vmovc v56;
	v62 =	vand.u32 $0xFFFFFC00, v62;
	v1 =	vor.u32 v20, v49;
	v14 =	vshll.u32 v6, $0x3;
	v8 =	vld [tilespmem:$0x240]  }
0x2f7: {  	v2 =	vld.idx.msk [tilespmem:v2+s13+$0x0], $0xffff;
	v14 =	vand.u32 $0xFFFFFC00, v14;
	[tilespmem:v12+s31+$0x0] =	vst.idx.msk $0xffff, v5;
	v5 =	vand.u32 $0x7F, v11;
	v11 =	vadd.s32 v54, v62  }
0x2f8: {  	v56 =	vmovc v61;
	v61 =	vmovc v0;
	v6 =	vand.u32 $0x7F, v6;
	v14 =	vadd.s32 v40, v14;
	v5 =	vor.u32 v5, v11  }
0x2f9: {  	v15 =	vld [tilespmem:$0x1FE20];
	[tilespmem:v38+s31+$0x0] =	vst.idx.msk $0xffff, v3;
	v3 =	vor.u32 v6, v14;
	v0 =	vor.u32 v51, v5;
	v5 =	vshll.u32 v13, $0x3  }
0x2fa: {  	v10 =	vand.u32 $0xFFFFFC00, v10;
	v6 =	vld [tilespmem:$0x150];
	v3 =	vor.u32 v37, v3;
	v5 =	vand.u32 $0xFFFFFC00, v5  }
0x2fb: {  	v7 =	vld.idx.msk [tilespmem:v7+s13+$0x0], $0xffff;
	v11 =	vshll.u32 v8, $0x3;
	v12 =	vand.u32 $0x7F, v13;
	v5 =	vadd.s32 v50, v5  }
0x2fc: {  	[tilespmem:v1+s31+$0x0] =	vst.idx.msk $0xffff, v2;
	v2 =	vadd.s32 v56, v10;
	v11 =	vand.u32 $0xFFFFFC00, v11;
	v5 =	vor.u32 v12, v5;
	v12 =	vld [tilespmem:$0x1FE50]  }
0x2fd: {  	v14 =	vld [tilespmem:$0x1FEB0];
	v8 =	vand.u32 $0x7F, v8;
	v2 =	vor.u32 v4, v2;
	v11 =	vadd.s32 v39, v11  }
0x2fe: {  	v38 =	vmovc v36;
	v36 =	vmov v42;
	v2 =	vor.u32 v57, v2;
	v10 =	vld.idx.msk [tilespmem:v0+s13+$0x0], $0xffff;
	v1 =	vor.u32 v8, v11  }
0x2ff: {  	v42 =	vmovc v44;
	v44 =	vmovc v49;
	v8 =	vld [tilespmem:$0x190];
	v1 =	vor.u32 v35, v1;
	v4 =	vor.u32 v52, v5;
	v5 =	vshll.u32 v6, $0x3  }
0x300: {  	v49 =	vmovc v53;
	v53 =	vmovc v55;
	v55 =	vmov v58;
	v3 =	vld.idx.msk [tilespmem:v3+s13+$0x0], $0xffff;
	v0 =	vand.u32 $0xFFFFFC00, v5;
	v5 =	vor.u32 v22, v36  }
0x301: {  	v11 =	vld [tilespmem:$0x80];
	[tilespmem:v9+s31+$0x0] =	vst.idx.msk $0xffff, v7;
	v6 =	vand.u32 $0x7F, v6;
	v0 =	vadd.s32 v48, v0;
	v12 =	vor.u32 v12, v55  }
0x302: {  	v0 =	vor.u32 v6, v0;
	v6 =	vld [tilespmem:$0x1D0]  }
0x303: {  	v2 =	vld.idx.msk [tilespmem:v2+s13+$0x0], $0xffff  }
0x304: {  	v14 =	vor.u32 v14, v38;
	v7 =	vor.u32 v47, v0;
	v1 =	vld.idx.msk [tilespmem:v1+s13+$0x0], $0xffff  }
0x305: {  	v13 =	vor.u32 v18, v53;
	v9 =	vshll.u32 v8, $0x3;
	v4 =	vld.idx.msk [tilespmem:v4+s13+$0x0], $0xffff;
	[tilespmem:v5+s31+$0x0] =	vst.idx.msk $0xffff, v3  }
0x306: {  	v58 =	vmov v59;
	v9 =	vand.u32 $0xFFFFFC00, v9;
	[tilespmem:v12+s31+$0x0] =	vst.idx.msk $0xffff, v10  }
0x307: {  	v62 =	vor.u32 v15, v58;
	v8 =	vand.u32 $0x7F, v8;
	v9 =	vadd.s32 v45, v9;
	v5 =	vld [tilespmem:$0x210]  }
0x308: {  	v63 =	vor.u32 v31, v44;
	v3 =	vor.u32 v8, v9;
	v10 =	vshll.u32 v6, $0x3;
	v9 =	vld [tilespmem:$0xE0]  }
0x309: {  	v3 =	vor.u32 v46, v3;
	v7 =	vld.idx.msk [tilespmem:v7+s13+$0x0], $0xffff;
	v10 =	vand.u32 $0xFFFFFC00, v10;
	[tilespmem:v14+s31+$0x0] =	vst.idx.msk $0xffff, v1  }
0x30a: {  	v15 =	vor.u32 v29, v49;
	v6 =	vand.u32 $0x7F, v6;
	v10 =	vadd.s32 v43, v10;
	[tilespmem:v13+s31+$0x0] =	vst.idx.msk $0xffff, v4  }
0x30b: {  	v12 =	vor.u32 v32, v42;
	v1 =	vand.u32 $0x7F, v11;
	v4 =	vor.u32 v6, v10;
	v6 =	vld [tilespmem:$0x250]  }
0x30c: {  	v10 =	vshll.u32 v11, $0x3;
	v11 =	vld [tilespmem:$0x120];
	v4 =	vor.u32 v41, v4;
	v13 =	vshll.u32 v5, $0x3  }
0x30d: {  	v10 =	vand.u32 $0xFFFFFC00, v10;
	v16 =	vshll.u32 v9, $0x3;
	v13 =	vand.u32 $0xFFFFFC00, v13  }
0x30e: {  	v3 =	vld.idx.msk [tilespmem:v3+s13+$0x0], $0xffff;
	[tilespmem:v62+s31+$0x0] =	vst.idx.msk $0xffff, v2;
	v5 =	vand.u32 $0x7F, v5;
	v2 =	vand.u32 $0xFFFFFC00, v16;
	v13 =	vadd.s32 v40, v13  }
0x30f: {  	v9 =	vand.u32 $0x7F, v9;
	v16 =	vld [tilespmem:$0xB0];
	[tilespmem:v15+s31+$0x0] =	vst.idx.msk $0xffff, v7;
	v2 =	vadd.s32 v54, v2;
	v5 =	vor.u32 v5, v13  }
0x310: {  	v7 =	vld [tilespmem:$0x160];
	v2 =	vor.u32 v9, v2;
	v9 =	vshll.u32 v6, $0x3;
	v5 =	vor.u32 v37, v5  }
0x311: {  	v0 =	vld [tilespmem:$0x1FEC0];
	v13 =	vshll.u32 v11, $0x3;
	v2 =	vor.u32 v51, v2;
	v9 =	vand.u32 $0xFFFFFC00, v9  }
0x312: {  	v4 =	vld.idx.msk [tilespmem:v4+s13+$0x0], $0xffff;
	v6 =	vand.u32 $0x7F, v6;
	v13 =	vand.u32 $0xFFFFFC00, v13;
	v9 =	vadd.s32 v39, v9  }
0x313: {  	v14 =	vld [tilespmem:$0x1FE60];
	v11 =	vand.u32 $0x7F, v11;
	[tilespmem:v63+s31+$0x0] =	vst.idx.msk $0xffff, v3;
	v13 =	vadd.s32 v50, v13;
	v3 =	vor.u32 v6, v9  }
0x314: {  	v6 =	vadd.s32 v61, v10;
	v9 =	vor.u32 v11, v13;
	v10 =	vld [tilespmem:$0x1A0];
	v3 =	vor.u32 v35, v3  }
0x315: {  	v1 =	vor.u32 v1, v6;
	v6 =	vor.u32 v52, v9;
	v9 =	vshll.u32 v7, $0x3;
	v5 =	vld.idx.msk [tilespmem:v5+s13+$0x0], $0xffff  }
0x316: {  	v8 =	vor.u32 v30, v36;
	v1 =	vor.u32 v60, v1;
	v9 =	vand.u32 $0xFFFFFC00, v9;
	v2 =	vld.idx.msk [tilespmem:v2+s13+$0x0], $0xffff  }
0x317: {  	v11 =	vshll.u32 v16, $0x3;
	v7 =	vand.u32 $0x7F, v7;
	v9 =	vadd.s32 v48, v9;
	[tilespmem:v12+s31+$0x0] =	vst.idx.msk $0xffff, v4;
	v12 =	vld [tilespmem:$0x1FE70]  }
0x318: {  	v14 =	vor.u32 v14, v55;
	v11 =	vand.u32 $0xFFFFFC00, v11;
	v7 =	vor.u32 v7, v9;
	v9 =	vld [tilespmem:$0x1E0]  }
0x319: {  	v11 =	vadd.s32 v56, v11;
	v4 =	vand.u32 $0x7F, v16;
	v3 =	vld.idx.msk [tilespmem:v3+s13+$0x0], $0xffff  }
0x31a: {  	v4 =	vor.u32 v4, v11;
	v7 =	vor.u32 v47, v7;
	v6 =	vld.idx.msk [tilespmem:v6+s13+$0x0], $0xffff  }
0x31b: {  	v4 =	vor.u32 v57, v4;
	v13 =	vld.idx.msk [tilespmem:v1+s13+$0x0], $0xffff  }
0x31c: {  	v0 =	vor.u32 v0, v38;
	[tilespmem:v8+s31+$0x0] =	vst.idx.msk $0xffff, v5;
	v5 =	vld [tilespmem:$0x1FED0]  }
0x31d: {  	v12 =	vor.u32 v12, v53;
	[tilespmem:v14+s31+$0x0] =	vst.idx.msk $0xffff, v2  }
0x31e: {  	v2 =	vld [tilespmem:$0x220]  }
0x31f: {  	v11 =	vshll.u32 v10, $0x3;
	v7 =	vld.idx.msk [tilespmem:v7+s13+$0x0], $0xffff  }
0x320: {  	v11 =	vand.u32 $0xFFFFFC00, v11;
	v15 =	vld.idx.msk [tilespmem:v4+s13+$0x0], $0xffff  }
0x321: {  	v1 =	vand.u32 $0x7F, v10;
	v10 =	vadd.s32 v45, v11;
	v62 =	vor.u32 v5, v38;
	v5 =	vld [tilespmem:$0xF0];
	[tilespmem:v0+s31+$0x0] =	vst.idx.msk $0xffff, v3  }
0x322: {  	v1 =	vor.u32 v1, v10;
	v10 =	vshll.u32 v9, $0x3;
	[tilespmem:v12+s31+$0x0] =	vst.idx.msk $0xffff, v6;
	v6 =	vld [tilespmem:$0x1FE30]  }
0x323: {  	v59 =	vor.u32 v60, v61;
	v8 =	vor.u32 v46, v1;
	v10 =	vand.u32 $0xFFFFFC00, v10  }
0x324: {  	v11 =	vor.u32 v17, v59;
	v4 =	vand.u32 $0x7F, v9;
	v9 =	vadd.s32 v43, v10  }
0x325: {  	v14 =	vor.u32 v24, v49;
	v0 =	vor.u32 v4, v9;
	v10 =	vld [tilespmem:$0x260]  }
0x326: {  	v63 =	vor.u32 v33, v44;
	v0 =	vor.u32 v41, v0;
	v16 =	vld [tilespmem:$0x130]  }
0x327: {  	v4 =	vshll.u32 v2, $0x3;
	v17 =	vor.u32 v6, v58;
	v6 =	vshll.u32 v5, $0x3  }
0x328: {  	v8 =	vld.idx.msk [tilespmem:v8+s13+$0x0], $0xffff;
	v2 =	vand.u32 $0x7F, v2;
	v4 =	vand.u32 $0xFFFFFC00, v4;
	v6 =	vand.u32 $0xFFFFFC00, v6  }
0x329: {  	v1 =	vld [tilespmem:$0x1FE90];
	[tilespmem:v11+s31+$0x0] =	vst.idx.msk $0xffff, v13;
	v4 =	vadd.s32 v40, v4;
	v5 =	vand.u32 $0x7F, v5;
	v6 =	vadd.s32 v54, v6  }
0x32a: {  	v9 =	vld [tilespmem:$0x90];
	[tilespmem:v14+s31+$0x0] =	vst.idx.msk $0xffff, v7;
	v2 =	vor.u32 v2, v4;
	v4 =	vor.u32 v5, v6;
	v5 =	vshll.u32 v10, $0x3  }
0x32b: {  	v7 =	vshll.u32 v16, $0x3;
	v12 =	vor.u32 v51, v4;
	v4 =	vld.idx.msk [tilespmem:v0+s13+$0x0], $0xffff;
	v0 =	vand.u32 $0xFFFFFC00, v5  }
0x32c: {  	v6 =	vld [tilespmem:$0x170];
	v5 =	vand.u32 $0xFFFFFC00, v7;
	v7 =	vand.u32 $0x7F, v10;
	[tilespmem:v17+s31+$0x0] =	vst.idx.msk $0xffff, v15;
	v0 =	vadd.s32 v39, v0  }
0x32d: {  	v11 =	vld [tilespmem:$0xC0];
	v7 =	vor.u32 v7, v0  }
0x32e: {  	p0 =	sne.s32 s1, $0x3F;
	v2 =	vor.u32 v37, v2;
	[tilespmem:v63+s31+$0x0] =	vst.idx.msk $0xffff, v8;
	v63 =	vor.u32 v35, v7;
	v7 =	vld [tilespmem:$0x1FE80]  }
.Ltmp0:
0x32f: {  	_ = 	snop;
	(pc) =	sbr.rel @p0 .LBB2_2-.Ltmp0, $4  }
0x330: {  	v3 =	vor.u32 v34, v42  }
0x331: {  	v1 =	vor.u32 v1, v36;
	v10 =	vand.u32 $0x7F, v16;
	v5 =	vadd.s32 v50, v5  }
0x332: {  	v17 =	vlaneseq.u32;
	v8 =	vor.u32 v10, v5;
	v0 =	vor.u32 v28, v42;
	v5 =	vld [tilespmem:$0x1B0]  }
0x333: {  	s1 =	sadd.s32 $0x1, s1;
	v10 =	vor.u32 v52, v8;
	v2 =	vld.idx.msk [tilespmem:v2+s13+$0x0], $0xffff;
	v8 =	vor.u32 v7, v53;
	v7 =	vshll.u32 v6, $0x3  }
0x334: {  	_ =	sdelay $0x3  }
0x335: {  	v12 =	vld.idx.msk [tilespmem:v12+s13+$0x0], $0xffff;
	v13 =	vor.u32 v25, v55;
	_ =	sdelay $0x4  }
0x336: {  	[tilespmem:v13+s31+$0x0] =	vst.idx.msk $0xffff, v12  }
0x337: {  	v12 =	vld [tilespmem:$0x100];
	_ =	sdelay $0x1  }
0x338: {  	v13 =	vshll.u32 v11, $0x3  }
0x339: {  	v13 =	vand.u32 $0xFFFFFC00, v13  }
0x33a: {  	v11 =	vand.u32 $0x7F, v11;
	v13 =	vadd.s32 v56, v13  }
0x33b: {  	v15 =	vld [tilespmem:$0x1FE40];
	v11 =	vor.u32 v11, v13;
	v13 =	vshll.u32 v12, $0x3  }
0x33c: {  	v14 =	vshll.u32 v9, $0x3;
	v11 =	vor.u32 v57, v11;
	v13 =	vand.u32 $0xFFFFFC00, v13  }
0x33d: {  	v14 =	vand.u32 $0xFFFFFC00, v14;
	v12 =	vand.u32 $0x7F, v12;
	v13 =	vadd.s32 v54, v13  }
0x33e: {  	v9 =	vand.u32 $0x7F, v9;
	v14 =	vadd.s32 v61, v14;
	v12 =	vor.u32 v12, v13  }
0x33f: {  	v9 =	vor.u32 v9, v14;
	v12 =	vor.u32 v51, v12  }
0x340: {  	v14 =	vor.u32 v26, v55;
	v9 =	vor.u32 v60, v9;
	v26 =	vmovc v15;
	v13 =	vor.u32 v15, v58;
	v15 =	vld [tilespmem:$0x1FE10]  }
0x341: {  	v11 =	vld.idx.msk [tilespmem:v11+s13+$0x0], $0xffff;
	_ =	sdelay $0x2  }
0x342: {  	v12 =	vld.idx.msk [tilespmem:v12+s13+$0x0], $0xffff  }
0x343: {  	v9 =	vld.idx.msk [tilespmem:v9+s13+$0x0], $0xffff;
	v15 =	vor.u32 v15, v59  }
0x344: {  	[tilespmem:v13+s31+$0x0] =	vst.idx.msk $0xffff, v11  }
0x345: {  	v11 =	vld [tilespmem:$0xD0];
	_ =	sdelay $0x1  }
0x346: {  	[tilespmem:v14+s31+$0x0] =	vst.idx.msk $0xffff, v12  }
0x347: {  	[tilespmem:v15+s31+$0x0] =	vst.idx.msk $0xffff, v9;
	v9 =	vld [tilespmem:$0x110];
	_ =	sdelay $0x1  }
0x348: {  	v13 =	vshll.u32 v11, $0x3  }
0x349: {  	v13 =	vand.u32 $0xFFFFFC00, v13  }
0x34a: {  	v10 =	vld.idx.msk [tilespmem:v10+s13+$0x0], $0xffff;
	v11 =	vand.u32 $0x7F, v11;
	v13 =	vadd.s32 v56, v13  }
0x34b: {  	v12 =	vld [tilespmem:$0xA0];
	v11 =	vor.u32 v11, v13;
	v13 =	vshll.u32 v9, $0x3  }
0x34c: {  	v13 =	vand.u32 $0xFFFFFC00, v13  }
0x34d: {  	v16 =	vld [tilespmem:$0x1FE50];
	v11 =	vor.u32 v57, v11;
	v9 =	vand.u32 $0x7F, v9;
	v13 =	vadd.s32 v54, v13  }
0x34e: {  	v9 =	vor.u32 v9, v13  }
0x34f: {  	v9 =	vor.u32 v51, v9  }
0x350: {  	[tilespmem:v8+s31+$0x0] =	vst.idx.msk $0xffff, v10;
	v14 =	vshll.u32 v12, $0x3  }
0x351: {  	v8 =	vld [tilespmem:$0x140];
	v14 =	vand.u32 $0xFFFFFC00, v14  }
0x352: {  	v12 =	vand.u32 $0x7F, v12;
	v14 =	vadd.s32 v61, v14;
	v11 =	vld.idx.msk [tilespmem:v11+s13+$0x0], $0xffff;
	v13 =	vor.u32 v16, v58  }
0x353: {  	v12 =	vor.u32 v12, v14  }
0x354: {  	v10 =	vor.u32 v18, v55;
	v12 =	vor.u32 v60, v12;
	v9 =	vld.idx.msk [tilespmem:v9+s13+$0x0], $0xffff  }
0x355: {  	v14 =	vld [tilespmem:$0x1FE20];
	_ =	sdelay $0x1  }
0x356: {  	[tilespmem:v13+s31+$0x0] =	vst.idx.msk $0xffff, v11;
	v13 =	vshll.u32 v8, $0x3  }
0x357: {  	v13 =	vand.u32 $0xFFFFFC00, v13  }
0x358: {  	v12 =	vld.idx.msk [tilespmem:v12+s13+$0x0], $0xffff;
	v8 =	vand.u32 $0x7F, v8;
	[tilespmem:v10+s31+$0x0] =	vst.idx.msk $0xffff, v9;
	v9 =	vadd.s32 v50, v13  }
0x359: {  	v14 =	vor.u32 v14, v59;
	v11 =	vld [tilespmem:$0xE0];
	v8 =	vor.u32 v8, v9  }
0x35a: {  	v8 =	vor.u32 v52, v8;
	_ =	sdelay $0x1  }
0x35b: {  	v10 =	vld [tilespmem:$0x120];
	_ =	sdelay $0x1  }
0x35c: {  	[tilespmem:v14+s31+$0x0] =	vst.idx.msk $0xffff, v12;
	v12 =	vshll.u32 v11, $0x3  }
0x35d: {  	v13 =	vor.u32 v23, v53;
	v12 =	vand.u32 $0xFFFFFC00, v12;
	v8 =	vld.idx.msk [tilespmem:v8+s13+$0x0], $0xffff  }
0x35e: {  	v11 =	vand.u32 $0x7F, v11;
	v9 =	vld [tilespmem:$0xB0];
	v12 =	vadd.s32 v56, v12  }
0x35f: {  	v11 =	vor.u32 v11, v12;
	v12 =	vshll.u32 v10, $0x3  }
0x360: {  	v11 =	vor.u32 v57, v11;
	v12 =	vand.u32 $0xFFFFFC00, v12  }
0x361: {  	v18 =	vld [tilespmem:$0x1FE60];
	v10 =	vand.u32 $0x7F, v10;
	v12 =	vadd.s32 v54, v12  }
0x362: {  	v10 =	vor.u32 v10, v12;
	[tilespmem:v13+s31+$0x0] =	vst.idx.msk $0xffff, v8  }
0x363: {  	v14 =	vshll.u32 v9, $0x3;
	v10 =	vor.u32 v51, v10;
	v13 =	vld [tilespmem:$0x1FE70]  }
0x364: {  	v14 =	vand.u32 $0xFFFFFC00, v14  }
0x365: {  	v9 =	vand.u32 $0x7F, v9;
	v12 =	vadd.s32 v61, v14;
	v11 =	vld.idx.msk [tilespmem:v11+s13+$0x0], $0xffff  }
0x366: {  	v9 =	vor.u32 v9, v12;
	v12 =	vor.u32 v18, v58;
	v8 =	vld [tilespmem:$0x150]  }
0x367: {  	v9 =	vor.u32 v60, v9;
	v14 =	vld [tilespmem:$0x1FE30]  }
0x368: {  	v10 =	vld.idx.msk [tilespmem:v10+s13+$0x0], $0xffff;
	v13 =	vor.u32 v13, v55;
	_ =	sdelay $0x2  }
0x369: {  	[tilespmem:v12+s31+$0x0] =	vst.idx.msk $0xffff, v11;
	v12 =	vshll.u32 v8, $0x3  }
0x36a: {  	v9 =	vld.idx.msk [tilespmem:v9+s13+$0x0], $0xffff;
	v14 =	vor.u32 v14, v59;
	v12 =	vand.u32 $0xFFFFFC00, v12  }
0x36b: {  	v11 =	vld [tilespmem:$0xF0];
	v8 =	vand.u32 $0x7F, v8;
	[tilespmem:v13+s31+$0x0] =	vst.idx.msk $0xffff, v10;
	v10 =	vadd.s32 v50, v12  }
0x36c: {  	v8 =	vor.u32 v8, v10  }
0x36d: {  	v8 =	vor.u32 v52, v8;
	_ =	sdelay $0x1  }
0x36e: {  	[tilespmem:v14+s31+$0x0] =	vst.idx.msk $0xffff, v9;
	v12 =	vld [tilespmem:$0x130]  }
0x36f: {  	v9 =	vld [tilespmem:$0xC0];
	v10 =	vshll.u32 v11, $0x3  }
0x370: {  	v10 =	vand.u32 $0xFFFFFC00, v10  }
0x371: {  	v13 =	vor.u32 v29, v53;
	v11 =	vand.u32 $0x7F, v11;
	v10 =	vadd.s32 v56, v10;
	v8 =	vld.idx.msk [tilespmem:v8+s13+$0x0], $0xffff  }
0x372: {  	v10 =	vor.u32 v11, v10  }
0x373: {  	v10 =	vor.u32 v57, v10;
	v11 =	vshll.u32 v12, $0x3  }
0x374: {  	v14 =	vshll.u32 v9, $0x3;
	v11 =	vand.u32 $0xFFFFFC00, v11  }
0x375: {  	v12 =	vand.u32 $0x7F, v12;
	v14 =	vand.u32 $0xFFFFFC00, v14;
	v11 =	vadd.s32 v54, v11  }
0x376: {  	v9 =	vand.u32 $0x7F, v9;
	v11 =	vor.u32 v12, v11;
	v12 =	vadd.s32 v61, v14;
	[tilespmem:v13+s31+$0x0] =	vst.idx.msk $0xffff, v8  }
0x377: {  	v11 =	vor.u32 v51, v11;
	v9 =	vor.u32 v9, v12;
	v13 =	vld [tilespmem:$0x1FE80]  }
0x378: {  	v10 =	vld.idx.msk [tilespmem:v10+s13+$0x0], $0xffff;
	v12 =	vor.u32 v25, v58;
	v9 =	vor.u32 v60, v9;
	_ =	sdelay $0x2  }
0x379: {  	v8 =	vld [tilespmem:$0x160]  }
0x37a: {  	v11 =	vld.idx.msk [tilespmem:v11+s13+$0x0], $0xffff;
	v13 =	vor.u32 v13, v55  }
0x37b: {  	v14 =	vor.u32 v26, v59;
	[tilespmem:v12+s31+$0x0] =	vst.idx.msk $0xffff, v10;
	v9 =	vld.idx.msk [tilespmem:v9+s13+$0x0], $0xffff  }
0x37c: {  	v10 =	vld [tilespmem:$0x100];
	_ =	sdelay $0x1  }
0x37d: {  	v12 =	vshll.u32 v8, $0x3  }
0x37e: {  	v12 =	vand.u32 $0xFFFFFC00, v12;
	[tilespmem:v13+s31+$0x0] =	vst.idx.msk $0xffff, v11  }
0x37f: {  	v8 =	vand.u32 $0x7F, v8;
	[tilespmem:v14+s31+$0x0] =	vst.idx.msk $0xffff, v9;
	v11 =	vadd.s32 v50, v12;
	v12 =	vld [tilespmem:$0x140]  }
0x380: {  	v9 =	vld [tilespmem:$0xD0];
	v8 =	vor.u32 v8, v11;
	v11 =	vshll.u32 v10, $0x3  }
0x381: {  	v8 =	vor.u32 v52, v8;
	v11 =	vand.u32 $0xFFFFFC00, v11  }
0x382: {  	v10 =	vand.u32 $0x7F, v10;
	v11 =	vadd.s32 v56, v11  }
0x383: {  	v10 =	vor.u32 v10, v11  }
0x384: {  	v26 =	vld [tilespmem:$0x1FF70];
	v10 =	vor.u32 v57, v10;
	v11 =	vshll.u32 v12, $0x3  }
0x385: {  	v13 =	vor.u32 v24, v53;
	v14 =	vshll.u32 v9, $0x3;
	v11 =	vand.u32 $0xFFFFFC00, v11  }
0x386: {  	v14 =	vand.u32 $0xFFFFFC00, v14;
	v12 =	vand.u32 $0x7F, v12;
	v8 =	vld.idx.msk [tilespmem:v8+s13+$0x0], $0xffff;
	v11 =	vadd.s32 v54, v11  }
0x387: {  	v9 =	vand.u32 $0x7F, v9;
	v11 =	vor.u32 v12, v11;
	v12 =	vadd.s32 v61, v14  }
0x388: {  	v11 =	vor.u32 v51, v11;
	v9 =	vor.u32 v9, v12  }
0x389: {  	v10 =	vld.idx.msk [tilespmem:v10+s13+$0x0], $0xffff;
	v12 =	vor.u32 v26, v58;
	v9 =	vor.u32 v60, v9  }
0x38a: {  	v7 =	vand.u32 $0xFFFFFC00, v7  }
0x38b: {  	v6 =	vand.u32 $0x7F, v6;
	v7 =	vadd.s32 v48, v7;
	[tilespmem:v13+s31+$0x0] =	vst.idx.msk $0xffff, v8  }
0x38c: {  	v6 =	vor.u32 v6, v7;
	v8 =	vld [tilespmem:$0x170]  }
0x38d: {  	v6 =	vor.u32 v47, v6;
	v11 =	vld.idx.msk [tilespmem:v11+s13+$0x0], $0xffff  }
0x38e: {  	v13 =	vor.u32 v23, v55;
	[tilespmem:v12+s31+$0x0] =	vst.idx.msk $0xffff, v10;
	v9 =	vld.idx.msk [tilespmem:v9+s13+$0x0], $0xffff  }
0x38f: {  	v14 =	vor.u32 v16, v59;
	v10 =	vld [tilespmem:$0x110];
	_ =	sdelay $0x1  }
0x390: {  	v12 =	vshll.u32 v8, $0x3  }
0x391: {  	v6 =	vld.idx.msk [tilespmem:v6+s13+$0x0], $0xffff;
	v12 =	vand.u32 $0xFFFFFC00, v12  }
0x392: {  	v7 =	vand.u32 $0x7F, v8;
	[tilespmem:v13+s31+$0x0] =	vst.idx.msk $0xffff, v11;
	v8 =	vadd.s32 v50, v12;
	v12 =	vor.u32 v27, v49  }
0x393: {  	[tilespmem:v14+s31+$0x0] =	vst.idx.msk $0xffff, v9;
	v9 =	vshll.u32 v10, $0x3  }
0x394: {  	v11 =	vld [tilespmem:$0x150];
	v9 =	vand.u32 $0xFFFFFC00, v9  }
0x395: {  	v7 =	vor.u32 v7, v8;
	v10 =	vand.u32 $0x7F, v10;
	v8 =	vld [tilespmem:$0xE0];
	v9 =	vadd.s32 v56, v9  }
0x396: {  	v9 =	vor.u32 v10, v9  }
0x397: {  	v9 =	vor.u32 v57, v9;
	[tilespmem:v12+s31+$0x0] =	vst.idx.msk $0xffff, v6  }
0x398: {  	v15 =	vmov v29;
	v29 =	vld [tilespmem:$0x1FF80]  }
0x399: {  	v7 =	vor.u32 v52, v7;
	v10 =	vshll.u32 v11, $0x3  }
0x39a: {  	v10 =	vand.u32 $0xFFFFFC00, v10;
	v14 =	vshll.u32 v8, $0x3  }
0x39b: {  	v11 =	vand.u32 $0x7F, v11;
	v10 =	vadd.s32 v54, v10;
	v14 =	vand.u32 $0xFFFFFC00, v14  }
0x39c: {  	v8 =	vand.u32 $0x7F, v8;
	v10 =	vor.u32 v11, v10;
	v11 =	vadd.s32 v61, v14;
	v6 =	vld.idx.msk [tilespmem:v9+s13+$0x0], $0xffff  }
0x39d: {  	v8 =	vor.u32 v8, v11;
	v11 =	vld [tilespmem:$0x180];
	v9 =	vor.u32 v29, v58  }
0x39e: {  	v13 =	vor.u32 v27, v53;
	v7 =	vld.idx.msk [tilespmem:v7+s13+$0x0], $0xffff;
	_ =	sdelay $0x2  }
0x39f: {  	v10 =	vor.u32 v51, v10  }
0x3a0: {  	[tilespmem:v9+s31+$0x0] =	vst.idx.msk $0xffff, v6;
	v6 =	vshll.u32 v11, $0x3  }
0x3a1: {  	v8 =	vor.u32 v60, v8;
	[tilespmem:v13+s31+$0x0] =	vst.idx.msk $0xffff, v7;
	v6 =	vand.u32 $0xFFFFFC00, v6  }
0x3a2: {  	v7 =	vld [tilespmem:$0x180];
	v11 =	vand.u32 $0x7F, v11;
	v6 =	vadd.s32 v48, v6  }
0x3a3: {  	v6 =	vor.u32 v11, v6  }
0x3a4: {  	v12 =	vor.u32 v15, v55;
	v10 =	vld.idx.msk [tilespmem:v10+s13+$0x0], $0xffff;
	v6 =	vor.u32 v47, v6  }
0x3a5: {  	v9 =	vld [tilespmem:$0x120]  }
0x3a6: {  	v13 =	vor.u32 v18, v59;
	v8 =	vld.idx.msk [tilespmem:v8+s13+$0x0], $0xffff  }
0x3a7: {  	v14 =	vshll.u32 v7, $0x3  }
0x3a8: {  	v7 =	vand.u32 $0x7F, v7;
	v14 =	vand.u32 $0xFFFFFC00, v14  }
0x3a9: {  	[tilespmem:v12+s31+$0x0] =	vst.idx.msk $0xffff, v10;
	v10 =	vadd.s32 v50, v14;
	v12 =	vor.u32 v20, v49;
	v6 =	vld.idx.msk [tilespmem:v6+s13+$0x0], $0xffff  }
0x3aa: {  	v7 =	vor.u32 v7, v10;
	v10 =	vshll.u32 v9, $0x3  }
0x3ab: {  	v11 =	vld [tilespmem:$0x160];
	[tilespmem:v13+s31+$0x0] =	vst.idx.msk $0xffff, v8;
	v10 =	vand.u32 $0xFFFFFC00, v10  }
0x3ac: {  	v8 =	vld [tilespmem:$0xF0];
	v9 =	vand.u32 $0x7F, v9;
	v10 =	vadd.s32 v56, v10  }
0x3ad: {  	v9 =	vor.u32 v9, v10  }
0x3ae: {  	v9 =	vor.u32 v57, v9;
	[tilespmem:v12+s31+$0x0] =	vst.idx.msk $0xffff, v6  }
0x3af: {  	v16 =	vld [tilespmem:$0x1FE70]  }
0x3b0: {  	v10 =	vshll.u32 v11, $0x3  }
0x3b1: {  	v7 =	vor.u32 v52, v7;
	v10 =	vand.u32 $0xFFFFFC00, v10;
	v14 =	vshll.u32 v8, $0x3  }
0x3b2: {  	v11 =	vand.u32 $0x7F, v11;
	v10 =	vadd.s32 v54, v10;
	v14 =	vand.u32 $0xFFFFFC00, v14  }
0x3b3: {  	v8 =	vand.u32 $0x7F, v8;
	v10 =	vor.u32 v11, v10;
	v11 =	vadd.s32 v61, v14;
	v6 =	vld.idx.msk [tilespmem:v9+s13+$0x0], $0xffff  }
0x3b4: {  	v8 =	vor.u32 v8, v11;
	v11 =	vld [tilespmem:$0x190];
	v9 =	vor.u32 v16, v58;
	_ =	sdelay $0x1  }
0x3b5: {  	v13 =	vor.u32 v20, v53;
	v7 =	vld.idx.msk [tilespmem:v7+s13+$0x0], $0xffff;
	_ =	sdelay $0x1  }
0x3b6: {  	v10 =	vor.u32 v51, v10  }
0x3b7: {  	[tilespmem:v9+s31+$0x0] =	vst.idx.msk $0xffff, v6;
	v6 =	vshll.u32 v11, $0x3  }
0x3b8: {  	v6 =	vand.u32 $0xFFFFFC00, v6  }
0x3b9: {  	v8 =	vor.u32 v60, v8;
	[tilespmem:v13+s31+$0x0] =	vst.idx.msk $0xffff, v7;
	v11 =	vand.u32 $0x7F, v11;
	v6 =	vadd.s32 v48, v6  }
0x3ba: {  	v7 =	vld [tilespmem:$0x190];
	v6 =	vor.u32 v11, v6  }
0x3bb: {  	v12 =	vor.u32 v24, v55;
	v10 =	vld.idx.msk [tilespmem:v10+s13+$0x0], $0xffff;
	v6 =	vor.u32 v47, v6;
	_ =	sdelay $0x1  }
0x3bc: {  	v9 =	vld [tilespmem:$0x130]  }
0x3bd: {  	v13 =	vor.u32 v25, v59;
	v8 =	vld.idx.msk [tilespmem:v8+s13+$0x0], $0xffff  }
0x3be: {  	v14 =	vshll.u32 v7, $0x3  }
0x3bf: {  	v14 =	vand.u32 $0xFFFFFC00, v14;
	[tilespmem:v12+s31+$0x0] =	vst.idx.msk $0xffff, v10;
	v12 =	vor.u32 v31, v49;
	v6 =	vld.idx.msk [tilespmem:v6+s13+$0x0], $0xffff  }
0x3c0: {  	v7 =	vand.u32 $0x7F, v7;
	v10 =	vadd.s32 v50, v14  }
0x3c1: {  	v7 =	vor.u32 v7, v10;
	v11 =	vld [tilespmem:$0x170];
	v10 =	vshll.u32 v9, $0x3  }
0x3c2: {  	[tilespmem:v13+s31+$0x0] =	vst.idx.msk $0xffff, v8;
	v7 =	vor.u32 v52, v7;
	v10 =	vand.u32 $0xFFFFFC00, v10  }
0x3c3: {  	v8 =	vld [tilespmem:$0x100];
	v9 =	vand.u32 $0x7F, v9;
	v10 =	vadd.s32 v56, v10  }
0x3c4: {  	v9 =	vor.u32 v9, v10;
	[tilespmem:v12+s31+$0x0] =	vst.idx.msk $0xffff, v6  }
0x3c5: {  	v9 =	vor.u32 v57, v9;
	v24 =	vld [tilespmem:$0x1FE80]  }
0x3c6: {  	v10 =	vshll.u32 v11, $0x3  }
0x3c7: {  	v13 =	vor.u32 v31, v53;
	v7 =	vld.idx.msk [tilespmem:v7+s13+$0x0], $0xffff;
	v10 =	vand.u32 $0xFFFFFC00, v10  }
0x3c8: {  	v14 =	vshll.u32 v8, $0x3;
	v11 =	vand.u32 $0x7F, v11;
	v10 =	vadd.s32 v54, v10  }
0x3c9: {  	v8 =	vand.u32 $0x7F, v8;
	v14 =	vand.u32 $0xFFFFFC00, v14;
	v10 =	vor.u32 v11, v10  }
0x3ca: {  	v11 =	vadd.s32 v61, v14;
	v10 =	vor.u32 v51, v10;
	v9 =	vld.idx.msk [tilespmem:v9+s13+$0x0], $0xffff;
	v6 =	vor.u32 v24, v58  }
0x3cb: {  	v8 =	vor.u32 v8, v11;
	v11 =	vld [tilespmem:$0x1A0]  }
0x3cc: {  	v8 =	vor.u32 v60, v8;
	[tilespmem:v13+s31+$0x0] =	vst.idx.msk $0xffff, v7  }
0x3cd: {  	v7 =	vld [tilespmem:$0x1A0];
	_ =	sdelay $0x1  }
0x3ce: {  	v12 =	vor.u32 v27, v55;
	v10 =	vld.idx.msk [tilespmem:v10+s13+$0x0], $0xffff;
	[tilespmem:v6+s31+$0x0] =	vst.idx.msk $0xffff, v9  }
0x3cf: {  	v6 =	vshll.u32 v11, $0x3;
	v9 =	vld [tilespmem:$0x140]  }
0x3d0: {  	v13 =	vor.u32 v26, v59;
	v8 =	vld.idx.msk [tilespmem:v8+s13+$0x0], $0xffff;
	v6 =	vand.u32 $0xFFFFFC00, v6  }
0x3d1: {  	v14 =	vshll.u32 v7, $0x3;
	v11 =	vand.u32 $0x7F, v11;
	v6 =	vadd.s32 v48, v6  }
0x3d2: {  	v14 =	vand.u32 $0xFFFFFC00, v14;
	v6 =	vor.u32 v11, v6  }
0x3d3: {  	v7 =	vand.u32 $0x7F, v7;
	[tilespmem:v12+s31+$0x0] =	vst.idx.msk $0xffff, v10;
	v10 =	vadd.s32 v50, v14;
	v6 =	vor.u32 v47, v6  }
0x3d4: {  	v7 =	vor.u32 v7, v10;
	v10 =	vshll.u32 v9, $0x3  }
0x3d5: {  	[tilespmem:v13+s31+$0x0] =	vst.idx.msk $0xffff, v8;
	v11 =	vld [tilespmem:$0x180];
	v10 =	vand.u32 $0xFFFFFC00, v10  }
0x3d6: {  	v8 =	vld [tilespmem:$0x110];
	v9 =	vand.u32 $0x7F, v9;
	v10 =	vadd.s32 v56, v10  }
0x3d7: {  	v7 =	vor.u32 v52, v7;
	v9 =	vor.u32 v9, v10  }
0x3d8: {  	v12 =	vor.u32 v33, v49;
	v6 =	vld.idx.msk [tilespmem:v6+s13+$0x0], $0xffff;
	v9 =	vor.u32 v57, v9;
	_ =	sdelay $0x1  }
0x3d9: {  	v13 =	vor.u32 v33, v53;
	v10 =	vshll.u32 v11, $0x3  }
0x3da: {  	v14 =	vshll.u32 v8, $0x3;
	v8 =	vand.u32 $0x7F, v8;
	v10 =	vand.u32 $0xFFFFFC00, v10  }
0x3db: {  	v7 =	vld.idx.msk [tilespmem:v7+s13+$0x0], $0xffff;
	v14 =	vand.u32 $0xFFFFFC00, v14;
	v11 =	vand.u32 $0x7F, v11;
	v10 =	vadd.s32 v54, v10  }
0x3dc: {  	v10 =	vor.u32 v11, v10;
	v11 =	vadd.s32 v61, v14;
	[tilespmem:v12+s31+$0x0] =	vst.idx.msk $0xffff, v6;
	v6 =	vld.idx.msk [tilespmem:v9+s13+$0x0], $0xffff  }
0x3dd: {  	v8 =	vor.u32 v8, v11;
	v9 =	vor.u32 v23, v58;
	v11 =	vld [tilespmem:$0x1B0];
	_ =	sdelay $0x1  }
0x3de: {  	v10 =	vor.u32 v51, v10  }
0x3df: {  	v12 =	vshll.u32 v5, $0x3  }
0x3e0: {  	[tilespmem:v13+s31+$0x0] =	vst.idx.msk $0xffff, v7;
	v13 =	vor.u32 v20, v55;
	v12 =	vand.u32 $0xFFFFFC00, v12  }
0x3e1: {  	v5 =	vand.u32 $0x7F, v5;
	v12 =	vadd.s32 v45, v12;
	[tilespmem:v9+s31+$0x0] =	vst.idx.msk $0xffff, v6;
	v6 =	vshll.u32 v11, $0x3  }
0x3e2: {  	v7 =	vld [tilespmem:$0x1B0];
	v8 =	vor.u32 v60, v8;
	v5 =	vor.u32 v5, v12;
	v6 =	vand.u32 $0xFFFFFC00, v6  }
0x3e3: {  	v10 =	vld.idx.msk [tilespmem:v10+s13+$0x0], $0xffff;
	v5 =	vor.u32 v46, v5;
	v11 =	vand.u32 $0x7F, v11;
	v6 =	vadd.s32 v48, v6  }
0x3e4: {  	v6 =	vor.u32 v11, v6  }
0x3e5: {  	v6 =	vor.u32 v47, v6  }
0x3e6: {  	v9 =	vld [tilespmem:$0x150]  }
0x3e7: {  	v14 =	vor.u32 v29, v59;
	v12 =	vshll.u32 v7, $0x3;
	v8 =	vld.idx.msk [tilespmem:v8+s13+$0x0], $0xffff  }
0x3e8: {  	v12 =	vand.u32 $0xFFFFFC00, v12;
	[tilespmem:v13+s31+$0x0] =	vst.idx.msk $0xffff, v10;
	v5 =	vld.idx.msk [tilespmem:v5+s13+$0x0], $0xffff  }
0x3e9: {  	v10 =	vadd.s32 v50, v12;
	v12 =	vor.u32 v19, v44;
	v11 =	vld [tilespmem:$0x190]  }
0x3ea: {  	v7 =	vand.u32 $0x7F, v7;
	v13 =	vor.u32 v19, v49;
	v6 =	vld.idx.msk [tilespmem:v6+s13+$0x0], $0xffff  }
0x3eb: {  	v7 =	vor.u32 v7, v10;
	v10 =	vshll.u32 v9, $0x3  }
0x3ec: {  	[tilespmem:v14+s31+$0x0] =	vst.idx.msk $0xffff, v8;
	v10 =	vand.u32 $0xFFFFFC00, v10  }
0x3ed: {  	v8 =	vld [tilespmem:$0x120];
	v7 =	vor.u32 v52, v7;
	v9 =	vand.u32 $0x7F, v9;
	v10 =	vadd.s32 v56, v10  }
0x3ee: {  	[tilespmem:v12+s31+$0x0] =	vst.idx.msk $0xffff, v5;
	v9 =	vor.u32 v9, v10  }
0x3ef: {  	v10 =	vshll.u32 v11, $0x3;
	v9 =	vor.u32 v57, v9;
	[tilespmem:v13+s31+$0x0] =	vst.idx.msk $0xffff, v6  }
0x3f0: {  	v10 =	vand.u32 $0xFFFFFC00, v10;
	v18 =	vld [tilespmem:$0x1FF90]  }
0x3f1: {  	v11 =	vand.u32 $0x7F, v11;
	v10 =	vadd.s32 v54, v10  }
0x3f2: {  	v15 =	vshll.u32 v8, $0x3;
	v7 =	vld.idx.msk [tilespmem:v7+s13+$0x0], $0xffff;
	v5 =	vor.u32 v11, v10  }
0x3f3: {  	v15 =	vand.u32 $0xFFFFFC00, v15;
	v11 =	vld [tilespmem:$0x1C0];
	v5 =	vor.u32 v51, v5  }
0x3f4: {  	v14 =	vor.u32 v19, v53;
	v8 =	vand.u32 $0x7F, v8;
	v10 =	vadd.s32 v61, v15;
	v6 =	vld.idx.msk [tilespmem:v9+s13+$0x0], $0xffff  }
0x3f5: {  	v8 =	vor.u32 v8, v10;
	v10 =	vld [tilespmem:$0x1C0];
	v9 =	vor.u32 v18, v58;
	_ =	sdelay $0x2  }
0x3f6: {  	v13 =	vor.u32 v31, v55;
	v5 =	vld.idx.msk [tilespmem:v5+s13+$0x0], $0xffff  }
0x3f7: {  	v8 =	vor.u32 v60, v8;
	[tilespmem:v14+s31+$0x0] =	vst.idx.msk $0xffff, v7;
	v12 =	vshll.u32 v11, $0x3  }
0x3f8: {  	v12 =	vand.u32 $0xFFFFFC00, v12;
	[tilespmem:v9+s31+$0x0] =	vst.idx.msk $0xffff, v6;
	v9 =	vshll.u32 v10, $0x3  }
0x3f9: {  	v7 =	vld [tilespmem:$0x1C0];
	v11 =	vand.u32 $0x7F, v11;
	v12 =	vadd.s32 v45, v12;
	v9 =	vand.u32 $0xFFFFFC00, v9  }
0x3fa: {  	v6 =	vor.u32 v11, v12;
	v10 =	vand.u32 $0x7F, v10;
	v9 =	vadd.s32 v48, v9  }
0x3fb: {  	[tilespmem:v13+s31+$0x0] =	vst.idx.msk $0xffff, v5;
	v6 =	vor.u32 v46, v6;
	v5 =	vor.u32 v10, v9  }
0x3fc: {  	v14 =	vor.u32 v16, v59;
	v8 =	vld.idx.msk [tilespmem:v8+s13+$0x0], $0xffff;
	v5 =	vor.u32 v47, v5;
	_ =	sdelay $0x1  }
0x3fd: {  	v12 =	vshll.u32 v7, $0x3;
	v11 =	vld [tilespmem:$0x160]  }
0x3fe: {  	v12 =	vand.u32 $0xFFFFFC00, v12;
	v10 =	vld [tilespmem:$0x1A0]  }
0x3ff: {  	v9 =	vadd.s32 v50, v12;
	v12 =	vor.u32 v21, v44;
	v6 =	vld.idx.msk [tilespmem:v6+s13+$0x0], $0xffff  }
0x400: {  	v13 =	vor.u32 v21, v49;
	[tilespmem:v14+s31+$0x0] =	vst.idx.msk $0xffff, v8;
	v7 =	vand.u32 $0x7F, v7;
	v5 =	vld.idx.msk [tilespmem:v5+s13+$0x0], $0xffff  }
0x401: {  	v8 =	vld [tilespmem:$0x130];
	v7 =	vor.u32 v7, v9  }
0x402: {  	v7 =	vor.u32 v52, v7;
	v9 =	vshll.u32 v11, $0x3  }
0x403: {  	v9 =	vand.u32 $0xFFFFFC00, v9  }
0x404: {  	v11 =	vand.u32 $0x7F, v11;
	v9 =	vadd.s32 v56, v9;
	[tilespmem:v12+s31+$0x0] =	vst.idx.msk $0xffff, v6  }
0x405: {  	v14 =	vor.u32 v21, v53;
	v9 =	vor.u32 v11, v9;
	v11 =	vshll.u32 v10, $0x3;
	[tilespmem:v13+s31+$0x0] =	vst.idx.msk $0xffff, v5  }
0x406: {  	v26 =	vmovc v19;
	v15 =	vshll.u32 v8, $0x3;
	v9 =	vor.u32 v57, v9;
	v11 =	vand.u32 $0xFFFFFC00, v11;
	v19 =	vld [tilespmem:$0x1FFA0]  }
0x407: {  	v15 =	vand.u32 $0xFFFFFC00, v15;
	v10 =	vand.u32 $0x7F, v10;
	v7 =	vld.idx.msk [tilespmem:v7+s13+$0x0], $0xffff;
	v11 =	vadd.s32 v54, v11  }
0x408: {  	v8 =	vand.u32 $0x7F, v8;
	v6 =	vor.u32 v10, v11;
	v10 =	vadd.s32 v61, v15  }
0x409: {  	v11 =	vld [tilespmem:$0x1D0];
	v6 =	vor.u32 v51, v6;
	v8 =	vor.u32 v8, v10  }
0x40a: {  	v8 =	vor.u32 v60, v8  }
0x40b: {  	v5 =	vld.idx.msk [tilespmem:v9+s13+$0x0], $0xffff;
	v9 =	vor.u32 v19, v58  }
0x40c: {  	v10 =	vld [tilespmem:$0x1D0];
	[tilespmem:v14+s31+$0x0] =	vst.idx.msk $0xffff, v7  }
0x40d: {  	v7 =	vld [tilespmem:$0x1D0]  }
0x40e: {  	v13 =	vor.u32 v33, v55;
	v12 =	vshll.u32 v11, $0x3;
	v6 =	vld.idx.msk [tilespmem:v6+s13+$0x0], $0xffff  }
0x40f: {  	v14 =	vor.u32 v24, v59;
	v12 =	vand.u32 $0xFFFFFC00, v12;
	v8 =	vld.idx.msk [tilespmem:v8+s13+$0x0], $0xffff  }
0x410: {  	v11 =	vand.u32 $0x7F, v11;
	v12 =	vadd.s32 v45, v12;
	[tilespmem:v9+s31+$0x0] =	vst.idx.msk $0xffff, v5  }
0x411: {  	v5 =	vor.u32 v11, v12;
	v9 =	vshll.u32 v10, $0x3;
	v11 =	vld [tilespmem:$0x170]  }
0x412: {  	v12 =	vshll.u32 v7, $0x3;
	v5 =	vor.u32 v46, v5;
	v9 =	vand.u32 $0xFFFFFC00, v9  }
0x413: {  	[tilespmem:v13+s31+$0x0] =	vst.idx.msk $0xffff, v6;
	v10 =	vand.u32 $0x7F, v10;
	v12 =	vand.u32 $0xFFFFFC00, v12;
	v9 =	vadd.s32 v48, v9  }
0x414: {  	[tilespmem:v14+s31+$0x0] =	vst.idx.msk $0xffff, v8;
	v7 =	vand.u32 $0x7F, v7;
	v6 =	vor.u32 v10, v9;
	v9 =	vadd.s32 v50, v12;
	v10 =	vld [tilespmem:$0x1B0]  }
0x415: {  	v8 =	vld [tilespmem:$0x140];
	v6 =	vor.u32 v47, v6;
	v7 =	vor.u32 v7, v9  }
0x416: {  	v7 =	vor.u32 v52, v7;
	v9 =	vshll.u32 v11, $0x3  }
0x417: {  	v12 =	vor.u32 v32, v44;
	v5 =	vld.idx.msk [tilespmem:v5+s13+$0x0], $0xffff;
	v9 =	vand.u32 $0xFFFFFC00, v9  }
0x418: {  	v13 =	vor.u32 v32, v49;
	v11 =	vand.u32 $0x7F, v11;
	v9 =	vadd.s32 v56, v9  }
0x419: {  	v14 =	vor.u32 v32, v53;
	v9 =	vor.u32 v11, v9;
	v11 =	vshll.u32 v10, $0x3  }
0x41a: {  	v15 =	vshll.u32 v8, $0x3;
	v6 =	vld.idx.msk [tilespmem:v6+s13+$0x0], $0xffff;
	v9 =	vor.u32 v57, v9;
	v11 =	vand.u32 $0xFFFFFC00, v11  }
0x41b: {  	v15 =	vand.u32 $0xFFFFFC00, v15;
	v10 =	vand.u32 $0x7F, v10;
	v7 =	vld.idx.msk [tilespmem:v7+s13+$0x0], $0xffff;
	v11 =	vadd.s32 v54, v11  }
0x41c: {  	v8 =	vand.u32 $0x7F, v8;
	[tilespmem:v12+s31+$0x0] =	vst.idx.msk $0xffff, v5;
	v5 =	vor.u32 v10, v11;
	v10 =	vadd.s32 v61, v15  }
0x41d: {  	v11 =	vld [tilespmem:$0x1E0];
	v5 =	vor.u32 v51, v5;
	v8 =	vor.u32 v8, v10  }
0x41e: {  	v8 =	vor.u32 v60, v8  }
0x41f: {  	[tilespmem:v13+s31+$0x0] =	vst.idx.msk $0xffff, v6;
	v6 =	vld.idx.msk [tilespmem:v9+s13+$0x0], $0xffff;
	v9 =	vor.u32 v27, v58  }
0x420: {  	v10 =	vld [tilespmem:$0x1E0];
	[tilespmem:v14+s31+$0x0] =	vst.idx.msk $0xffff, v7  }
0x421: {  	v7 =	vld [tilespmem:$0x1E0]  }
0x422: {  	v13 =	vor.u32 v26, v55;
	v12 =	vshll.u32 v11, $0x3;
	v5 =	vld.idx.msk [tilespmem:v5+s13+$0x0], $0xffff  }
0x423: {  	v14 =	vor.u32 v23, v59;
	v12 =	vand.u32 $0xFFFFFC00, v12;
	v8 =	vld.idx.msk [tilespmem:v8+s13+$0x0], $0xffff  }
0x424: {  	v11 =	vand.u32 $0x7F, v11;
	v12 =	vadd.s32 v45, v12;
	[tilespmem:v9+s31+$0x0] =	vst.idx.msk $0xffff, v6  }
0x425: {  	v6 =	vor.u32 v11, v12;
	v9 =	vshll.u32 v10, $0x3;
	v11 =	vld [tilespmem:$0x180]  }
0x426: {  	v6 =	vor.u32 v46, v6;
	v9 =	vand.u32 $0xFFFFFC00, v9;
	v12 =	vshll.u32 v7, $0x3  }
0x427: {  	v10 =	vand.u32 $0x7F, v10;
	v9 =	vadd.s32 v48, v9;
	v12 =	vand.u32 $0xFFFFFC00, v12;
	[tilespmem:v13+s31+$0x0] =	vst.idx.msk $0xffff, v5  }
0x428: {  	v7 =	vand.u32 $0x7F, v7;
	v5 =	vor.u32 v10, v9;
	v9 =	vadd.s32 v50, v12;
	v10 =	vld [tilespmem:$0x1C0];
	[tilespmem:v14+s31+$0x0] =	vst.idx.msk $0xffff, v8  }
0x429: {  	v5 =	vor.u32 v47, v5;
	v7 =	vor.u32 v7, v9;
	v8 =	vld [tilespmem:$0x150]  }
0x42a: {  	v7 =	vor.u32 v52, v7;
	v9 =	vshll.u32 v11, $0x3  }
0x42b: {  	v12 =	vor.u32 v34, v44;
	v6 =	vld.idx.msk [tilespmem:v6+s13+$0x0], $0xffff;
	v9 =	vand.u32 $0xFFFFFC00, v9  }
0x42c: {  	[tilespmem:v3+s31+$0x0] =	vst.idx.msk $0xffff, v4;
	v3 =	vor.u32 v34, v49;
	v4 =	vand.u32 $0x7F, v11;
	v9 =	vadd.s32 v56, v9  }
0x42d: {  	v13 =	vor.u32 v34, v53;
	v11 =	vld [tilespmem:$0x1F0];
	v4 =	vor.u32 v4, v9;
	v9 =	vshll.u32 v10, $0x3  }
0x42e: {  	v5 =	vld.idx.msk [tilespmem:v5+s13+$0x0], $0xffff;
	v4 =	vor.u32 v57, v4;
	v9 =	vand.u32 $0xFFFFFC00, v9;
	v14 =	vshll.u32 v8, $0x3  }
0x42f: {  	v10 =	vand.u32 $0x7F, v10;
	v7 =	vld.idx.msk [tilespmem:v7+s13+$0x0], $0xffff;
	v9 =	vadd.s32 v54, v9;
	v14 =	vand.u32 $0xFFFFFC00, v14  }
0x430: {  	v8 =	vand.u32 $0x7F, v8;
	[tilespmem:v12+s31+$0x0] =	vst.idx.msk $0xffff, v6;
	v6 =	vor.u32 v10, v9;
	v9 =	vadd.s32 v61, v14  }
0x431: {  	v10 =	vld [tilespmem:$0x1F0];
	v8 =	vor.u32 v8, v9  }
0x432: {  	v6 =	vor.u32 v51, v6;
	v9 =	vshll.u32 v11, $0x3;
	v8 =	vor.u32 v60, v8  }
0x433: {  	v9 =	vand.u32 $0xFFFFFC00, v9;
	[tilespmem:v3+s31+$0x0] =	vst.idx.msk $0xffff, v5;
	v3 =	vor.u32 v20, v58;
	v4 =	vld.idx.msk [tilespmem:v4+s13+$0x0], $0xffff  }
0x434: {  	v5 =	vand.u32 $0x7F, v11;
	v9 =	vadd.s32 v43, v9;
	v11 =	vld [tilespmem:$0x1F0]  }
0x435: {  	[tilespmem:v13+s31+$0x0] =	vst.idx.msk $0xffff, v7;
	v5 =	vor.u32 v5, v9  }
0x436: {  	v7 =	vld [tilespmem:$0x1F0];
	v5 =	vor.u32 v41, v5;
	v9 =	vshll.u32 v10, $0x3  }
0x437: {  	v12 =	vor.u32 v21, v55;
	v13 =	vor.u32 v18, v59;
	v6 =	vld.idx.msk [tilespmem:v6+s13+$0x0], $0xffff;
	v9 =	vand.u32 $0xFFFFFC00, v9  }
0x438: {  	v10 =	vand.u32 $0x7F, v10;
	v8 =	vld.idx.msk [tilespmem:v8+s13+$0x0], $0xffff;
	v9 =	vadd.s32 v45, v9;
	[tilespmem:v3+s31+$0x0] =	vst.idx.msk $0xffff, v4  }
0x439: {  	v3 =	vor.u32 v10, v9;
	v4 =	vshll.u32 v11, $0x3;
	v9 =	vld [tilespmem:$0x190]  }
0x43a: {  	v3 =	vor.u32 v46, v3;
	v4 =	vand.u32 $0xFFFFFC00, v4  }
0x43b: {  	v11 =	vand.u32 $0x7F, v11;
	v10 =	vshll.u32 v7, $0x3;
	v5 =	vld.idx.msk [tilespmem:v5+s13+$0x0], $0xffff;
	v4 =	vadd.s32 v48, v4  }
0x43c: {  	v10 =	vand.u32 $0xFFFFFC00, v10;
	[tilespmem:v12+s31+$0x0] =	vst.idx.msk $0xffff, v6;
	v4 =	vor.u32 v11, v4  }
0x43d: {  	v6 =	vand.u32 $0x7F, v7;
	v7 =	vadd.s32 v50, v10;
	v10 =	vld [tilespmem:$0x1D0];
	[tilespmem:v13+s31+$0x0] =	vst.idx.msk $0xffff, v8;
	v4 =	vor.u32 v47, v4  }
0x43e: {  	v6 =	vor.u32 v6, v7;
	v7 =	vld [tilespmem:$0x160];
	v8 =	vshll.u32 v9, $0x3  }
0x43f: {  	v11 =	vor.u32 v28, v44;
	v6 =	vor.u32 v52, v6;
	v3 =	vld.idx.msk [tilespmem:v3+s13+$0x0], $0xffff;
	v8 =	vand.u32 $0xFFFFFC00, v8  }
0x440: {  	[tilespmem:v0+s31+$0x0] =	vst.idx.msk $0xffff, v5;
	v5 =	vand.u32 $0x7F, v9;
	v8 =	vadd.s32 v56, v8  }
0x441: {  	v9 =	vld [tilespmem:$0x200];
	v5 =	vor.u32 v5, v8  }
0x442: {  	v0 =	vor.u32 v28, v49;
	v8 =	vshll.u32 v10, $0x3;
	v4 =	vld.idx.msk [tilespmem:v4+s13+$0x0], $0xffff;
	v5 =	vor.u32 v57, v5  }
0x443: {  	v12 =	vor.u32 v28, v53;
	v8 =	vand.u32 $0xFFFFFC00, v8;
	v13 =	vshll.u32 v7, $0x3  }
0x444: {  	v10 =	vand.u32 $0x7F, v10;
	v6 =	vld.idx.msk [tilespmem:v6+s13+$0x0], $0xffff;
	v8 =	vadd.s32 v54, v8;
	v13 =	vand.u32 $0xFFFFFC00, v13;
	[tilespmem:v11+s31+$0x0] =	vst.idx.msk $0xffff, v3  }
0x445: {  	v7 =	vand.u32 $0x7F, v7;
	v3 =	vor.u32 v10, v8;
	v8 =	vadd.s32 v61, v13;
	v10 =	vld [tilespmem:$0x200]  }
0x446: {  	v3 =	vor.u32 v51, v3;
	v7 =	vor.u32 v7, v8;
	v8 =	vshll.u32 v9, $0x3  }
0x447: {  	v8 =	vand.u32 $0xFFFFFC00, v8;
	[tilespmem:v0+s31+$0x0] =	vst.idx.msk $0xffff, v4;
	v0 =	vor.u32 v31, v58;
	v4 =	vld.idx.msk [tilespmem:v5+s13+$0x0], $0xffff  }
0x448: {  	v5 =	vand.u32 $0x7F, v9;
	v8 =	vadd.s32 v43, v8;
	v9 =	vld [tilespmem:$0x200]  }
0x449: {  	v7 =	vor.u32 v60, v7;
	[tilespmem:v12+s31+$0x0] =	vst.idx.msk $0xffff, v6;
	v5 =	vor.u32 v5, v8  }
0x44a: {  	v16 =	vmov v32;
	v6 =	vld [tilespmem:$0x200];
	v5 =	vor.u32 v41, v5;
	v8 =	vshll.u32 v10, $0x3  }
0x44b: {  	v11 =	vor.u32 v16, v55;
	v3 =	vld.idx.msk [tilespmem:v3+s13+$0x0], $0xffff;
	v8 =	vand.u32 $0xFFFFFC00, v8  }
0x44c: {  	v10 =	vand.u32 $0x7F, v10;
	v8 =	vadd.s32 v45, v8;
	[tilespmem:v0+s31+$0x0] =	vst.idx.msk $0xffff, v4  }
0x44d: {  	v12 =	vor.u32 v19, v59;
	v4 =	vor.u32 v10, v8;
	v8 =	vshll.u32 v9, $0x3;
	v10 =	vld [tilespmem:$0x1A0]  }
0x44e: {  	v7 =	vld.idx.msk [tilespmem:v7+s13+$0x0], $0xffff;
	v0 =	vor.u32 v22, v42;
	v4 =	vor.u32 v46, v4;
	v8 =	vand.u32 $0xFFFFFC00, v8  }
0x44f: {  	v9 =	vand.u32 $0x7F, v9;
	v13 =	vshll.u32 v6, $0x3;
	v5 =	vld.idx.msk [tilespmem:v5+s13+$0x0], $0xffff;
	v8 =	vadd.s32 v48, v8  }
0x450: {  	v13 =	vand.u32 $0xFFFFFC00, v13;
	[tilespmem:v11+s31+$0x0] =	vst.idx.msk $0xffff, v3;
	v3 =	vor.u32 v9, v8  }
0x451: {  	v6 =	vand.u32 $0x7F, v6;
	v8 =	vadd.s32 v50, v13;
	v9 =	vld [tilespmem:$0x1E0];
	v3 =	vor.u32 v47, v3  }
0x452: {  	v11 =	vor.u32 v22, v44;
	v6 =	vor.u32 v6, v8;
	v8 =	vshll.u32 v10, $0x3  }
0x453: {  	[tilespmem:v12+s31+$0x0] =	vst.idx.msk $0xffff, v7;
	v6 =	vor.u32 v52, v6;
	v4 =	vld.idx.msk [tilespmem:v4+s13+$0x0], $0xffff;
	v8 =	vand.u32 $0xFFFFFC00, v8  }
0x454: {  	v7 =	vld [tilespmem:$0x170];
	[tilespmem:v0+s31+$0x0] =	vst.idx.msk $0xffff, v5;
	v5 =	vand.u32 $0x7F, v10;
	v8 =	vadd.s32 v56, v8  }
0x455: {  	v5 =	vor.u32 v5, v8  }
0x456: {  	v0 =	vor.u32 v22, v49;
	v8 =	vshll.u32 v9, $0x3;
	v3 =	vld.idx.msk [tilespmem:v3+s13+$0x0], $0xffff;
	v5 =	vor.u32 v57, v5  }
0x457: {  	[tilespmem:v1+s31+$0x0] =	vst.idx.msk $0xffff, v2;
	v10 =	vld [tilespmem:$0x210];
	v8 =	vand.u32 $0xFFFFFC00, v8  }
0x458: {  	v2 =	vand.u32 $0x7F, v9;
	v1 =	vld.idx.msk [tilespmem:v6+s13+$0x0], $0xffff;
	v6 =	vadd.s32 v54, v8;
	[tilespmem:v11+s31+$0x0] =	vst.idx.msk $0xffff, v4  }
0x459: {  	v13 =	vshll.u32 v7, $0x3;
	v4 =	vand.u32 $0x7F, v7;
	v2 =	vor.u32 v2, v6;
	v7 =	vld [tilespmem:$0x210]  }
0x45a: {  	v8 =	vand.u32 $0xFFFFFC00, v13;
	v2 =	vor.u32 v51, v2  }
0x45b: {  	v25 =	vmov v33;
	v6 =	vadd.s32 v61, v8;
	[tilespmem:v0+s31+$0x0] =	vst.idx.msk $0xffff, v3;
	v3 =	vld.idx.msk [tilespmem:v5+s13+$0x0], $0xffff  }
0x45c: {  	v15 =	vmovc v34;
	v4 =	vor.u32 v4, v6;
	v6 =	vshll.u32 v10, $0x3;
	v0 =	vor.u32 v25, v58;
	v8 =	vld [tilespmem:$0x210]  }
0x45d: {  	v12 =	vor.u32 v22, v53;
	v11 =	vor.u32 v15, v55;
	v6 =	vand.u32 $0xFFFFFC00, v6  }
0x45e: {  	v5 =	vand.u32 $0x7F, v10;
	v6 =	vadd.s32 v43, v6;
	v10 =	vshll.u32 v7, $0x3  }
0x45f: {  	v4 =	vor.u32 v60, v4;
	v5 =	vor.u32 v5, v6;
	v2 =	vld.idx.msk [tilespmem:v2+s13+$0x0], $0xffff;
	v10 =	vand.u32 $0xFFFFFC00, v10  }
0x460: {  	v9 =	vld [tilespmem:$0x230];
	v5 =	vor.u32 v41, v5;
	v7 =	vand.u32 $0x7F, v7;
	v10 =	vadd.s32 v45, v10  }
0x461: {  	[tilespmem:v0+s31+$0x0] =	vst.idx.msk $0xffff, v3;
	v3 =	vor.u32 v7, v10;
	v7 =	vshll.u32 v8, $0x3  }
0x462: {  	[tilespmem:v12+s31+$0x0] =	vst.idx.msk $0xffff, v1;
	v7 =	vand.u32 $0xFFFFFC00, v7  }
0x463: {  	v6 =	vld [tilespmem:$0x210];
	v8 =	vand.u32 $0x7F, v8;
	v7 =	vadd.s32 v48, v7  }
0x464: {  	v4 =	vld.idx.msk [tilespmem:v4+s13+$0x0], $0xffff;
	v3 =	vor.u32 v46, v3;
	[tilespmem:v11+s31+$0x0] =	vst.idx.msk $0xffff, v2;
	v2 =	vor.u32 v8, v7  }
0x465: {  	v1 =	vshll.u32 v9, $0x3;
	v0 =	vor.u32 v30, v42;
	v5 =	vld.idx.msk [tilespmem:v5+s13+$0x0], $0xffff;
	v2 =	vor.u32 v47, v2  }
0x466: {  	v12 =	vor.u32 v27, v59;
	v1 =	vand.u32 $0xFFFFFC00, v1;
	v10 =	vld [tilespmem:$0x1B0]  }
0x467: {  	v9 =	vand.u32 $0x7F, v9;
	v1 =	vadd.s32 v40, v1  }
0x468: {  	v1 =	vor.u32 v9, v1;
	v13 =	vshll.u32 v6, $0x3  }
0x469: {  	v9 =	vor.u32 v30, v44;
	v6 =	vand.u32 $0x7F, v6;
	v13 =	vand.u32 $0xFFFFFC00, v13;
	v3 =	vld.idx.msk [tilespmem:v3+s13+$0x0], $0xffff  }
0x46a: {  	v7 =	vadd.s32 v50, v13;
	[tilespmem:v0+s31+$0x0] =	vst.idx.msk $0xffff, v5;
	v0 =	vor.u32 v30, v49;
	v2 =	vld.idx.msk [tilespmem:v2+s13+$0x0], $0xffff  }
0x46b: {  	[tilespmem:v12+s31+$0x0] =	vst.idx.msk $0xffff, v4;
	v4 =	vor.u32 v6, v7;
	v7 =	vshll.u32 v10, $0x3  }
0x46c: {  	v8 =	vld [tilespmem:$0x1F0];
	v7 =	vand.u32 $0xFFFFFC00, v7  }
0x46d: {  	v5 =	vand.u32 $0x7F, v10;
	v7 =	vadd.s32 v56, v7  }
0x46e: {  	v6 =	vld [tilespmem:$0x180];
	v4 =	vor.u32 v52, v4;
	v5 =	vor.u32 v5, v7;
	[tilespmem:v9+s31+$0x0] =	vst.idx.msk $0xffff, v3  }
0x46f: {  	v5 =	vor.u32 v57, v5;
	[tilespmem:v0+s31+$0x0] =	vst.idx.msk $0xffff, v2  }
0x470: {  	v33 =	vmov v21;
	v1 =	vor.u32 v37, v1;
	v21 =	vld [tilespmem:$0x1FEA0]  }
0x471: {  	v10 =	vld [tilespmem:$0x220];
	v7 =	vshll.u32 v8, $0x3  }
0x472: {  	v11 =	vor.u32 v30, v53;
	v8 =	vand.u32 $0x7F, v8;
	v7 =	vand.u32 $0xFFFFFC00, v7  }
0x473: {  	v12 =	vshll.u32 v6, $0x3;
	v4 =	vld.idx.msk [tilespmem:v4+s13+$0x0], $0xffff;
	v6 =	vand.u32 $0x7F, v6;
	v7 =	vadd.s32 v54, v7  }
0x474: {  	v12 =	vand.u32 $0xFFFFFC00, v12;
	v3 =	vor.u32 v8, v7;
	v0 =	vor.u32 v26, v58;
	v2 =	vld.idx.msk [tilespmem:v5+s13+$0x0], $0xffff  }
0x475: {  	v1 =	vld.idx.msk [tilespmem:v1+s13+$0x0], $0xffff;
	v7 =	vadd.s32 v61, v12;
	v3 =	vor.u32 v51, v3;
	v5 =	vor.u32 v21, v36  }
0x476: {  	v8 =	vld [tilespmem:$0x220];
	v6 =	vor.u32 v6, v7;
	v7 =	vshll.u32 v10, $0x3  }
0x477: {  	v7 =	vand.u32 $0xFFFFFC00, v7  }
0x478: {  	v9 =	vand.u32 $0x7F, v10;
	v6 =	vor.u32 v60, v6;
	v7 =	vadd.s32 v43, v7;
	v10 =	vld [tilespmem:$0x220];
	[tilespmem:v11+s31+$0x0] =	vst.idx.msk $0xffff, v4  }
0x479: {  	v4 =	vor.u32 v9, v7;
	v7 =	vld [tilespmem:$0x220];
	[tilespmem:v0+s31+$0x0] =	vst.idx.msk $0xffff, v2  }
0x47a: {  	v4 =	vor.u32 v41, v4;
	v3 =	vld.idx.msk [tilespmem:v3+s13+$0x0], $0xffff;
	[tilespmem:v5+s31+$0x0] =	vst.idx.msk $0xffff, v1  }
0x47b: {  	v29 =	vmovc v20;
	v12 =	vor.u32 v20, v59;
	v11 =	vor.u32 v28, v55;
	v9 =	vshll.u32 v8, $0x3;
	v20 =	vld [tilespmem:$0x1FE90]  }
0x47c: {  	v9 =	vand.u32 $0xFFFFFC00, v9  }
0x47d: {  	v8 =	vand.u32 $0x7F, v8;
	v6 =	vld.idx.msk [tilespmem:v6+s13+$0x0], $0xffff;
	v9 =	vadd.s32 v45, v9;
	v2 =	vshll.u32 v10, $0x3  }
0x47e: {  	v10 =	vand.u32 $0x7F, v10;
	v2 =	vand.u32 $0xFFFFFC00, v2;
	v1 =	vor.u32 v8, v9;
	v5 =	vld [tilespmem:$0x1C0]  }
0x47f: {  	v4 =	vld.idx.msk [tilespmem:v4+s13+$0x0], $0xffff;
	v2 =	vadd.s32 v48, v2;
	v9 =	vshll.u32 v7, $0x3;
	v1 =	vor.u32 v46, v1  }
0x480: {  	v2 =	vor.u32 v10, v2;
	v9 =	vand.u32 $0xFFFFFC00, v9;
	[tilespmem:v11+s31+$0x0] =	vst.idx.msk $0xffff, v3;
	v0 =	vor.u32 v20, v42  }
0x481: {  	v2 =	vor.u32 v47, v2;
	v3 =	vand.u32 $0x7F, v7;
	v7 =	vadd.s32 v50, v9;
	v9 =	vld [tilespmem:$0x200]  }
0x482: {  	v8 =	vld [tilespmem:$0x240];
	[tilespmem:v12+s31+$0x0] =	vst.idx.msk $0xffff, v6;
	v3 =	vor.u32 v3, v7  }
0x483: {  	v6 =	vld [tilespmem:$0x190];
	v3 =	vor.u32 v52, v3;
	v7 =	vshll.u32 v5, $0x3  }
0x484: {  	v11 =	vor.u32 v20, v44;
	v1 =	vld.idx.msk [tilespmem:v1+s13+$0x0], $0xffff;
	v7 =	vand.u32 $0xFFFFFC00, v7  }
0x485: {  	[tilespmem:v0+s31+$0x0] =	vst.idx.msk $0xffff, v4;
	v4 =	vand.u32 $0x7F, v5;
	v5 =	vadd.s32 v56, v7  }
0x486: {  	v2 =	vld.idx.msk [tilespmem:v2+s13+$0x0], $0xffff;
	v12 =	vor.u32 v20, v53;
	v4 =	vor.u32 v4, v5;
	v5 =	vshll.u32 v9, $0x3  }
0x487: {  	v0 =	vor.u32 v20, v49;
	v7 =	vld [tilespmem:$0x230];
	v4 =	vor.u32 v57, v4;
	v5 =	vand.u32 $0xFFFFFC00, v5  }
0x488: {  	v13 =	vshll.u32 v6, $0x3;
	v3 =	vld.idx.msk [tilespmem:v3+s13+$0x0], $0xffff;
	v9 =	vand.u32 $0x7F, v9;
	v5 =	vadd.s32 v54, v5  }
0x489: {  	v10 =	vshll.u32 v8, $0x3;
	v13 =	vand.u32 $0xFFFFFC00, v13;
	[tilespmem:v11+s31+$0x0] =	vst.idx.msk $0xffff, v1;
	v1 =	vor.u32 v9, v5  }
0x48a: {  	v5 =	vand.u32 $0x7F, v6;
	v6 =	vadd.s32 v61, v13;
	v9 =	vand.u32 $0xFFFFFC00, v10  }
0x48b: {  	v10 =	vld [tilespmem:$0x230];
	v1 =	vor.u32 v51, v1;
	v5 =	vor.u32 v5, v6;
	v6 =	vadd.s32 v40, v9  }
0x48c: {  	v8 =	vand.u32 $0x7F, v8;
	[tilespmem:v0+s31+$0x0] =	vst.idx.msk $0xffff, v2;
	v0 =	vor.u32 v33, v58;
	v9 =	vshll.u32 v7, $0x3;
	v2 =	vld.idx.msk [tilespmem:v4+s13+$0x0], $0xffff  }
0x48d: {  	[tilespmem:v12+s31+$0x0] =	vst.idx.msk $0xffff, v3;
	v5 =	vor.u32 v60, v5;
	v9 =	vand.u32 $0xFFFFFC00, v9;
	v4 =	vor.u32 v8, v6;
	v8 =	vld [tilespmem:$0x230]  }
0x48e: {  	v34 =	vmovc v22;
	v6 =	vand.u32 $0x7F, v7;
	v7 =	vadd.s32 v43, v9;
	v9 =	vor.u32 v22, v55;
	v22 =	vld [tilespmem:$0x1FEB0]  }
0x48f: {  	v3 =	vor.u32 v37, v4;
	v4 =	vor.u32 v6, v7;
	v6 =	vld [tilespmem:$0x230]  }
0x490: {  	v7 =	vshll.u32 v10, $0x3;
	v4 =	vor.u32 v41, v4  }
0x491: {  	v11 =	vor.u32 v31, v59;
	v10 =	vand.u32 $0x7F, v10;
	v1 =	vld.idx.msk [tilespmem:v1+s13+$0x0], $0xffff;
	v7 =	vand.u32 $0xFFFFFC00, v7  }
0x492: {  	v5 =	vld.idx.msk [tilespmem:v5+s13+$0x0], $0xffff;
	v7 =	vadd.s32 v45, v7;
	[tilespmem:v0+s31+$0x0] =	vst.idx.msk $0xffff, v2;
	v0 =	vor.u32 v21, v42  }
0x493: {  	v2 =	vor.u32 v10, v7;
	v7 =	vshll.u32 v8, $0x3;
	v12 =	vor.u32 v22, v36;
	v10 =	vld [tilespmem:$0x1D0]  }
0x494: {  	v3 =	vld.idx.msk [tilespmem:v3+s13+$0x0], $0xffff;
	v2 =	vor.u32 v46, v2;
	v7 =	vand.u32 $0xFFFFFC00, v7;
	v13 =	vshll.u32 v6, $0x3  }
0x495: {  	v8 =	vand.u32 $0x7F, v8;
	v7 =	vadd.s32 v48, v7;
	v4 =	vld.idx.msk [tilespmem:v4+s13+$0x0], $0xffff;
	v13 =	vand.u32 $0xFFFFFC00, v13  }
0x496: {  	v6 =	vand.u32 $0x7F, v6;
	[tilespmem:v9+s31+$0x0] =	vst.idx.msk $0xffff, v1;
	v1 =	vor.u32 v8, v7;
	v7 =	vadd.s32 v50, v13  }
0x497: {  	v8 =	vld [tilespmem:$0x210];
	[tilespmem:v11+s31+$0x0] =	vst.idx.msk $0xffff, v5;
	v1 =	vor.u32 v47, v1;
	v5 =	vor.u32 v6, v7  }
0x498: {  	v6 =	vld [tilespmem:$0x1A0];
	v5 =	vor.u32 v52, v5;
	v7 =	vshll.u32 v10, $0x3  }
0x499: {  	[tilespmem:v12+s31+$0x0] =	vst.idx.msk $0xffff, v3;
	v2 =	vld.idx.msk [tilespmem:v2+s13+$0x0], $0xffff;
	v3 =	vor.u32 v21, v44;
	v7 =	vand.u32 $0xFFFFFC00, v7  }
0x49a: {  	v9 =	vld [tilespmem:$0x250];
	[tilespmem:v0+s31+$0x0] =	vst.idx.msk $0xffff, v4;
	v4 =	vand.u32 $0x7F, v10;
	v7 =	vadd.s32 v56, v7  }
0x49b: {  	v11 =	vor.u32 v21, v53;
	v10 =	vld [tilespmem:$0x240];
	v4 =	vor.u32 v4, v7  }
0x49c: {  	v0 =	vor.u32 v21, v49;
	v7 =	vshll.u32 v8, $0x3;
	v1 =	vld.idx.msk [tilespmem:v1+s13+$0x0], $0xffff;
	v4 =	vor.u32 v57, v4  }
0x49d: {  	v8 =	vand.u32 $0x7F, v8;
	v7 =	vand.u32 $0xFFFFFC00, v7;
	v12 =	vshll.u32 v6, $0x3  }
0x49e: {  	v5 =	vld.idx.msk [tilespmem:v5+s13+$0x0], $0xffff;
	v7 =	vadd.s32 v54, v7;
	v12 =	vand.u32 $0xFFFFFC00, v12;
	[tilespmem:v3+s31+$0x0] =	vst.idx.msk $0xffff, v2;
	v3 =	vand.u32 $0x7F, v6  }
0x49f: {  	v2 =	vor.u32 v8, v7;
	v6 =	vadd.s32 v61, v12;
	v7 =	vld [tilespmem:$0x240];
	v8 =	vshll.u32 v9, $0x3  }
0x4a0: {  	v2 =	vor.u32 v51, v2;
	v3 =	vor.u32 v3, v6;
	v6 =	vshll.u32 v10, $0x3  }
0x4a1: {  	v3 =	vor.u32 v60, v3;
	[tilespmem:v0+s31+$0x0] =	vst.idx.msk $0xffff, v1;
	v0 =	vor.u32 v16, v58;
	v1 =	vld.idx.msk [tilespmem:v4+s13+$0x0], $0xffff  }
0x4a2: {  	v6 =	vand.u32 $0xFFFFFC00, v6;
	v4 =	vand.u32 $0xFFFFFC00, v8;
	v8 =	vand.u32 $0x7F, v10;
	v10 =	vld [tilespmem:$0x240]  }
0x4a3: {  	v6 =	vadd.s32 v43, v6;
	[tilespmem:v11+s31+$0x0] =	vst.idx.msk $0xffff, v5;
	v5 =	vand.u32 $0x7F, v9;
	v4 =	vadd.s32 v40, v4  }
0x4a4: {  	v11 =	vor.u32 v30, v55;
	v6 =	vor.u32 v8, v6;
	v8 =	vld [tilespmem:$0x240];
	v9 =	vshll.u32 v7, $0x3  }
0x4a5: {  	v4 =	vor.u32 v5, v4;
	v7 =	vand.u32 $0x7F, v7;
	v2 =	vld.idx.msk [tilespmem:v2+s13+$0x0], $0xffff;
	v5 =	vand.u32 $0xFFFFFC00, v9  }
0x4a6: {  	v6 =	vor.u32 v41, v6;
	v9 =	vor.u32 v25, v59;
	v3 =	vld.idx.msk [tilespmem:v3+s13+$0x0], $0xffff;
	v5 =	vadd.s32 v45, v5  }
0x4a7: {  	[tilespmem:v0+s31+$0x0] =	vst.idx.msk $0xffff, v1;
	v1 =	vor.u32 v7, v5;
	v5 =	vshll.u32 v10, $0x3  }
0x4a8: {  	v5 =	vand.u32 $0xFFFFFC00, v5  }
0x4a9: {  	v0 =	vor.u32 v22, v42;
	v10 =	vand.u32 $0x7F, v10;
	v5 =	vadd.s32 v48, v5  }
0x4aa: {  	v7 =	vld [tilespmem:$0x1E0];
	v1 =	vor.u32 v46, v1;
	[tilespmem:v11+s31+$0x0] =	vst.idx.msk $0xffff, v2;
	v2 =	vor.u32 v10, v5  }
0x4ab: {  	v12 =	vshll.u32 v8, $0x3;
	v6 =	vld.idx.msk [tilespmem:v6+s13+$0x0], $0xffff;
	[tilespmem:v9+s31+$0x0] =	vst.idx.msk $0xffff, v3;
	v2 =	vor.u32 v47, v2  }
0x4ac: {  	v32 =	vmov v23;
	v4 =	vor.u32 v37, v4;
	v12 =	vand.u32 $0xFFFFFC00, v12;
	v23 =	vld [tilespmem:$0x1FEC0]  }
0x4ad: {  	v5 =	vand.u32 $0x7F, v8;
	v8 =	vadd.s32 v50, v12;
	v10 =	vld [tilespmem:$0x220]  }
0x4ae: {  	v3 =	vor.u32 v5, v8;
	v5 =	vld [tilespmem:$0x1B0]  }
0x4af: {  	v11 =	vor.u32 v22, v44;
	v3 =	vor.u32 v52, v3;
	v9 =	vshll.u32 v7, $0x3;
	v1 =	vld.idx.msk [tilespmem:v1+s13+$0x0], $0xffff  }
0x4b0: {  	v9 =	vand.u32 $0xFFFFFC00, v9;
	[tilespmem:v0+s31+$0x0] =	vst.idx.msk $0xffff, v6;
	v0 =	vor.u32 v22, v49;
	v2 =	vld.idx.msk [tilespmem:v2+s13+$0x0], $0xffff  }
0x4b1: {  	v4 =	vld.idx.msk [tilespmem:v4+s13+$0x0], $0xffff;
	v6 =	vand.u32 $0x7F, v7;
	v7 =	vadd.s32 v56, v9;
	v8 =	vor.u32 v23, v36  }
0x4b2: {  	v6 =	vor.u32 v6, v7  }
0x4b3: {  	v9 =	vld [tilespmem:$0x250];
	v7 =	vshll.u32 v10, $0x3;
	v6 =	vor.u32 v57, v6  }
0x4b4: {  	v12 =	vor.u32 v22, v53;
	v7 =	vand.u32 $0xFFFFFC00, v7;
	[tilespmem:v11+s31+$0x0] =	vst.idx.msk $0xffff, v1  }
0x4b5: {  	v13 =	vshll.u32 v5, $0x3;
	v3 =	vld.idx.msk [tilespmem:v3+s13+$0x0], $0xffff;
	v7 =	vadd.s32 v54, v7;
	[tilespmem:v0+s31+$0x0] =	vst.idx.msk $0xffff, v2  }
0x4b6: {  	v0 =	vor.u32 v15, v58;
	[tilespmem:v8+s31+$0x0] =	vst.idx.msk $0xffff, v4;
	v4 =	vand.u32 $0x7F, v10;
	v8 =	vand.u32 $0xFFFFFC00, v13  }
0x4b7: {  	v1 =	vor.u32 v4, v7;
	v4 =	vand.u32 $0x7F, v5;
	v5 =	vadd.s32 v61, v8;
	v7 =	vld [tilespmem:$0x250]  }
0x4b8: {  	v2 =	vld.idx.msk [tilespmem:v6+s13+$0x0], $0xffff;
	v1 =	vor.u32 v51, v1;
	v4 =	vor.u32 v4, v5;
	v5 =	vshll.u32 v9, $0x3  }
0x4b9: {  	v4 =	vor.u32 v60, v4;
	v5 =	vand.u32 $0xFFFFFC00, v5  }
0x4ba: {  	v6 =	vand.u32 $0x7F, v9;
	v8 =	vld [tilespmem:$0x250];
	[tilespmem:v12+s31+$0x0] =	vst.idx.msk $0xffff, v3;
	v5 =	vadd.s32 v43, v5  }
0x4bb: {  	v5 =	vor.u32 v6, v5;
	v6 =	vld [tilespmem:$0x250]  }
0x4bc: {  	v11 =	vor.u32 v20, v55;
	v10 =	vld [tilespmem:$0x260];
	v12 =	vor.u32 v26, v59;
	v9 =	vshll.u32 v7, $0x3  }
0x4bd: {  	[tilespmem:v0+s31+$0x0] =	vst.idx.msk $0xffff, v2;
	v5 =	vor.u32 v41, v5;
	v1 =	vld.idx.msk [tilespmem:v1+s13+$0x0], $0xffff;
	v9 =	vand.u32 $0xFFFFFC00, v9  }
0x4be: {  	v0 =	vor.u32 v23, v42;
	v7 =	vand.u32 $0x7F, v7;
	v4 =	vld.idx.msk [tilespmem:v4+s13+$0x0], $0xffff;
	v9 =	vadd.s32 v45, v9  }
0x4bf: {  	v13 =	vld.idx.msk [tilespmem:v63+s13+$0x0], $0xffff;
	v2 =	vor.u32 v7, v9;
	v7 =	vshll.u32 v8, $0x3;
	v8 =	vand.u32 $0x7F, v8  }
0x4c0: {  	v9 =	vld [tilespmem:$0x1F0];
	v2 =	vor.u32 v46, v2;
	v7 =	vand.u32 $0xFFFFFC00, v7;
	v14 =	vshll.u32 v6, $0x3  }
0x4c1: {  	v6 =	vand.u32 $0x7F, v6;
	v7 =	vadd.s32 v48, v7;
	v14 =	vand.u32 $0xFFFFFC00, v14  }
0x4c2: {  	v5 =	vld.idx.msk [tilespmem:v5+s13+$0x0], $0xffff;
	[tilespmem:v11+s31+$0x0] =	vst.idx.msk $0xffff, v1;
	v1 =	vor.u32 v8, v7;
	v7 =	vadd.s32 v50, v14  }
0x4c3: {  	v3 =	vshll.u32 v10, $0x3;
	[tilespmem:v12+s31+$0x0] =	vst.idx.msk $0xffff, v4;
	v1 =	vor.u32 v47, v1;
	v4 =	vor.u32 v6, v7  }
0x4c4: {  	v3 =	vand.u32 $0xFFFFFC00, v3;
	v8 =	vld [tilespmem:$0x230];
	v4 =	vor.u32 v52, v4  }
0x4c5: {  	[tilespmem:v62+s31+$0x0] =	vst.idx.msk $0xffff, v13;
	v10 =	vand.u32 $0x7F, v10;
	v3 =	vadd.s32 v40, v3;
	v6 =	vld [tilespmem:$0x1C0];
	v7 =	vshll.u32 v9, $0x3  }
0x4c6: {  	v3 =	vor.u32 v10, v3;
	v10 =	vor.u32 v23, v44;
	v2 =	vld.idx.msk [tilespmem:v2+s13+$0x0], $0xffff;
	v7 =	vand.u32 $0xFFFFFC00, v7  }
0x4c7: {  	[tilespmem:v0+s31+$0x0] =	vst.idx.msk $0xffff, v5;
	v5 =	vand.u32 $0x7F, v9;
	v7 =	vadd.s32 v56, v7  }
0x4c8: {  	v3 =	vor.u32 v37, v3;
	v0 =	vor.u32 v23, v49;
	v5 =	vor.u32 v5, v7;
	v1 =	vld.idx.msk [tilespmem:v1+s13+$0x0], $0xffff  }
0x4c9: {  	v12 =	vor.u32 v23, v53;
	v7 =	vshll.u32 v8, $0x3;
	v5 =	vor.u32 v57, v5;
	v4 =	vld.idx.msk [tilespmem:v4+s13+$0x0], $0xffff  }
0x4ca: {  	v11 =	vld [tilespmem:$0x270];
	v7 =	vand.u32 $0xFFFFFC00, v7;
	v13 =	vshll.u32 v6, $0x3  }
0x4cb: {  	v9 =	vld [tilespmem:$0x260];
	v8 =	vand.u32 $0x7F, v8;
	v7 =	vadd.s32 v54, v7;
	v13 =	vand.u32 $0xFFFFFC00, v13;
	[tilespmem:v10+s31+$0x0] =	vst.idx.msk $0xffff, v2  }
0x4cc: {  	v6 =	vand.u32 $0x7F, v6;
	v2 =	vor.u32 v8, v7;
	v7 =	vadd.s32 v61, v13;
	v8 =	vld [tilespmem:$0x260]  }
0x4cd: {  	v3 =	vld.idx.msk [tilespmem:v3+s13+$0x0], $0xffff;
	v2 =	vor.u32 v51, v2;
	v6 =	vor.u32 v6, v7;
	[tilespmem:v0+s31+$0x0] =	vst.idx.msk $0xffff, v1  }
0x4ce: {  	v6 =	vor.u32 v60, v6;
	v1 =	vld.idx.msk [tilespmem:v5+s13+$0x0], $0xffff;
	[tilespmem:v12+s31+$0x0] =	vst.idx.msk $0xffff, v4  }
0x4cf: {  	v7 =	vshll.u32 v11, $0x3;
	v0 =	vor.u32 v28, v58;
	v24 =	vld [tilespmem:$0x1FED0]  }
0x4d0: {  	v19 =	vmovc v15;
	v15 =	vor.u32 v33, v59;
	v5 =	vand.u32 $0xFFFFFC00, v7;
	v7 =	vshll.u32 v9, $0x3;
	v10 =	vld [tilespmem:$0x260]  }
0x4d1: {  	v14 =	vor.u32 v21, v55;
	v7 =	vand.u32 $0xFFFFFC00, v7;
	v12 =	vld [tilespmem:$0x260];
	v13 =	vshll.u32 v8, $0x3  }
0x4d2: {  	v9 =	vand.u32 $0x7F, v9;
	v7 =	vadd.s32 v43, v7;
	v2 =	vld.idx.msk [tilespmem:v2+s13+$0x0], $0xffff;
	v13 =	vand.u32 $0xFFFFFC00, v13  }
0x4d3: {  	v4 =	vadd.s32 v39, v5;
	v7 =	vor.u32 v9, v7;
	v6 =	vld.idx.msk [tilespmem:v6+s13+$0x0], $0xffff;
	v9 =	vadd.s32 v45, v13  }
0x4d4: {  	v8 =	vand.u32 $0x7F, v8;
	[tilespmem:v0+s31+$0x0] =	vst.idx.msk $0xffff, v1;
	v0 =	vor.u32 v41, v7;
	v5 =	vor.u32 v24, v36  }
0x4d5: {  	v1 =	vor.u32 v8, v9;
	v7 =	vshll.u32 v10, $0x3;
	v8 =	vld [tilespmem:$0x200]  }
0x4d6: {  	v1 =	vor.u32 v46, v1;
	v7 =	vand.u32 $0xFFFFFC00, v7;
	v9 =	vshll.u32 v12, $0x3  }
0x4d7: {  	v10 =	vand.u32 $0x7F, v10;
	v7 =	vadd.s32 v48, v7;
	v9 =	vand.u32 $0xFFFFFC00, v9;
	[tilespmem:v14+s31+$0x0] =	vst.idx.msk $0xffff, v2  }
0x4d8: {  	v2 =	vor.u32 v10, v7;
	v7 =	vand.u32 $0x7F, v12;
	v9 =	vadd.s32 v50, v9;
	v10 =	vld [tilespmem:$0x240];
	[tilespmem:v15+s31+$0x0] =	vst.idx.msk $0xffff, v6  }
0x4d9: {  	v2 =	vor.u32 v47, v2;
	v0 =	vld.idx.msk [tilespmem:v0+s13+$0x0], $0xffff;
	[tilespmem:v5+s31+$0x0] =	vst.idx.msk $0xffff, v3;
	v3 =	vor.u32 v7, v9  }
0x4da: {  	v5 =	vld [tilespmem:$0x1D0];
	v7 =	vor.u32 v24, v42;
	v9 =	vshll.u32 v8, $0x3;
	v3 =	vor.u32 v52, v3  }
0x4db: {  	v6 =	vand.u32 $0x7F, v11;
	v11 =	vor.u32 v24, v44;
	v1 =	vld.idx.msk [tilespmem:v1+s13+$0x0], $0xffff;
	v9 =	vand.u32 $0xFFFFFC00, v9  }
0x4dc: {  	v4 =	vor.u32 v6, v4;
	v8 =	vand.u32 $0x7F, v8;
	v6 =	vld [tilespmem:$0x270];
	v9 =	vadd.s32 v56, v9  }
0x4dd: {  	v13 =	vor.u32 v24, v53;
	v8 =	vor.u32 v8, v9;
	v9 =	vshll.u32 v10, $0x3  }
0x4de: {  	v12 =	vor.u32 v24, v49;
	v2 =	vld.idx.msk [tilespmem:v2+s13+$0x0], $0xffff;
	v8 =	vor.u32 v57, v8;
	v9 =	vand.u32 $0xFFFFFC00, v9  }
0x4df: {  	v14 =	vshll.u32 v5, $0x3;
	[tilespmem:v7+s31+$0x0] =	vst.idx.msk $0xffff, v0;
	v7 =	vadd.s32 v54, v9;
	v0 =	vld.idx.msk [tilespmem:v3+s13+$0x0], $0xffff;
	v3 =	vand.u32 $0x7F, v10  }
0x4e0: {  	v5 =	vand.u32 $0x7F, v5;
	v9 =	vand.u32 $0xFFFFFC00, v14;
	v3 =	vor.u32 v3, v7  }
0x4e1: {  	[tilespmem:v11+s31+$0x0] =	vst.idx.msk $0xffff, v1;
	v10 =	vld [tilespmem:$0x270];
	v7 =	vadd.s32 v61, v9;
	v9 =	vshll.u32 v6, $0x3;
	v6 =	vand.u32 $0x7F, v6  }
0x4e2: {  	v1 =	vor.u32 v51, v3;
	v3 =	vor.u32 v5, v7;
	v5 =	vand.u32 $0xFFFFFC00, v9;
	v7 =	vld [tilespmem:$0x270]  }
0x4e3: {  	[tilespmem:v12+s31+$0x0] =	vst.idx.msk $0xffff, v2;
	v3 =	vor.u32 v60, v3;
	v5 =	vadd.s32 v40, v5;
	v2 =	vld.idx.msk [tilespmem:v8+s13+$0x0], $0xffff  }
0x4e4: {  	v8 =	vor.u32 v34, v58;
	v5 =	vor.u32 v6, v5;
	v6 =	vld [tilespmem:$0x270];
	[tilespmem:v13+s31+$0x0] =	vst.idx.msk $0xffff, v0  }
0x4e5: {  	v40 =	vld [tilespmem:$0x1FF50]  }
0x4e6: {  	v9 =	vshll.u32 v10, $0x3;
	v11 =	vld [tilespmem:$0x270]  }
0x4e7: {  	v14 =	vor.u32 v16, v59;
	v12 =	vor.u32 v22, v55;
	v9 =	vand.u32 $0xFFFFFC00, v9;
	v1 =	vld.idx.msk [tilespmem:v1+s13+$0x0], $0xffff  }
0x4e8: {  	v10 =	vand.u32 $0x7F, v10;
	v9 =	vadd.s32 v43, v9;
	v13 =	vshll.u32 v7, $0x3;
	v3 =	vld.idx.msk [tilespmem:v3+s13+$0x0], $0xffff  }
0x4e9: {  	v4 =	vor.u32 v35, v4;
	v9 =	vor.u32 v10, v9;
	v10 =	vand.u32 $0xFFFFFC00, v13;
	[tilespmem:v8+s31+$0x0] =	vst.idx.msk $0xffff, v2  }
0x4ea: {  	v7 =	vand.u32 $0x7F, v7;
	v2 =	vor.u32 v41, v9;
	v8 =	vadd.s32 v45, v10;
	v9 =	vld [tilespmem:$0x210]  }
0x4eb: {  	v7 =	vor.u32 v7, v8;
	v8 =	vshll.u32 v6, $0x3  }
0x4ec: {  	v0 =	vor.u32 v40, v38;
	v8 =	vand.u32 $0xFFFFFC00, v8;
	v13 =	vshll.u32 v11, $0x3;
	[tilespmem:v12+s31+$0x0] =	vst.idx.msk $0xffff, v1  }
0x4ed: {  	v1 =	vand.u32 $0x7F, v6;
	v6 =	vadd.s32 v48, v8;
	v8 =	vand.u32 $0xFFFFFC00, v13;
	v12 =	vld [tilespmem:$0x250];
	[tilespmem:v14+s31+$0x0] =	vst.idx.msk $0xffff, v3  }
0x4ee: {  	v1 =	vor.u32 v1, v6;
	v3 =	vand.u32 $0x7F, v11;
	v6 =	vadd.s32 v50, v8;
	v8 =	vld [tilespmem:$0x1E0]  }
0x4ef: {  	v4 =	vld.idx.msk [tilespmem:v4+s13+$0x0], $0xffff;
	v1 =	vor.u32 v47, v1;
	v3 =	vor.u32 v3, v6;
	v6 =	vshll.u32 v9, $0x3  }
0x4f0: {  	v6 =	vand.u32 $0xFFFFFC00, v6  }
0x4f1: {  	v10 =	vor.u32 v40, v42;
	v9 =	vand.u32 $0x7F, v9;
	v6 =	vadd.s32 v56, v6  }
0x4f2: {  	v2 =	vld.idx.msk [tilespmem:v2+s13+$0x0], $0xffff;
	v3 =	vor.u32 v52, v3;
	v6 =	vor.u32 v9, v6;
	v9 =	vshll.u32 v12, $0x3  }
0x4f3: {  	v9 =	vand.u32 $0xFFFFFC00, v9;
	v16 =	vshll.u32 v8, $0x3  }
0x4f4: {  	[tilespmem:v0+s31+$0x0] =	vst.idx.msk $0xffff, v4;
	v0 =	vld.idx.msk [tilespmem:v1+s13+$0x0], $0xffff;
	v1 =	vand.u32 $0x7F, v12;
	v4 =	vadd.s32 v54, v9;
	v9 =	vand.u32 $0xFFFFFC00, v16  }
0x4f5: {  	v1 =	vor.u32 v1, v4;
	v4 =	vand.u32 $0x7F, v8;
	v8 =	vadd.s32 v61, v9  }
0x4f6: {  	v4 =	vor.u32 v4, v8  }
0x4f7: {  	v14 =	vor.u32 v40, v53;
	[tilespmem:v10+s31+$0x0] =	vst.idx.msk $0xffff, v2;
	v3 =	vld.idx.msk [tilespmem:v3+s13+$0x0], $0xffff;
	v2 =	vor.u32 v60, v4;
	_ =	sdelay $0x4  }
0x4f8: {  	[tilespmem:v14+s31+$0x0] =	vst.idx.msk $0xffff, v3;
	v3 =	vor.u32 v19, v59;
	v2 =	vld.idx.msk [tilespmem:v2+s13+$0x0], $0xffff;
	_ =	sdelay $0x4  }
0x4f9: {  	[tilespmem:v3+s31+$0x0] =	vst.idx.msk $0xffff, v2  }
0x4fa: {  	v2 =	vld [tilespmem:$0x1F0];
	_ =	sdelay $0x4  }
0x4fb: {  	v3 =	vshll.u32 v2, $0x3  }
0x4fc: {  	v3 =	vand.u32 $0xFFFFFC00, v3  }
0x4fd: {  	v2 =	vand.u32 $0x7F, v2;
	v3 =	vadd.s32 v61, v3  }
0x4fe: {  	v2 =	vor.u32 v2, v3  }
0x4ff: {  	v2 =	vor.u32 v60, v2;
	_ =	sdelay $0x4  }
0x500: {  	v3 =	vor.u32 v28, v59;
	v2 =	vld.idx.msk [tilespmem:v2+s13+$0x0], $0xffff;
	_ =	sdelay $0x4  }
0x501: {  	[tilespmem:v3+s31+$0x0] =	vst.idx.msk $0xffff, v2  }
0x502: {  	v2 =	vld [tilespmem:$0x200];
	_ =	sdelay $0x4  }
0x503: {  	v3 =	vshll.u32 v2, $0x3  }
0x504: {  	v3 =	vand.u32 $0xFFFFFC00, v3  }
0x505: {  	v2 =	vand.u32 $0x7F, v2;
	v3 =	vadd.s32 v61, v3  }
0x506: {  	v2 =	vor.u32 v2, v3  }
0x507: {  	v2 =	vor.u32 v60, v2;
	_ =	sdelay $0x4  }
0x508: {  	v3 =	vor.u32 v34, v59;
	v2 =	vld.idx.msk [tilespmem:v2+s13+$0x0], $0xffff;
	_ =	sdelay $0x4  }
0x509: {  	[tilespmem:v3+s31+$0x0] =	vst.idx.msk $0xffff, v2  }
0x50a: {  	v2 =	vld [tilespmem:$0x210];
	_ =	sdelay $0x4  }
0x50b: {  	v3 =	vshll.u32 v2, $0x3  }
0x50c: {  	v3 =	vand.u32 $0xFFFFFC00, v3  }
0x50d: {  	v2 =	vand.u32 $0x7F, v2;
	v3 =	vadd.s32 v61, v3  }
0x50e: {  	v13 =	vor.u32 v40, v49;
	v6 =	vor.u32 v57, v6;
	v2 =	vor.u32 v2, v3  }
0x50f: {  	v2 =	vor.u32 v60, v2;
	_ =	sdelay $0x3  }
0x510: {  	[tilespmem:v13+s31+$0x0] =	vst.idx.msk $0xffff, v0;
	v0 =	vld.idx.msk [tilespmem:v6+s13+$0x0], $0xffff;
	v3 =	vor.u32 v30, v58  }
0x511: {  	v4 =	vor.u32 v30, v59;
	v2 =	vld.idx.msk [tilespmem:v2+s13+$0x0], $0xffff;
	_ =	sdelay $0x3  }
0x512: {  	[tilespmem:v3+s31+$0x0] =	vst.idx.msk $0xffff, v0  }
0x513: {  	v0 =	vld [tilespmem:$0x220];
	[tilespmem:v4+s31+$0x0] =	vst.idx.msk $0xffff, v2  }
0x514: {  	v2 =	vld [tilespmem:$0x220];
	_ =	sdelay $0x3  }
0x515: {  	v3 =	vshll.u32 v0, $0x3  }
0x516: {  	v3 =	vand.u32 $0xFFFFFC00, v3;
	v4 =	vshll.u32 v2, $0x3  }
0x517: {  	v0 =	vand.u32 $0x7F, v0;
	v3 =	vadd.s32 v56, v3;
	v4 =	vand.u32 $0xFFFFFC00, v4  }
0x518: {  	v0 =	vor.u32 v0, v3;
	v2 =	vand.u32 $0x7F, v2;
	v3 =	vadd.s32 v61, v4  }
0x519: {  	v0 =	vor.u32 v57, v0;
	v2 =	vor.u32 v2, v3  }
0x51a: {  	v2 =	vor.u32 v60, v2;
	_ =	sdelay $0x3  }
0x51b: {  	v3 =	vor.u32 v20, v58;
	v0 =	vld.idx.msk [tilespmem:v0+s13+$0x0], $0xffff  }
0x51c: {  	v4 =	vor.u32 v20, v59;
	v2 =	vld.idx.msk [tilespmem:v2+s13+$0x0], $0xffff;
	_ =	sdelay $0x3  }
0x51d: {  	[tilespmem:v3+s31+$0x0] =	vst.idx.msk $0xffff, v0  }
0x51e: {  	v0 =	vld [tilespmem:$0x230];
	[tilespmem:v4+s31+$0x0] =	vst.idx.msk $0xffff, v2  }
0x51f: {  	v2 =	vld [tilespmem:$0x230];
	_ =	sdelay $0x3  }
0x520: {  	v3 =	vshll.u32 v0, $0x3  }
0x521: {  	v3 =	vand.u32 $0xFFFFFC00, v3;
	v4 =	vshll.u32 v2, $0x3  }
0x522: {  	v0 =	vand.u32 $0x7F, v0;
	v3 =	vadd.s32 v56, v3;
	v4 =	vand.u32 $0xFFFFFC00, v4  }
0x523: {  	v0 =	vor.u32 v0, v3;
	v2 =	vand.u32 $0x7F, v2;
	v3 =	vadd.s32 v61, v4  }
0x524: {  	v0 =	vor.u32 v57, v0;
	v2 =	vor.u32 v2, v3  }
0x525: {  	v2 =	vor.u32 v60, v2;
	_ =	sdelay $0x3  }
0x526: {  	v0 =	vld.idx.msk [tilespmem:v0+s13+$0x0], $0xffff;
	v3 =	vor.u32 v21, v58  }
0x527: {  	v4 =	vor.u32 v21, v59;
	v2 =	vld.idx.msk [tilespmem:v2+s13+$0x0], $0xffff;
	_ =	sdelay $0x3  }
0x528: {  	[tilespmem:v3+s31+$0x0] =	vst.idx.msk $0xffff, v0  }
0x529: {  	v0 =	vld [tilespmem:$0x240];
	[tilespmem:v4+s31+$0x0] =	vst.idx.msk $0xffff, v2  }
0x52a: {  	v2 =	vld [tilespmem:$0x240];
	_ =	sdelay $0x3  }
0x52b: {  	v5 =	vor.u32 v37, v5;
	v3 =	vshll.u32 v0, $0x3  }
0x52c: {  	v7 =	vor.u32 v46, v7;
	v3 =	vand.u32 $0xFFFFFC00, v3;
	v4 =	vshll.u32 v2, $0x3  }
0x52d: {  	v0 =	vand.u32 $0x7F, v0;
	v3 =	vadd.s32 v56, v3;
	v4 =	vand.u32 $0xFFFFFC00, v4  }
0x52e: {  	v0 =	vor.u32 v0, v3;
	v2 =	vand.u32 $0x7F, v2;
	v3 =	vadd.s32 v61, v4  }
0x52f: {  	v0 =	vor.u32 v57, v0;
	v2 =	vor.u32 v2, v3  }
0x530: {  	v2 =	vor.u32 v60, v2;
	_ =	sdelay $0x1  }
0x531: {  	v5 =	vld.idx.msk [tilespmem:v5+s13+$0x0], $0xffff;
	v15 =	vor.u32 v40, v36  }
0x532: {  	v11 =	vor.u32 v40, v44;
	v7 =	vld.idx.msk [tilespmem:v7+s13+$0x0], $0xffff  }
0x533: {  	v1 =	vor.u32 v51, v1;
	v0 =	vld.idx.msk [tilespmem:v0+s13+$0x0], $0xffff;
	v3 =	vor.u32 v22, v58  }
0x534: {  	v4 =	vor.u32 v22, v59;
	v2 =	vld.idx.msk [tilespmem:v2+s13+$0x0], $0xffff;
	_ =	sdelay $0x1  }
0x535: {  	[tilespmem:v15+s31+$0x0] =	vst.idx.msk $0xffff, v5  }
0x536: {  	[tilespmem:v11+s31+$0x0] =	vst.idx.msk $0xffff, v7  }
0x537: {  	v1 =	vld.idx.msk [tilespmem:v1+s13+$0x0], $0xffff;
	[tilespmem:v3+s31+$0x0] =	vst.idx.msk $0xffff, v0  }
0x538: {  	v0 =	vld [tilespmem:$0x250];
	[tilespmem:v4+s31+$0x0] =	vst.idx.msk $0xffff, v2  }
0x539: {  	v2 =	vld [tilespmem:$0x250];
	_ =	sdelay $0x3  }
0x53a: {  	v3 =	vshll.u32 v0, $0x3  }
0x53b: {  	v3 =	vand.u32 $0xFFFFFC00, v3;
	v4 =	vshll.u32 v2, $0x3  }
0x53c: {  	v0 =	vand.u32 $0x7F, v0;
	v3 =	vadd.s32 v56, v3;
	v4 =	vand.u32 $0xFFFFFC00, v4  }
0x53d: {  	v0 =	vor.u32 v0, v3;
	v2 =	vand.u32 $0x7F, v2;
	v3 =	vadd.s32 v61, v4  }
0x53e: {  	v0 =	vor.u32 v57, v0;
	v2 =	vor.u32 v2, v3  }
0x53f: {  	v2 =	vor.u32 v60, v2  }
0x540: {  	v3 =	vor.u32 v23, v55;
	_ =	sdelay $0x2  }
0x541: {  	v4 =	vor.u32 v23, v58;
	v0 =	vld.idx.msk [tilespmem:v0+s13+$0x0], $0xffff  }
0x542: {  	v5 =	vor.u32 v23, v59;
	v2 =	vld.idx.msk [tilespmem:v2+s13+$0x0], $0xffff  }
0x543: {  	[tilespmem:v3+s31+$0x0] =	vst.idx.msk $0xffff, v1  }
0x544: {  	v1 =	vld [tilespmem:$0x260];
	_ =	sdelay $0x1  }
0x545: {  	[tilespmem:v4+s31+$0x0] =	vst.idx.msk $0xffff, v0  }
0x546: {  	v0 =	vld [tilespmem:$0x260];
	[tilespmem:v5+s31+$0x0] =	vst.idx.msk $0xffff, v2  }
0x547: {  	v2 =	vld [tilespmem:$0x260]  }
0x548: {  	v3 =	vshll.u32 v1, $0x3  }
0x549: {  	v3 =	vand.u32 $0xFFFFFC00, v3  }
0x54a: {  	v1 =	vand.u32 $0x7F, v1;
	v3 =	vadd.s32 v54, v3  }
0x54b: {  	v1 =	vor.u32 v1, v3;
	v3 =	vshll.u32 v0, $0x3  }
0x54c: {  	v1 =	vor.u32 v51, v1;
	v3 =	vand.u32 $0xFFFFFC00, v3;
	v4 =	vshll.u32 v2, $0x3  }
0x54d: {  	v0 =	vand.u32 $0x7F, v0;
	v3 =	vadd.s32 v56, v3;
	v4 =	vand.u32 $0xFFFFFC00, v4  }
0x54e: {  	v0 =	vor.u32 v0, v3;
	v2 =	vand.u32 $0x7F, v2;
	v3 =	vadd.s32 v61, v4  }
0x54f: {  	v0 =	vor.u32 v57, v0;
	v2 =	vor.u32 v2, v3  }
0x550: {  	v2 =	vor.u32 v60, v2  }
0x551: {  	v3 =	vor.u32 v24, v55;
	v1 =	vld.idx.msk [tilespmem:v1+s13+$0x0], $0xffff;
	_ =	sdelay $0x2  }
0x552: {  	v4 =	vor.u32 v24, v58;
	v0 =	vld.idx.msk [tilespmem:v0+s13+$0x0], $0xffff  }
0x553: {  	v5 =	vor.u32 v24, v59;
	v2 =	vld.idx.msk [tilespmem:v2+s13+$0x0], $0xffff  }
0x554: {  	[tilespmem:v3+s31+$0x0] =	vst.idx.msk $0xffff, v1  }
0x555: {  	v1 =	vld [tilespmem:$0x270];
	_ =	sdelay $0x1  }
0x556: {  	[tilespmem:v4+s31+$0x0] =	vst.idx.msk $0xffff, v0  }
0x557: {  	v0 =	vld [tilespmem:$0x270];
	[tilespmem:v5+s31+$0x0] =	vst.idx.msk $0xffff, v2  }
0x558: {  	v2 =	vld [tilespmem:$0x270]  }
0x559: {  	v3 =	vshll.u32 v1, $0x3  }
0x55a: {  	v3 =	vand.u32 $0xFFFFFC00, v3  }
0x55b: {  	v1 =	vand.u32 $0x7F, v1;
	v3 =	vadd.s32 v54, v3  }
0x55c: {  	v1 =	vor.u32 v1, v3;
	v3 =	vshll.u32 v0, $0x3  }
0x55d: {  	v0 =	vand.u32 $0x7F, v0;
	v3 =	vand.u32 $0xFFFFFC00, v3;
	v4 =	vshll.u32 v2, $0x3  }
0x55e: {  	v1 =	vor.u32 v51, v1;
	v3 =	vadd.s32 v56, v3;
	v4 =	vand.u32 $0xFFFFFC00, v4  }
0x55f: {  	v0 =	vor.u32 v0, v3;
	v2 =	vand.u32 $0x7F, v2;
	v3 =	vadd.s32 v61, v4  }
0x560: {  	v0 =	vor.u32 v57, v0;
	v2 =	vor.u32 v2, v3  }
0x561: {  	v2 =	vor.u32 v60, v2;
	_ =	sdelay $0x2  }
0x562: {  	v1 =	vld.idx.msk [tilespmem:v1+s13+$0x0], $0xffff;
	v3 =	vor.u32 v40, v55  }
0x563: {  	v4 =	vor.u32 v40, v58;
	v0 =	vld.idx.msk [tilespmem:v0+s13+$0x0], $0xffff  }
0x564: {  	v5 =	vor.u32 v40, v59;
	v2 =	vld.idx.msk [tilespmem:v2+s13+$0x0], $0xffff;
	_ =	sdelay $0x2  }
0x565: {  	[tilespmem:v3+s31+$0x0] =	vst.idx.msk $0xffff, v1  }
0x566: {  	[tilespmem:v4+s31+$0x0] =	vst.idx.msk $0xffff, v0  }
0x567: {  	s1 =	simm.s32 $0x0;
	[tilespmem:v5+s31+$0x0] =	vst.idx.msk $0xffff, v2  }
0x568: {  	[hbm4b:s7+s1] =	stream.linear.scatter [tilespmem:s31], [sflag:$0x2], $0x8000, $0x38;
	[tilespmem:$0x10280] =	vst v63  }
0x569: {  	_ =	swait.ge [sflag:s12], $0x8000  }
0x56a: {  	[sflag:s12] =	ssyncset.done $0x0  }
0x56b: {  	[sflag:s12] =	ssyncadd.s32 $0xFFFF8000  }
0x56c: {  	[tilespmem:s1], [sflag:$0x2] =	stream.linear.gather [hbm4b:s8+s1], $0x40, $0x38;
	[tilespmem:$0x10280] =	vst v63  }
0x56d: {  	_ =	swait.ge [sflag:s12], $0x40  }
0x56e: {  	[sflag:s12] =	ssyncset.done $0x0  }
0x56f: {  	[sflag:s12] =	ssyncadd.s32 $0xFFFFFFC0  }
0x570: {  	v0 =	vld [tilespmem:$0x0];
	_ =	sdelay $0x2  }
0x571: {  	v4 =	vld [tilespmem:$0x1FEE0];
	_ =	sdelay $0x1  }
0x572: {  	v2 =	vld [tilespmem:$0x1FDF0];
	v1 =	vshll.u32 v0, $0x2  }
0x573: {  	v0 =	vand.u32 $0x7, v0;
	v1 =	vand.u32 $0xFFFFFFE0, v1  }
0x574: {  	v3 =	vld [tilespmem:$0x1FE00];
	v0 =	vor.u32 v0, v1  }
0x575: {  	v1 =	vperm.xlane v0, v4;
	_ =	sdelay $0x1  }
0x576: {  	v1 =	vadd.s32 v2, v1;
	_ =	sdelay $0x1  }
0x577: {  	v0 =	vperm.xlane v0, v3;
	_ =	sdelay $0x1  }
0x578: {  	v0 =	vadd.s32 v2, v0  }
0x579: {  	[tilespmem:s13], [sflag:$0x1] =	stream.indirect_vreg.gather [hbm4b:s3+s1], $0x80, v1, vm0, $0xb8;
	[tilespmem:$0x10280] =	vst v63  }
0x57a: {  	_ = 	snop  }
0x57b: {  	[tilespmem:s14], [sflag:$0x1] =	stream.indirect_vreg.gather [hbm4b:s6+s1], $0x80, v1, vm0, $0xb8;
	[tilespmem:$0x10280] =	vst v63  }
0x57c: {  	_ = 	snop  }
0x57d: {  	[tilespmem:s15], [sflag:$0x1] =	stream.indirect_vreg.gather [hbm4b:s3+s1], $0x80, v0, vm0, $0xb8;
	[tilespmem:$0x10280] =	vst v63  }
0x57e: {  	_ = 	snop  }
0x57f: {  	[tilespmem:s16], [sflag:$0x1] =	stream.indirect_vreg.gather [hbm4b:s6+s1], $0x80, v0, vm0, $0xb8;
	[tilespmem:$0x10280] =	vst v63  }
0x580: {  	v0 =	vld [tilespmem:$0x10];
	_ =	sdelay $0x4  }
0x581: {  	v1 =	vshll.u32 v0, $0x2  }
0x582: {  	v0 =	vand.u32 $0x7, v0;
	v1 =	vand.u32 $0xFFFFFFE0, v1  }
0x583: {  	v0 =	vor.u32 v0, v1  }
0x584: {  	v1 =	vperm.xlane v0, v4;
	_ =	sdelay $0x1  }
0x585: {  	v1 =	vadd.s32 v2, v1;
	_ =	sdelay $0x1  }
0x586: {  	v0 =	vperm.xlane v0, v3;
	_ =	sdelay $0x1  }
0x587: {  	v0 =	vadd.s32 v2, v0  }
0x588: {  	[tilespmem:s17], [sflag:$0x1] =	stream.indirect_vreg.gather [hbm4b:s3+s1], $0x80, v1, vm0, $0xb8;
	[tilespmem:$0x10280] =	vst v63  }
0x589: {  	_ = 	snop  }
0x58a: {  	[tilespmem:s18], [sflag:$0x1] =	stream.indirect_vreg.gather [hbm4b:s6+s1], $0x80, v1, vm0, $0xb8;
	[tilespmem:$0x10280] =	vst v63  }
0x58b: {  	_ = 	snop  }
0x58c: {  	[tilespmem:s19], [sflag:$0x1] =	stream.indirect_vreg.gather [hbm4b:s3+s1], $0x80, v0, vm0, $0xb8;
	[tilespmem:$0x10280] =	vst v63  }
0x58d: {  	_ = 	snop  }
0x58e: {  	[tilespmem:s20], [sflag:$0x1] =	stream.indirect_vreg.gather [hbm4b:s6+s1], $0x80, v0, vm0, $0xb8;
	[tilespmem:$0x10280] =	vst v63  }
0x58f: {  	v0 =	vld [tilespmem:$0x20];
	_ =	sdelay $0x4  }
0x590: {  	v1 =	vshll.u32 v0, $0x2  }
0x591: {  	v0 =	vand.u32 $0x7, v0;
	v1 =	vand.u32 $0xFFFFFFE0, v1  }
0x592: {  	v0 =	vor.u32 v0, v1  }
0x593: {  	v1 =	vperm.xlane v0, v4;
	_ =	sdelay $0x1  }
0x594: {  	v1 =	vadd.s32 v2, v1;
	_ =	sdelay $0x1  }
0x595: {  	v0 =	vperm.xlane v0, v3;
	_ =	sdelay $0x1  }
0x596: {  	v0 =	vadd.s32 v2, v0  }
0x597: {  	[tilespmem:s21], [sflag:$0x1] =	stream.indirect_vreg.gather [hbm4b:s3+s1], $0x80, v1, vm0, $0xb8;
	[tilespmem:$0x10280] =	vst v63  }
0x598: {  	_ = 	snop  }
0x599: {  	[tilespmem:s22], [sflag:$0x1] =	stream.indirect_vreg.gather [hbm4b:s6+s1], $0x80, v1, vm0, $0xb8;
	[tilespmem:$0x10280] =	vst v63  }
0x59a: {  	_ = 	snop  }
0x59b: {  	[tilespmem:s23], [sflag:$0x1] =	stream.indirect_vreg.gather [hbm4b:s3+s1], $0x80, v0, vm0, $0xb8;
	[tilespmem:$0x10280] =	vst v63  }
0x59c: {  	_ = 	snop  }
0x59d: {  	[tilespmem:s24], [sflag:$0x1] =	stream.indirect_vreg.gather [hbm4b:s6+s1], $0x80, v0, vm0, $0xb8;
	[tilespmem:$0x10280] =	vst v63  }
0x59e: {  	v0 =	vld [tilespmem:$0x30];
	_ =	sdelay $0x4  }
0x59f: {  	v1 =	vshll.u32 v0, $0x2  }
0x5a0: {  	v0 =	vand.u32 $0x7, v0;
	v1 =	vand.u32 $0xFFFFFFE0, v1  }
0x5a1: {  	v0 =	vor.u32 v0, v1  }
0x5a2: {  	v1 =	vperm.xlane v0, v4;
	_ =	sdelay $0x1  }
0x5a3: {  	v1 =	vadd.s32 v2, v1;
	_ =	sdelay $0x1  }
0x5a4: {  	v0 =	vperm.xlane v0, v3;
	_ =	sdelay $0x1  }
0x5a5: {  	v0 =	vadd.s32 v2, v0  }
0x5a6: {  	[tilespmem:s25], [sflag:$0x1] =	stream.indirect_vreg.gather [hbm4b:s3+s1], $0x80, v1, vm0, $0xb8;
	[tilespmem:$0x10280] =	vst v63  }
0x5a7: {  	_ = 	snop  }
0x5a8: {  	[tilespmem:s26], [sflag:$0x1] =	stream.indirect_vreg.gather [hbm4b:s6+s1], $0x80, v1, vm0, $0xb8;
	[tilespmem:$0x10280] =	vst v63  }
0x5a9: {  	_ = 	snop  }
0x5aa: {  	[tilespmem:s28], [sflag:$0x1] =	stream.indirect_vreg.gather [hbm4b:s3+s1], $0x80, v0, vm0, $0xb8;
	[tilespmem:$0x10280] =	vst v63  }
0x5ab: {  	_ = 	snop  }
0x5ac: {  	[tilespmem:s29], [sflag:$0x1] =	stream.indirect_vreg.gather [hbm4b:s6+s1], $0x80, v0, vm0, $0xb8;
	[tilespmem:$0x10280] =	vst v63  }
0x5ad: {  	_ =	swait.ge [sflag:s30], $0x8000  }
0x5ae: {  	[sflag:s30] =	ssyncset.done $0x0  }
0x5af: {  	[sflag:s30] =	ssyncadd.s32 $0xFFFF8000  }
0x5b0: {  	v0 =	vld [tilespmem:$0x80];
	_ =	sdelay $0x3  }
0x5b1: {  	v1 =	vmov s1  }
0x5b2: {  	v2 =	vshll.u32 v1, $0x9;
	v3 =	vshll.u32 v0, $0x3  }
0x5b3: {  	v38 =	vand.u32 $0x7000, v2;
	v2 =	vand.u32 $0xFFFFFC00, v3  }
0x5b4: {  	v1 =	vshll.u32 v1, $0x7;
	v0 =	vand.u32 $0x7F, v0;
	v2 =	vadd.s32 v38, v2  }
0x5b5: {  	v35 =	vand.u32 $0x380, v1;
	v0 =	vor.u32 v0, v2  }
0x5b6: {  	v0 =	vor.u32 v35, v0;
	_ =	sdelay $0x3  }
0x5b7: {  	v37 =	vor.u32 v35, v38  }
0x5b8: {  	v1 =	vor.u32 v17, v37;
	v0 =	vld.idx.msk [tilespmem:v0+s13+$0x0], $0xffff;
	_ =	sdelay $0x4  }
0x5b9: {  	[tilespmem:v1+s31+$0x0] =	vst.idx.msk $0xffff, v0  }
0x5ba: {  	v0 =	vld [tilespmem:$0x90];
	_ =	sdelay $0x4  }
0x5bb: {  	v1 =	vshll.u32 v0, $0x3  }
0x5bc: {  	v1 =	vand.u32 $0xFFFFFC00, v1  }
0x5bd: {  	v0 =	vand.u32 $0x7F, v0;
	v1 =	vadd.s32 v38, v1  }
0x5be: {  	v0 =	vor.u32 v0, v1  }
0x5bf: {  	v61 =	vld [tilespmem:$0x1FE10];
	v0 =	vor.u32 v35, v0;
	_ =	sdelay $0x4  }
0x5c0: {  	v1 =	vor.u32 v61, v37;
	v0 =	vld.idx.msk [tilespmem:v0+s13+$0x0], $0xffff;
	_ =	sdelay $0x4  }
0x5c1: {  	[tilespmem:v1+s31+$0x0] =	vst.idx.msk $0xffff, v0  }
0x5c2: {  	v0 =	vld [tilespmem:$0xA0];
	_ =	sdelay $0x4  }
0x5c3: {  	v1 =	vshll.u32 v0, $0x3  }
0x5c4: {  	v1 =	vand.u32 $0xFFFFFC00, v1  }
0x5c5: {  	v0 =	vand.u32 $0x7F, v0;
	v1 =	vadd.s32 v38, v1  }
0x5c6: {  	v0 =	vor.u32 v0, v1  }
0x5c7: {  	v16 =	vld [tilespmem:$0x1FE20];
	v0 =	vor.u32 v35, v0;
	_ =	sdelay $0x4  }
0x5c8: {  	v1 =	vor.u32 v16, v37;
	v0 =	vld.idx.msk [tilespmem:v0+s13+$0x0], $0xffff;
	_ =	sdelay $0x4  }
0x5c9: {  	[tilespmem:v1+s31+$0x0] =	vst.idx.msk $0xffff, v0  }
0x5ca: {  	v0 =	vld [tilespmem:$0xB0];
	_ =	sdelay $0x4  }
0x5cb: {  	v1 =	vshll.u32 v0, $0x3  }
0x5cc: {  	v1 =	vand.u32 $0xFFFFFC00, v1  }
0x5cd: {  	v0 =	vand.u32 $0x7F, v0;
	v1 =	vadd.s32 v38, v1  }
0x5ce: {  	v0 =	vor.u32 v0, v1  }
0x5cf: {  	v15 =	vld [tilespmem:$0x1FE30];
	v0 =	vor.u32 v35, v0;
	_ =	sdelay $0x4  }
0x5d0: {  	v1 =	vor.u32 v15, v37;
	v0 =	vld.idx.msk [tilespmem:v0+s13+$0x0], $0xffff;
	_ =	sdelay $0x2  }
0x5d1: {  	v2 =	vld [tilespmem:$0x80];
	_ =	sdelay $0x1  }
0x5d2: {  	[tilespmem:v1+s31+$0x0] =	vst.idx.msk $0xffff, v0  }
0x5d3: {  	s1 =	simm.s32 $0x1;
	v1 =	vld [tilespmem:$0xC0]  }
0x5d4: {  	v0 =	vmov s1  }
0x5d5: {  	v4 =	vshll.u32 v2, $0x3;
	v3 =	vshll.u32 v0, $0x9  }
0x5d6: {  	v41 =	vand.u32 $0x7000, v3;
	v3 =	vand.u32 $0xFFFFFC00, v4  }
0x5d7: {  	v2 =	vand.u32 $0x7F, v2;
	v0 =	vshll.u32 v0, $0x7;
	v3 =	vadd.s32 v41, v3  }
0x5d8: {  	v39 =	vand.u32 $0x380, v0;
	v0 =	vor.u32 v2, v3;
	v2 =	vshll.u32 v1, $0x3  }
0x5d9: {  	v0 =	vor.u32 v39, v0;
	v2 =	vand.u32 $0xFFFFFC00, v2  }
0x5da: {  	v1 =	vand.u32 $0x7F, v1;
	v2 =	vadd.s32 v38, v2  }
0x5db: {  	v1 =	vor.u32 v1, v2  }
0x5dc: {  	v60 =	vld [tilespmem:$0x1FE40];
	v1 =	vor.u32 v35, v1  }
0x5dd: {  	v36 =	vor.u32 v39, v41  }
0x5de: {  	v2 =	vor.u32 v17, v36;
	v0 =	vld.idx.msk [tilespmem:v0+s13+$0x0], $0xffff;
	_ =	sdelay $0x2  }
0x5df: {  	v3 =	vor.u32 v60, v37;
	v1 =	vld.idx.msk [tilespmem:v1+s13+$0x0], $0xffff;
	_ =	sdelay $0x1  }
0x5e0: {  	[tilespmem:v2+s31+$0x0] =	vst.idx.msk $0xffff, v0  }
0x5e1: {  	v0 =	vld [tilespmem:$0x90];
	_ =	sdelay $0x1  }
0x5e2: {  	[tilespmem:v3+s31+$0x0] =	vst.idx.msk $0xffff, v1  }
0x5e3: {  	v1 =	vld [tilespmem:$0xD0];
	_ =	sdelay $0x1  }
0x5e4: {  	v2 =	vshll.u32 v0, $0x3  }
0x5e5: {  	v2 =	vand.u32 $0xFFFFFC00, v2  }
0x5e6: {  	v0 =	vand.u32 $0x7F, v0;
	v2 =	vadd.s32 v41, v2  }
0x5e7: {  	v0 =	vor.u32 v0, v2;
	v2 =	vshll.u32 v1, $0x3  }
0x5e8: {  	v0 =	vor.u32 v39, v0;
	v2 =	vand.u32 $0xFFFFFC00, v2  }
0x5e9: {  	v1 =	vand.u32 $0x7F, v1;
	v2 =	vadd.s32 v38, v2  }
0x5ea: {  	v1 =	vor.u32 v1, v2  }
0x5eb: {  	v59 =	vld [tilespmem:$0x1FE50];
	v1 =	vor.u32 v35, v1;
	_ =	sdelay $0x1  }
0x5ec: {  	v2 =	vor.u32 v61, v36;
	v0 =	vld.idx.msk [tilespmem:v0+s13+$0x0], $0xffff;
	_ =	sdelay $0x2  }
0x5ed: {  	v3 =	vor.u32 v59, v37;
	v1 =	vld.idx.msk [tilespmem:v1+s13+$0x0], $0xffff;
	_ =	sdelay $0x1  }
0x5ee: {  	[tilespmem:v2+s31+$0x0] =	vst.idx.msk $0xffff, v0  }
0x5ef: {  	v0 =	vld [tilespmem:$0xA0];
	_ =	sdelay $0x1  }
0x5f0: {  	[tilespmem:v3+s31+$0x0] =	vst.idx.msk $0xffff, v1  }
0x5f1: {  	v1 =	vld [tilespmem:$0xE0];
	_ =	sdelay $0x1  }
0x5f2: {  	v2 =	vshll.u32 v0, $0x3  }
0x5f3: {  	v2 =	vand.u32 $0xFFFFFC00, v2  }
0x5f4: {  	v0 =	vand.u32 $0x7F, v0;
	v2 =	vadd.s32 v41, v2  }
0x5f5: {  	v0 =	vor.u32 v0, v2;
	v2 =	vshll.u32 v1, $0x3  }
0x5f6: {  	v0 =	vor.u32 v39, v0;
	v2 =	vand.u32 $0xFFFFFC00, v2  }
0x5f7: {  	v1 =	vand.u32 $0x7F, v1;
	v2 =	vadd.s32 v38, v2  }
0x5f8: {  	v1 =	vor.u32 v1, v2  }
0x5f9: {  	v62 =	vld [tilespmem:$0x1FE60];
	v1 =	vor.u32 v35, v1;
	_ =	sdelay $0x1  }
0x5fa: {  	v2 =	vor.u32 v16, v36;
	v0 =	vld.idx.msk [tilespmem:v0+s13+$0x0], $0xffff;
	_ =	sdelay $0x2  }
0x5fb: {  	v3 =	vor.u32 v62, v37;
	v1 =	vld.idx.msk [tilespmem:v1+s13+$0x0], $0xffff;
	_ =	sdelay $0x1  }
0x5fc: {  	[tilespmem:v2+s31+$0x0] =	vst.idx.msk $0xffff, v0  }
0x5fd: {  	v0 =	vld [tilespmem:$0xB0];
	_ =	sdelay $0x1  }
0x5fe: {  	[tilespmem:v3+s31+$0x0] =	vst.idx.msk $0xffff, v1  }
0x5ff: {  	v1 =	vld [tilespmem:$0xF0];
	_ =	sdelay $0x1  }
0x600: {  	v2 =	vshll.u32 v0, $0x3  }
0x601: {  	v2 =	vand.u32 $0xFFFFFC00, v2  }
0x602: {  	v0 =	vand.u32 $0x7F, v0;
	v2 =	vadd.s32 v41, v2  }
0x603: {  	v0 =	vor.u32 v0, v2;
	v2 =	vshll.u32 v1, $0x3  }
0x604: {  	v0 =	vor.u32 v39, v0;
	v2 =	vand.u32 $0xFFFFFC00, v2  }
0x605: {  	v1 =	vand.u32 $0x7F, v1;
	v2 =	vadd.s32 v38, v2  }
0x606: {  	v1 =	vor.u32 v1, v2  }
0x607: {  	v18 =	vmov v27;
	v27 =	vmov v25;
	v25 =	vld [tilespmem:$0x1FF60];
	v1 =	vor.u32 v35, v1;
	_ =	sdelay $0x1  }
0x608: {  	v2 =	vor.u32 v15, v36;
	v0 =	vld.idx.msk [tilespmem:v0+s13+$0x0], $0xffff  }
0x609: {  	v3 =	vld [tilespmem:$0x80];
	_ =	sdelay $0x1  }
0x60a: {  	v4 =	vor.u32 v25, v37;
	v1 =	vld.idx.msk [tilespmem:v1+s13+$0x0], $0xffff  }
0x60b: {  	s1 =	simm.s32 $0x2  }
0x60c: {  	[tilespmem:v2+s31+$0x0] =	vst.idx.msk $0xffff, v0;
	v2 =	vmov s1  }
0x60d: {  	v6 =	vshll.u32 v3, $0x3;
	v5 =	vshll.u32 v2, $0x9  }
0x60e: {  	v43 =	vand.u32 $0x7000, v5;
	v5 =	vand.u32 $0xFFFFFC00, v6  }
0x60f: {  	[tilespmem:v4+s31+$0x0] =	vst.idx.msk $0xffff, v1;
	v1 =	vshll.u32 v2, $0x7;
	v2 =	vand.u32 $0x7F, v3;
	v3 =	vadd.s32 v43, v5  }
0x610: {  	v0 =	vld [tilespmem:$0xC0];
	v42 =	vand.u32 $0x380, v1;
	v1 =	vor.u32 v2, v3  }
0x611: {  	v1 =	vor.u32 v42, v1;
	_ =	sdelay $0x1  }
0x612: {  	v4 =	vld [tilespmem:$0x100];
	_ =	sdelay $0x1  }
0x613: {  	v2 =	vshll.u32 v0, $0x3;
	v40 =	vor.u32 v42, v43  }
0x614: {  	v2 =	vand.u32 $0xFFFFFC00, v2;
	v3 =	vor.u32 v17, v40;
	v1 =	vld.idx.msk [tilespmem:v1+s13+$0x0], $0xffff  }
0x615: {  	v0 =	vand.u32 $0x7F, v0;
	v2 =	vadd.s32 v41, v2  }
0x616: {  	v0 =	vor.u32 v0, v2;
	v2 =	vshll.u32 v4, $0x3  }
0x617: {  	v0 =	vor.u32 v39, v0;
	v2 =	vand.u32 $0xFFFFFC00, v2  }
0x618: {  	v4 =	vand.u32 $0x7F, v4;
	v2 =	vadd.s32 v38, v2  }
0x619: {  	v2 =	vor.u32 v4, v2;
	[tilespmem:v3+s31+$0x0] =	vst.idx.msk $0xffff, v1  }
0x61a: {  	v2 =	vor.u32 v35, v2;
	v34 =	vld [tilespmem:$0x1FF70];
	_ =	sdelay $0x1  }
0x61b: {  	v0 =	vld.idx.msk [tilespmem:v0+s13+$0x0], $0xffff  }
0x61c: {  	v4 =	vor.u32 v60, v36;
	v1 =	vld [tilespmem:$0x90];
	_ =	sdelay $0x1  }
0x61d: {  	v2 =	vld.idx.msk [tilespmem:v2+s13+$0x0], $0xffff;
	v3 =	vor.u32 v34, v37;
	_ =	sdelay $0x2  }
0x61e: {  	[tilespmem:v4+s31+$0x0] =	vst.idx.msk $0xffff, v0;
	v4 =	vshll.u32 v1, $0x3  }
0x61f: {  	v4 =	vand.u32 $0xFFFFFC00, v4  }
0x620: {  	v1 =	vand.u32 $0x7F, v1;
	[tilespmem:v3+s31+$0x0] =	vst.idx.msk $0xffff, v2;
	v2 =	vadd.s32 v43, v4  }
0x621: {  	v0 =	vld [tilespmem:$0xD0];
	v1 =	vor.u32 v1, v2  }
0x622: {  	v1 =	vor.u32 v42, v1;
	_ =	sdelay $0x1  }
0x623: {  	v3 =	vld [tilespmem:$0x110];
	_ =	sdelay $0x1  }
0x624: {  	v2 =	vshll.u32 v0, $0x3  }
0x625: {  	v4 =	vor.u32 v61, v40;
	v2 =	vand.u32 $0xFFFFFC00, v2;
	v1 =	vld.idx.msk [tilespmem:v1+s13+$0x0], $0xffff  }
0x626: {  	v0 =	vand.u32 $0x7F, v0;
	v2 =	vadd.s32 v41, v2  }
0x627: {  	v0 =	vor.u32 v0, v2;
	v2 =	vshll.u32 v3, $0x3  }
0x628: {  	v0 =	vor.u32 v39, v0;
	v2 =	vand.u32 $0xFFFFFC00, v2  }
0x629: {  	v3 =	vand.u32 $0x7F, v3;
	v2 =	vadd.s32 v38, v2  }
0x62a: {  	v2 =	vor.u32 v3, v2;
	[tilespmem:v4+s31+$0x0] =	vst.idx.msk $0xffff, v1  }
0x62b: {  	v2 =	vor.u32 v35, v2;
	v23 =	vld [tilespmem:$0x1FF80];
	_ =	sdelay $0x1  }
0x62c: {  	v0 =	vld.idx.msk [tilespmem:v0+s13+$0x0], $0xffff  }
0x62d: {  	v3 =	vor.u32 v59, v36;
	v1 =	vld [tilespmem:$0xA0];
	_ =	sdelay $0x1  }
0x62e: {  	v2 =	vld.idx.msk [tilespmem:v2+s13+$0x0], $0xffff;
	v4 =	vor.u32 v23, v37;
	_ =	sdelay $0x2  }
0x62f: {  	[tilespmem:v3+s31+$0x0] =	vst.idx.msk $0xffff, v0;
	v3 =	vshll.u32 v1, $0x3  }
0x630: {  	v3 =	vand.u32 $0xFFFFFC00, v3  }
0x631: {  	v1 =	vand.u32 $0x7F, v1;
	[tilespmem:v4+s31+$0x0] =	vst.idx.msk $0xffff, v2;
	v2 =	vadd.s32 v43, v3  }
0x632: {  	v0 =	vld [tilespmem:$0xE0];
	v1 =	vor.u32 v1, v2  }
0x633: {  	v1 =	vor.u32 v42, v1;
	_ =	sdelay $0x1  }
0x634: {  	v3 =	vld [tilespmem:$0x120];
	_ =	sdelay $0x1  }
0x635: {  	v2 =	vshll.u32 v0, $0x3  }
0x636: {  	v4 =	vor.u32 v16, v40;
	v2 =	vand.u32 $0xFFFFFC00, v2;
	v1 =	vld.idx.msk [tilespmem:v1+s13+$0x0], $0xffff  }
0x637: {  	v0 =	vand.u32 $0x7F, v0;
	v2 =	vadd.s32 v41, v2  }
0x638: {  	v0 =	vor.u32 v0, v2;
	v2 =	vshll.u32 v3, $0x3  }
0x639: {  	v0 =	vor.u32 v39, v0;
	v2 =	vand.u32 $0xFFFFFC00, v2  }
0x63a: {  	v3 =	vand.u32 $0x7F, v3;
	v2 =	vadd.s32 v38, v2  }
0x63b: {  	v2 =	vor.u32 v3, v2;
	[tilespmem:v4+s31+$0x0] =	vst.idx.msk $0xffff, v1  }
0x63c: {  	v2 =	vor.u32 v35, v2;
	v24 =	vld [tilespmem:$0x1FE70];
	_ =	sdelay $0x1  }
0x63d: {  	v0 =	vld.idx.msk [tilespmem:v0+s13+$0x0], $0xffff  }
0x63e: {  	v3 =	vor.u32 v62, v36;
	v1 =	vld [tilespmem:$0xB0];
	_ =	sdelay $0x1  }
0x63f: {  	v2 =	vld.idx.msk [tilespmem:v2+s13+$0x0], $0xffff;
	v4 =	vor.u32 v24, v37;
	_ =	sdelay $0x2  }
0x640: {  	[tilespmem:v3+s31+$0x0] =	vst.idx.msk $0xffff, v0;
	v3 =	vshll.u32 v1, $0x3  }
0x641: {  	v3 =	vand.u32 $0xFFFFFC00, v3  }
0x642: {  	v1 =	vand.u32 $0x7F, v1;
	[tilespmem:v4+s31+$0x0] =	vst.idx.msk $0xffff, v2;
	v2 =	vadd.s32 v43, v3  }
0x643: {  	v0 =	vld [tilespmem:$0xF0];
	v1 =	vor.u32 v1, v2  }
0x644: {  	v1 =	vor.u32 v42, v1;
	_ =	sdelay $0x1  }
0x645: {  	v3 =	vld [tilespmem:$0x130];
	_ =	sdelay $0x1  }
0x646: {  	v2 =	vshll.u32 v0, $0x3  }
0x647: {  	v4 =	vor.u32 v15, v40;
	v2 =	vand.u32 $0xFFFFFC00, v2;
	v1 =	vld.idx.msk [tilespmem:v1+s13+$0x0], $0xffff  }
0x648: {  	v0 =	vand.u32 $0x7F, v0;
	v2 =	vadd.s32 v41, v2  }
0x649: {  	v0 =	vor.u32 v0, v2;
	v2 =	vshll.u32 v3, $0x3  }
0x64a: {  	v0 =	vor.u32 v39, v0;
	v2 =	vand.u32 $0xFFFFFC00, v2  }
0x64b: {  	v3 =	vand.u32 $0x7F, v3;
	v2 =	vadd.s32 v38, v2  }
0x64c: {  	v2 =	vor.u32 v3, v2;
	v3 =	vld [tilespmem:$0x80];
	[tilespmem:v4+s31+$0x0] =	vst.idx.msk $0xffff, v1  }
0x64d: {  	v2 =	vor.u32 v35, v2;
	v30 =	vld [tilespmem:$0x1FE80];
	_ =	sdelay $0x1  }
0x64e: {  	v5 =	vor.u32 v25, v36;
	v0 =	vld.idx.msk [tilespmem:v0+s13+$0x0], $0xffff  }
0x64f: {  	s1 =	simm.s32 $0x3;
	v4 =	vld [tilespmem:$0xC0]  }
0x650: {  	v1 =	vmov s1  }
0x651: {  	v6 =	vshll.u32 v1, $0x9;
	v7 =	vshll.u32 v3, $0x3;
	v2 =	vld.idx.msk [tilespmem:v2+s13+$0x0], $0xffff;
	v8 =	vor.u32 v30, v37  }
0x652: {  	v45 =	vand.u32 $0x7000, v6;
	v6 =	vand.u32 $0xFFFFFC00, v7  }
0x653: {  	[tilespmem:v5+s31+$0x0] =	vst.idx.msk $0xffff, v0;
	v0 =	vshll.u32 v1, $0x7;
	v1 =	vand.u32 $0x7F, v3;
	v3 =	vadd.s32 v45, v6  }
0x654: {  	v5 =	vld [tilespmem:$0x100];
	v46 =	vand.u32 $0x380, v0;
	v0 =	vor.u32 v1, v3;
	v1 =	vshll.u32 v4, $0x3  }
0x655: {  	v0 =	vor.u32 v46, v0;
	v1 =	vand.u32 $0xFFFFFC00, v1  }
0x656: {  	v1 =	vadd.s32 v43, v1;
	[tilespmem:v8+s31+$0x0] =	vst.idx.msk $0xffff, v2;
	v2 =	vand.u32 $0x7F, v4  }
0x657: {  	v3 =	vld [tilespmem:$0x140];
	v1 =	vor.u32 v2, v1  }
0x658: {  	v1 =	vor.u32 v42, v1  }
0x659: {  	v44 =	vor.u32 v46, v45;
	v2 =	vshll.u32 v5, $0x3  }
0x65a: {  	v0 =	vld.idx.msk [tilespmem:v0+s13+$0x0], $0xffff;
	v4 =	vor.u32 v17, v44;
	v2 =	vand.u32 $0xFFFFFC00, v2  }
0x65b: {  	v5 =	vand.u32 $0x7F, v5;
	v2 =	vadd.s32 v41, v2  }
0x65c: {  	v2 =	vor.u32 v5, v2;
	v5 =	vshll.u32 v3, $0x3  }
0x65d: {  	v6 =	vor.u32 v60, v40;
	v2 =	vor.u32 v39, v2;
	v5 =	vand.u32 $0xFFFFFC00, v5;
	v1 =	vld.idx.msk [tilespmem:v1+s13+$0x0], $0xffff  }
0x65e: {  	v3 =	vand.u32 $0x7F, v3;
	v5 =	vadd.s32 v38, v5  }
0x65f: {  	[tilespmem:v4+s31+$0x0] =	vst.idx.msk $0xffff, v0;
	v0 =	vor.u32 v3, v5  }
0x660: {  	v3 =	vld [tilespmem:$0x90];
	v0 =	vor.u32 v35, v0;
	_ =	sdelay $0x1  }
0x661: {  	v4 =	vor.u32 v34, v36;
	v2 =	vld.idx.msk [tilespmem:v2+s13+$0x0], $0xffff;
	[tilespmem:v6+s31+$0x0] =	vst.idx.msk $0xffff, v1  }
0x662: {  	v1 =	vld [tilespmem:$0xD0];
	_ =	sdelay $0x1  }
0x663: {  	v6 =	vor.u32 v32, v37;
	v5 =	vshll.u32 v3, $0x3;
	v0 =	vld.idx.msk [tilespmem:v0+s13+$0x0], $0xffff  }
0x664: {  	v5 =	vand.u32 $0xFFFFFC00, v5  }
0x665: {  	[tilespmem:v4+s31+$0x0] =	vst.idx.msk $0xffff, v2;
	v2 =	vand.u32 $0x7F, v3;
	v3 =	vadd.s32 v45, v5  }
0x666: {  	v2 =	vor.u32 v2, v3;
	v3 =	vshll.u32 v1, $0x3  }
0x667: {  	v3 =	vand.u32 $0xFFFFFC00, v3  }
0x668: {  	[tilespmem:v6+s31+$0x0] =	vst.idx.msk $0xffff, v0;
	v0 =	vand.u32 $0x7F, v1;
	v1 =	vadd.s32 v43, v3  }
0x669: {  	v4 =	vld [tilespmem:$0x110];
	v2 =	vor.u32 v46, v2;
	v0 =	vor.u32 v0, v1  }
0x66a: {  	v0 =	vor.u32 v42, v0;
	_ =	sdelay $0x1  }
0x66b: {  	v3 =	vld [tilespmem:$0x150];
	_ =	sdelay $0x1  }
0x66c: {  	v5 =	vor.u32 v61, v44;
	v1 =	vshll.u32 v4, $0x3;
	v2 =	vld.idx.msk [tilespmem:v2+s13+$0x0], $0xffff  }
0x66d: {  	v6 =	vor.u32 v59, v40;
	v1 =	vand.u32 $0xFFFFFC00, v1;
	v0 =	vld.idx.msk [tilespmem:v0+s13+$0x0], $0xffff  }
0x66e: {  	v4 =	vand.u32 $0x7F, v4;
	v1 =	vadd.s32 v41, v1  }
0x66f: {  	v1 =	vor.u32 v4, v1;
	v4 =	vshll.u32 v3, $0x3  }
0x670: {  	v1 =	vor.u32 v39, v1;
	v4 =	vand.u32 $0xFFFFFC00, v4  }
0x671: {  	v3 =	vand.u32 $0x7F, v3;
	v4 =	vadd.s32 v38, v4;
	[tilespmem:v5+s31+$0x0] =	vst.idx.msk $0xffff, v2  }
0x672: {  	v2 =	vor.u32 v3, v4;
	v3 =	vld [tilespmem:$0xA0];
	[tilespmem:v6+s31+$0x0] =	vst.idx.msk $0xffff, v0  }
0x673: {  	v2 =	vor.u32 v35, v2;
	v20 =	vld [tilespmem:$0x1FF90];
	_ =	sdelay $0x1  }
0x674: {  	v4 =	vor.u32 v23, v36;
	v1 =	vld.idx.msk [tilespmem:v1+s13+$0x0], $0xffff  }
0x675: {  	v0 =	vld [tilespmem:$0xE0];
	_ =	sdelay $0x1  }
0x676: {  	v5 =	vshll.u32 v3, $0x3;
	v2 =	vld.idx.msk [tilespmem:v2+s13+$0x0], $0xffff;
	v6 =	vor.u32 v20, v37  }
0x677: {  	v5 =	vand.u32 $0xFFFFFC00, v5  }
0x678: {  	[tilespmem:v4+s31+$0x0] =	vst.idx.msk $0xffff, v1;
	v1 =	vand.u32 $0x7F, v3;
	v3 =	vadd.s32 v45, v5  }
0x679: {  	v1 =	vor.u32 v1, v3;
	v3 =	vshll.u32 v0, $0x3  }
0x67a: {  	v3 =	vand.u32 $0xFFFFFC00, v3  }
0x67b: {  	v4 =	vld [tilespmem:$0x120];
	v0 =	vand.u32 $0x7F, v0;
	[tilespmem:v6+s31+$0x0] =	vst.idx.msk $0xffff, v2;
	v2 =	vadd.s32 v43, v3  }
0x67c: {  	v1 =	vor.u32 v46, v1;
	v0 =	vor.u32 v0, v2  }
0x67d: {  	v0 =	vor.u32 v42, v0;
	_ =	sdelay $0x1  }
0x67e: {  	v3 =	vld [tilespmem:$0x160]  }
0x67f: {  	v2 =	vshll.u32 v4, $0x3  }
0x680: {  	v5 =	vor.u32 v16, v44;
	v1 =	vld.idx.msk [tilespmem:v1+s13+$0x0], $0xffff;
	v2 =	vand.u32 $0xFFFFFC00, v2  }
0x681: {  	v6 =	vor.u32 v62, v40;
	v4 =	vand.u32 $0x7F, v4;
	v2 =	vadd.s32 v41, v2;
	v0 =	vld.idx.msk [tilespmem:v0+s13+$0x0], $0xffff  }
0x682: {  	v2 =	vor.u32 v4, v2  }
0x683: {  	v2 =	vor.u32 v39, v2;
	v4 =	vshll.u32 v3, $0x3  }
0x684: {  	v4 =	vand.u32 $0xFFFFFC00, v4  }
0x685: {  	[tilespmem:v5+s31+$0x0] =	vst.idx.msk $0xffff, v1;
	v3 =	vand.u32 $0x7F, v3;
	v4 =	vadd.s32 v38, v4  }
0x686: {  	v1 =	vor.u32 v3, v4;
	v3 =	vld [tilespmem:$0xB0];
	[tilespmem:v6+s31+$0x0] =	vst.idx.msk $0xffff, v0  }
0x687: {  	v12 =	vmov v19;
	v1 =	vor.u32 v35, v1;
	v19 =	vld [tilespmem:$0x1FFA0]  }
0x688: {  	v4 =	vor.u32 v24, v36;
	v2 =	vld.idx.msk [tilespmem:v2+s13+$0x0], $0xffff;
	_ =	sdelay $0x1  }
0x689: {  	v0 =	vld [tilespmem:$0xF0];
	_ =	sdelay $0x1  }
0x68a: {  	v5 =	vshll.u32 v3, $0x3;
	v1 =	vld.idx.msk [tilespmem:v1+s13+$0x0], $0xffff;
	v6 =	vor.u32 v19, v37  }
0x68b: {  	v5 =	vand.u32 $0xFFFFFC00, v5;
	[tilespmem:v4+s31+$0x0] =	vst.idx.msk $0xffff, v2  }
0x68c: {  	v2 =	vand.u32 $0x7F, v3;
	v3 =	vadd.s32 v45, v5;
	v4 =	vld [tilespmem:$0x130]  }
0x68d: {  	v2 =	vor.u32 v2, v3;
	v3 =	vshll.u32 v0, $0x3  }
0x68e: {  	v2 =	vor.u32 v46, v2;
	v3 =	vand.u32 $0xFFFFFC00, v3  }
0x68f: {  	v0 =	vand.u32 $0x7F, v0;
	[tilespmem:v6+s31+$0x0] =	vst.idx.msk $0xffff, v1;
	v1 =	vadd.s32 v43, v3  }
0x690: {  	v3 =	vld [tilespmem:$0x170];
	v0 =	vor.u32 v0, v1  }
0x691: {  	v1 =	vshll.u32 v4, $0x3;
	v0 =	vor.u32 v42, v0  }
0x692: {  	v1 =	vand.u32 $0xFFFFFC00, v1  }
0x693: {  	v5 =	vor.u32 v15, v44;
	v2 =	vld.idx.msk [tilespmem:v2+s13+$0x0], $0xffff;
	v4 =	vand.u32 $0x7F, v4;
	v1 =	vadd.s32 v41, v1  }
0x694: {  	v1 =	vor.u32 v4, v1;
	v4 =	vld [tilespmem:$0x80]  }
0x695: {  	v1 =	vor.u32 v39, v1;
	v6 =	vshll.u32 v3, $0x3  }
0x696: {  	v7 =	vor.u32 v25, v40;
	v6 =	vand.u32 $0xFFFFFC00, v6;
	v0 =	vld.idx.msk [tilespmem:v0+s13+$0x0], $0xffff  }
0x697: {  	s1 =	simm.s32 $0x4;
	v3 =	vand.u32 $0x7F, v3;
	v6 =	vadd.s32 v38, v6  }
0x698: {  	[tilespmem:v5+s31+$0x0] =	vst.idx.msk $0xffff, v2;
	v2 =	vor.u32 v3, v6;
	v3 =	vmov s1  }
0x699: {  	v5 =	vld [tilespmem:$0xC0];
	v8 =	vshll.u32 v4, $0x3;
	v2 =	vor.u32 v35, v2;
	v6 =	vshll.u32 v3, $0x9  }
0x69a: {  	v9 =	vor.u32 v30, v36;
	v1 =	vld.idx.msk [tilespmem:v1+s13+$0x0], $0xffff;
	v49 =	vand.u32 $0x7000, v6;
	v6 =	vand.u32 $0xFFFFFC00, v8  }
0x69b: {  	v4 =	vand.u32 $0x7F, v4;
	v3 =	vshll.u32 v3, $0x7;
	v6 =	vadd.s32 v49, v6;
	[tilespmem:v7+s31+$0x0] =	vst.idx.msk $0xffff, v0  }
0x69c: {  	v48 =	vand.u32 $0x380, v3;
	v0 =	vor.u32 v4, v6;
	v3 =	vld [tilespmem:$0x100]  }
0x69d: {  	v0 =	vor.u32 v48, v0  }
0x69e: {  	v4 =	vshll.u32 v5, $0x3;
	v6 =	vor.u32 v18, v37;
	v2 =	vld.idx.msk [tilespmem:v2+s13+$0x0], $0xffff  }
0x69f: {  	v4 =	vand.u32 $0xFFFFFC00, v4;
	[tilespmem:v9+s31+$0x0] =	vst.idx.msk $0xffff, v1  }
0x6a0: {  	v1 =	vand.u32 $0x7F, v5;
	v4 =	vadd.s32 v45, v4;
	v5 =	vld [tilespmem:$0x140]  }
0x6a1: {  	v47 =	vor.u32 v48, v49;
	v1 =	vor.u32 v1, v4;
	v4 =	vshll.u32 v3, $0x3  }
0x6a2: {  	v7 =	vor.u32 v17, v47;
	v1 =	vor.u32 v46, v1;
	v0 =	vld.idx.msk [tilespmem:v0+s13+$0x0], $0xffff;
	v4 =	vand.u32 $0xFFFFFC00, v4  }
0x6a3: {  	[tilespmem:v6+s31+$0x0] =	vst.idx.msk $0xffff, v2;
	v2 =	vand.u32 $0x7F, v3;
	v3 =	vadd.s32 v43, v4  }
0x6a4: {  	v4 =	vld [tilespmem:$0x180];
	v2 =	vor.u32 v2, v3  }
0x6a5: {  	v3 =	vshll.u32 v5, $0x3;
	v2 =	vor.u32 v42, v2  }
0x6a6: {  	v6 =	vor.u32 v60, v44;
	v3 =	vand.u32 $0xFFFFFC00, v3  }
0x6a7: {  	v5 =	vand.u32 $0x7F, v5;
	v1 =	vld.idx.msk [tilespmem:v1+s13+$0x0], $0xffff;
	v3 =	vadd.s32 v41, v3;
	[tilespmem:v7+s31+$0x0] =	vst.idx.msk $0xffff, v0  }
0x6a8: {  	v0 =	vor.u32 v5, v3;
	v3 =	vld [tilespmem:$0x90]  }
0x6a9: {  	v5 =	vshll.u32 v4, $0x3  }
0x6aa: {  	v7 =	vor.u32 v34, v40;
	v0 =	vor.u32 v39, v0;
	v5 =	vand.u32 $0xFFFFFC00, v5;
	v2 =	vld.idx.msk [tilespmem:v2+s13+$0x0], $0xffff  }
0x6ab: {  	v4 =	vand.u32 $0x7F, v4;
	v5 =	vadd.s32 v38, v5  }
0x6ac: {  	[tilespmem:v6+s31+$0x0] =	vst.idx.msk $0xffff, v1;
	v1 =	vor.u32 v4, v5  }
0x6ad: {  	v4 =	vld [tilespmem:$0xD0];
	v1 =	vor.u32 v35, v1;
	v5 =	vshll.u32 v3, $0x3  }
0x6ae: {  	v6 =	vor.u32 v32, v36;
	v5 =	vand.u32 $0xFFFFFC00, v5  }
0x6af: {  	v0 =	vld.idx.msk [tilespmem:v0+s13+$0x0], $0xffff;
	v3 =	vand.u32 $0x7F, v3;
	v5 =	vadd.s32 v49, v5;
	[tilespmem:v7+s31+$0x0] =	vst.idx.msk $0xffff, v2  }
0x6b0: {  	v2 =	vor.u32 v3, v5;
	v3 =	vld [tilespmem:$0x110];
	_ =	sdelay $0x1  }
0x6b1: {  	v5 =	vor.u32 v29, v37;
	v7 =	vshll.u32 v4, $0x3;
	v1 =	vld.idx.msk [tilespmem:v1+s13+$0x0], $0xffff  }
0x6b2: {  	v7 =	vand.u32 $0xFFFFFC00, v7  }
0x6b3: {  	v2 =	vor.u32 v48, v2;
	[tilespmem:v6+s31+$0x0] =	vst.idx.msk $0xffff, v0;
	v0 =	vand.u32 $0x7F, v4;
	v4 =	vadd.s32 v45, v7  }
0x6b4: {  	v0 =	vor.u32 v0, v4;
	v4 =	vshll.u32 v3, $0x3  }
0x6b5: {  	v4 =	vand.u32 $0xFFFFFC00, v4  }
0x6b6: {  	v6 =	vld [tilespmem:$0x150];
	[tilespmem:v5+s31+$0x0] =	vst.idx.msk $0xffff, v1;
	v1 =	vand.u32 $0x7F, v3;
	v3 =	vadd.s32 v43, v4  }
0x6b7: {  	v0 =	vor.u32 v46, v0;
	v1 =	vor.u32 v1, v3  }
0x6b8: {  	v7 =	vor.u32 v61, v47;
	v2 =	vld.idx.msk [tilespmem:v2+s13+$0x0], $0xffff;
	v1 =	vor.u32 v42, v1;
	_ =	sdelay $0x1  }
0x6b9: {  	v4 =	vld [tilespmem:$0x190]  }
0x6ba: {  	v3 =	vshll.u32 v6, $0x3  }
0x6bb: {  	v5 =	vor.u32 v59, v44;
	v6 =	vand.u32 $0x7F, v6;
	v3 =	vand.u32 $0xFFFFFC00, v3;
	v0 =	vld.idx.msk [tilespmem:v0+s13+$0x0], $0xffff  }
0x6bc: {  	v3 =	vadd.s32 v41, v3;
	[tilespmem:v7+s31+$0x0] =	vst.idx.msk $0xffff, v2;
	v7 =	vor.u32 v23, v40;
	v1 =	vld.idx.msk [tilespmem:v1+s13+$0x0], $0xffff  }
0x6bd: {  	v2 =	vor.u32 v6, v3;
	v3 =	vld [tilespmem:$0xA0]  }
0x6be: {  	v6 =	vshll.u32 v4, $0x3  }
0x6bf: {  	v2 =	vor.u32 v39, v2;
	v6 =	vand.u32 $0xFFFFFC00, v6  }
0x6c0: {  	v4 =	vand.u32 $0x7F, v4;
	v6 =	vadd.s32 v38, v6;
	[tilespmem:v5+s31+$0x0] =	vst.idx.msk $0xffff, v0  }
0x6c1: {  	v0 =	vor.u32 v4, v6;
	v4 =	vld [tilespmem:$0xE0];
	[tilespmem:v7+s31+$0x0] =	vst.idx.msk $0xffff, v1  }
0x6c2: {  	v0 =	vor.u32 v35, v0;
	v5 =	vshll.u32 v3, $0x3;
	v31 =	vld [tilespmem:$0x1FFB0]  }
0x6c3: {  	v5 =	vand.u32 $0xFFFFFC00, v5  }
0x6c4: {  	v6 =	vor.u32 v20, v36;
	v2 =	vld.idx.msk [tilespmem:v2+s13+$0x0], $0xffff;
	v3 =	vand.u32 $0x7F, v3;
	v5 =	vadd.s32 v49, v5  }
0x6c5: {  	v1 =	vor.u32 v3, v5;
	v3 =	vld [tilespmem:$0x120];
	_ =	sdelay $0x1  }
0x6c6: {  	v1 =	vor.u32 v48, v1;
	v7 =	vshll.u32 v4, $0x3;
	v0 =	vld.idx.msk [tilespmem:v0+s13+$0x0], $0xffff;
	v5 =	vor.u32 v31, v37  }
0x6c7: {  	v7 =	vand.u32 $0xFFFFFC00, v7  }
0x6c8: {  	[tilespmem:v6+s31+$0x0] =	vst.idx.msk $0xffff, v2;
	v2 =	vand.u32 $0x7F, v4;
	v4 =	vadd.s32 v45, v7  }
0x6c9: {  	v6 =	vld [tilespmem:$0x160];
	v2 =	vor.u32 v2, v4;
	v4 =	vshll.u32 v3, $0x3  }
0x6ca: {  	v7 =	vor.u32 v16, v47;
	v2 =	vor.u32 v46, v2;
	v4 =	vand.u32 $0xFFFFFC00, v4  }
0x6cb: {  	v1 =	vld.idx.msk [tilespmem:v1+s13+$0x0], $0xffff;
	[tilespmem:v5+s31+$0x0] =	vst.idx.msk $0xffff, v0;
	v0 =	vand.u32 $0x7F, v3;
	v3 =	vadd.s32 v43, v4  }
0x6cc: {  	v4 =	vld [tilespmem:$0x1A0];
	v0 =	vor.u32 v0, v3  }
0x6cd: {  	v0 =	vor.u32 v42, v0  }
0x6ce: {  	v3 =	vshll.u32 v6, $0x3  }
0x6cf: {  	v5 =	vor.u32 v62, v44;
	v2 =	vld.idx.msk [tilespmem:v2+s13+$0x0], $0xffff;
	v3 =	vand.u32 $0xFFFFFC00, v3  }
0x6d0: {  	v6 =	vand.u32 $0x7F, v6;
	[tilespmem:v7+s31+$0x0] =	vst.idx.msk $0xffff, v1;
	v3 =	vadd.s32 v41, v3  }
0x6d1: {  	v1 =	vor.u32 v6, v3;
	v3 =	vld [tilespmem:$0xB0];
	v6 =	vshll.u32 v4, $0x3  }
0x6d2: {  	v7 =	vor.u32 v24, v40;
	v1 =	vor.u32 v39, v1;
	v6 =	vand.u32 $0xFFFFFC00, v6;
	v0 =	vld.idx.msk [tilespmem:v0+s13+$0x0], $0xffff  }
0x6d3: {  	v4 =	vand.u32 $0x7F, v4;
	v6 =	vadd.s32 v38, v6  }
0x6d4: {  	v8 =	vld [tilespmem:$0x80];
	[tilespmem:v5+s31+$0x0] =	vst.idx.msk $0xffff, v2;
	v2 =	vor.u32 v4, v6  }
0x6d5: {  	s1 =	simm.s32 $0x5;
	v4 =	vld [tilespmem:$0xF0];
	v2 =	vor.u32 v35, v2  }
0x6d6: {  	v9 =	vor.u32 v19, v36;
	v5 =	vmov s1  }
0x6d7: {  	v10 =	vshll.u32 v5, $0x7;
	v5 =	vshll.u32 v5, $0x9;
	v6 =	vshll.u32 v3, $0x3;
	v1 =	vld.idx.msk [tilespmem:v1+s13+$0x0], $0xffff;
	[tilespmem:v7+s31+$0x0] =	vst.idx.msk $0xffff, v0  }
0x6d8: {  	v50 =	vand.u32 $0x7000, v5;
	v6 =	vand.u32 $0xFFFFFC00, v6;
	v5 =	vld [tilespmem:$0x130]  }
0x6d9: {  	v3 =	vand.u32 $0x7F, v3;
	v6 =	vadd.s32 v49, v6;
	v0 =	vshll.u32 v8, $0x3  }
0x6da: {  	v3 =	vor.u32 v3, v6;
	v6 =	vor.u32 v27, v37;
	v7 =	vshll.u32 v4, $0x3;
	v2 =	vld.idx.msk [tilespmem:v2+s13+$0x0], $0xffff  }
0x6db: {  	v8 =	vand.u32 $0x7F, v8;
	v3 =	vor.u32 v48, v3;
	v7 =	vand.u32 $0xFFFFFC00, v7  }
0x6dc: {  	v0 =	vand.u32 $0xFFFFFC00, v0;
	[tilespmem:v9+s31+$0x0] =	vst.idx.msk $0xffff, v1;
	v1 =	vand.u32 $0x7F, v4;
	v4 =	vadd.s32 v45, v7  }
0x6dd: {  	v0 =	vadd.s32 v50, v0;
	v7 =	vld [tilespmem:$0x170];
	v1 =	vor.u32 v1, v4;
	v4 =	vshll.u32 v5, $0x3  }
0x6de: {  	v52 =	vand.u32 $0x380, v10;
	v0 =	vor.u32 v8, v0;
	v4 =	vand.u32 $0xFFFFFC00, v4  }
0x6df: {  	v1 =	vor.u32 v46, v1;
	[tilespmem:v6+s31+$0x0] =	vst.idx.msk $0xffff, v2;
	v2 =	vand.u32 $0x7F, v5;
	v4 =	vadd.s32 v43, v4  }
0x6e0: {  	v8 =	vor.u32 v15, v47;
	v0 =	vor.u32 v52, v0;
	v3 =	vld.idx.msk [tilespmem:v3+s13+$0x0], $0xffff;
	v2 =	vor.u32 v2, v4  }
0x6e1: {  	v2 =	vor.u32 v42, v2  }
0x6e2: {  	v4 =	vshll.u32 v7, $0x3  }
0x6e3: {  	v51 =	vor.u32 v52, v50;
	v5 =	vld [tilespmem:$0x1B0];
	v4 =	vand.u32 $0xFFFFFC00, v4  }
0x6e4: {  	v6 =	vor.u32 v25, v44;
	v7 =	vand.u32 $0x7F, v7;
	v1 =	vld.idx.msk [tilespmem:v1+s13+$0x0], $0xffff;
	v4 =	vadd.s32 v41, v4  }
0x6e5: {  	v0 =	vld.idx.msk [tilespmem:v0+s13+$0x0], $0xffff;
	[tilespmem:v8+s31+$0x0] =	vst.idx.msk $0xffff, v3;
	v3 =	vor.u32 v7, v4;
	v4 =	vor.u32 v17, v51  }
0x6e6: {  	v9 =	vor.u32 v30, v40;
	v2 =	vld.idx.msk [tilespmem:v2+s13+$0x0], $0xffff  }
0x6e7: {  	v7 =	vld [tilespmem:$0xC0]  }
0x6e8: {  	v3 =	vor.u32 v39, v3;
	v8 =	vshll.u32 v5, $0x3  }
0x6e9: {  	v8 =	vand.u32 $0xFFFFFC00, v8;
	[tilespmem:v6+s31+$0x0] =	vst.idx.msk $0xffff, v1  }
0x6ea: {  	v5 =	vand.u32 $0x7F, v5;
	v8 =	vadd.s32 v38, v8;
	[tilespmem:v4+s31+$0x0] =	vst.idx.msk $0xffff, v0  }
0x6eb: {  	v1 =	vor.u32 v5, v8;
	v5 =	vld [tilespmem:$0x100];
	[tilespmem:v9+s31+$0x0] =	vst.idx.msk $0xffff, v2  }
0x6ec: {  	v26 =	vmovc v18;
	v0 =	vshll.u32 v7, $0x3;
	v4 =	vor.u32 v18, v36;
	v1 =	vor.u32 v35, v1;
	v18 =	vld [tilespmem:$0x1FF00]  }
0x6ed: {  	v3 =	vld.idx.msk [tilespmem:v3+s13+$0x0], $0xffff;
	v0 =	vand.u32 $0xFFFFFC00, v0  }
0x6ee: {  	v7 =	vand.u32 $0x7F, v7;
	v6 =	vld [tilespmem:$0x90];
	v0 =	vadd.s32 v49, v0  }
0x6ef: {  	v0 =	vor.u32 v7, v0;
	v2 =	vld [tilespmem:$0x140]  }
0x6f0: {  	v0 =	vor.u32 v48, v0;
	v8 =	vshll.u32 v5, $0x3  }
0x6f1: {  	v1 =	vld.idx.msk [tilespmem:v1+s13+$0x0], $0xffff;
	v8 =	vand.u32 $0xFFFFFC00, v8;
	v7 =	vor.u32 v18, v37  }
0x6f2: {  	[tilespmem:v4+s31+$0x0] =	vst.idx.msk $0xffff, v3;
	v4 =	vand.u32 $0x7F, v5;
	v5 =	vadd.s32 v45, v8  }
0x6f3: {  	v9 =	vor.u32 v60, v47;
	v3 =	vshll.u32 v6, $0x3;
	v8 =	vld [tilespmem:$0x180];
	v4 =	vor.u32 v4, v5  }
0x6f4: {  	v3 =	vand.u32 $0xFFFFFC00, v3;
	v4 =	vor.u32 v46, v4;
	v5 =	vshll.u32 v2, $0x3  }
0x6f5: {  	v6 =	vand.u32 $0x7F, v6;
	v3 =	vadd.s32 v50, v3;
	v0 =	vld.idx.msk [tilespmem:v0+s13+$0x0], $0xffff;
	v5 =	vand.u32 $0xFFFFFC00, v5  }
0x6f6: {  	v2 =	vand.u32 $0x7F, v2;
	[tilespmem:v7+s31+$0x0] =	vst.idx.msk $0xffff, v1;
	v1 =	vor.u32 v6, v3;
	v3 =	vadd.s32 v43, v5  }
0x6f7: {  	v5 =	vld [tilespmem:$0x1C0];
	v1 =	vor.u32 v52, v1;
	v2 =	vor.u32 v2, v3  }
0x6f8: {  	v3 =	vshll.u32 v8, $0x3;
	v2 =	vor.u32 v42, v2  }
0x6f9: {  	v4 =	vld.idx.msk [tilespmem:v4+s13+$0x0], $0xffff;
	v3 =	vand.u32 $0xFFFFFC00, v3  }
0x6fa: {  	v6 =	vor.u32 v34, v44;
	v7 =	vand.u32 $0x7F, v8;
	[tilespmem:v9+s31+$0x0] =	vst.idx.msk $0xffff, v0;
	v3 =	vadd.s32 v41, v3  }
0x6fb: {  	v0 =	vor.u32 v7, v3;
	v3 =	vld [tilespmem:$0xD0]  }
0x6fc: {  	v11 =	vmovc v32;
	v8 =	vor.u32 v61, v51;
	v0 =	vor.u32 v39, v0;
	v7 =	vshll.u32 v5, $0x3;
	v1 =	vld.idx.msk [tilespmem:v1+s13+$0x0], $0xffff  }
0x6fd: {  	v9 =	vor.u32 v11, v40;
	v7 =	vand.u32 $0xFFFFFC00, v7;
	v2 =	vld.idx.msk [tilespmem:v2+s13+$0x0], $0xffff  }
0x6fe: {  	v5 =	vand.u32 $0x7F, v5;
	v7 =	vadd.s32 v38, v7  }
0x6ff: {  	[tilespmem:v6+s31+$0x0] =	vst.idx.msk $0xffff, v4;
	v4 =	vor.u32 v5, v7  }
0x700: {  	v5 =	vld [tilespmem:$0x110];
	v4 =	vor.u32 v35, v4  }
0x701: {  	v14 =	vmov v28;
	v28 =	vmov v29;
	v7 =	vshll.u32 v3, $0x3;
	v0 =	vld.idx.msk [tilespmem:v0+s13+$0x0], $0xffff;
	[tilespmem:v8+s31+$0x0] =	vst.idx.msk $0xffff, v1  }
0x702: {  	v6 =	vor.u32 v28, v36;
	v1 =	vand.u32 $0xFFFFFC00, v7;
	v7 =	vld [tilespmem:$0xA0];
	[tilespmem:v9+s31+$0x0] =	vst.idx.msk $0xffff, v2  }
0x703: {  	v2 =	vld [tilespmem:$0x150]  }
0x704: {  	v3 =	vand.u32 $0x7F, v3;
	v1 =	vadd.s32 v49, v1  }
0x705: {  	v1 =	vor.u32 v3, v1;
	v3 =	vor.u32 v33, v37;
	v8 =	vshll.u32 v5, $0x3;
	v4 =	vld.idx.msk [tilespmem:v4+s13+$0x0], $0xffff  }
0x706: {  	v1 =	vor.u32 v48, v1;
	v8 =	vand.u32 $0xFFFFFC00, v8  }
0x707: {  	[tilespmem:v6+s31+$0x0] =	vst.idx.msk $0xffff, v0;
	v0 =	vand.u32 $0x7F, v5;
	v5 =	vadd.s32 v45, v8;
	v8 =	vand.u32 $0x7F, v7  }
0x708: {  	v0 =	vor.u32 v0, v5;
	v5 =	vshll.u32 v7, $0x3;
	v7 =	vshll.u32 v2, $0x3  }
0x709: {  	v7 =	vand.u32 $0xFFFFFC00, v7  }
0x70a: {  	v6 =	vld [tilespmem:$0x190];
	v2 =	vand.u32 $0x7F, v2;
	[tilespmem:v3+s31+$0x0] =	vst.idx.msk $0xffff, v4;
	v4 =	vadd.s32 v43, v7  }
0x70b: {  	v0 =	vor.u32 v46, v0;
	v2 =	vor.u32 v2, v4  }
0x70c: {  	v9 =	vor.u32 v59, v47;
	v1 =	vld.idx.msk [tilespmem:v1+s13+$0x0], $0xffff;
	v2 =	vor.u32 v42, v2  }
0x70d: {  	v5 =	vand.u32 $0xFFFFFC00, v5  }
0x70e: {  	v3 =	vadd.s32 v50, v5;
	v5 =	vld [tilespmem:$0x1D0]  }
0x70f: {  	v7 =	vor.u32 v23, v44;
	v3 =	vor.u32 v8, v3;
	v4 =	vshll.u32 v6, $0x3  }
0x710: {  	v6 =	vand.u32 $0x7F, v6;
	v3 =	vor.u32 v52, v3;
	v4 =	vand.u32 $0xFFFFFC00, v4;
	v0 =	vld.idx.msk [tilespmem:v0+s13+$0x0], $0xffff  }
0x711: {  	v8 =	vor.u32 v20, v40;
	v4 =	vadd.s32 v41, v4;
	[tilespmem:v9+s31+$0x0] =	vst.idx.msk $0xffff, v1;
	v2 =	vld.idx.msk [tilespmem:v2+s13+$0x0], $0xffff  }
0x712: {  	v1 =	vor.u32 v6, v4;
	v4 =	vld [tilespmem:$0xE0]  }
0x713: {  	v1 =	vor.u32 v39, v1;
	v6 =	vshll.u32 v5, $0x3  }
0x714: {  	v6 =	vand.u32 $0xFFFFFC00, v6  }
0x715: {  	v5 =	vand.u32 $0x7F, v5;
	v3 =	vld.idx.msk [tilespmem:v3+s13+$0x0], $0xffff;
	v6 =	vadd.s32 v38, v6;
	[tilespmem:v7+s31+$0x0] =	vst.idx.msk $0xffff, v0  }
0x716: {  	v0 =	vor.u32 v5, v6;
	v5 =	vor.u32 v16, v51;
	v6 =	vld [tilespmem:$0x120];
	[tilespmem:v8+s31+$0x0] =	vst.idx.msk $0xffff, v2  }
0x717: {  	v29 =	vmov v19;
	v0 =	vor.u32 v35, v0;
	v9 =	vshll.u32 v4, $0x3;
	v19 =	vld [tilespmem:$0x1FF10]  }
0x718: {  	v7 =	vor.u32 v31, v36;
	v1 =	vld.idx.msk [tilespmem:v1+s13+$0x0], $0xffff;
	v9 =	vand.u32 $0xFFFFFC00, v9  }
0x719: {  	v4 =	vand.u32 $0x7F, v4;
	v9 =	vadd.s32 v49, v9  }
0x71a: {  	v4 =	vor.u32 v4, v9  }
0x71b: {  	v8 =	vld [tilespmem:$0x160];
	[tilespmem:v5+s31+$0x0] =	vst.idx.msk $0xffff, v3;
	v3 =	vor.u32 v48, v4;
	v4 =	vshll.u32 v6, $0x3  }
0x71c: {  	v0 =	vld.idx.msk [tilespmem:v0+s13+$0x0], $0xffff;
	v4 =	vand.u32 $0xFFFFFC00, v4;
	v2 =	vor.u32 v19, v37  }
0x71d: {  	v5 =	vld [tilespmem:$0xB0];
	[tilespmem:v7+s31+$0x0] =	vst.idx.msk $0xffff, v1;
	v1 =	vand.u32 $0x7F, v6;
	v4 =	vadd.s32 v45, v4  }
0x71e: {  	s1 =	simm.s32 $0x6;
	v6 =	vld [tilespmem:$0x1A0];
	v1 =	vor.u32 v1, v4  }
0x71f: {  	v7 =	vmov s1;
	v1 =	vor.u32 v46, v1  }
0x720: {  	v21 =	vmovc v27;
	v10 =	vor.u32 v62, v47;
	v4 =	vshll.u32 v7, $0x7;
	v9 =	vshll.u32 v8, $0x3;
	v3 =	vld.idx.msk [tilespmem:v3+s13+$0x0], $0xffff  }
0x721: {  	v27 =	vmovc v11;
	v11 =	vor.u32 v24, v44;
	v53 =	vand.u32 $0x380, v4;
	v9 =	vand.u32 $0xFFFFFC00, v9;
	[tilespmem:v2+s31+$0x0] =	vst.idx.msk $0xffff, v0  }
0x722: {  	v0 =	vand.u32 $0x7F, v8;
	v2 =	vadd.s32 v43, v9;
	v9 =	vshll.u32 v5, $0x3;
	v4 =	vld [tilespmem:$0x1E0]  }
0x723: {  	v8 =	vld [tilespmem:$0x80];
	v5 =	vand.u32 $0x7F, v5;
	v0 =	vor.u32 v0, v2;
	v2 =	vshll.u32 v6, $0x3  }
0x724: {  	v1 =	vld.idx.msk [tilespmem:v1+s13+$0x0], $0xffff;
	v9 =	vand.u32 $0xFFFFFC00, v9;
	v0 =	vor.u32 v42, v0;
	v2 =	vand.u32 $0xFFFFFC00, v2  }
0x725: {  	v6 =	vand.u32 $0x7F, v6;
	[tilespmem:v10+s31+$0x0] =	vst.idx.msk $0xffff, v3;
	v9 =	vadd.s32 v50, v9;
	v2 =	vadd.s32 v41, v2  }
0x726: {  	v3 =	vor.u32 v5, v9;
	v5 =	vld [tilespmem:$0xF0];
	v2 =	vor.u32 v6, v2  }
0x727: {  	v7 =	vshll.u32 v7, $0x9;
	v2 =	vor.u32 v39, v2;
	v6 =	vshll.u32 v4, $0x3  }
0x728: {  	v55 =	vand.u32 $0x7000, v7;
	v10 =	vor.u32 v29, v40;
	v6 =	vand.u32 $0xFFFFFC00, v6  }
0x729: {  	v9 =	vshll.u32 v8, $0x3;
	v4 =	vand.u32 $0x7F, v4;
	v0 =	vld.idx.msk [tilespmem:v0+s13+$0x0], $0xffff;
	v6 =	vadd.s32 v38, v6  }
0x72a: {  	v3 =	vor.u32 v52, v3;
	[tilespmem:v11+s31+$0x0] =	vst.idx.msk $0xffff, v1;
	v7 =	vand.u32 $0xFFFFFC00, v9;
	v1 =	vor.u32 v4, v6  }
0x72b: {  	v4 =	vand.u32 $0x7F, v8;
	v6 =	vadd.s32 v55, v7;
	v7 =	vld [tilespmem:$0x130];
	v8 =	vshll.u32 v5, $0x3  }
0x72c: {  	v1 =	vor.u32 v35, v1;
	v4 =	vor.u32 v4, v6;
	v6 =	vor.u32 v21, v36;
	v2 =	vld.idx.msk [tilespmem:v2+s13+$0x0], $0xffff  }
0x72d: {  	v8 =	vand.u32 $0xFFFFFC00, v8  }
0x72e: {  	v5 =	vand.u32 $0x7F, v5;
	v8 =	vadd.s32 v49, v8;
	[tilespmem:v10+s31+$0x0] =	vst.idx.msk $0xffff, v0  }
0x72f: {  	v4 =	vor.u32 v53, v4;
	v0 =	vor.u32 v5, v8;
	v5 =	vld [tilespmem:$0x170]  }
0x730: {  	v9 =	vor.u32 v15, v51;
	v3 =	vld.idx.msk [tilespmem:v3+s13+$0x0], $0xffff;
	v0 =	vor.u32 v48, v0;
	v10 =	vshll.u32 v7, $0x3  }
0x731: {  	v8 =	vor.u32 v12, v37;
	v1 =	vld.idx.msk [tilespmem:v1+s13+$0x0], $0xffff;
	v10 =	vand.u32 $0xFFFFFC00, v10;
	[tilespmem:v6+s31+$0x0] =	vst.idx.msk $0xffff, v2  }
0x732: {  	v2 =	vand.u32 $0x7F, v7;
	v6 =	vadd.s32 v45, v10;
	v7 =	vld [tilespmem:$0x1B0]  }
0x733: {  	v2 =	vor.u32 v2, v6  }
0x734: {  	v54 =	vor.u32 v53, v55;
	v4 =	vld.idx.msk [tilespmem:v4+s13+$0x0], $0xffff;
	v2 =	vor.u32 v46, v2;
	v6 =	vshll.u32 v5, $0x3  }
0x735: {  	[tilespmem:v9+s31+$0x0] =	vst.idx.msk $0xffff, v3;
	v9 =	vor.u32 v25, v47;
	v0 =	vld.idx.msk [tilespmem:v0+s13+$0x0], $0xffff;
	v6 =	vand.u32 $0xFFFFFC00, v6  }
0x736: {  	v3 =	vld [tilespmem:$0xC0];
	v5 =	vand.u32 $0x7F, v5;
	[tilespmem:v8+s31+$0x0] =	vst.idx.msk $0xffff, v1;
	v1 =	vor.u32 v17, v54;
	v6 =	vadd.s32 v43, v6  }
0x737: {  	v8 =	vld [tilespmem:$0x1F0];
	v5 =	vor.u32 v5, v6;
	v6 =	vshll.u32 v7, $0x3  }
0x738: {  	v5 =	vor.u32 v42, v5;
	v6 =	vand.u32 $0xFFFFFC00, v6  }
0x739: {  	v10 =	vor.u32 v30, v44;
	v7 =	vand.u32 $0x7F, v7;
	v2 =	vld.idx.msk [tilespmem:v2+s13+$0x0], $0xffff;
	v6 =	vadd.s32 v41, v6  }
0x73a: {  	[tilespmem:v9+s31+$0x0] =	vst.idx.msk $0xffff, v0;
	v0 =	vor.u32 v7, v6  }
0x73b: {  	[tilespmem:v1+s31+$0x0] =	vst.idx.msk $0xffff, v4;
	v1 =	vshll.u32 v3, $0x3;
	v4 =	vld [tilespmem:$0x100];
	v0 =	vor.u32 v39, v0  }
0x73c: {  	v9 =	vor.u32 v26, v40;
	v6 =	vshll.u32 v8, $0x3;
	v1 =	vand.u32 $0xFFFFFC00, v1  }
0x73d: {  	v3 =	vand.u32 $0x7F, v3;
	v6 =	vand.u32 $0xFFFFFC00, v6;
	v5 =	vld.idx.msk [tilespmem:v5+s13+$0x0], $0xffff;
	v1 =	vadd.s32 v50, v1  }
0x73e: {  	v7 =	vld [tilespmem:$0x90];
	v8 =	vand.u32 $0x7F, v8;
	v6 =	vadd.s32 v38, v6;
	[tilespmem:v10+s31+$0x0] =	vst.idx.msk $0xffff, v2;
	v1 =	vor.u32 v3, v1  }
0x73f: {  	v2 =	vor.u32 v8, v6;
	v3 =	vld [tilespmem:$0x140];
	v1 =	vor.u32 v52, v1  }
0x740: {  	v6 =	vor.u32 v18, v36;
	v2 =	vor.u32 v35, v2;
	v8 =	vshll.u32 v4, $0x3;
	v0 =	vld.idx.msk [tilespmem:v0+s13+$0x0], $0xffff  }
0x741: {  	v8 =	vand.u32 $0xFFFFFC00, v8  }
0x742: {  	v11 =	vor.u32 v60, v51;
	v4 =	vand.u32 $0x7F, v4;
	v8 =	vadd.s32 v49, v8;
	[tilespmem:v9+s31+$0x0] =	vst.idx.msk $0xffff, v5  }
0x743: {  	v10 =	vshll.u32 v7, $0x3;
	v5 =	vor.u32 v14, v37;
	v4 =	vor.u32 v4, v8;
	v8 =	vld [tilespmem:$0x180]  }
0x744: {  	v9 =	vand.u32 $0xFFFFFC00, v10;
	v4 =	vor.u32 v48, v4;
	v10 =	vshll.u32 v3, $0x3;
	v1 =	vld.idx.msk [tilespmem:v1+s13+$0x0], $0xffff  }
0x745: {  	v7 =	vand.u32 $0x7F, v7;
	v9 =	vadd.s32 v55, v9;
	v2 =	vld.idx.msk [tilespmem:v2+s13+$0x0], $0xffff;
	v10 =	vand.u32 $0xFFFFFC00, v10;
	[tilespmem:v6+s31+$0x0] =	vst.idx.msk $0xffff, v0  }
0x746: {  	v3 =	vand.u32 $0x7F, v3;
	v0 =	vor.u32 v7, v9;
	v6 =	vadd.s32 v45, v10;
	v7 =	vld [tilespmem:$0x1C0]  }
0x747: {  	v0 =	vor.u32 v53, v0;
	v3 =	vor.u32 v3, v6  }
0x748: {  	v3 =	vor.u32 v46, v3;
	v6 =	vshll.u32 v8, $0x3  }
0x749: {  	v4 =	vld.idx.msk [tilespmem:v4+s13+$0x0], $0xffff;
	v6 =	vand.u32 $0xFFFFFC00, v6;
	[tilespmem:v11+s31+$0x0] =	vst.idx.msk $0xffff, v1  }
0x74a: {  	v9 =	vor.u32 v34, v47;
	v1 =	vand.u32 $0x7F, v8;
	[tilespmem:v5+s31+$0x0] =	vst.idx.msk $0xffff, v2;
	v2 =	vadd.s32 v43, v6;
	v6 =	vld [tilespmem:$0xD0]  }
0x74b: {  	v5 =	vld [tilespmem:$0x200];
	v1 =	vor.u32 v1, v2;
	v2 =	vshll.u32 v7, $0x3  }
0x74c: {  	v8 =	vor.u32 v61, v54;
	v0 =	vld.idx.msk [tilespmem:v0+s13+$0x0], $0xffff;
	v1 =	vor.u32 v42, v1;
	v2 =	vand.u32 $0xFFFFFC00, v2  }
0x74d: {  	v10 =	vor.u32 v27, v44;
	v7 =	vand.u32 $0x7F, v7;
	v3 =	vld.idx.msk [tilespmem:v3+s13+$0x0], $0xffff;
	v2 =	vadd.s32 v41, v2  }
0x74e: {  	v2 =	vor.u32 v7, v2  }
0x74f: {  	[tilespmem:v9+s31+$0x0] =	vst.idx.msk $0xffff, v4;
	v2 =	vor.u32 v39, v2  }
0x750: {  	v4 =	vld [tilespmem:$0x110];
	v7 =	vshll.u32 v5, $0x3  }
0x751: {  	v9 =	vor.u32 v28, v40;
	v11 =	vshll.u32 v6, $0x3;
	[tilespmem:v8+s31+$0x0] =	vst.idx.msk $0xffff, v0;
	v7 =	vand.u32 $0xFFFFFC00, v7;
	v0 =	vld.idx.msk [tilespmem:v1+s13+$0x0], $0xffff  }
0x752: {  	v5 =	vand.u32 $0x7F, v5;
	v1 =	vand.u32 $0xFFFFFC00, v11;
	v8 =	vld [tilespmem:$0xA0];
	v7 =	vadd.s32 v38, v7;
	[tilespmem:v10+s31+$0x0] =	vst.idx.msk $0xffff, v3  }
0x753: {  	v6 =	vand.u32 $0x7F, v6;
	v1 =	vadd.s32 v50, v1;
	v3 =	vor.u32 v5, v7;
	v5 =	vld [tilespmem:$0x150]  }
0x754: {  	v1 =	vor.u32 v6, v1;
	v6 =	vor.u32 v33, v36;
	v2 =	vld.idx.msk [tilespmem:v2+s13+$0x0], $0xffff  }
0x755: {  	v3 =	vor.u32 v35, v3;
	v7 =	vshll.u32 v4, $0x3  }
0x756: {  	v1 =	vor.u32 v52, v1;
	v4 =	vand.u32 $0x7F, v4;
	v7 =	vand.u32 $0xFFFFFC00, v7;
	[tilespmem:v9+s31+$0x0] =	vst.idx.msk $0xffff, v0  }
0x757: {  	v58 =	vmovc v20;
	v7 =	vadd.s32 v49, v7;
	v0 =	vand.u32 $0x7F, v8;
	v8 =	vshll.u32 v8, $0x3;
	v20 =	vld [tilespmem:$0x1FF30]  }
0x758: {  	v4 =	vor.u32 v4, v7;
	v8 =	vand.u32 $0xFFFFFC00, v8;
	v9 =	vshll.u32 v5, $0x3  }
0x759: {  	v4 =	vor.u32 v48, v4;
	v9 =	vand.u32 $0xFFFFFC00, v9;
	[tilespmem:v6+s31+$0x0] =	vst.idx.msk $0xffff, v2;
	v2 =	vadd.s32 v55, v8  }
0x75a: {  	v5 =	vand.u32 $0x7F, v5;
	v6 =	vadd.s32 v45, v9;
	v0 =	vor.u32 v0, v2  }
0x75b: {  	v7 =	vld [tilespmem:$0x190];
	v2 =	vor.u32 v5, v6;
	v0 =	vor.u32 v53, v0  }
0x75c: {  	v3 =	vld.idx.msk [tilespmem:v3+s13+$0x0], $0xffff;
	v10 =	vor.u32 v20, v37;
	v2 =	vor.u32 v46, v2  }
0x75d: {  	v11 =	vor.u32 v59, v51;
	v1 =	vld.idx.msk [tilespmem:v1+s13+$0x0], $0xffff  }
0x75e: {  	v8 =	vld [tilespmem:$0x1D0]  }
0x75f: {  	v6 =	vor.u32 v23, v47;
	v4 =	vld.idx.msk [tilespmem:v4+s13+$0x0], $0xffff  }
0x760: {  	v5 =	vshll.u32 v7, $0x3;
	v0 =	vld.idx.msk [tilespmem:v0+s13+$0x0], $0xffff  }
0x761: {  	v5 =	vand.u32 $0xFFFFFC00, v5;
	[tilespmem:v10+s31+$0x0] =	vst.idx.msk $0xffff, v3;
	v2 =	vld.idx.msk [tilespmem:v2+s13+$0x0], $0xffff  }
0x762: {  	s1 =	simm.s32 $0x7;
	v5 =	vadd.s32 v43, v5;
	[tilespmem:v11+s31+$0x0] =	vst.idx.msk $0xffff, v1;
	v3 =	vand.u32 $0x7F, v7;
	v1 =	vld [tilespmem:$0x210]  }
0x763: {  	v9 =	vmov s1;
	v10 =	vor.u32 v58, v44;
	v3 =	vor.u32 v3, v5;
	v5 =	vld [tilespmem:$0xE0]  }
0x764: {  	v7 =	vshll.u32 v8, $0x3;
	[tilespmem:v6+s31+$0x0] =	vst.idx.msk $0xffff, v4;
	v6 =	vor.u32 v16, v54;
	v3 =	vor.u32 v42, v3  }
0x765: {  	v11 =	vshll.u32 v9, $0x7;
	v7 =	vand.u32 $0xFFFFFC00, v7  }
0x766: {  	v22 =	vmovc v12;
	v12 =	vld [tilespmem:$0x80];
	v9 =	vshll.u32 v9, $0x9;
	v8 =	vand.u32 $0x7F, v8;
	v7 =	vadd.s32 v41, v7  }
0x767: {  	v13 =	vor.u32 v31, v40;
	v56 =	vand.u32 $0x7000, v9;
	v4 =	vor.u32 v8, v7;
	v7 =	vld [tilespmem:$0x120]  }
0x768: {  	v63 =	vmovc v14;
	v4 =	vor.u32 v39, v4;
	[tilespmem:v10+s31+$0x0] =	vst.idx.msk $0xffff, v2;
	v8 =	vshll.u32 v1, $0x3;
	v14 =	vshll.u32 v5, $0x3  }
0x769: {  	v1 =	vand.u32 $0x7F, v1;
	[tilespmem:v6+s31+$0x0] =	vst.idx.msk $0xffff, v0;
	v8 =	vand.u32 $0xFFFFFC00, v8;
	v3 =	vld.idx.msk [tilespmem:v3+s13+$0x0], $0xffff;
	v14 =	vand.u32 $0xFFFFFC00, v14  }
0x76a: {  	v32 =	vmovc v16;
	v5 =	vand.u32 $0x7F, v5;
	v16 =	vld [tilespmem:$0x1FF40];
	v8 =	vadd.s32 v38, v8;
	v14 =	vadd.s32 v50, v14  }
0x76b: {  	v9 =	vand.u32 $0x7F, v12;
	v10 =	vld [tilespmem:$0xB0];
	v1 =	vor.u32 v1, v8;
	v5 =	vor.u32 v5, v14  }
0x76c: {  	v8 =	vld [tilespmem:$0x160];
	v1 =	vor.u32 v35, v1;
	v0 =	vor.u32 v52, v5;
	v5 =	vshll.u32 v7, $0x3  }
0x76d: {  	v12 =	vshll.u32 v12, $0x3;
	v2 =	vor.u32 v19, v36;
	v4 =	vld.idx.msk [tilespmem:v4+s13+$0x0], $0xffff;
	v5 =	vand.u32 $0xFFFFFC00, v5  }
0x76e: {  	v12 =	vand.u32 $0xFFFFFC00, v12;
	v7 =	vand.u32 $0x7F, v7;
	v5 =	vadd.s32 v49, v5;
	[tilespmem:v13+s31+$0x0] =	vst.idx.msk $0xffff, v3  }
0x76f: {  	v57 =	vand.u32 $0x380, v11;
	v12 =	vadd.s32 v56, v12;
	v5 =	vor.u32 v7, v5;
	v7 =	vld [tilespmem:$0x1A0]  }
0x770: {  	v9 =	vor.u32 v9, v12;
	v12 =	vor.u32 v24, v47;
	v5 =	vor.u32 v48, v5  }
0x771: {  	v9 =	vor.u32 v57, v9;
	v6 =	vor.u32 v16, v37;
	v13 =	vshll.u32 v8, $0x3;
	v1 =	vld.idx.msk [tilespmem:v1+s13+$0x0], $0xffff  }
0x772: {  	v3 =	vor.u32 v62, v51;
	[tilespmem:v2+s31+$0x0] =	vst.idx.msk $0xffff, v4;
	v2 =	vshll.u32 v10, $0x3;
	v11 =	vand.u32 $0xFFFFFC00, v13  }
0x773: {  	v4 =	vand.u32 $0x7F, v8;
	v10 =	vand.u32 $0x7F, v10;
	v0 =	vld.idx.msk [tilespmem:v0+s13+$0x0], $0xffff;
	v8 =	vadd.s32 v45, v11  }
0x774: {  	v2 =	vand.u32 $0xFFFFFC00, v2;
	v11 =	vld [tilespmem:$0x1E0];
	v4 =	vor.u32 v4, v8;
	v8 =	vshll.u32 v7, $0x3  }
0x775: {  	v2 =	vadd.s32 v55, v2;
	v4 =	vor.u32 v46, v4;
	v5 =	vld.idx.msk [tilespmem:v5+s13+$0x0], $0xffff;
	v8 =	vand.u32 $0xFFFFFC00, v8  }
0x776: {  	[tilespmem:v6+s31+$0x0] =	vst.idx.msk $0xffff, v1;
	v1 =	vor.u32 v10, v2;
	v2 =	vand.u32 $0x7F, v7;
	v6 =	vadd.s32 v43, v8  }
0x777: {  	v2 =	vor.u32 v2, v6  }
0x778: {  	v9 =	vld.idx.msk [tilespmem:v9+s13+$0x0], $0xffff;
	v2 =	vor.u32 v42, v2  }
0x779: {  	v58 =	vor.u32 v57, v56;
	[tilespmem:v3+s31+$0x0] =	vst.idx.msk $0xffff, v0;
	v0 =	vld [tilespmem:$0x220];
	v1 =	vor.u32 v53, v1;
	v6 =	vshll.u32 v11, $0x3  }
0x77a: {  	v7 =	vor.u32 v29, v44;
	v10 =	vor.u32 v17, v58;
	v3 =	vld [tilespmem:$0xF0];
	v6 =	vand.u32 $0xFFFFFC00, v6  }
0x77b: {  	v8 =	vand.u32 $0x7F, v11;
	v4 =	vld.idx.msk [tilespmem:v4+s13+$0x0], $0xffff;
	v6 =	vadd.s32 v41, v6;
	[tilespmem:v12+s31+$0x0] =	vst.idx.msk $0xffff, v5  }
0x77c: {  	v5 =	vor.u32 v8, v6;
	v6 =	vld [tilespmem:$0x130]  }
0x77d: {  	v8 =	vor.u32 v21, v40;
	v5 =	vor.u32 v39, v5;
	v2 =	vld.idx.msk [tilespmem:v2+s13+$0x0], $0xffff  }
0x77e: {  	v12 =	vor.u32 v15, v54;
	v1 =	vld.idx.msk [tilespmem:v1+s13+$0x0], $0xffff  }
0x77f: {  	[tilespmem:v10+s31+$0x0] =	vst.idx.msk $0xffff, v9;
	v10 =	vor.u32 v22, v36;
	v13 =	vshll.u32 v3, $0x3  }
0x780: {  	v11 =	vshll.u32 v0, $0x3;
	v0 =	vand.u32 $0x7F, v0;
	v13 =	vand.u32 $0xFFFFFC00, v13;
	[tilespmem:v7+s31+$0x0] =	vst.idx.msk $0xffff, v4;
	v7 =	vld [tilespmem:$0x90]  }
0x781: {  	v3 =	vand.u32 $0x7F, v3;
	v11 =	vand.u32 $0xFFFFFC00, v11;
	v13 =	vadd.s32 v50, v13;
	v4 =	vld [tilespmem:$0x170]  }
0x782: {  	v11 =	vadd.s32 v38, v11;
	v3 =	vor.u32 v3, v13;
	v5 =	vld.idx.msk [tilespmem:v5+s13+$0x0], $0xffff;
	[tilespmem:v8+s31+$0x0] =	vst.idx.msk $0xffff, v2  }
0x783: {  	v0 =	vor.u32 v0, v11;
	v3 =	vor.u32 v52, v3;
	v9 =	vshll.u32 v6, $0x3;
	[tilespmem:v12+s31+$0x0] =	vst.idx.msk $0xffff, v1;
	v2 =	vld [tilespmem:$0x1B0]  }
0x784: {  	v0 =	vor.u32 v35, v0;
	v1 =	vand.u32 $0xFFFFFC00, v9;
	v22 =	vld [tilespmem:$0x1FE90]  }
0x785: {  	v6 =	vand.u32 $0x7F, v6;
	v12 =	vor.u32 v25, v51;
	v1 =	vadd.s32 v49, v1  }
0x786: {  	v1 =	vor.u32 v6, v1;
	v11 =	vshll.u32 v7, $0x3;
	v6 =	vshll.u32 v4, $0x3  }
0x787: {  	v9 =	vld [tilespmem:$0xC0];
	v7 =	vand.u32 $0x7F, v7;
	v1 =	vor.u32 v48, v1;
	v6 =	vand.u32 $0xFFFFFC00, v6  }
0x788: {  	v4 =	vand.u32 $0x7F, v4;
	v3 =	vld.idx.msk [tilespmem:v3+s13+$0x0], $0xffff;
	[tilespmem:v10+s31+$0x0] =	vst.idx.msk $0xffff, v5;
	v5 =	vand.u32 $0xFFFFFC00, v11;
	v6 =	vadd.s32 v45, v6  }
0x789: {  	v0 =	vld.idx.msk [tilespmem:v0+s13+$0x0], $0xffff;
	v5 =	vadd.s32 v56, v5;
	v8 =	vor.u32 v22, v37;
	v10 =	vshll.u32 v2, $0x3  }
0x78a: {  	v4 =	vor.u32 v4, v6;
	v6 =	vld [tilespmem:$0x1F0];
	v5 =	vor.u32 v7, v5;
	v7 =	vand.u32 $0xFFFFFC00, v10  }
0x78b: {  	v4 =	vor.u32 v46, v4;
	v2 =	vand.u32 $0x7F, v2;
	v7 =	vadd.s32 v43, v7  }
0x78c: {  	v11 =	vor.u32 v30, v47;
	v5 =	vor.u32 v57, v5;
	v2 =	vor.u32 v2, v7  }
0x78d: {  	v1 =	vld.idx.msk [tilespmem:v1+s13+$0x0], $0xffff;
	v10 =	vshll.u32 v9, $0x3;
	[tilespmem:v12+s31+$0x0] =	vst.idx.msk $0xffff, v3;
	v2 =	vor.u32 v42, v2  }
0x78e: {  	v7 =	vld [tilespmem:$0x100];
	[tilespmem:v8+s31+$0x0] =	vst.idx.msk $0xffff, v0;
	v0 =	vand.u32 $0xFFFFFC00, v10  }
0x78f: {  	v8 =	vand.u32 $0x7F, v9;
	v9 =	vshll.u32 v6, $0x3;
	v3 =	vld [tilespmem:$0x230];
	v0 =	vadd.s32 v55, v0  }
0x790: {  	v4 =	vld.idx.msk [tilespmem:v4+s13+$0x0], $0xffff;
	v0 =	vor.u32 v8, v0;
	v8 =	vand.u32 $0xFFFFFC00, v9;
	v9 =	vor.u32 v26, v44  }
0x791: {  	v12 =	vor.u32 v61, v58;
	v6 =	vand.u32 $0x7F, v6;
	v10 =	vor.u32 v18, v40;
	v5 =	vld.idx.msk [tilespmem:v5+s13+$0x0], $0xffff  }
0x792: {  	[tilespmem:v11+s31+$0x0] =	vst.idx.msk $0xffff, v1;
	v8 =	vadd.s32 v41, v8;
	v0 =	vor.u32 v53, v0;
	v2 =	vld.idx.msk [tilespmem:v2+s13+$0x0], $0xffff  }
0x793: {  	v13 =	vshll.u32 v7, $0x3;
	v6 =	vor.u32 v6, v8;
	v8 =	vld [tilespmem:$0x140]  }
0x794: {  	v13 =	vand.u32 $0xFFFFFC00, v13;
	v6 =	vor.u32 v39, v6;
	v11 =	vshll.u32 v3, $0x3  }
0x795: {  	v7 =	vand.u32 $0x7F, v7;
	v13 =	vadd.s32 v50, v13;
	v11 =	vand.u32 $0xFFFFFC00, v11;
	[tilespmem:v9+s31+$0x0] =	vst.idx.msk $0xffff, v4  }
0x796: {  	[tilespmem:v12+s31+$0x0] =	vst.idx.msk $0xffff, v5;
	v3 =	vand.u32 $0x7F, v3;
	v4 =	vor.u32 v7, v13;
	v11 =	vadd.s32 v38, v11;
	v7 =	vld [tilespmem:$0x180]  }
0x797: {  	v4 =	vor.u32 v52, v4;
	v0 =	vld.idx.msk [tilespmem:v0+s13+$0x0], $0xffff;
	v3 =	vor.u32 v3, v11;
	[tilespmem:v10+s31+$0x0] =	vst.idx.msk $0xffff, v2  }
0x798: {  	v9 =	vshll.u32 v8, $0x3;
	v11 =	vor.u32 v60, v54;
	v3 =	vor.u32 v35, v3;
	v10 =	vld [tilespmem:$0x1FEA0]  }
0x799: {  	v1 =	vor.u32 v63, v36;
	v6 =	vld.idx.msk [tilespmem:v6+s13+$0x0], $0xffff;
	v9 =	vand.u32 $0xFFFFFC00, v9  }
0x79a: {  	v8 =	vand.u32 $0x7F, v8;
	v5 =	vld [tilespmem:$0x1C0];
	v9 =	vadd.s32 v49, v9  }
0x79b: {  	v2 =	vor.u32 v8, v9;
	v8 =	vld [tilespmem:$0xA0]  }
0x79c: {  	v13 =	vor.u32 v34, v51;
	v2 =	vor.u32 v48, v2;
	v9 =	vshll.u32 v7, $0x3;
	v4 =	vld.idx.msk [tilespmem:v4+s13+$0x0], $0xffff  }
0x79d: {  	s1 =	simm.s32 $0x8;
	v9 =	vand.u32 $0xFFFFFC00, v9;
	[tilespmem:v11+s31+$0x0] =	vst.idx.msk $0xffff, v0;
	v3 =	vld.idx.msk [tilespmem:v3+s13+$0x0], $0xffff;
	v10 =	vor.u32 v10, v37  }
0x79e: {  	v12 =	vmov s1;
	v0 =	vand.u32 $0x7F, v7;
	[tilespmem:v1+s31+$0x0] =	vst.idx.msk $0xffff, v6;
	v6 =	vadd.s32 v45, v9;
	v9 =	vld [tilespmem:$0xD0]  }
0x79f: {  	v14 =	vor.u32 v27, v47;
	v11 =	vshll.u32 v12, $0x9;
	v7 =	vld [tilespmem:$0x200];
	v0 =	vor.u32 v0, v6  }
0x7a0: {  	v1 =	vshll.u32 v12, $0x7;
	v6 =	vshll.u32 v5, $0x3;
	v0 =	vor.u32 v46, v0  }
0x7a1: {  	v12 =	vor.u32 v33, v40;
	v5 =	vand.u32 $0x7F, v5;
	v6 =	vand.u32 $0xFFFFFC00, v6;
	[tilespmem:v13+s31+$0x0] =	vst.idx.msk $0xffff, v4  }
0x7a2: {  	v2 =	vld.idx.msk [tilespmem:v2+s13+$0x0], $0xffff;
	v6 =	vadd.s32 v43, v6;
	v4 =	vor.u32 v28, v44;
	[tilespmem:v10+s31+$0x0] =	vst.idx.msk $0xffff, v3  }
0x7a3: {  	v5 =	vor.u32 v5, v6;
	v3 =	vand.u32 $0x7F, v8;
	v8 =	vshll.u32 v8, $0x3;
	v6 =	vld [tilespmem:$0x240]  }
0x7a4: {  	v10 =	vld [tilespmem:$0x110];
	v5 =	vor.u32 v42, v5;
	v15 =	vshll.u32 v9, $0x3;
	v13 =	vshll.u32 v7, $0x3  }
0x7a5: {  	v9 =	vand.u32 $0x7F, v9;
	v15 =	vand.u32 $0xFFFFFC00, v15;
	v13 =	vand.u32 $0xFFFFFC00, v13;
	v0 =	vld.idx.msk [tilespmem:v0+s13+$0x0], $0xffff  }
0x7a6: {  	v7 =	vand.u32 $0x7F, v7;
	v15 =	vadd.s32 v55, v15;
	v13 =	vadd.s32 v41, v13  }
0x7a7: {  	v8 =	vand.u32 $0xFFFFFC00, v8;
	[tilespmem:v14+s31+$0x0] =	vst.idx.msk $0xffff, v2;
	v2 =	vor.u32 v7, v13;
	v7 =	vor.u32 v9, v15  }
0x7a8: {  	v2 =	vor.u32 v39, v2;
	v7 =	vor.u32 v53, v7;
	v13 =	vshll.u32 v6, $0x3  }
0x7a9: {  	v14 =	vshll.u32 v10, $0x3;
	v5 =	vld.idx.msk [tilespmem:v5+s13+$0x0], $0xffff;
	v10 =	vand.u32 $0x7F, v10;
	v13 =	vand.u32 $0xFFFFFC00, v13  }
0x7aa: {  	v9 =	vld [tilespmem:$0x150];
	v14 =	vand.u32 $0xFFFFFC00, v14;
	v6 =	vand.u32 $0x7F, v6;
	[tilespmem:v4+s31+$0x0] =	vst.idx.msk $0xffff, v0;
	v13 =	vadd.s32 v38, v13  }
0x7ab: {  	v14 =	vadd.s32 v50, v14;
	v4 =	vadd.s32 v56, v8;
	v8 =	vld [tilespmem:$0x190];
	v0 =	vor.u32 v6, v13  }
0x7ac: {  	v6 =	vor.u32 v10, v14;
	v13 =	vld [tilespmem:$0x80];
	v0 =	vor.u32 v35, v0  }
0x7ad: {  	v3 =	vor.u32 v3, v4;
	v10 =	vor.u32 v20, v36;
	v4 =	vor.u32 v52, v6;
	v2 =	vld.idx.msk [tilespmem:v2+s13+$0x0], $0xffff  }
0x7ae: {  	v14 =	vor.u32 v59, v54;
	v7 =	vld.idx.msk [tilespmem:v7+s13+$0x0], $0xffff;
	[tilespmem:v12+s31+$0x0] =	vst.idx.msk $0xffff, v5  }
0x7af: {  	v61 =	vand.u32 $0x7000, v11;
	v6 =	vshll.u32 v9, $0x3;
	v11 =	vld [tilespmem:$0x1FEB0]  }
0x7b0: {  	v6 =	vand.u32 $0xFFFFFC00, v6;
	v5 =	vld [tilespmem:$0x1D0]  }
0x7b1: {  	v18 =	vmovc v60;
	v3 =	vor.u32 v57, v3;
	v9 =	vand.u32 $0x7F, v9;
	v6 =	vadd.s32 v49, v6;
	v0 =	vld.idx.msk [tilespmem:v0+s13+$0x0], $0xffff  }
0x7b2: {  	v60 =	vand.u32 $0x380, v1;
	v1 =	vor.u32 v9, v6;
	v6 =	vshll.u32 v8, $0x3;
	v4 =	vld.idx.msk [tilespmem:v4+s13+$0x0], $0xffff;
	[tilespmem:v10+s31+$0x0] =	vst.idx.msk $0xffff, v2  }
0x7b3: {  	v9 =	vor.u32 v23, v51;
	v1 =	vor.u32 v48, v1;
	v6 =	vand.u32 $0xFFFFFC00, v6;
	v2 =	vld [tilespmem:$0x1FEC0];
	[tilespmem:v14+s31+$0x0] =	vst.idx.msk $0xffff, v7  }
0x7b4: {  	v8 =	vand.u32 $0x7F, v8;
	v6 =	vadd.s32 v45, v6;
	v11 =	vor.u32 v11, v37;
	v10 =	vld [tilespmem:$0xE0]  }
0x7b5: {  	v6 =	vor.u32 v8, v6;
	v8 =	vor.u32 v16, v36;
	v16 =	vld [tilespmem:$0x1FF90]  }
0x7b6: {  	v15 =	vor.u32 v32, v58;
	v3 =	vld.idx.msk [tilespmem:v3+s13+$0x0], $0xffff;
	v12 =	vshll.u32 v5, $0x3  }
0x7b7: {  	v30 =	vmovc v26;
	v7 =	vld [tilespmem:$0x210];
	v14 =	vor.u32 v19, v40;
	v6 =	vor.u32 v46, v6;
	v12 =	vand.u32 $0xFFFFFC00, v12  }
0x7b8: {  	v26 =	vmov v34;
	v5 =	vand.u32 $0x7F, v5;
	v12 =	vadd.s32 v43, v12;
	v1 =	vld.idx.msk [tilespmem:v1+s13+$0x0], $0xffff;
	[tilespmem:v9+s31+$0x0] =	vst.idx.msk $0xffff, v4  }
0x7b9: {  	v4 =	vor.u32 v5, v12;
	v9 =	vshll.u32 v13, $0x3;
	v34 =	vor.u32 v2, v37;
	[tilespmem:v11+s31+$0x0] =	vst.idx.msk $0xffff, v0;
	v12 =	vld [tilespmem:$0x120]  }
0x7ba: {  	v2 =	vmovc v29;
	v0 =	vor.u32 v31, v44;
	v29 =	vmovc v16;
	v16 =	vor.u32 v16, v47;
	v17 =	vshll.u32 v10, $0x3  }
0x7bb: {  	v11 =	vand.u32 $0x7F, v13;
	v4 =	vor.u32 v42, v4;
	v5 =	vld [tilespmem:$0x250];
	v17 =	vand.u32 $0xFFFFFC00, v17  }
0x7bc: {  	v13 =	vshll.u32 v7, $0x3;
	v6 =	vld.idx.msk [tilespmem:v6+s13+$0x0], $0xffff;
	v10 =	vand.u32 $0x7F, v10;
	v17 =	vadd.s32 v55, v17  }
0x7bd: {  	[tilespmem:v15+s31+$0x0] =	vst.idx.msk $0xffff, v3;
	v7 =	vand.u32 $0x7F, v7;
	v13 =	vand.u32 $0xFFFFFC00, v13;
	v3 =	vor.u32 v10, v17  }
0x7be: {  	v13 =	vadd.s32 v41, v13;
	v3 =	vor.u32 v53, v3;
	v15 =	vshll.u32 v12, $0x3  }
0x7bf: {  	v12 =	vand.u32 $0x7F, v12;
	[tilespmem:v16+s31+$0x0] =	vst.idx.msk $0xffff, v1;
	v1 =	vor.u32 v7, v13;
	v13 =	vld [tilespmem:$0xB0];
	v15 =	vand.u32 $0xFFFFFC00, v15  }
0x7c0: {  	v10 =	vshll.u32 v5, $0x3;
	v7 =	vld [tilespmem:$0x160];
	v1 =	vor.u32 v39, v1;
	v15 =	vadd.s32 v50, v15  }
0x7c1: {  	v9 =	vand.u32 $0xFFFFFC00, v9;
	v4 =	vld.idx.msk [tilespmem:v4+s13+$0x0], $0xffff;
	[tilespmem:v0+s31+$0x0] =	vst.idx.msk $0xffff, v6;
	v10 =	vand.u32 $0xFFFFFC00, v10;
	v6 =	vor.u32 v12, v15  }
0x7c2: {  	v5 =	vand.u32 $0x7F, v5;
	v10 =	vadd.s32 v38, v10;
	v6 =	vor.u32 v52, v6  }
0x7c3: {  	v0 =	vor.u32 v5, v10;
	v5 =	vadd.s32 v61, v9  }
0x7c4: {  	v0 =	vor.u32 v35, v0;
	v5 =	vor.u32 v11, v5;
	v11 =	vor.u32 v62, v54;
	v3 =	vld.idx.msk [tilespmem:v3+s13+$0x0], $0xffff  }
0x7c5: {  	v12 =	vshll.u32 v13, $0x3;
	v10 =	vshll.u32 v7, $0x3;
	v1 =	vld.idx.msk [tilespmem:v1+s13+$0x0], $0xffff  }
0x7c6: {  	v9 =	vld [tilespmem:$0x1A0];
	[tilespmem:v14+s31+$0x0] =	vst.idx.msk $0xffff, v4;
	v7 =	vand.u32 $0x7F, v7;
	v4 =	vand.u32 $0xFFFFFC00, v12;
	v10 =	vand.u32 $0xFFFFFC00, v10  }
0x7c7: {  	v12 =	vand.u32 $0x7F, v13;
	v4 =	vadd.s32 v56, v4;
	v10 =	vadd.s32 v49, v10;
	v6 =	vld.idx.msk [tilespmem:v6+s13+$0x0], $0xffff  }
0x7c8: {  	v4 =	vor.u32 v12, v4;
	v12 =	vor.u32 v24, v51;
	v7 =	vor.u32 v7, v10;
	v10 =	vld [tilespmem:$0x1E0]  }
0x7c9: {  	v0 =	vld.idx.msk [tilespmem:v0+s13+$0x0], $0xffff;
	[tilespmem:v11+s31+$0x0] =	vst.idx.msk $0xffff, v3  }
0x7ca: {  	[tilespmem:v8+s31+$0x0] =	vst.idx.msk $0xffff, v1  }
0x7cb: {  	v8 =	vld [tilespmem:$0x1FED0];
	_ =	sdelay $0x1  }
0x7cc: {  	v14 =	vor.u32 v2, v47;
	v5 =	vor.u32 v60, v5;
	v13 =	vshll.u32 v9, $0x3;
	[tilespmem:v12+s31+$0x0] =	vst.idx.msk $0xffff, v6  }
0x7cd: {  	v13 =	vand.u32 $0xFFFFFC00, v13;
	v7 =	vor.u32 v48, v7;
	v3 =	vld [tilespmem:$0x220];
	v11 =	vshll.u32 v10, $0x3;
	[tilespmem:v34+s31+$0x0] =	vst.idx.msk $0xffff, v0  }
0x7ce: {  	v9 =	vand.u32 $0x7F, v9;
	v13 =	vadd.s32 v45, v13;
	v11 =	vand.u32 $0xFFFFFC00, v11;
	v6 =	vld [tilespmem:$0x1FFD0]  }
0x7cf: {  	v20 =	vmovc v24;
	v19 =	vmovc v62;
	v10 =	vand.u32 $0x7F, v10;
	v11 =	vadd.s32 v43, v11;
	v62 =	vor.u32 v8, v37;
	v8 =	vld [tilespmem:$0xF0]  }
0x7d0: {  	v24 =	vmovc v2;
	v4 =	vor.u32 v57, v4;
	v1 =	vor.u32 v9, v13;
	v2 =	vor.u32 v10, v11;
	v10 =	vld [tilespmem:$0x1FE30]  }
0x7d1: {  	v5 =	vld.idx.msk [tilespmem:v5+s13+$0x0], $0xffff;
	v9 =	vor.u32 v46, v1  }
0x7d2: {  	v21 =	vmov v59;
	v32 =	vlaneseq.u32;
	v59 =	vor.u32 v60, v61;
	v7 =	vld.idx.msk [tilespmem:v7+s13+$0x0], $0xffff  }
0x7d3: {  	v13 =	vor.u32 v32, v59;
	v11 =	vld [tilespmem:$0x260]  }
0x7d4: {  	v15 =	vld [tilespmem:$0x130];
	v2 =	vor.u32 v42, v2;
	v33 =	vmovc v6;
	v16 =	vor.u32 v6, v44;
	v6 =	vshll.u32 v3, $0x3  }
0x7d5: {  	v4 =	vld.idx.msk [tilespmem:v4+s13+$0x0], $0xffff;
	v6 =	vand.u32 $0xFFFFFC00, v6;
	v17 =	vor.u32 v10, v58;
	v10 =	vshll.u32 v8, $0x3  }
0x7d6: {  	v9 =	vld.idx.msk [tilespmem:v9+s13+$0x0], $0xffff;
	v3 =	vand.u32 $0x7F, v3;
	v6 =	vadd.s32 v41, v6;
	v10 =	vand.u32 $0xFFFFFC00, v10  }
0x7d7: {  	v0 =	vld [tilespmem:$0x1FFC0];
	[tilespmem:v14+s31+$0x0] =	vst.idx.msk $0xffff, v7;
	v7 =	vand.u32 $0x7F, v8;
	v3 =	vor.u32 v3, v6;
	v8 =	vadd.s32 v55, v10  }
0x7d8: {  	[tilespmem:v13+s31+$0x0] =	vst.idx.msk $0xffff, v5;
	v3 =	vor.u32 v39, v3;
	v5 =	vor.u32 v7, v8;
	v7 =	vshll.u32 v11, $0x3  }
0x7d9: {  	v10 =	vor.u32 v53, v5;
	v5 =	vshll.u32 v15, $0x3;
	v7 =	vand.u32 $0xFFFFFC00, v7  }
0x7da: {  	[tilespmem:v17+s31+$0x0] =	vst.idx.msk $0xffff, v4;
	v4 =	vld.idx.msk [tilespmem:v2+s13+$0x0], $0xffff;
	v2 =	vand.u32 $0xFFFFFC00, v5;
	v5 =	vand.u32 $0x7F, v11;
	v7 =	vadd.s32 v38, v7  }
0x7db: {  	v6 =	vld [tilespmem:$0x170];
	v8 =	vand.u32 $0x7F, v15;
	[tilespmem:v16+s31+$0x0] =	vst.idx.msk $0xffff, v9;
	v2 =	vadd.s32 v50, v2;
	v7 =	vor.u32 v5, v7  }
0x7dc: {  	v8 =	vor.u32 v8, v2;
	v2 =	vor.u32 v63, v40;
	v63 =	vor.u32 v35, v7;
	v7 =	vld [tilespmem:$0x1FE80];
	_ =	sdelay $0x1  }
0x7dd: {  	v12 =	vld [tilespmem:$0x90]  }
0x7de: {  	v34 =	vmov v0;
	v0 =	vor.u32 v0, v40;
	v11 =	vld [tilespmem:$0xC0]  }
0x7df: {  	v1 =	vor.u32 v22, v36;
	v5 =	vld [tilespmem:$0x1B0]  }
0x7e0: {  	s1 =	simm.s32 $0x9;
	v3 =	vld.idx.msk [tilespmem:v3+s13+$0x0], $0xffff;
	v9 =	vor.u32 v52, v8;
	v22 =	vmovc v7;
	v8 =	vor.u32 v7, v51;
	v7 =	vshll.u32 v6, $0x3  }
.LBB2_4:
0x7e1: {  	_ = 	snop  }
0x7e2: {  	v13 =	vshll.u32 v12, $0x3;
	v10 =	vld.idx.msk [tilespmem:v10+s13+$0x0], $0xffff;
	v14 =	vor.u32 v25, v54;
	v7 =	vand.u32 $0xFFFFFC00, v7  }
0x7e3: {  	v6 =	vand.u32 $0x7F, v6;
	[tilespmem:v0+s31+$0x0] =	vst.idx.msk $0xffff, v4;
	v13 =	vand.u32 $0xFFFFFC00, v13;
	v7 =	vadd.s32 v49, v7  }
0x7e4: {  	v0 =	vand.u32 $0x7F, v12;
	v12 =	vld.idx.msk [tilespmem:v63+s13+$0x0], $0xffff;
	v4 =	vadd.s32 v61, v13;
	v6 =	vor.u32 v6, v7  }
0x7e5: {  	v9 =	vld.idx.msk [tilespmem:v9+s13+$0x0], $0xffff;
	v0 =	vor.u32 v0, v4;
	v4 =	vor.u32 v48, v6;
	v13 =	vshll.u32 v11, $0x3  }
0x7e6: {  	v7 =	vld [tilespmem:$0x1F0];
	v6 =	vshll.u32 v5, $0x3;
	v0 =	vor.u32 v60, v0;
	v13 =	vand.u32 $0xFFFFFC00, v13;
	[tilespmem:v1+s31+$0x0] =	vst.idx.msk $0xffff, v3  }
0x7e7: {  	v1 =	vand.u32 $0x7F, v11;
	v6 =	vand.u32 $0xFFFFFC00, v6;
	v3 =	vadd.s32 v56, v13;
	[tilespmem:v14+s31+$0x0] =	vst.idx.msk $0xffff, v10;
	v14 =	vld [tilespmem:$0x1FE10]  }
0x7e8: {  	v5 =	vand.u32 $0x7F, v5;
	v6 =	vadd.s32 v45, v6;
	v1 =	vor.u32 v1, v3;
	v3 =	vld [tilespmem:$0x100]  }
0x7e9: {  	v5 =	vor.u32 v5, v6;
	v6 =	vld [tilespmem:$0x230]  }
0x7ea: {  	v4 =	vld.idx.msk [tilespmem:v4+s13+$0x0], $0xffff  }
0x7eb: {  	v0 =	vld.idx.msk [tilespmem:v0+s13+$0x0], $0xffff;
	[tilespmem:v62+s31+$0x0] =	vst.idx.msk $0xffff, v12  }
0x7ec: {  	v10 =	vshll.u32 v7, $0x3;
	v5 =	vor.u32 v46, v5;
	[tilespmem:v8+s31+$0x0] =	vst.idx.msk $0xffff, v9;
	v8 =	vld [tilespmem:$0x1FF00]  }
0x7ed: {  	v11 =	vor.u32 v30, v47;
	v1 =	vor.u32 v57, v1;
	v10 =	vand.u32 $0xFFFFFC00, v10  }
0x7ee: {  	v7 =	vand.u32 $0x7F, v7;
	v10 =	vadd.s32 v43, v10  }
0x7ef: {  	v7 =	vor.u32 v7, v10;
	v9 =	vld [tilespmem:$0x270];
	v13 =	vshll.u32 v6, $0x3  }
0x7f0: {  	v14 =	vor.u32 v14, v59;
	v12 =	vld [tilespmem:$0x140];
	v7 =	vor.u32 v42, v7;
	v13 =	vand.u32 $0xFFFFFC00, v13  }
0x7f1: {  	v6 =	vand.u32 $0x7F, v6;
	v5 =	vld.idx.msk [tilespmem:v5+s13+$0x0], $0xffff;
	v13 =	vadd.s32 v41, v13;
	v8 =	vor.u32 v8, v44  }
0x7f2: {  	v15 =	vshll.u32 v3, $0x3;
	v1 =	vld.idx.msk [tilespmem:v1+s13+$0x0], $0xffff;
	[tilespmem:v11+s31+$0x0] =	vst.idx.msk $0xffff, v4;
	v4 =	vor.u32 v6, v13  }
0x7f3: {  	v15 =	vand.u32 $0xFFFFFC00, v15;
	v4 =	vor.u32 v39, v4  }
0x7f4: {  	v10 =	vor.u32 v18, v58;
	v3 =	vand.u32 $0x7F, v3;
	v15 =	vadd.s32 v55, v15;
	v6 =	vld [tilespmem:$0x180]  }
0x7f5: {  	v3 =	vor.u32 v3, v15;
	v13 =	vshll.u32 v12, $0x3;
	v7 =	vld.idx.msk [tilespmem:v7+s13+$0x0], $0xffff;
	[tilespmem:v14+s31+$0x0] =	vst.idx.msk $0xffff, v0  }
0x7f6: {  	v3 =	vor.u32 v53, v3;
	v0 =	vand.u32 $0xFFFFFC00, v13;
	v13 =	vld [tilespmem:$0xA0];
	[tilespmem:v8+s31+$0x0] =	vst.idx.msk $0xffff, v5  }
0x7f7: {  	v8 =	vld [tilespmem:$0x1C0]  }
0x7f8: {  	v11 =	vshll.u32 v9, $0x3;
	v4 =	vld.idx.msk [tilespmem:v4+s13+$0x0], $0xffff  }
0x7f9: {  	v9 =	vand.u32 $0x7F, v9;
	v11 =	vand.u32 $0xFFFFFC00, v11;
	[tilespmem:v10+s31+$0x0] =	vst.idx.msk $0xffff, v1;
	v10 =	vld [tilespmem:$0x1FEA0]  }
0x7fa: {  	v12 =	vand.u32 $0x7F, v12;
	v11 =	vadd.s32 v38, v11;
	v0 =	vadd.s32 v50, v0  }
0x7fb: {  	v5 =	vor.u32 v9, v11;
	v9 =	vmov s1;
	v11 =	vshll.u32 v6, $0x3;
	v1 =	vld.idx.msk [tilespmem:v3+s13+$0x0], $0xffff  }
0x7fc: {  	v0 =	vor.u32 v12, v0;
	v12 =	vshll.u32 v9, $0x7;
	v3 =	vand.u32 $0xFFFFFC00, v11;
	v11 =	vld [tilespmem:$0xD0]  }
0x7fd: {  	v5 =	vor.u32 v35, v5;
	[tilespmem:v2+s31+$0x0] =	vst.idx.msk $0xffff, v7;
	v7 =	vand.u32 $0x380, v12;
	v12 =	vld [tilespmem:$0x1FF50]  }
0x7fe: {  	v15 =	vor.u32 v27, v51;
	v0 =	vor.u32 v52, v0;
	v10 =	vor.u32 v10, v36  }
0x7ff: {  	v14 =	vor.u32 v26, v54;
	v6 =	vand.u32 $0x7F, v6;
	v35 =	vmovc v39;
	v3 =	vadd.s32 v49, v3  }
0x800: {  	v39 =	vmovc v42;
	v42 =	vmovc v46;
	v46 =	vmov v48;
	v48 =	vmov v52;
	v3 =	vor.u32 v6, v3;
	v6 =	vld [tilespmem:$0x200]  }
0x801: {  	v52 =	vmovc v53;
	v53 =	vmovc v57;
	v57 =	vmov v60;
	v2 =	vshll.u32 v9, $0x9;
	v9 =	vshll.u32 v8, $0x3  }
0x802: {  	v60 =	vmovc v7;
	v3 =	vor.u32 v46, v3;
	v5 =	vld.idx.msk [tilespmem:v5+s13+$0x0], $0xffff;
	v7 =	vand.u32 $0xFFFFFC00, v9;
	v12 =	vor.u32 v12, v37  }
0x803: {  	v0 =	vld.idx.msk [tilespmem:v0+s13+$0x0], $0xffff;
	v8 =	vand.u32 $0x7F, v8;
	v16 =	vshll.u32 v11, $0x3;
	v7 =	vadd.s32 v45, v7;
	[tilespmem:v10+s31+$0x0] =	vst.idx.msk $0xffff, v4  }
0x804: {  	v38 =	vmovc v41;
	v41 =	vmov v43;
	v16 =	vand.u32 $0xFFFFFC00, v16;
	v7 =	vor.u32 v8, v7;
	[tilespmem:v14+s31+$0x0] =	vst.idx.msk $0xffff, v1  }
0x805: {  	v43 =	vmovc v45;
	v45 =	vmovc v49;
	v4 =	vand.u32 $0x7F, v13;
	v10 =	vshll.u32 v13, $0x3;
	v14 =	vshll.u32 v6, $0x3;
	v13 =	vld [tilespmem:$0x110]  }
0x806: {  	v49 =	vmovc v50;
	v50 =	vmovc v55;
	v7 =	vor.u32 v42, v7;
	v1 =	vor.u32 v28, v47;
	v8 =	vld [tilespmem:$0x240];
	v14 =	vand.u32 $0xFFFFFC00, v14  }
0x807: {  	v55 =	vmov v56;
	v6 =	vand.u32 $0x7F, v6;
	v3 =	vld.idx.msk [tilespmem:v3+s13+$0x0], $0xffff;
	[tilespmem:v12+s31+$0x0] =	vst.idx.msk $0xffff, v5;
	v14 =	vadd.s32 v41, v14  }
0x808: {  	v5 =	vand.u32 $0x7F, v11;
	v11 =	vadd.s32 v55, v16;
	[tilespmem:v15+s31+$0x0] =	vst.idx.msk $0xffff, v0;
	v0 =	vor.u32 v6, v14  }
0x809: {  	v2 =	vand.u32 $0x7000, v2;
	v5 =	vor.u32 v5, v11;
	v6 =	vld [tilespmem:$0x150];
	v0 =	vor.u32 v39, v0  }
0x80a: {  	v56 =	vmovc v61;
	v61 =	vmov v2;
	v2 =	vor.u32 v53, v5;
	v5 =	vshll.u32 v13, $0x3  }
0x80b: {  	v9 =	vld [tilespmem:$0x1FEF0];
	v5 =	vand.u32 $0xFFFFFC00, v5  }
0x80c: {  	v10 =	vand.u32 $0xFFFFFC00, v10;
	v12 =	vand.u32 $0x7F, v13;
	v5 =	vadd.s32 v50, v5  }
0x80d: {  	v7 =	vld.idx.msk [tilespmem:v7+s13+$0x0], $0xffff;
	[tilespmem:v1+s31+$0x0] =	vst.idx.msk $0xffff, v3;
	v3 =	vadd.s32 v56, v10;
	v5 =	vor.u32 v12, v5  }
0x80e: {  	v3 =	vor.u32 v4, v3;
	v10 =	vld.idx.msk [tilespmem:v0+s13+$0x0], $0xffff;
	v4 =	vor.u32 v52, v5;
	v5 =	vshll.u32 v6, $0x3  }
0x80f: {  	v11 =	vshll.u32 v8, $0x3;
	v0 =	vand.u32 $0xFFFFFC00, v5;
	v5 =	vld [tilespmem:$0x1FF30]  }
0x810: {  	v9 =	vor.u32 v9, v44;
	v11 =	vand.u32 $0xFFFFFC00, v11  }
0x811: {  	v15 =	vld [tilespmem:$0x1FE20];
	v8 =	vand.u32 $0x7F, v8;
	v11 =	vadd.s32 v38, v11  }
0x812: {  	v14 =	vld [tilespmem:$0x1FEB0];
	v3 =	vor.u32 v57, v3;
	v1 =	vor.u32 v8, v11  }
0x813: {  	v37 =	vmovc v36;
	v36 =	vmov v40;
	v40 =	vmov v44;
	v2 =	vld.idx.msk [tilespmem:v2+s13+$0x0], $0xffff;
	v1 =	vor.u32 v35, v1  }
0x814: {  	v44 =	vmovc v47;
	v47 =	vmovc v51;
	v51 =	vmov v54;
	v54 =	vmov v58;
	v8 =	vld [tilespmem:$0x190];
	v5 =	vor.u32 v5, v36  }
0x815: {  	v11 =	vld [tilespmem:$0x80];
	v12 =	vor.u32 v21, v54;
	[tilespmem:v9+s31+$0x0] =	vst.idx.msk $0xffff, v7;
	v6 =	vand.u32 $0x7F, v6;
	v0 =	vadd.s32 v49, v0  }
0x816: {  	v0 =	vor.u32 v6, v0;
	v6 =	vld [tilespmem:$0x1D0]  }
0x817: {  	v3 =	vld.idx.msk [tilespmem:v3+s13+$0x0], $0xffff  }
0x818: {  	v14 =	vor.u32 v14, v37;
	v7 =	vor.u32 v48, v0;
	v1 =	vld.idx.msk [tilespmem:v1+s13+$0x0], $0xffff  }
0x819: {  	v13 =	vor.u32 v23, v51;
	v9 =	vshll.u32 v8, $0x3;
	v4 =	vld.idx.msk [tilespmem:v4+s13+$0x0], $0xffff;
	[tilespmem:v5+s31+$0x0] =	vst.idx.msk $0xffff, v10  }
0x81a: {  	v9 =	vand.u32 $0xFFFFFC00, v9;
	[tilespmem:v12+s31+$0x0] =	vst.idx.msk $0xffff, v2;
	v12 =	vld [tilespmem:$0x1FF10]  }
0x81b: {  	v8 =	vand.u32 $0x7F, v8;
	v9 =	vadd.s32 v45, v9;
	v5 =	vld [tilespmem:$0x210]  }
0x81c: {  	v58 =	vmov v59;
	v10 =	vshll.u32 v6, $0x3;
	v2 =	vor.u32 v8, v9;
	v9 =	vld [tilespmem:$0xE0]  }
0x81d: {  	v15 =	vor.u32 v15, v58;
	v10 =	vand.u32 $0xFFFFFC00, v10;
	v7 =	vld.idx.msk [tilespmem:v7+s13+$0x0], $0xffff;
	[tilespmem:v14+s31+$0x0] =	vst.idx.msk $0xffff, v1  }
0x81e: {  	v6 =	vand.u32 $0x7F, v6;
	v2 =	vor.u32 v46, v2;
	v10 =	vadd.s32 v43, v10;
	[tilespmem:v13+s31+$0x0] =	vst.idx.msk $0xffff, v4  }
0x81f: {  	v17 =	vor.u32 v29, v47;
	v4 =	vor.u32 v6, v10;
	v6 =	vld [tilespmem:$0x250]  }
0x820: {  	v16 =	vor.u32 v31, v44;
	v1 =	vand.u32 $0x7F, v11;
	v10 =	vshll.u32 v11, $0x3;
	v11 =	vld [tilespmem:$0x120]  }
0x821: {  	v4 =	vor.u32 v42, v4;
	v10 =	vand.u32 $0xFFFFFC00, v10;
	v13 =	vshll.u32 v5, $0x3  }
0x822: {  	v12 =	vor.u32 v12, v40;
	v62 =	vshll.u32 v9, $0x3;
	v13 =	vand.u32 $0xFFFFFC00, v13  }
0x823: {  	v2 =	vld.idx.msk [tilespmem:v2+s13+$0x0], $0xffff;
	[tilespmem:v15+s31+$0x0] =	vst.idx.msk $0xffff, v3;
	v5 =	vand.u32 $0x7F, v5;
	v3 =	vand.u32 $0xFFFFFC00, v62;
	v13 =	vadd.s32 v41, v13  }
0x824: {  	v9 =	vand.u32 $0x7F, v9;
	v15 =	vld [tilespmem:$0xB0];
	[tilespmem:v17+s31+$0x0] =	vst.idx.msk $0xffff, v7;
	v3 =	vadd.s32 v55, v3;
	v5 =	vor.u32 v5, v13  }
0x825: {  	v7 =	vld [tilespmem:$0x160];
	v3 =	vor.u32 v9, v3;
	v9 =	vshll.u32 v6, $0x3;
	v13 =	vshll.u32 v11, $0x3  }
0x826: {  	v8 =	vld [tilespmem:$0x1FF40];
	v6 =	vand.u32 $0x7F, v6;
	v5 =	vor.u32 v39, v5;
	v9 =	vand.u32 $0xFFFFFC00, v9  }
0x827: {  	v4 =	vld.idx.msk [tilespmem:v4+s13+$0x0], $0xffff;
	v3 =	vor.u32 v53, v3;
	v13 =	vand.u32 $0xFFFFFC00, v13;
	v9 =	vadd.s32 v38, v9  }
0x828: {  	v11 =	vand.u32 $0x7F, v11;
	v13 =	vadd.s32 v50, v13;
	[tilespmem:v16+s31+$0x0] =	vst.idx.msk $0xffff, v2;
	v2 =	vor.u32 v6, v9  }
0x829: {  	v0 =	vld [tilespmem:$0x1FEC0];
	v6 =	vadd.s32 v61, v10;
	v9 =	vor.u32 v11, v13;
	v2 =	vor.u32 v35, v2  }
0x82a: {  	v10 =	vld [tilespmem:$0x1A0];
	v1 =	vor.u32 v1, v6;
	v6 =	vor.u32 v52, v9;
	v9 =	vshll.u32 v7, $0x3  }
0x82b: {  	v8 =	vor.u32 v8, v36;
	v1 =	vor.u32 v60, v1;
	v9 =	vand.u32 $0xFFFFFC00, v9;
	v5 =	vld.idx.msk [tilespmem:v5+s13+$0x0], $0xffff  }
0x82c: {  	v11 =	vshll.u32 v15, $0x3;
	v7 =	vand.u32 $0x7F, v7;
	v3 =	vld.idx.msk [tilespmem:v3+s13+$0x0], $0xffff;
	v9 =	vadd.s32 v49, v9;
	[tilespmem:v12+s31+$0x0] =	vst.idx.msk $0xffff, v4  }
0x82d: {  	v14 =	vor.u32 v19, v54;
	v11 =	vand.u32 $0xFFFFFC00, v11;
	v7 =	vor.u32 v7, v9;
	v9 =	vld [tilespmem:$0x1E0]  }
0x82e: {  	v11 =	vadd.s32 v56, v11;
	v4 =	vand.u32 $0x7F, v15;
	v2 =	vld.idx.msk [tilespmem:v2+s13+$0x0], $0xffff  }
0x82f: {  	v4 =	vor.u32 v4, v11;
	v7 =	vor.u32 v48, v7;
	v6 =	vld.idx.msk [tilespmem:v6+s13+$0x0], $0xffff  }
0x830: {  	v4 =	vor.u32 v57, v4;
	v13 =	vld.idx.msk [tilespmem:v1+s13+$0x0], $0xffff  }
0x831: {  	v0 =	vor.u32 v0, v37;
	[tilespmem:v8+s31+$0x0] =	vst.idx.msk $0xffff, v5;
	v5 =	vld [tilespmem:$0x1FED0]  }
0x832: {  	v12 =	vor.u32 v20, v51;
	[tilespmem:v14+s31+$0x0] =	vst.idx.msk $0xffff, v3  }
0x833: {  	v3 =	vld [tilespmem:$0x220]  }
0x834: {  	v11 =	vshll.u32 v10, $0x3;
	v7 =	vld.idx.msk [tilespmem:v7+s13+$0x0], $0xffff  }
0x835: {  	v11 =	vand.u32 $0xFFFFFC00, v11;
	v15 =	vld.idx.msk [tilespmem:v4+s13+$0x0], $0xffff  }
0x836: {  	v1 =	vand.u32 $0x7F, v10;
	v10 =	vadd.s32 v45, v11;
	v62 =	vor.u32 v5, v37;
	v5 =	vld [tilespmem:$0xF0];
	[tilespmem:v0+s31+$0x0] =	vst.idx.msk $0xffff, v2  }
0x837: {  	v1 =	vor.u32 v1, v10;
	v10 =	vshll.u32 v9, $0x3;
	[tilespmem:v12+s31+$0x0] =	vst.idx.msk $0xffff, v6;
	v6 =	vld [tilespmem:$0x1FE30]  }
0x838: {  	v59 =	vor.u32 v60, v61;
	v8 =	vor.u32 v46, v1;
	v10 =	vand.u32 $0xFFFFFC00, v10  }
0x839: {  	v11 =	vor.u32 v32, v59;
	v4 =	vand.u32 $0x7F, v9;
	v9 =	vadd.s32 v43, v10  }
0x83a: {  	v14 =	vor.u32 v24, v47;
	v2 =	vor.u32 v4, v9;
	v9 =	vld [tilespmem:$0x260]  }
0x83b: {  	v17 =	vor.u32 v33, v44;
	v2 =	vor.u32 v42, v2;
	v16 =	vld [tilespmem:$0x130]  }
0x83c: {  	v4 =	vshll.u32 v3, $0x3;
	v63 =	vor.u32 v6, v58;
	v6 =	vshll.u32 v5, $0x3  }
0x83d: {  	v8 =	vld.idx.msk [tilespmem:v8+s13+$0x0], $0xffff;
	v3 =	vand.u32 $0x7F, v3;
	v4 =	vand.u32 $0xFFFFFC00, v4;
	v6 =	vand.u32 $0xFFFFFC00, v6  }
0x83e: {  	v1 =	vld [tilespmem:$0x1FE90];
	[tilespmem:v11+s31+$0x0] =	vst.idx.msk $0xffff, v13;
	v4 =	vadd.s32 v41, v4;
	v5 =	vand.u32 $0x7F, v5;
	v6 =	vadd.s32 v55, v6  }
0x83f: {  	v12 =	vld [tilespmem:$0x90];
	[tilespmem:v14+s31+$0x0] =	vst.idx.msk $0xffff, v7;
	v3 =	vor.u32 v3, v4;
	v4 =	vor.u32 v5, v6;
	v5 =	vshll.u32 v9, $0x3  }
0x840: {  	v7 =	vshll.u32 v16, $0x3;
	v10 =	vor.u32 v53, v4;
	v4 =	vld.idx.msk [tilespmem:v2+s13+$0x0], $0xffff;
	v2 =	vand.u32 $0xFFFFFC00, v5  }
0x841: {  	v6 =	vld [tilespmem:$0x170];
	v5 =	vand.u32 $0xFFFFFC00, v7;
	v7 =	vand.u32 $0x7F, v9;
	v2 =	vadd.s32 v38, v2  }
0x842: {  	p0 =	sne.s32 s1, $0x3F;
	v3 =	vor.u32 v39, v3;
	v7 =	vor.u32 v7, v2;
	v2 =	vld [tilespmem:$0x1FF20]  }
.Ltmp1:
0x843: {  	_ = 	snop;
	(pc) =	sbr.rel @p0 .LBB2_4-.Ltmp1, $4  }
0x844: {  	v9 =	vand.u32 $0x7F, v16;
	[tilespmem:v63+s31+$0x0] =	vst.idx.msk $0xffff, v15;
	v5 =	vadd.s32 v50, v5  }
0x845: {  	v0 =	vor.u32 v34, v40;
	v11 =	vld [tilespmem:$0xC0];
	[tilespmem:v17+s31+$0x0] =	vst.idx.msk $0xffff, v8;
	v8 =	vor.u32 v9, v5  }
0x846: {  	v1 =	vor.u32 v1, v36;
	v5 =	vld [tilespmem:$0x1B0];
	v63 =	vor.u32 v35, v7;
	v9 =	vor.u32 v52, v8  }
0x847: {  	s1 =	sadd.s32 $0x1, s1;
	v8 =	vor.u32 v22, v51;
	v3 =	vld.idx.msk [tilespmem:v3+s13+$0x0], $0xffff;
	v7 =	vshll.u32 v6, $0x3;
	v2 =	vor.u32 v2, v40  }
0x848: {  	v13 =	vshll.u32 v12, $0x3  }
0x849: {  	v13 =	vand.u32 $0xFFFFFC00, v13  }
0x84a: {  	v32 =	vand.u32 $0x7F, v12;
	v13 =	vadd.s32 v61, v13  }
0x84b: {  	v12 =	vor.u32 v32, v13  }
0x84c: {  	v32 =	vld [tilespmem:$0x1FE10];
	v12 =	vor.u32 v60, v12;
	_ =	sdelay $0x4  }
0x84d: {  	v13 =	vor.u32 v32, v59;
	v12 =	vld.idx.msk [tilespmem:v12+s13+$0x0], $0xffff;
	_ =	sdelay $0x4  }
0x84e: {  	[tilespmem:v13+s31+$0x0] =	vst.idx.msk $0xffff, v12  }
0x84f: {  	v12 =	vld [tilespmem:$0xA0];
	_ =	sdelay $0x4  }
0x850: {  	v32 =	vshll.u32 v12, $0x3  }
0x851: {  	v13 =	vand.u32 $0xFFFFFC00, v32  }
0x852: {  	v12 =	vand.u32 $0x7F, v12;
	v13 =	vadd.s32 v61, v13  }
0x853: {  	v12 =	vor.u32 v12, v13  }
0x854: {  	v32 =	vld [tilespmem:$0x1FE20];
	v12 =	vor.u32 v60, v12;
	_ =	sdelay $0x4  }
0x855: {  	v13 =	vor.u32 v32, v59;
	v12 =	vld.idx.msk [tilespmem:v12+s13+$0x0], $0xffff;
	_ =	sdelay $0x4  }
0x856: {  	[tilespmem:v13+s31+$0x0] =	vst.idx.msk $0xffff, v12  }
0x857: {  	v12 =	vld [tilespmem:$0xB0];
	_ =	sdelay $0x4  }
0x858: {  	v32 =	vshll.u32 v12, $0x3  }
0x859: {  	v13 =	vand.u32 $0xFFFFFC00, v32  }
0x85a: {  	v12 =	vand.u32 $0x7F, v12;
	v13 =	vadd.s32 v61, v13  }
0x85b: {  	v12 =	vor.u32 v12, v13  }
0x85c: {  	v32 =	vld [tilespmem:$0x1FE30];
	v12 =	vor.u32 v60, v12;
	_ =	sdelay $0x4  }
0x85d: {  	v13 =	vor.u32 v32, v59;
	v12 =	vld.idx.msk [tilespmem:v12+s13+$0x0], $0xffff;
	_ =	sdelay $0x4  }
0x85e: {  	[tilespmem:v13+s31+$0x0] =	vst.idx.msk $0xffff, v12  }
0x85f: {  	v12 =	vld [tilespmem:$0xC0];
	_ =	sdelay $0x3  }
0x860: {  	v32 =	vshll.u32 v11, $0x3  }
0x861: {  	v13 =	vand.u32 $0xFFFFFC00, v32;
	v14 =	vshll.u32 v12, $0x3  }
0x862: {  	v32 =	vand.u32 $0x7F, v11;
	v13 =	vadd.s32 v56, v13;
	v14 =	vand.u32 $0xFFFFFC00, v14  }
0x863: {  	v11 =	vor.u32 v32, v13;
	v12 =	vand.u32 $0x7F, v12;
	v32 =	vadd.s32 v61, v14  }
0x864: {  	v11 =	vor.u32 v57, v11;
	v12 =	vor.u32 v12, v32  }
0x865: {  	v12 =	vor.u32 v60, v12;
	_ =	sdelay $0x3  }
0x866: {  	v13 =	vor.u32 v18, v58;
	v11 =	vld.idx.msk [tilespmem:v11+s13+$0x0], $0xffff  }
0x867: {  	v32 =	vor.u32 v18, v59;
	v12 =	vld.idx.msk [tilespmem:v12+s13+$0x0], $0xffff;
	_ =	sdelay $0x3  }
0x868: {  	[tilespmem:v13+s31+$0x0] =	vst.idx.msk $0xffff, v11  }
0x869: {  	v11 =	vld [tilespmem:$0xD0];
	[tilespmem:v32+s31+$0x0] =	vst.idx.msk $0xffff, v12  }
0x86a: {  	v12 =	vld [tilespmem:$0xD0];
	_ =	sdelay $0x3  }
0x86b: {  	v32 =	vshll.u32 v11, $0x3  }
0x86c: {  	v13 =	vand.u32 $0xFFFFFC00, v32;
	v32 =	vshll.u32 v12, $0x3  }
0x86d: {  	v11 =	vand.u32 $0x7F, v11;
	v13 =	vadd.s32 v56, v13;
	v14 =	vand.u32 $0xFFFFFC00, v32  }
0x86e: {  	v11 =	vor.u32 v11, v13;
	v12 =	vand.u32 $0x7F, v12;
	v32 =	vadd.s32 v61, v14  }
0x86f: {  	v11 =	vor.u32 v57, v11;
	v12 =	vor.u32 v12, v32  }
0x870: {  	v12 =	vor.u32 v60, v12;
	_ =	sdelay $0x3  }
0x871: {  	v13 =	vor.u32 v21, v58;
	v11 =	vld.idx.msk [tilespmem:v11+s13+$0x0], $0xffff  }
0x872: {  	v32 =	vor.u32 v21, v59;
	v12 =	vld.idx.msk [tilespmem:v12+s13+$0x0], $0xffff;
	_ =	sdelay $0x3  }
0x873: {  	[tilespmem:v13+s31+$0x0] =	vst.idx.msk $0xffff, v11  }
0x874: {  	v11 =	vld [tilespmem:$0xE0];
	[tilespmem:v32+s31+$0x0] =	vst.idx.msk $0xffff, v12  }
0x875: {  	v12 =	vld [tilespmem:$0xE0];
	_ =	sdelay $0x3  }
0x876: {  	v32 =	vshll.u32 v11, $0x3  }
0x877: {  	v13 =	vand.u32 $0xFFFFFC00, v32;
	v32 =	vshll.u32 v12, $0x3  }
0x878: {  	v11 =	vand.u32 $0x7F, v11;
	v13 =	vadd.s32 v56, v13;
	v14 =	vand.u32 $0xFFFFFC00, v32  }
0x879: {  	v11 =	vor.u32 v11, v13;
	v12 =	vand.u32 $0x7F, v12;
	v32 =	vadd.s32 v61, v14  }
0x87a: {  	v11 =	vor.u32 v57, v11;
	v12 =	vor.u32 v12, v32  }
0x87b: {  	v12 =	vor.u32 v60, v12;
	_ =	sdelay $0x3  }
0x87c: {  	v13 =	vor.u32 v19, v58;
	v11 =	vld.idx.msk [tilespmem:v11+s13+$0x0], $0xffff  }
0x87d: {  	v32 =	vor.u32 v19, v59;
	v12 =	vld.idx.msk [tilespmem:v12+s13+$0x0], $0xffff;
	_ =	sdelay $0x3  }
0x87e: {  	[tilespmem:v13+s31+$0x0] =	vst.idx.msk $0xffff, v11  }
0x87f: {  	v11 =	vld [tilespmem:$0xF0];
	[tilespmem:v32+s31+$0x0] =	vst.idx.msk $0xffff, v12  }
0x880: {  	v12 =	vld [tilespmem:$0xF0];
	_ =	sdelay $0x3  }
0x881: {  	v32 =	vshll.u32 v11, $0x3  }
0x882: {  	v13 =	vand.u32 $0xFFFFFC00, v32;
	v32 =	vshll.u32 v12, $0x3  }
0x883: {  	v11 =	vand.u32 $0x7F, v11;
	v13 =	vadd.s32 v56, v13;
	v14 =	vand.u32 $0xFFFFFC00, v32  }
0x884: {  	v11 =	vor.u32 v11, v13;
	v12 =	vand.u32 $0x7F, v12;
	v32 =	vadd.s32 v61, v14  }
0x885: {  	v11 =	vor.u32 v57, v11;
	v12 =	vor.u32 v12, v32  }
0x886: {  	v12 =	vor.u32 v60, v12  }
0x887: {  	v10 =	vld.idx.msk [tilespmem:v10+s13+$0x0], $0xffff;
	v13 =	vor.u32 v25, v54;
	_ =	sdelay $0x2  }
0x888: {  	v11 =	vld.idx.msk [tilespmem:v11+s13+$0x0], $0xffff;
	v32 =	vor.u32 v25, v58  }
0x889: {  	v15 =	vor.u32 v25, v59;
	v12 =	vld.idx.msk [tilespmem:v12+s13+$0x0], $0xffff  }
0x88a: {  	[tilespmem:v13+s31+$0x0] =	vst.idx.msk $0xffff, v10  }
0x88b: {  	v10 =	vld [tilespmem:$0x100];
	_ =	sdelay $0x1  }
0x88c: {  	[tilespmem:v32+s31+$0x0] =	vst.idx.msk $0xffff, v11  }
0x88d: {  	v11 =	vld [tilespmem:$0x100];
	[tilespmem:v15+s31+$0x0] =	vst.idx.msk $0xffff, v12  }
0x88e: {  	v12 =	vld [tilespmem:$0x100]  }
0x88f: {  	v32 =	vshll.u32 v10, $0x3  }
0x890: {  	v13 =	vand.u32 $0xFFFFFC00, v32  }
0x891: {  	v10 =	vand.u32 $0x7F, v10;
	v13 =	vadd.s32 v55, v13  }
0x892: {  	v10 =	vor.u32 v10, v13;
	v32 =	vshll.u32 v11, $0x3  }
0x893: {  	v10 =	vor.u32 v53, v10;
	v13 =	vand.u32 $0xFFFFFC00, v32;
	v32 =	vshll.u32 v12, $0x3  }
0x894: {  	v11 =	vand.u32 $0x7F, v11;
	v13 =	vadd.s32 v56, v13;
	v14 =	vand.u32 $0xFFFFFC00, v32  }
0x895: {  	v11 =	vor.u32 v11, v13;
	v12 =	vand.u32 $0x7F, v12;
	v32 =	vadd.s32 v61, v14  }
0x896: {  	v11 =	vor.u32 v57, v11;
	v12 =	vor.u32 v12, v32  }
0x897: {  	v12 =	vor.u32 v60, v12  }
0x898: {  	v10 =	vld.idx.msk [tilespmem:v10+s13+$0x0], $0xffff;
	v13 =	vor.u32 v26, v54;
	_ =	sdelay $0x2  }
0x899: {  	v11 =	vld.idx.msk [tilespmem:v11+s13+$0x0], $0xffff;
	v32 =	vor.u32 v26, v58  }
0x89a: {  	v15 =	vor.u32 v26, v59;
	v12 =	vld.idx.msk [tilespmem:v12+s13+$0x0], $0xffff  }
0x89b: {  	[tilespmem:v13+s31+$0x0] =	vst.idx.msk $0xffff, v10  }
0x89c: {  	v10 =	vld [tilespmem:$0x110];
	_ =	sdelay $0x1  }
0x89d: {  	[tilespmem:v32+s31+$0x0] =	vst.idx.msk $0xffff, v11  }
0x89e: {  	v11 =	vld [tilespmem:$0x110];
	[tilespmem:v15+s31+$0x0] =	vst.idx.msk $0xffff, v12  }
0x89f: {  	v12 =	vld [tilespmem:$0x110]  }
0x8a0: {  	v32 =	vshll.u32 v10, $0x3  }
0x8a1: {  	v13 =	vand.u32 $0xFFFFFC00, v32  }
0x8a2: {  	v10 =	vand.u32 $0x7F, v10;
	v13 =	vadd.s32 v55, v13  }
0x8a3: {  	v10 =	vor.u32 v10, v13;
	v32 =	vshll.u32 v11, $0x3  }
0x8a4: {  	v10 =	vor.u32 v53, v10;
	v13 =	vand.u32 $0xFFFFFC00, v32;
	v32 =	vshll.u32 v12, $0x3  }
0x8a5: {  	v11 =	vand.u32 $0x7F, v11;
	v13 =	vadd.s32 v56, v13;
	v14 =	vand.u32 $0xFFFFFC00, v32  }
0x8a6: {  	v11 =	vor.u32 v11, v13;
	v12 =	vand.u32 $0x7F, v12;
	v32 =	vadd.s32 v61, v14  }
0x8a7: {  	v11 =	vor.u32 v57, v11;
	v12 =	vor.u32 v12, v32  }
0x8a8: {  	v12 =	vor.u32 v60, v12  }
0x8a9: {  	v10 =	vld.idx.msk [tilespmem:v10+s13+$0x0], $0xffff;
	v13 =	vor.u32 v23, v54;
	_ =	sdelay $0x2  }
0x8aa: {  	v11 =	vld.idx.msk [tilespmem:v11+s13+$0x0], $0xffff;
	v32 =	vor.u32 v23, v58  }
0x8ab: {  	v15 =	vor.u32 v23, v59;
	v12 =	vld.idx.msk [tilespmem:v12+s13+$0x0], $0xffff  }
0x8ac: {  	[tilespmem:v13+s31+$0x0] =	vst.idx.msk $0xffff, v10  }
0x8ad: {  	v10 =	vld [tilespmem:$0x120];
	_ =	sdelay $0x1  }
0x8ae: {  	[tilespmem:v32+s31+$0x0] =	vst.idx.msk $0xffff, v11  }
0x8af: {  	v11 =	vld [tilespmem:$0x120];
	[tilespmem:v15+s31+$0x0] =	vst.idx.msk $0xffff, v12  }
0x8b0: {  	v12 =	vld [tilespmem:$0x120]  }
0x8b1: {  	v32 =	vshll.u32 v10, $0x3  }
0x8b2: {  	v13 =	vand.u32 $0xFFFFFC00, v32  }
0x8b3: {  	v10 =	vand.u32 $0x7F, v10;
	v13 =	vadd.s32 v55, v13  }
0x8b4: {  	v10 =	vor.u32 v10, v13;
	v32 =	vshll.u32 v11, $0x3  }
0x8b5: {  	v10 =	vor.u32 v53, v10;
	v13 =	vand.u32 $0xFFFFFC00, v32;
	v32 =	vshll.u32 v12, $0x3  }
0x8b6: {  	v11 =	vand.u32 $0x7F, v11;
	v13 =	vadd.s32 v56, v13;
	v14 =	vand.u32 $0xFFFFFC00, v32  }
0x8b7: {  	v11 =	vor.u32 v11, v13;
	v12 =	vand.u32 $0x7F, v12;
	v32 =	vadd.s32 v61, v14  }
0x8b8: {  	v11 =	vor.u32 v57, v11;
	v12 =	vor.u32 v12, v32  }
0x8b9: {  	v12 =	vor.u32 v60, v12  }
0x8ba: {  	v10 =	vld.idx.msk [tilespmem:v10+s13+$0x0], $0xffff;
	v13 =	vor.u32 v20, v54;
	_ =	sdelay $0x2  }
0x8bb: {  	v11 =	vld.idx.msk [tilespmem:v11+s13+$0x0], $0xffff;
	v32 =	vor.u32 v20, v58  }
0x8bc: {  	v15 =	vor.u32 v20, v59;
	v12 =	vld.idx.msk [tilespmem:v12+s13+$0x0], $0xffff  }
0x8bd: {  	[tilespmem:v13+s31+$0x0] =	vst.idx.msk $0xffff, v10  }
0x8be: {  	v10 =	vld [tilespmem:$0x130];
	_ =	sdelay $0x1  }
0x8bf: {  	[tilespmem:v32+s31+$0x0] =	vst.idx.msk $0xffff, v11  }
0x8c0: {  	v11 =	vld [tilespmem:$0x130];
	[tilespmem:v15+s31+$0x0] =	vst.idx.msk $0xffff, v12  }
0x8c1: {  	v12 =	vld [tilespmem:$0x130]  }
0x8c2: {  	v32 =	vshll.u32 v10, $0x3  }
0x8c3: {  	v13 =	vand.u32 $0xFFFFFC00, v32  }
0x8c4: {  	v10 =	vand.u32 $0x7F, v10;
	v13 =	vadd.s32 v55, v13  }
0x8c5: {  	v10 =	vor.u32 v10, v13;
	v32 =	vshll.u32 v11, $0x3  }
0x8c6: {  	v10 =	vor.u32 v53, v10;
	v13 =	vand.u32 $0xFFFFFC00, v32;
	v32 =	vshll.u32 v12, $0x3  }
0x8c7: {  	v9 =	vld.idx.msk [tilespmem:v9+s13+$0x0], $0xffff;
	v11 =	vand.u32 $0x7F, v11;
	v13 =	vadd.s32 v56, v13;
	v14 =	vand.u32 $0xFFFFFC00, v32  }
0x8c8: {  	v11 =	vor.u32 v11, v13;
	v12 =	vand.u32 $0x7F, v12;
	v32 =	vadd.s32 v61, v14  }
0x8c9: {  	v11 =	vor.u32 v57, v11;
	v12 =	vor.u32 v12, v32  }
0x8ca: {  	v12 =	vor.u32 v60, v12  }
0x8cb: {  	v10 =	vld.idx.msk [tilespmem:v10+s13+$0x0], $0xffff;
	v32 =	vor.u32 v22, v54  }
0x8cc: {  	[tilespmem:v8+s31+$0x0] =	vst.idx.msk $0xffff, v9  }
0x8cd: {  	v8 =	vld [tilespmem:$0x140]  }
0x8ce: {  	v9 =	vor.u32 v22, v58;
	v11 =	vld.idx.msk [tilespmem:v11+s13+$0x0], $0xffff  }
0x8cf: {  	v14 =	vor.u32 v22, v59;
	v12 =	vld.idx.msk [tilespmem:v12+s13+$0x0], $0xffff  }
0x8d0: {  	[tilespmem:v32+s31+$0x0] =	vst.idx.msk $0xffff, v10  }
0x8d1: {  	v10 =	vld [tilespmem:$0x140]  }
0x8d2: {  	v32 =	vshll.u32 v8, $0x3  }
0x8d3: {  	[tilespmem:v9+s31+$0x0] =	vst.idx.msk $0xffff, v11;
	v13 =	vand.u32 $0xFFFFFC00, v32  }
0x8d4: {  	v8 =	vand.u32 $0x7F, v8;
	v11 =	vld [tilespmem:$0x140];
	v13 =	vadd.s32 v50, v13;
	[tilespmem:v14+s31+$0x0] =	vst.idx.msk $0xffff, v12  }
0x8d5: {  	v8 =	vor.u32 v8, v13;
	v9 =	vld [tilespmem:$0x140]  }
0x8d6: {  	v8 =	vor.u32 v52, v8;
	v32 =	vshll.u32 v10, $0x3  }
0x8d7: {  	v12 =	vand.u32 $0xFFFFFC00, v32  }
0x8d8: {  	v10 =	vand.u32 $0x7F, v10;
	v12 =	vadd.s32 v55, v12  }
0x8d9: {  	v13 =	vor.u32 v27, v51;
	v32 =	vshll.u32 v11, $0x3;
	v10 =	vor.u32 v10, v12  }
0x8da: {  	v12 =	vand.u32 $0xFFFFFC00, v32;
	v10 =	vor.u32 v53, v10;
	v32 =	vshll.u32 v9, $0x3  }
0x8db: {  	v11 =	vand.u32 $0x7F, v11;
	v8 =	vld.idx.msk [tilespmem:v8+s13+$0x0], $0xffff;
	v12 =	vadd.s32 v56, v12;
	v14 =	vand.u32 $0xFFFFFC00, v32  }
0x8dc: {  	v11 =	vor.u32 v11, v12;
	v9 =	vand.u32 $0x7F, v9;
	v32 =	vadd.s32 v61, v14  }
0x8dd: {  	v11 =	vor.u32 v57, v11;
	v9 =	vor.u32 v9, v32  }
0x8de: {  	v9 =	vor.u32 v60, v9  }
0x8df: {  	v10 =	vld.idx.msk [tilespmem:v10+s13+$0x0], $0xffff;
	v32 =	vor.u32 v27, v54  }
0x8e0: {  	[tilespmem:v13+s31+$0x0] =	vst.idx.msk $0xffff, v8  }
0x8e1: {  	v8 =	vld [tilespmem:$0x150]  }
0x8e2: {  	v13 =	vor.u32 v27, v58;
	v11 =	vld.idx.msk [tilespmem:v11+s13+$0x0], $0xffff  }
0x8e3: {  	v14 =	vor.u32 v27, v59;
	v9 =	vld.idx.msk [tilespmem:v9+s13+$0x0], $0xffff  }
0x8e4: {  	[tilespmem:v32+s31+$0x0] =	vst.idx.msk $0xffff, v10  }
0x8e5: {  	v10 =	vld [tilespmem:$0x150]  }
0x8e6: {  	v32 =	vshll.u32 v8, $0x3  }
0x8e7: {  	v12 =	vand.u32 $0xFFFFFC00, v32;
	[tilespmem:v13+s31+$0x0] =	vst.idx.msk $0xffff, v11  }
0x8e8: {  	v8 =	vand.u32 $0x7F, v8;
	v32 =	vadd.s32 v50, v12;
	v12 =	vld [tilespmem:$0x150];
	[tilespmem:v14+s31+$0x0] =	vst.idx.msk $0xffff, v9  }
0x8e9: {  	v8 =	vor.u32 v8, v32;
	v9 =	vld [tilespmem:$0x150]  }
0x8ea: {  	v8 =	vor.u32 v52, v8;
	v13 =	vshll.u32 v10, $0x3  }
0x8eb: {  	v11 =	vand.u32 $0xFFFFFC00, v13  }
0x8ec: {  	v10 =	vand.u32 $0x7F, v10;
	v11 =	vadd.s32 v55, v11  }
0x8ed: {  	v13 =	vor.u32 v29, v51;
	v14 =	vshll.u32 v12, $0x3;
	v10 =	vor.u32 v10, v11  }
0x8ee: {  	v11 =	vand.u32 $0xFFFFFC00, v14;
	v10 =	vor.u32 v53, v10;
	v32 =	vshll.u32 v9, $0x3  }
0x8ef: {  	v12 =	vand.u32 $0x7F, v12;
	v8 =	vld.idx.msk [tilespmem:v8+s13+$0x0], $0xffff;
	v11 =	vadd.s32 v56, v11;
	v14 =	vand.u32 $0xFFFFFC00, v32  }
0x8f0: {  	v11 =	vor.u32 v12, v11;
	v9 =	vand.u32 $0x7F, v9;
	v32 =	vadd.s32 v61, v14  }
0x8f1: {  	v11 =	vor.u32 v57, v11;
	v9 =	vor.u32 v9, v32  }
0x8f2: {  	v9 =	vor.u32 v60, v9  }
0x8f3: {  	v10 =	vld.idx.msk [tilespmem:v10+s13+$0x0], $0xffff;
	v32 =	vor.u32 v29, v54  }
0x8f4: {  	[tilespmem:v13+s31+$0x0] =	vst.idx.msk $0xffff, v8  }
0x8f5: {  	v8 =	vld [tilespmem:$0x160]  }
0x8f6: {  	v13 =	vor.u32 v29, v58;
	v11 =	vld.idx.msk [tilespmem:v11+s13+$0x0], $0xffff  }
0x8f7: {  	v14 =	vor.u32 v29, v59;
	v9 =	vld.idx.msk [tilespmem:v9+s13+$0x0], $0xffff  }
0x8f8: {  	[tilespmem:v32+s31+$0x0] =	vst.idx.msk $0xffff, v10  }
0x8f9: {  	v10 =	vld [tilespmem:$0x160]  }
0x8fa: {  	v32 =	vshll.u32 v8, $0x3  }
0x8fb: {  	v12 =	vand.u32 $0xFFFFFC00, v32;
	[tilespmem:v13+s31+$0x0] =	vst.idx.msk $0xffff, v11  }
0x8fc: {  	v8 =	vand.u32 $0x7F, v8;
	v32 =	vadd.s32 v50, v12;
	v12 =	vld [tilespmem:$0x160];
	[tilespmem:v14+s31+$0x0] =	vst.idx.msk $0xffff, v9  }
0x8fd: {  	v8 =	vor.u32 v8, v32;
	v9 =	vld [tilespmem:$0x160]  }
0x8fe: {  	v8 =	vor.u32 v52, v8;
	v13 =	vshll.u32 v10, $0x3  }
0x8ff: {  	v11 =	vand.u32 $0xFFFFFC00, v13  }
0x900: {  	v10 =	vand.u32 $0x7F, v10;
	v11 =	vadd.s32 v55, v11  }
0x901: {  	v13 =	vor.u32 v24, v51;
	v14 =	vshll.u32 v12, $0x3;
	v10 =	vor.u32 v10, v11  }
0x902: {  	v11 =	vand.u32 $0xFFFFFC00, v14;
	v10 =	vor.u32 v53, v10;
	v32 =	vshll.u32 v9, $0x3  }
0x903: {  	v12 =	vand.u32 $0x7F, v12;
	v8 =	vld.idx.msk [tilespmem:v8+s13+$0x0], $0xffff;
	v11 =	vadd.s32 v56, v11;
	v14 =	vand.u32 $0xFFFFFC00, v32  }
0x904: {  	v11 =	vor.u32 v12, v11;
	v9 =	vand.u32 $0x7F, v9;
	v32 =	vadd.s32 v61, v14  }
0x905: {  	v11 =	vor.u32 v57, v11;
	v9 =	vor.u32 v9, v32  }
0x906: {  	v9 =	vor.u32 v60, v9  }
0x907: {  	v10 =	vld.idx.msk [tilespmem:v10+s13+$0x0], $0xffff;
	v32 =	vor.u32 v24, v54  }
0x908: {  	[tilespmem:v13+s31+$0x0] =	vst.idx.msk $0xffff, v8  }
0x909: {  	v8 =	vld [tilespmem:$0x170]  }
0x90a: {  	v13 =	vor.u32 v24, v58;
	v11 =	vld.idx.msk [tilespmem:v11+s13+$0x0], $0xffff  }
0x90b: {  	v14 =	vor.u32 v24, v59;
	v9 =	vld.idx.msk [tilespmem:v9+s13+$0x0], $0xffff  }
0x90c: {  	[tilespmem:v32+s31+$0x0] =	vst.idx.msk $0xffff, v10  }
0x90d: {  	v10 =	vld [tilespmem:$0x170]  }
0x90e: {  	v7 =	vand.u32 $0xFFFFFC00, v7;
	v32 =	vshll.u32 v8, $0x3  }
0x90f: {  	v6 =	vand.u32 $0x7F, v6;
	v7 =	vadd.s32 v49, v7;
	v12 =	vand.u32 $0xFFFFFC00, v32;
	[tilespmem:v13+s31+$0x0] =	vst.idx.msk $0xffff, v11  }
0x910: {  	v6 =	vor.u32 v6, v7;
	v7 =	vand.u32 $0x7F, v8;
	v12 =	vadd.s32 v50, v12;
	v11 =	vld [tilespmem:$0x170];
	[tilespmem:v14+s31+$0x0] =	vst.idx.msk $0xffff, v9  }
0x911: {  	v6 =	vor.u32 v48, v6;
	v7 =	vor.u32 v7, v12;
	v8 =	vld [tilespmem:$0x170]  }
0x912: {  	v7 =	vor.u32 v52, v7;
	v13 =	vshll.u32 v10, $0x3  }
0x913: {  	v9 =	vand.u32 $0xFFFFFC00, v13  }
0x914: {  	v12 =	vor.u32 v30, v47;
	v10 =	vand.u32 $0x7F, v10;
	v9 =	vadd.s32 v55, v9  }
0x915: {  	v13 =	vor.u32 v30, v51;
	v14 =	vshll.u32 v11, $0x3;
	v9 =	vor.u32 v10, v9  }
0x916: {  	v6 =	vld.idx.msk [tilespmem:v6+s13+$0x0], $0xffff;
	v10 =	vand.u32 $0xFFFFFC00, v14;
	v9 =	vor.u32 v53, v9;
	v32 =	vshll.u32 v8, $0x3  }
0x917: {  	v11 =	vand.u32 $0x7F, v11;
	v7 =	vld.idx.msk [tilespmem:v7+s13+$0x0], $0xffff;
	v10 =	vadd.s32 v56, v10;
	v14 =	vand.u32 $0xFFFFFC00, v32  }
0x918: {  	v10 =	vor.u32 v11, v10;
	v8 =	vand.u32 $0x7F, v8;
	v14 =	vadd.s32 v61, v14  }
0x919: {  	v10 =	vor.u32 v57, v10;
	v8 =	vor.u32 v8, v14  }
0x91a: {  	v8 =	vor.u32 v60, v8  }
0x91b: {  	[tilespmem:v12+s31+$0x0] =	vst.idx.msk $0xffff, v6;
	v32 =	vor.u32 v30, v54;
	v6 =	vld.idx.msk [tilespmem:v9+s13+$0x0], $0xffff  }
0x91c: {  	v11 =	vld [tilespmem:$0x180];
	[tilespmem:v13+s31+$0x0] =	vst.idx.msk $0xffff, v7  }
0x91d: {  	v7 =	vld [tilespmem:$0x180]  }
0x91e: {  	v12 =	vor.u32 v30, v58;
	v10 =	vld.idx.msk [tilespmem:v10+s13+$0x0], $0xffff  }
0x91f: {  	v13 =	vor.u32 v30, v59;
	v8 =	vld.idx.msk [tilespmem:v8+s13+$0x0], $0xffff  }
0x920: {  	[tilespmem:v32+s31+$0x0] =	vst.idx.msk $0xffff, v6  }
0x921: {  	v6 =	vshll.u32 v11, $0x3;
	v9 =	vld [tilespmem:$0x180]  }
0x922: {  	v32 =	vshll.u32 v7, $0x3;
	v6 =	vand.u32 $0xFFFFFC00, v6  }
0x923: {  	v11 =	vand.u32 $0x7F, v11;
	v14 =	vand.u32 $0xFFFFFC00, v32;
	v6 =	vadd.s32 v49, v6;
	[tilespmem:v12+s31+$0x0] =	vst.idx.msk $0xffff, v10  }
0x924: {  	v7 =	vand.u32 $0x7F, v7;
	v12 =	vadd.s32 v50, v14;
	v6 =	vor.u32 v11, v6;
	v11 =	vld [tilespmem:$0x180];
	[tilespmem:v13+s31+$0x0] =	vst.idx.msk $0xffff, v8  }
0x925: {  	v7 =	vor.u32 v7, v12;
	v6 =	vor.u32 v48, v6;
	v8 =	vld [tilespmem:$0x180]  }
0x926: {  	v7 =	vor.u32 v52, v7;
	v13 =	vshll.u32 v9, $0x3  }
0x927: {  	v10 =	vand.u32 $0xFFFFFC00, v13  }
0x928: {  	v12 =	vor.u32 v28, v47;
	v9 =	vand.u32 $0x7F, v9;
	v10 =	vadd.s32 v55, v10  }
0x929: {  	v13 =	vor.u32 v28, v51;
	v14 =	vshll.u32 v11, $0x3;
	v9 =	vor.u32 v9, v10  }
0x92a: {  	v6 =	vld.idx.msk [tilespmem:v6+s13+$0x0], $0xffff;
	v10 =	vand.u32 $0xFFFFFC00, v14;
	v9 =	vor.u32 v53, v9;
	v32 =	vshll.u32 v8, $0x3  }
0x92b: {  	v11 =	vand.u32 $0x7F, v11;
	v7 =	vld.idx.msk [tilespmem:v7+s13+$0x0], $0xffff;
	v10 =	vadd.s32 v56, v10;
	v14 =	vand.u32 $0xFFFFFC00, v32  }
0x92c: {  	v10 =	vor.u32 v11, v10;
	v8 =	vand.u32 $0x7F, v8;
	v14 =	vadd.s32 v61, v14  }
0x92d: {  	v10 =	vor.u32 v57, v10;
	v8 =	vor.u32 v8, v14  }
0x92e: {  	v8 =	vor.u32 v60, v8  }
0x92f: {  	[tilespmem:v12+s31+$0x0] =	vst.idx.msk $0xffff, v6;
	v6 =	vor.u32 v28, v54;
	v9 =	vld.idx.msk [tilespmem:v9+s13+$0x0], $0xffff  }
0x930: {  	[tilespmem:v13+s31+$0x0] =	vst.idx.msk $0xffff, v7;
	v11 =	vld [tilespmem:$0x190]  }
0x931: {  	v7 =	vld [tilespmem:$0x190]  }
0x932: {  	v12 =	vor.u32 v28, v58;
	v10 =	vld.idx.msk [tilespmem:v10+s13+$0x0], $0xffff  }
0x933: {  	v13 =	vor.u32 v28, v59;
	v8 =	vld.idx.msk [tilespmem:v8+s13+$0x0], $0xffff  }
0x934: {  	[tilespmem:v6+s31+$0x0] =	vst.idx.msk $0xffff, v9  }
0x935: {  	v6 =	vshll.u32 v11, $0x3;
	v9 =	vld [tilespmem:$0x190]  }
0x936: {  	v32 =	vshll.u32 v7, $0x3;
	v6 =	vand.u32 $0xFFFFFC00, v6  }
0x937: {  	v11 =	vand.u32 $0x7F, v11;
	v14 =	vand.u32 $0xFFFFFC00, v32;
	v6 =	vadd.s32 v49, v6;
	[tilespmem:v12+s31+$0x0] =	vst.idx.msk $0xffff, v10  }
0x938: {  	v7 =	vand.u32 $0x7F, v7;
	v12 =	vadd.s32 v50, v14;
	v6 =	vor.u32 v11, v6;
	v11 =	vld [tilespmem:$0x190];
	[tilespmem:v13+s31+$0x0] =	vst.idx.msk $0xffff, v8  }
0x939: {  	v7 =	vor.u32 v7, v12;
	v6 =	vor.u32 v48, v6;
	v8 =	vld [tilespmem:$0x190]  }
0x93a: {  	v7 =	vor.u32 v52, v7;
	v13 =	vshll.u32 v9, $0x3  }
0x93b: {  	v10 =	vand.u32 $0xFFFFFC00, v13  }
0x93c: {  	v12 =	vor.u32 v31, v47;
	v9 =	vand.u32 $0x7F, v9;
	v10 =	vadd.s32 v55, v10  }
0x93d: {  	v13 =	vor.u32 v31, v51;
	v14 =	vshll.u32 v11, $0x3;
	v9 =	vor.u32 v9, v10  }
0x93e: {  	v6 =	vld.idx.msk [tilespmem:v6+s13+$0x0], $0xffff;
	v10 =	vand.u32 $0xFFFFFC00, v14;
	v9 =	vor.u32 v53, v9;
	v32 =	vshll.u32 v8, $0x3  }
0x93f: {  	v11 =	vand.u32 $0x7F, v11;
	v7 =	vld.idx.msk [tilespmem:v7+s13+$0x0], $0xffff;
	v10 =	vadd.s32 v56, v10;
	v14 =	vand.u32 $0xFFFFFC00, v32  }
0x940: {  	v10 =	vor.u32 v11, v10;
	v8 =	vand.u32 $0x7F, v8;
	v14 =	vadd.s32 v61, v14  }
0x941: {  	v10 =	vor.u32 v57, v10;
	v8 =	vor.u32 v8, v14  }
0x942: {  	v8 =	vor.u32 v60, v8  }
0x943: {  	[tilespmem:v12+s31+$0x0] =	vst.idx.msk $0xffff, v6;
	v9 =	vld.idx.msk [tilespmem:v9+s13+$0x0], $0xffff  }
0x944: {  	v6 =	vor.u32 v31, v54;
	[tilespmem:v13+s31+$0x0] =	vst.idx.msk $0xffff, v7;
	v11 =	vld [tilespmem:$0x1A0]  }
0x945: {  	v7 =	vld [tilespmem:$0x1A0]  }
0x946: {  	v12 =	vor.u32 v31, v58;
	v10 =	vld.idx.msk [tilespmem:v10+s13+$0x0], $0xffff  }
0x947: {  	v13 =	vor.u32 v31, v59;
	v8 =	vld.idx.msk [tilespmem:v8+s13+$0x0], $0xffff;
	_ =	sdelay $0x1  }
0x948: {  	[tilespmem:v6+s31+$0x0] =	vst.idx.msk $0xffff, v9;
	v6 =	vshll.u32 v11, $0x3  }
0x949: {  	v9 =	vld [tilespmem:$0x1A0];
	v6 =	vand.u32 $0xFFFFFC00, v6  }
0x94a: {  	v11 =	vand.u32 $0x7F, v11;
	v6 =	vadd.s32 v49, v6;
	[tilespmem:v12+s31+$0x0] =	vst.idx.msk $0xffff, v10  }
0x94b: {  	v32 =	vshll.u32 v7, $0x3;
	v6 =	vor.u32 v11, v6;
	v11 =	vld [tilespmem:$0x1A0];
	[tilespmem:v13+s31+$0x0] =	vst.idx.msk $0xffff, v8  }
0x94c: {  	v14 =	vand.u32 $0xFFFFFC00, v32;
	v8 =	vld [tilespmem:$0x1A0]  }
0x94d: {  	v7 =	vand.u32 $0x7F, v7;
	v12 =	vadd.s32 v50, v14;
	v6 =	vor.u32 v48, v6  }
0x94e: {  	v7 =	vor.u32 v7, v12;
	v12 =	vor.u32 v33, v47;
	v13 =	vshll.u32 v9, $0x3  }
0x94f: {  	v7 =	vor.u32 v52, v7;
	v9 =	vand.u32 $0x7F, v9;
	v10 =	vand.u32 $0xFFFFFC00, v13  }
0x950: {  	v10 =	vadd.s32 v55, v10;
	v14 =	vshll.u32 v11, $0x3;
	v11 =	vand.u32 $0x7F, v11  }
0x951: {  	v9 =	vor.u32 v9, v10;
	v10 =	vand.u32 $0xFFFFFC00, v14;
	v32 =	vshll.u32 v8, $0x3  }
0x952: {  	v6 =	vld.idx.msk [tilespmem:v6+s13+$0x0], $0xffff;
	v9 =	vor.u32 v53, v9;
	v10 =	vadd.s32 v56, v10;
	v14 =	vand.u32 $0xFFFFFC00, v32  }
0x953: {  	v10 =	vor.u32 v11, v10;
	v8 =	vand.u32 $0x7F, v8;
	v14 =	vadd.s32 v61, v14  }
0x954: {  	v13 =	vor.u32 v33, v51;
	v7 =	vld.idx.msk [tilespmem:v7+s13+$0x0], $0xffff;
	v10 =	vor.u32 v57, v10;
	v8 =	vor.u32 v8, v14  }
0x955: {  	v8 =	vor.u32 v60, v8;
	_ =	sdelay $0x1  }
0x956: {  	[tilespmem:v12+s31+$0x0] =	vst.idx.msk $0xffff, v6;
	v9 =	vld.idx.msk [tilespmem:v9+s13+$0x0], $0xffff  }
0x957: {  	v6 =	vor.u32 v33, v54;
	v11 =	vld [tilespmem:$0x1B0]  }
0x958: {  	[tilespmem:v13+s31+$0x0] =	vst.idx.msk $0xffff, v7;
	v13 =	vor.u32 v33, v58;
	v10 =	vld.idx.msk [tilespmem:v10+s13+$0x0], $0xffff  }
0x959: {  	v14 =	vor.u32 v33, v59;
	v8 =	vld.idx.msk [tilespmem:v8+s13+$0x0], $0xffff;
	_ =	sdelay $0x1  }
0x95a: {  	v32 =	vshll.u32 v5, $0x3  }
0x95b: {  	v12 =	vand.u32 $0xFFFFFC00, v32;
	v7 =	vld [tilespmem:$0x1B0];
	[tilespmem:v6+s31+$0x0] =	vst.idx.msk $0xffff, v9  }
0x95c: {  	v5 =	vand.u32 $0x7F, v5;
	v12 =	vadd.s32 v45, v12;
	[tilespmem:v13+s31+$0x0] =	vst.idx.msk $0xffff, v10  }
0x95d: {  	v5 =	vor.u32 v5, v12;
	v6 =	vshll.u32 v11, $0x3;
	v9 =	vld [tilespmem:$0x1B0];
	[tilespmem:v14+s31+$0x0] =	vst.idx.msk $0xffff, v8  }
0x95e: {  	v5 =	vor.u32 v46, v5;
	v6 =	vand.u32 $0xFFFFFC00, v6;
	v16 =	vld [tilespmem:$0x1FF00]  }
0x95f: {  	v11 =	vand.u32 $0x7F, v11;
	v6 =	vadd.s32 v49, v6  }
0x960: {  	v32 =	vshll.u32 v7, $0x3;
	v6 =	vor.u32 v11, v6;
	v11 =	vld [tilespmem:$0x1B0]  }
0x961: {  	v7 =	vand.u32 $0x7F, v7;
	v12 =	vand.u32 $0xFFFFFC00, v32;
	v8 =	vld [tilespmem:$0x1B0]  }
0x962: {  	v13 =	vadd.s32 v50, v12;
	v6 =	vor.u32 v48, v6;
	v32 =	vshll.u32 v9, $0x3  }
0x963: {  	v5 =	vld.idx.msk [tilespmem:v5+s13+$0x0], $0xffff;
	v7 =	vor.u32 v7, v13;
	v10 =	vand.u32 $0xFFFFFC00, v32;
	v12 =	vor.u32 v16, v44  }
0x964: {  	v7 =	vor.u32 v52, v7;
	v9 =	vand.u32 $0x7F, v9;
	v10 =	vadd.s32 v55, v10  }
0x965: {  	v32 =	vshll.u32 v11, $0x3;
	v11 =	vand.u32 $0x7F, v11;
	v9 =	vor.u32 v9, v10  }
0x966: {  	v10 =	vand.u32 $0xFFFFFC00, v32;
	v9 =	vor.u32 v53, v9;
	v15 =	vshll.u32 v8, $0x3  }
0x967: {  	v6 =	vld.idx.msk [tilespmem:v6+s13+$0x0], $0xffff;
	v10 =	vadd.s32 v56, v10;
	v13 =	vor.u32 v16, v47;
	v15 =	vand.u32 $0xFFFFFC00, v15  }
0x968: {  	v8 =	vand.u32 $0x7F, v8;
	[tilespmem:v12+s31+$0x0] =	vst.idx.msk $0xffff, v5;
	v5 =	vor.u32 v11, v10;
	v12 =	vadd.s32 v61, v15  }
0x969: {  	v5 =	vor.u32 v57, v5;
	v8 =	vor.u32 v8, v12  }
0x96a: {  	v7 =	vld.idx.msk [tilespmem:v7+s13+$0x0], $0xffff;
	v14 =	vor.u32 v16, v51;
	v8 =	vor.u32 v60, v8  }
0x96b: {  	v9 =	vld.idx.msk [tilespmem:v9+s13+$0x0], $0xffff  }
0x96c: {  	[tilespmem:v13+s31+$0x0] =	vst.idx.msk $0xffff, v6;
	v11 =	vld [tilespmem:$0x1C0]  }
0x96d: {  	v6 =	vor.u32 v16, v54;
	v10 =	vld [tilespmem:$0x1C0]  }
0x96e: {  	v13 =	vor.u32 v16, v58;
	v5 =	vld.idx.msk [tilespmem:v5+s13+$0x0], $0xffff  }
0x96f: {  	[tilespmem:v14+s31+$0x0] =	vst.idx.msk $0xffff, v7;
	v14 =	vor.u32 v16, v59;
	v8 =	vld.idx.msk [tilespmem:v8+s13+$0x0], $0xffff;
	_ =	sdelay $0x1  }
0x970: {  	v32 =	vshll.u32 v11, $0x3  }
0x971: {  	v7 =	vld [tilespmem:$0x1C0];
	[tilespmem:v6+s31+$0x0] =	vst.idx.msk $0xffff, v9;
	v12 =	vand.u32 $0xFFFFFC00, v32  }
0x972: {  	v11 =	vand.u32 $0x7F, v11;
	v12 =	vadd.s32 v45, v12;
	[tilespmem:v13+s31+$0x0] =	vst.idx.msk $0xffff, v5  }
0x973: {  	v6 =	vor.u32 v11, v12;
	v12 =	vshll.u32 v10, $0x3;
	v11 =	vld [tilespmem:$0x1C0];
	[tilespmem:v14+s31+$0x0] =	vst.idx.msk $0xffff, v8  }
0x974: {  	v19 =	vmov v16;
	v6 =	vor.u32 v46, v6;
	v9 =	vand.u32 $0xFFFFFC00, v12;
	v16 =	vld [tilespmem:$0x1FEF0]  }
0x975: {  	v10 =	vand.u32 $0x7F, v10;
	v9 =	vadd.s32 v49, v9  }
0x976: {  	v32 =	vshll.u32 v7, $0x3;
	v5 =	vor.u32 v10, v9;
	v10 =	vld [tilespmem:$0x1C0]  }
0x977: {  	v7 =	vand.u32 $0x7F, v7;
	v12 =	vand.u32 $0xFFFFFC00, v32;
	v8 =	vld [tilespmem:$0x1C0]  }
0x978: {  	v13 =	vadd.s32 v50, v12;
	v5 =	vor.u32 v48, v5;
	v32 =	vshll.u32 v11, $0x3  }
0x979: {  	v7 =	vor.u32 v7, v13;
	v6 =	vld.idx.msk [tilespmem:v6+s13+$0x0], $0xffff;
	v9 =	vand.u32 $0xFFFFFC00, v32;
	v12 =	vor.u32 v16, v44  }
0x97a: {  	v7 =	vor.u32 v52, v7;
	v11 =	vand.u32 $0x7F, v11;
	v9 =	vadd.s32 v55, v9  }
0x97b: {  	v9 =	vor.u32 v11, v9;
	v32 =	vshll.u32 v10, $0x3;
	v10 =	vand.u32 $0x7F, v10  }
0x97c: {  	v13 =	vor.u32 v16, v47;
	v11 =	vand.u32 $0xFFFFFC00, v32;
	v15 =	vshll.u32 v8, $0x3  }
0x97d: {  	v5 =	vld.idx.msk [tilespmem:v5+s13+$0x0], $0xffff;
	v9 =	vor.u32 v53, v9;
	v11 =	vadd.s32 v56, v11;
	v15 =	vand.u32 $0xFFFFFC00, v15  }
0x97e: {  	v8 =	vand.u32 $0x7F, v8;
	[tilespmem:v12+s31+$0x0] =	vst.idx.msk $0xffff, v6;
	v6 =	vor.u32 v10, v11;
	v12 =	vadd.s32 v61, v15  }
0x97f: {  	v6 =	vor.u32 v57, v6;
	v8 =	vor.u32 v8, v12  }
0x980: {  	v14 =	vor.u32 v16, v51;
	v7 =	vld.idx.msk [tilespmem:v7+s13+$0x0], $0xffff;
	v8 =	vor.u32 v60, v8  }
0x981: {  	v11 =	vld [tilespmem:$0x1D0]  }
0x982: {  	[tilespmem:v13+s31+$0x0] =	vst.idx.msk $0xffff, v5;
	v9 =	vld.idx.msk [tilespmem:v9+s13+$0x0], $0xffff  }
0x983: {  	v5 =	vor.u32 v16, v54;
	v10 =	vld [tilespmem:$0x1D0]  }
0x984: {  	v13 =	vor.u32 v16, v58;
	v6 =	vld.idx.msk [tilespmem:v6+s13+$0x0], $0xffff  }
0x985: {  	[tilespmem:v14+s31+$0x0] =	vst.idx.msk $0xffff, v7;
	v14 =	vor.u32 v16, v59;
	v8 =	vld.idx.msk [tilespmem:v8+s13+$0x0], $0xffff  }
0x986: {  	v7 =	vld [tilespmem:$0x1D0];
	v32 =	vshll.u32 v11, $0x3  }
0x987: {  	v12 =	vand.u32 $0xFFFFFC00, v32  }
0x988: {  	[tilespmem:v5+s31+$0x0] =	vst.idx.msk $0xffff, v9;
	v11 =	vand.u32 $0x7F, v11;
	v12 =	vadd.s32 v45, v12  }
0x989: {  	v5 =	vor.u32 v11, v12;
	v11 =	vld [tilespmem:$0x1D0];
	[tilespmem:v13+s31+$0x0] =	vst.idx.msk $0xffff, v6  }
0x98a: {  	v12 =	vshll.u32 v10, $0x3;
	[tilespmem:v14+s31+$0x0] =	vst.idx.msk $0xffff, v8  }
0x98b: {  	v21 =	vmovc v16;
	v32 =	vshll.u32 v7, $0x3;
	v5 =	vor.u32 v46, v5;
	v9 =	vand.u32 $0xFFFFFC00, v12;
	v16 =	vld [tilespmem:$0x1FF10]  }
0x98c: {  	v10 =	vand.u32 $0x7F, v10;
	v12 =	vand.u32 $0xFFFFFC00, v32;
	v9 =	vadd.s32 v49, v9  }
0x98d: {  	v7 =	vand.u32 $0x7F, v7;
	v13 =	vadd.s32 v50, v12;
	v6 =	vor.u32 v10, v9;
	v10 =	vld [tilespmem:$0x1D0]  }
0x98e: {  	v7 =	vor.u32 v7, v13;
	v6 =	vor.u32 v48, v6;
	v8 =	vld [tilespmem:$0x1D0];
	v32 =	vshll.u32 v11, $0x3  }
0x98f: {  	v7 =	vor.u32 v52, v7;
	v9 =	vand.u32 $0xFFFFFC00, v32  }
0x990: {  	v11 =	vand.u32 $0x7F, v11;
	v5 =	vld.idx.msk [tilespmem:v5+s13+$0x0], $0xffff;
	v9 =	vadd.s32 v55, v9;
	v12 =	vor.u32 v16, v44  }
0x991: {  	v9 =	vor.u32 v11, v9  }
0x992: {  	v32 =	vshll.u32 v10, $0x3;
	v10 =	vand.u32 $0x7F, v10;
	v13 =	vor.u32 v16, v47  }
0x993: {  	v6 =	vld.idx.msk [tilespmem:v6+s13+$0x0], $0xffff;
	v9 =	vor.u32 v53, v9;
	v11 =	vand.u32 $0xFFFFFC00, v32;
	v15 =	vshll.u32 v8, $0x3  }
0x994: {  	v14 =	vor.u32 v16, v51;
	v7 =	vld.idx.msk [tilespmem:v7+s13+$0x0], $0xffff;
	v11 =	vadd.s32 v56, v11;
	v15 =	vand.u32 $0xFFFFFC00, v15  }
0x995: {  	v8 =	vand.u32 $0x7F, v8;
	[tilespmem:v12+s31+$0x0] =	vst.idx.msk $0xffff, v5;
	v5 =	vor.u32 v10, v11;
	v12 =	vadd.s32 v61, v15  }
0x996: {  	v11 =	vld [tilespmem:$0x1E0];
	v5 =	vor.u32 v57, v5;
	v8 =	vor.u32 v8, v12  }
0x997: {  	v8 =	vor.u32 v60, v8  }
0x998: {  	[tilespmem:v13+s31+$0x0] =	vst.idx.msk $0xffff, v6;
	v6 =	vor.u32 v16, v54;
	v9 =	vld.idx.msk [tilespmem:v9+s13+$0x0], $0xffff  }
0x999: {  	[tilespmem:v14+s31+$0x0] =	vst.idx.msk $0xffff, v7;
	v10 =	vld [tilespmem:$0x1E0]  }
0x99a: {  	v7 =	vld [tilespmem:$0x1E0]  }
0x99b: {  	v13 =	vor.u32 v16, v58;
	v32 =	vshll.u32 v11, $0x3;
	v5 =	vld.idx.msk [tilespmem:v5+s13+$0x0], $0xffff  }
0x99c: {  	v14 =	vor.u32 v16, v59;
	v12 =	vand.u32 $0xFFFFFC00, v32;
	v8 =	vld.idx.msk [tilespmem:v8+s13+$0x0], $0xffff  }
0x99d: {  	[tilespmem:v6+s31+$0x0] =	vst.idx.msk $0xffff, v9;
	v11 =	vand.u32 $0x7F, v11;
	v12 =	vadd.s32 v45, v12  }
0x99e: {  	v6 =	vor.u32 v11, v12;
	v12 =	vshll.u32 v10, $0x3;
	v11 =	vld [tilespmem:$0x1E0]  }
0x99f: {  	v6 =	vor.u32 v46, v6;
	v9 =	vand.u32 $0xFFFFFC00, v12;
	v12 =	vshll.u32 v7, $0x3  }
0x9a0: {  	v10 =	vand.u32 $0x7F, v10;
	v9 =	vadd.s32 v49, v9;
	v12 =	vand.u32 $0xFFFFFC00, v12;
	[tilespmem:v13+s31+$0x0] =	vst.idx.msk $0xffff, v5  }
0x9a1: {  	v7 =	vand.u32 $0x7F, v7;
	v5 =	vor.u32 v10, v9;
	v12 =	vadd.s32 v50, v12;
	v10 =	vld [tilespmem:$0x1E0];
	[tilespmem:v14+s31+$0x0] =	vst.idx.msk $0xffff, v8  }
0x9a2: {  	[tilespmem:v0+s31+$0x0] =	vst.idx.msk $0xffff, v4;
	v5 =	vor.u32 v48, v5;
	v7 =	vor.u32 v7, v12;
	v8 =	vld [tilespmem:$0x1E0]  }
0x9a3: {  	v9 =	vld [tilespmem:$0x1F0];
	v7 =	vor.u32 v52, v7;
	v13 =	vshll.u32 v11, $0x3  }
0x9a4: {  	v0 =	vor.u32 v34, v44;
	v4 =	vld.idx.msk [tilespmem:v6+s13+$0x0], $0xffff;
	v6 =	vand.u32 $0xFFFFFC00, v13  }
0x9a5: {  	v12 =	vor.u32 v34, v47;
	v11 =	vand.u32 $0x7F, v11;
	v6 =	vadd.s32 v55, v6  }
0x9a6: {  	v13 =	vor.u32 v34, v51;
	v6 =	vor.u32 v11, v6;
	v14 =	vshll.u32 v10, $0x3  }
0x9a7: {  	v10 =	vand.u32 $0x7F, v10;
	v5 =	vld.idx.msk [tilespmem:v5+s13+$0x0], $0xffff;
	v11 =	vand.u32 $0xFFFFFC00, v14;
	v14 =	vshll.u32 v8, $0x3  }
0x9a8: {  	v6 =	vor.u32 v53, v6;
	v7 =	vld.idx.msk [tilespmem:v7+s13+$0x0], $0xffff;
	v11 =	vadd.s32 v56, v11;
	v14 =	vand.u32 $0xFFFFFC00, v14  }
0x9a9: {  	[tilespmem:v0+s31+$0x0] =	vst.idx.msk $0xffff, v4;
	v4 =	vand.u32 $0x7F, v8;
	v8 =	vadd.s32 v61, v14;
	v14 =	vshll.u32 v9, $0x3  }
0x9aa: {  	v0 =	vor.u32 v10, v11;
	v9 =	vand.u32 $0x7F, v9;
	v14 =	vand.u32 $0xFFFFFC00, v14  }
0x9ab: {  	v0 =	vor.u32 v57, v0;
	v4 =	vor.u32 v4, v8;
	v8 =	vadd.s32 v43, v14  }
0x9ac: {  	v11 =	vld [tilespmem:$0x1F0];
	v4 =	vor.u32 v60, v4;
	[tilespmem:v12+s31+$0x0] =	vst.idx.msk $0xffff, v5;
	v8 =	vor.u32 v9, v8  }
0x9ad: {  	v6 =	vld.idx.msk [tilespmem:v6+s13+$0x0], $0xffff;
	[tilespmem:v13+s31+$0x0] =	vst.idx.msk $0xffff, v7;
	v7 =	vor.u32 v42, v8  }
0x9ae: {  	v5 =	vor.u32 v34, v54;
	v9 =	vld [tilespmem:$0x1F0]  }
0x9af: {  	v8 =	vld [tilespmem:$0x1F0]  }
0x9b0: {  	v12 =	vor.u32 v34, v58;
	v0 =	vld.idx.msk [tilespmem:v0+s13+$0x0], $0xffff  }
0x9b1: {  	v13 =	vor.u32 v34, v59;
	v10 =	vshll.u32 v11, $0x3;
	v4 =	vld.idx.msk [tilespmem:v4+s13+$0x0], $0xffff  }
0x9b2: {  	v10 =	vand.u32 $0xFFFFFC00, v10;
	v7 =	vld.idx.msk [tilespmem:v7+s13+$0x0], $0xffff  }
0x9b3: {  	v11 =	vand.u32 $0x7F, v11;
	v10 =	vadd.s32 v45, v10;
	[tilespmem:v5+s31+$0x0] =	vst.idx.msk $0xffff, v6  }
0x9b4: {  	v5 =	vor.u32 v11, v10;
	v6 =	vshll.u32 v9, $0x3;
	v10 =	vld [tilespmem:$0x1F0]  }
0x9b5: {  	v6 =	vand.u32 $0xFFFFFC00, v6;
	[tilespmem:v12+s31+$0x0] =	vst.idx.msk $0xffff, v0  }
0x9b6: {  	v9 =	vand.u32 $0x7F, v9;
	v14 =	vshll.u32 v8, $0x3;
	v6 =	vadd.s32 v49, v6;
	[tilespmem:v13+s31+$0x0] =	vst.idx.msk $0xffff, v4  }
0x9b7: {  	v11 =	vand.u32 $0xFFFFFC00, v14;
	v14 =	vor.u32 v9, v6;
	[tilespmem:v2+s31+$0x0] =	vst.idx.msk $0xffff, v7  }
0x9b8: {  	v5 =	vor.u32 v46, v5;
	v0 =	vor.u32 v48, v14;
	v14 =	vld [tilespmem:$0x1FF20]  }
0x9b9: {  	v6 =	vand.u32 $0x7F, v8;
	v8 =	vshll.u32 v10, $0x3  }
0x9ba: {  	v12 =	vadd.s32 v50, v11;
	v7 =	vand.u32 $0xFFFFFC00, v8  }
0x9bb: {  	v9 =	vld [tilespmem:$0x1F0];
	v4 =	vor.u32 v6, v12;
	v10 =	vand.u32 $0x7F, v10;
	v7 =	vadd.s32 v55, v7  }
0x9bc: {  	v6 =	vld [tilespmem:$0x1F0];
	v4 =	vor.u32 v52, v4;
	v7 =	vor.u32 v10, v7  }
0x9bd: {  	v5 =	vld.idx.msk [tilespmem:v5+s13+$0x0], $0xffff;
	v7 =	vor.u32 v53, v7;
	v2 =	vor.u32 v14, v44  }
0x9be: {  	v0 =	vld.idx.msk [tilespmem:v0+s13+$0x0], $0xffff;
	v11 =	vor.u32 v14, v47  }
0x9bf: {  	v8 =	vld [tilespmem:$0x200]  }
0x9c0: {  	v13 =	vshll.u32 v9, $0x3  }
0x9c1: {  	v9 =	vand.u32 $0x7F, v9;
	v10 =	vand.u32 $0xFFFFFC00, v13;
	v13 =	vshll.u32 v6, $0x3;
	v4 =	vld.idx.msk [tilespmem:v4+s13+$0x0], $0xffff  }
0x9c2: {  	v10 =	vadd.s32 v56, v10;
	v12 =	vor.u32 v14, v51;
	v7 =	vld.idx.msk [tilespmem:v7+s13+$0x0], $0xffff;
	[tilespmem:v2+s31+$0x0] =	vst.idx.msk $0xffff, v5  }
0x9c3: {  	v13 =	vand.u32 $0xFFFFFC00, v13;
	v2 =	vor.u32 v9, v10;
	[tilespmem:v11+s31+$0x0] =	vst.idx.msk $0xffff, v0;
	v0 =	vor.u32 v14, v54;
	v10 =	vld [tilespmem:$0x200]  }
0x9c4: {  	v5 =	vand.u32 $0x7F, v6;
	v6 =	vadd.s32 v61, v13;
	v13 =	vshll.u32 v8, $0x3  }
0x9c5: {  	v2 =	vor.u32 v57, v2;
	v5 =	vor.u32 v5, v6;
	v6 =	vand.u32 $0xFFFFFC00, v13  }
0x9c6: {  	v8 =	vand.u32 $0x7F, v8;
	v6 =	vadd.s32 v43, v6  }
0x9c7: {  	[tilespmem:v12+s31+$0x0] =	vst.idx.msk $0xffff, v4;
	v5 =	vor.u32 v60, v5;
	v6 =	vor.u32 v8, v6;
	v8 =	vld [tilespmem:$0x200]  }
0x9c8: {  	v4 =	vor.u32 v42, v6;
	v6 =	vld [tilespmem:$0x200];
	[tilespmem:v0+s31+$0x0] =	vst.idx.msk $0xffff, v7;
	v12 =	vshll.u32 v10, $0x3  }
0x9c9: {  	v20 =	vmovc v28;
	v28 =	vmovc v14;
	v11 =	vor.u32 v14, v58;
	v9 =	vand.u32 $0xFFFFFC00, v12;
	v12 =	vor.u32 v14, v59;
	v14 =	vld [tilespmem:$0x1FF30]  }
0x9ca: {  	v2 =	vld.idx.msk [tilespmem:v2+s13+$0x0], $0xffff;
	_ =	sdelay $0x1  }
0x9cb: {  	v10 =	vand.u32 $0x7F, v10;
	v5 =	vld.idx.msk [tilespmem:v5+s13+$0x0], $0xffff;
	v9 =	vadd.s32 v45, v9;
	v13 =	vshll.u32 v8, $0x3  }
0x9cc: {  	v8 =	vand.u32 $0x7F, v8;
	v7 =	vor.u32 v10, v9;
	v10 =	vld [tilespmem:$0x200];
	v9 =	vand.u32 $0xFFFFFC00, v13  }
0x9cd: {  	v4 =	vld.idx.msk [tilespmem:v4+s13+$0x0], $0xffff;
	v7 =	vor.u32 v46, v7;
	v9 =	vadd.s32 v49, v9;
	v0 =	vor.u32 v14, v40  }
0x9ce: {  	v13 =	vshll.u32 v6, $0x3;
	[tilespmem:v11+s31+$0x0] =	vst.idx.msk $0xffff, v2;
	v2 =	vor.u32 v8, v9  }
0x9cf: {  	v13 =	vand.u32 $0xFFFFFC00, v13;
	v2 =	vor.u32 v48, v2  }
0x9d0: {  	v6 =	vand.u32 $0x7F, v6;
	v13 =	vadd.s32 v50, v13;
	v9 =	vld [tilespmem:$0x200];
	[tilespmem:v12+s31+$0x0] =	vst.idx.msk $0xffff, v5  }
0x9d1: {  	v5 =	vor.u32 v6, v13;
	v6 =	vld [tilespmem:$0x200];
	v12 =	vshll.u32 v10, $0x3  }
0x9d2: {  	v5 =	vor.u32 v52, v5;
	[tilespmem:v0+s31+$0x0] =	vst.idx.msk $0xffff, v4;
	v0 =	vld.idx.msk [tilespmem:v7+s13+$0x0], $0xffff;
	v7 =	vand.u32 $0xFFFFFC00, v12  }
0x9d3: {  	v10 =	vand.u32 $0x7F, v10;
	v4 =	vor.u32 v14, v44;
	v7 =	vadd.s32 v55, v7  }
0x9d4: {  	v11 =	vor.u32 v14, v47;
	v2 =	vld.idx.msk [tilespmem:v2+s13+$0x0], $0xffff;
	v7 =	vor.u32 v10, v7  }
0x9d5: {  	v13 =	vshll.u32 v9, $0x3;
	v8 =	vld [tilespmem:$0x210];
	v7 =	vor.u32 v53, v7  }
0x9d6: {  	v10 =	vand.u32 $0xFFFFFC00, v13;
	v13 =	vshll.u32 v6, $0x3  }
0x9d7: {  	v12 =	vor.u32 v14, v51;
	v13 =	vand.u32 $0xFFFFFC00, v13  }
0x9d8: {  	v5 =	vld.idx.msk [tilespmem:v5+s13+$0x0], $0xffff;
	[tilespmem:v4+s31+$0x0] =	vst.idx.msk $0xffff, v0;
	v4 =	vand.u32 $0x7F, v6;
	v6 =	vadd.s32 v61, v13  }
0x9d9: {  	v9 =	vand.u32 $0x7F, v9;
	v10 =	vadd.s32 v56, v10;
	[tilespmem:v11+s31+$0x0] =	vst.idx.msk $0xffff, v2;
	v4 =	vor.u32 v4, v6  }
0x9da: {  	v13 =	vshll.u32 v8, $0x3;
	v4 =	vor.u32 v60, v4;
	v2 =	vld.idx.msk [tilespmem:v7+s13+$0x0], $0xffff;
	v7 =	vor.u32 v14, v54  }
0x9db: {  	v0 =	vor.u32 v9, v10;
	v10 =	vld [tilespmem:$0x210];
	v6 =	vand.u32 $0xFFFFFC00, v13  }
0x9dc: {  	v0 =	vor.u32 v57, v0;
	v8 =	vand.u32 $0x7F, v8;
	v6 =	vadd.s32 v43, v6  }
0x9dd: {  	[tilespmem:v12+s31+$0x0] =	vst.idx.msk $0xffff, v5;
	v6 =	vor.u32 v8, v6;
	v8 =	vld [tilespmem:$0x210]  }
0x9de: {  	[tilespmem:v1+s31+$0x0] =	vst.idx.msk $0xffff, v3;
	v5 =	vor.u32 v42, v6;
	v6 =	vld [tilespmem:$0x210]  }
0x9df: {  	v3 =	vld.idx.msk [tilespmem:v4+s13+$0x0], $0xffff;
	[tilespmem:v7+s31+$0x0] =	vst.idx.msk $0xffff, v2  }
0x9e0: {  	v22 =	vmovc v14;
	v11 =	vor.u32 v14, v58;
	v13 =	vshll.u32 v10, $0x3;
	v4 =	vor.u32 v14, v59;
	v14 =	vld [tilespmem:$0x1FF40]  }
0x9e1: {  	v0 =	vld.idx.msk [tilespmem:v0+s13+$0x0], $0xffff;
	v12 =	vand.u32 $0xFFFFFC00, v13  }
0x9e2: {  	v10 =	vand.u32 $0x7F, v10;
	v1 =	vadd.s32 v45, v12  }
0x9e3: {  	v1 =	vor.u32 v10, v1;
	v7 =	vshll.u32 v8, $0x3;
	v8 =	vand.u32 $0x7F, v8  }
0x9e4: {  	v10 =	vld [tilespmem:$0x210];
	v1 =	vor.u32 v46, v1;
	v7 =	vand.u32 $0xFFFFFC00, v7;
	v12 =	vshll.u32 v6, $0x3  }
0x9e5: {  	v5 =	vld.idx.msk [tilespmem:v5+s13+$0x0], $0xffff;
	v7 =	vadd.s32 v49, v7;
	v12 =	vand.u32 $0xFFFFFC00, v12;
	v2 =	vor.u32 v14, v40  }
0x9e6: {  	v6 =	vand.u32 $0x7F, v6;
	[tilespmem:v11+s31+$0x0] =	vst.idx.msk $0xffff, v0;
	v13 =	vor.u32 v8, v7;
	v7 =	vadd.s32 v50, v12  }
0x9e7: {  	[tilespmem:v4+s31+$0x0] =	vst.idx.msk $0xffff, v3;
	v0 =	vor.u32 v48, v13;
	v3 =	vor.u32 v6, v7  }
0x9e8: {  	v9 =	vld [tilespmem:$0x230];
	v3 =	vor.u32 v52, v3  }
0x9e9: {  	v8 =	vld [tilespmem:$0x210];
	v7 =	vshll.u32 v10, $0x3  }
0x9ea: {  	v4 =	vld [tilespmem:$0x210];
	[tilespmem:v2+s31+$0x0] =	vst.idx.msk $0xffff, v5;
	v5 =	vand.u32 $0xFFFFFC00, v7  }
0x9eb: {  	v10 =	vand.u32 $0x7F, v10;
	v1 =	vld.idx.msk [tilespmem:v1+s13+$0x0], $0xffff;
	v2 =	vor.u32 v14, v44;
	v5 =	vadd.s32 v55, v5  }
0x9ec: {  	v11 =	vor.u32 v14, v47;
	v0 =	vld.idx.msk [tilespmem:v0+s13+$0x0], $0xffff;
	v5 =	vor.u32 v10, v5  }
0x9ed: {  	v3 =	vld.idx.msk [tilespmem:v3+s13+$0x0], $0xffff;
	v5 =	vor.u32 v53, v5  }
0x9ee: {  	v6 =	vshll.u32 v9, $0x3;
	v12 =	vor.u32 v14, v51;
	v13 =	vshll.u32 v8, $0x3;
	v7 =	vld [tilespmem:$0x220]  }
0x9ef: {  	v6 =	vand.u32 $0xFFFFFC00, v6;
	v10 =	vand.u32 $0xFFFFFC00, v13  }
0x9f0: {  	v8 =	vand.u32 $0x7F, v8;
	v13 =	vshll.u32 v4, $0x3;
	v10 =	vadd.s32 v56, v10;
	[tilespmem:v2+s31+$0x0] =	vst.idx.msk $0xffff, v1  }
0x9f1: {  	v13 =	vand.u32 $0xFFFFFC00, v13;
	[tilespmem:v11+s31+$0x0] =	vst.idx.msk $0xffff, v0;
	v0 =	vor.u32 v14, v54;
	v1 =	vor.u32 v8, v10;
	v10 =	vld [tilespmem:$0x220]  }
0x9f2: {  	v2 =	vand.u32 $0x7F, v4;
	v4 =	vadd.s32 v61, v13;
	v1 =	vor.u32 v57, v1;
	v5 =	vld.idx.msk [tilespmem:v5+s13+$0x0], $0xffff  }
0x9f3: {  	v6 =	vadd.s32 v41, v6;
	[tilespmem:v12+s31+$0x0] =	vst.idx.msk $0xffff, v3;
	v13 =	vshll.u32 v7, $0x3;
	v2 =	vor.u32 v2, v4  }
0x9f4: {  	v15 =	vld [tilespmem:$0x1FEA0];
	v4 =	vand.u32 $0xFFFFFC00, v13;
	v2 =	vor.u32 v60, v2;
	v13 =	vand.u32 $0x7F, v9  }
0x9f5: {  	v7 =	vand.u32 $0x7F, v7;
	v4 =	vadd.s32 v43, v4;
	v3 =	vor.u32 v13, v6;
	v6 =	vld [tilespmem:$0x220]  }
0x9f6: {  	v18 =	vmov v23;
	v4 =	vor.u32 v7, v4;
	v7 =	vld [tilespmem:$0x220];
	v3 =	vor.u32 v39, v3  }
0x9f7: {  	v23 =	vmov v27;
	v4 =	vor.u32 v42, v4;
	v12 =	vshll.u32 v10, $0x3;
	v1 =	vld.idx.msk [tilespmem:v1+s13+$0x0], $0xffff;
	[tilespmem:v0+s31+$0x0] =	vst.idx.msk $0xffff, v5  }
0x9f8: {  	v27 =	vmovc v30;
	v30 =	vmovc v14;
	v11 =	vor.u32 v14, v59;
	v9 =	vor.u32 v14, v58;
	v8 =	vand.u32 $0xFFFFFC00, v12;
	v14 =	vld [tilespmem:$0x1FE90]  }
0x9f9: {  	v10 =	vand.u32 $0x7F, v10;
	v2 =	vld.idx.msk [tilespmem:v2+s13+$0x0], $0xffff;
	v8 =	vadd.s32 v45, v8  }
0x9fa: {  	v5 =	vor.u32 v10, v8;
	v10 =	vld [tilespmem:$0x220]  }
0x9fb: {  	v13 =	vshll.u32 v7, $0x3;
	v3 =	vld.idx.msk [tilespmem:v3+s13+$0x0], $0xffff  }
0x9fc: {  	v7 =	vand.u32 $0x7F, v7;
	v4 =	vld.idx.msk [tilespmem:v4+s13+$0x0], $0xffff;
	v5 =	vor.u32 v46, v5;
	v8 =	vand.u32 $0xFFFFFC00, v13  }
0x9fd: {  	v13 =	vshll.u32 v6, $0x3;
	v8 =	vadd.s32 v49, v8;
	[tilespmem:v9+s31+$0x0] =	vst.idx.msk $0xffff, v1;
	v0 =	vor.u32 v14, v40  }
0x9fe: {  	v12 =	vor.u32 v15, v36;
	v13 =	vand.u32 $0xFFFFFC00, v13;
	v1 =	vor.u32 v7, v8;
	v8 =	vld [tilespmem:$0x220]  }
0x9ff: {  	v6 =	vand.u32 $0x7F, v6;
	v7 =	vadd.s32 v50, v13;
	[tilespmem:v11+s31+$0x0] =	vst.idx.msk $0xffff, v2  }
0xa00: {  	v1 =	vor.u32 v48, v1;
	v11 =	vor.u32 v6, v7;
	v6 =	vld [tilespmem:$0x220]  }
0xa01: {  	v2 =	vor.u32 v52, v11;
	v7 =	vshll.u32 v10, $0x3  }
0xa02: {  	[tilespmem:v0+s31+$0x0] =	vst.idx.msk $0xffff, v4;
	v0 =	vor.u32 v14, v44;
	v4 =	vld.idx.msk [tilespmem:v5+s13+$0x0], $0xffff;
	v5 =	vand.u32 $0xFFFFFC00, v7  }
0xa03: {  	[tilespmem:v12+s31+$0x0] =	vst.idx.msk $0xffff, v3;
	v13 =	vand.u32 $0x7F, v10;
	v12 =	vshll.u32 v8, $0x3;
	v3 =	vld [tilespmem:$0x230];
	v5 =	vadd.s32 v55, v5  }
0xa04: {  	v11 =	vor.u32 v14, v51;
	v10 =	vld [tilespmem:$0x240];
	v9 =	vand.u32 $0xFFFFFC00, v12;
	v5 =	vor.u32 v13, v5  }
0xa05: {  	v1 =	vld.idx.msk [tilespmem:v1+s13+$0x0], $0xffff;
	v12 =	vshll.u32 v6, $0x3;
	v7 =	vor.u32 v14, v47;
	v5 =	vor.u32 v53, v5  }
0xa06: {  	v8 =	vand.u32 $0x7F, v8;
	v2 =	vld.idx.msk [tilespmem:v2+s13+$0x0], $0xffff;
	v9 =	vadd.s32 v56, v9;
	v12 =	vand.u32 $0xFFFFFC00, v12  }
0xa07: {  	[tilespmem:v0+s31+$0x0] =	vst.idx.msk $0xffff, v4;
	v0 =	vor.u32 v8, v9;
	v4 =	vand.u32 $0x7F, v6;
	v6 =	vadd.s32 v61, v12  }
0xa08: {  	v13 =	vshll.u32 v3, $0x3;
	v9 =	vld [tilespmem:$0x230];
	v0 =	vor.u32 v57, v0;
	v4 =	vor.u32 v4, v6  }
0xa09: {  	v6 =	vand.u32 $0xFFFFFC00, v13;
	v4 =	vor.u32 v60, v4  }
0xa0a: {  	[tilespmem:v7+s31+$0x0] =	vst.idx.msk $0xffff, v1;
	v3 =	vand.u32 $0x7F, v3;
	v6 =	vadd.s32 v43, v6;
	v5 =	vld.idx.msk [tilespmem:v5+s13+$0x0], $0xffff  }
0xa0b: {  	v1 =	vor.u32 v14, v54;
	v7 =	vshll.u32 v10, $0x3;
	v3 =	vor.u32 v3, v6;
	v6 =	vld [tilespmem:$0x230]  }
0xa0c: {  	[tilespmem:v11+s31+$0x0] =	vst.idx.msk $0xffff, v2;
	v11 =	vor.u32 v14, v58;
	v12 =	vand.u32 $0xFFFFFC00, v7;
	v7 =	vand.u32 $0x7F, v10  }
0xa0d: {  	v2 =	vadd.s32 v41, v12;
	v3 =	vor.u32 v42, v3;
	v13 =	vshll.u32 v9, $0x3;
	v0 =	vld.idx.msk [tilespmem:v0+s13+$0x0], $0xffff  }
0xa0e: {  	v10 =	vor.u32 v14, v59;
	v2 =	vor.u32 v7, v2;
	v7 =	vand.u32 $0xFFFFFC00, v13;
	v4 =	vld.idx.msk [tilespmem:v4+s13+$0x0], $0xffff  }
0xa0f: {  	v8 =	vld [tilespmem:$0x230];
	v9 =	vand.u32 $0x7F, v9;
	v7 =	vadd.s32 v45, v7  }
0xa10: {  	v2 =	vor.u32 v39, v2;
	[tilespmem:v1+s31+$0x0] =	vst.idx.msk $0xffff, v5;
	v5 =	vor.u32 v9, v7;
	v7 =	vshll.u32 v6, $0x3  }
0xa11: {  	v1 =	vor.u32 v15, v40;
	v9 =	vld [tilespmem:$0x230];
	v6 =	vand.u32 $0x7F, v6;
	v7 =	vand.u32 $0xFFFFFC00, v7  }
0xa12: {  	v3 =	vld.idx.msk [tilespmem:v3+s13+$0x0], $0xffff;
	v5 =	vor.u32 v46, v5;
	v7 =	vadd.s32 v49, v7;
	[tilespmem:v11+s31+$0x0] =	vst.idx.msk $0xffff, v0  }
0xa13: {  	v14 =	vor.u32 v6, v7;
	[tilespmem:v10+s31+$0x0] =	vst.idx.msk $0xffff, v4  }
0xa14: {  	v12 =	vshll.u32 v8, $0x3;
	v0 =	vor.u32 v48, v14;
	v14 =	vld [tilespmem:$0x1FEB0]  }
0xa15: {  	v12 =	vand.u32 $0xFFFFFC00, v12;
	v2 =	vld.idx.msk [tilespmem:v2+s13+$0x0], $0xffff  }
0xa16: {  	v6 =	vand.u32 $0x7F, v8;
	v7 =	vadd.s32 v50, v12;
	v8 =	vld [tilespmem:$0x230];
	v12 =	vshll.u32 v9, $0x3  }
0xa17: {  	v4 =	vor.u32 v6, v7;
	[tilespmem:v1+s31+$0x0] =	vst.idx.msk $0xffff, v3;
	v1 =	vld.idx.msk [tilespmem:v5+s13+$0x0], $0xffff;
	v5 =	vand.u32 $0xFFFFFC00, v12  }
0xa18: {  	v6 =	vld [tilespmem:$0x230];
	v9 =	vand.u32 $0x7F, v9;
	v3 =	vor.u32 v15, v44;
	v5 =	vadd.s32 v55, v5  }
0xa19: {  	v4 =	vor.u32 v52, v4;
	v10 =	vld [tilespmem:$0x240];
	v5 =	vor.u32 v9, v5;
	v7 =	vor.u32 v14, v36  }
0xa1a: {  	v11 =	vor.u32 v15, v47;
	v0 =	vld.idx.msk [tilespmem:v0+s13+$0x0], $0xffff;
	v5 =	vor.u32 v53, v5;
	_ =	sdelay $0x1  }
0xa1b: {  	v13 =	vshll.u32 v8, $0x3  }
0xa1c: {  	v12 =	vor.u32 v15, v51;
	v9 =	vand.u32 $0xFFFFFC00, v13;
	v13 =	vshll.u32 v6, $0x3;
	[tilespmem:v3+s31+$0x0] =	vst.idx.msk $0xffff, v1  }
0xa1d: {  	v3 =	vand.u32 $0x7F, v6;
	[tilespmem:v7+s31+$0x0] =	vst.idx.msk $0xffff, v2;
	v2 =	vld.idx.msk [tilespmem:v4+s13+$0x0], $0xffff;
	v4 =	vand.u32 $0x7F, v8;
	v7 =	vadd.s32 v56, v9  }
0xa1e: {  	v6 =	vshll.u32 v10, $0x3;
	v8 =	vand.u32 $0xFFFFFC00, v13;
	[tilespmem:v11+s31+$0x0] =	vst.idx.msk $0xffff, v0;
	v0 =	vld.idx.msk [tilespmem:v5+s13+$0x0], $0xffff;
	v13 =	vor.u32 v4, v7  }
0xa1f: {  	v5 =	vor.u32 v15, v54;
	v4 =	vadd.s32 v61, v8;
	v7 =	vld [tilespmem:$0x240];
	v1 =	vor.u32 v57, v13  }
0xa20: {  	v9 =	vld [tilespmem:$0x250];
	v3 =	vor.u32 v3, v4;
	v4 =	vand.u32 $0xFFFFFC00, v6  }
0xa21: {  	v6 =	vand.u32 $0x7F, v10;
	v3 =	vor.u32 v60, v3;
	v4 =	vadd.s32 v43, v4  }
0xa22: {  	v4 =	vor.u32 v6, v4;
	v6 =	vld [tilespmem:$0x240];
	[tilespmem:v12+s31+$0x0] =	vst.idx.msk $0xffff, v2  }
0xa23: {  	v11 =	vor.u32 v15, v58;
	v4 =	vor.u32 v42, v4;
	v8 =	vld [tilespmem:$0x240]  }
0xa24: {  	[tilespmem:v5+s31+$0x0] =	vst.idx.msk $0xffff, v0;
	v0 =	vor.u32 v14, v40;
	v13 =	vshll.u32 v7, $0x3;
	v1 =	vld.idx.msk [tilespmem:v1+s13+$0x0], $0xffff  }
0xa25: {  	v12 =	vshll.u32 v9, $0x3;
	v7 =	vand.u32 $0x7F, v7;
	v10 =	vand.u32 $0xFFFFFC00, v13  }
0xa26: {  	v2 =	vand.u32 $0xFFFFFC00, v12;
	v12 =	vor.u32 v15, v59;
	v3 =	vld.idx.msk [tilespmem:v3+s13+$0x0], $0xffff;
	v10 =	vadd.s32 v45, v10  }
0xa27: {  	v2 =	vadd.s32 v41, v2;
	v5 =	vor.u32 v7, v10;
	v7 =	vshll.u32 v6, $0x3;
	v10 =	vld [tilespmem:$0x240]  }
0xa28: {  	v4 =	vld.idx.msk [tilespmem:v4+s13+$0x0], $0xffff;
	v5 =	vor.u32 v46, v5;
	v7 =	vand.u32 $0xFFFFFC00, v7;
	v13 =	vshll.u32 v8, $0x3  }
0xa29: {  	v6 =	vand.u32 $0x7F, v6;
	v7 =	vadd.s32 v49, v7;
	v13 =	vand.u32 $0xFFFFFC00, v13;
	[tilespmem:v11+s31+$0x0] =	vst.idx.msk $0xffff, v1  }
0xa2a: {  	v1 =	vor.u32 v6, v7;
	v6 =	vand.u32 $0x7F, v8;
	v7 =	vadd.s32 v50, v13;
	v8 =	vld [tilespmem:$0x240]  }
0xa2b: {  	v9 =	vand.u32 $0x7F, v9;
	[tilespmem:v12+s31+$0x0] =	vst.idx.msk $0xffff, v3;
	v1 =	vor.u32 v48, v1;
	v3 =	vor.u32 v6, v7  }
0xa2c: {  	v2 =	vor.u32 v9, v2;
	v6 =	vld [tilespmem:$0x240];
	v7 =	vshll.u32 v10, $0x3;
	v3 =	vor.u32 v52, v3  }
0xa2d: {  	[tilespmem:v0+s31+$0x0] =	vst.idx.msk $0xffff, v4;
	v0 =	vld.idx.msk [tilespmem:v5+s13+$0x0], $0xffff;
	v4 =	vor.u32 v14, v44;
	v5 =	vand.u32 $0xFFFFFC00, v7  }
0xa2e: {  	v9 =	vor.u32 v14, v47;
	v10 =	vand.u32 $0x7F, v10;
	v7 =	vld [tilespmem:$0x250];
	v5 =	vadd.s32 v55, v5  }
0xa2f: {  	v2 =	vor.u32 v39, v2;
	v5 =	vor.u32 v10, v5;
	v12 =	vshll.u32 v8, $0x3  }
0xa30: {  	v11 =	vor.u32 v14, v51;
	v1 =	vld.idx.msk [tilespmem:v1+s13+$0x0], $0xffff;
	v5 =	vor.u32 v53, v5;
	v10 =	vand.u32 $0xFFFFFC00, v12  }
0xa31: {  	v8 =	vand.u32 $0x7F, v8;
	v12 =	vshll.u32 v6, $0x3;
	v3 =	vld.idx.msk [tilespmem:v3+s13+$0x0], $0xffff;
	v10 =	vadd.s32 v56, v10  }
0xa32: {  	v12 =	vand.u32 $0xFFFFFC00, v12;
	[tilespmem:v4+s31+$0x0] =	vst.idx.msk $0xffff, v0;
	v4 =	vand.u32 $0x7F, v6;
	v13 =	vor.u32 v8, v10  }
0xa33: {  	v6 =	vadd.s32 v61, v12;
	v12 =	vshll.u32 v7, $0x3;
	v10 =	vld [tilespmem:$0x250];
	v7 =	vand.u32 $0x7F, v7  }
0xa34: {  	v0 =	vor.u32 v57, v13;
	v4 =	vor.u32 v4, v6;
	v6 =	vand.u32 $0xFFFFFC00, v12  }
0xa35: {  	v4 =	vor.u32 v60, v4;
	v6 =	vadd.s32 v43, v6;
	[tilespmem:v9+s31+$0x0] =	vst.idx.msk $0xffff, v1;
	v1 =	vld.idx.msk [tilespmem:v5+s13+$0x0], $0xffff  }
0xa36: {  	v5 =	vor.u32 v14, v54;
	v6 =	vor.u32 v7, v6;
	v7 =	vld [tilespmem:$0x250];
	[tilespmem:v11+s31+$0x0] =	vst.idx.msk $0xffff, v3  }
0xa37: {  	v15 =	vld [tilespmem:$0x1FEC0]  }
0xa38: {  	v3 =	vor.u32 v42, v6;
	v6 =	vld [tilespmem:$0x250];
	v8 =	vshll.u32 v10, $0x3  }
0xa39: {  	v9 =	vor.u32 v14, v58;
	v0 =	vld.idx.msk [tilespmem:v0+s13+$0x0], $0xffff;
	v8 =	vand.u32 $0xFFFFFC00, v8  }
0xa3a: {  	v12 =	vor.u32 v14, v59;
	v10 =	vand.u32 $0x7F, v10;
	v4 =	vld.idx.msk [tilespmem:v4+s13+$0x0], $0xffff;
	v8 =	vadd.s32 v45, v8  }
0xa3b: {  	v2 =	vld.idx.msk [tilespmem:v2+s13+$0x0], $0xffff;
	[tilespmem:v5+s31+$0x0] =	vst.idx.msk $0xffff, v1;
	v5 =	vor.u32 v10, v8  }
0xa3c: {  	v13 =	vshll.u32 v7, $0x3;
	v10 =	vld [tilespmem:$0x250];
	v5 =	vor.u32 v46, v5;
	v11 =	vor.u32 v15, v36  }
0xa3d: {  	v3 =	vld.idx.msk [tilespmem:v3+s13+$0x0], $0xffff;
	v8 =	vand.u32 $0xFFFFFC00, v13;
	v1 =	vor.u32 v15, v40;
	v13 =	vshll.u32 v6, $0x3  }
0xa3e: {  	[tilespmem:v9+s31+$0x0] =	vst.idx.msk $0xffff, v0;
	v0 =	vand.u32 $0x7F, v7;
	v7 =	vadd.s32 v49, v8;
	v14 =	vand.u32 $0xFFFFFC00, v13  }
0xa3f: {  	v6 =	vand.u32 $0x7F, v6;
	v0 =	vor.u32 v0, v7;
	v7 =	vadd.s32 v50, v14;
	v8 =	vld [tilespmem:$0x250];
	[tilespmem:v12+s31+$0x0] =	vst.idx.msk $0xffff, v4  }
0xa40: {  	v0 =	vor.u32 v48, v0;
	v4 =	vor.u32 v6, v7;
	v6 =	vld [tilespmem:$0x250]  }
0xa41: {  	[tilespmem:v11+s31+$0x0] =	vst.idx.msk $0xffff, v2;
	v2 =	vor.u32 v52, v4;
	v4 =	vshll.u32 v10, $0x3  }
0xa42: {  	v12 =	vand.u32 $0x7F, v10;
	[tilespmem:v1+s31+$0x0] =	vst.idx.msk $0xffff, v3;
	v7 =	vld [tilespmem:$0x260];
	v3 =	vand.u32 $0xFFFFFC00, v4  }
0xa43: {  	v1 =	vor.u32 v15, v44;
	v11 =	vor.u32 v15, v51;
	v4 =	vld.idx.msk [tilespmem:v5+s13+$0x0], $0xffff;
	v3 =	vadd.s32 v55, v3  }
0xa44: {  	v5 =	vor.u32 v15, v47;
	v10 =	vld [tilespmem:$0x260];
	v13 =	vshll.u32 v8, $0x3;
	v3 =	vor.u32 v12, v3  }
0xa45: {  	v0 =	vld.idx.msk [tilespmem:v0+s13+$0x0], $0xffff;
	v9 =	vand.u32 $0xFFFFFC00, v13;
	v12 =	vshll.u32 v6, $0x3;
	v3 =	vor.u32 v53, v3  }
0xa46: {  	v8 =	vand.u32 $0x7F, v8;
	v9 =	vadd.s32 v56, v9;
	v12 =	vand.u32 $0xFFFFFC00, v12;
	v2 =	vld.idx.msk [tilespmem:v2+s13+$0x0], $0xffff  }
0xa47: {  	v6 =	vand.u32 $0x7F, v6;
	v8 =	vor.u32 v8, v9;
	v9 =	vadd.s32 v61, v12  }
0xa48: {  	v12 =	vshll.u32 v7, $0x3;
	[tilespmem:v1+s31+$0x0] =	vst.idx.msk $0xffff, v4;
	v14 =	vor.u32 v57, v8;
	v4 =	vor.u32 v6, v9  }
0xa49: {  	v7 =	vand.u32 $0x7F, v7;
	v6 =	vand.u32 $0xFFFFFC00, v12;
	v8 =	vld [tilespmem:$0x260];
	v4 =	vor.u32 v60, v4  }
0xa4a: {  	v12 =	vor.u32 v15, v54;
	v6 =	vadd.s32 v41, v6;
	[tilespmem:v5+s31+$0x0] =	vst.idx.msk $0xffff, v0;
	v3 =	vld.idx.msk [tilespmem:v3+s13+$0x0], $0xffff  }
0xa4b: {  	v5 =	vor.u32 v7, v6;
	v6 =	vshll.u32 v10, $0x3;
	v7 =	vld [tilespmem:$0x260];
	[tilespmem:v11+s31+$0x0] =	vst.idx.msk $0xffff, v2  }
0xa4c: {  	v2 =	vor.u32 v39, v5;
	v5 =	vand.u32 $0xFFFFFC00, v6;
	v6 =	vld [tilespmem:$0x260]  }
0xa4d: {  	v13 =	vand.u32 $0x7F, v10;
	v10 =	vor.u32 v15, v58;
	v1 =	vld.idx.msk [tilespmem:v14+s13+$0x0], $0xffff  }
0xa4e: {  	v11 =	vor.u32 v15, v59;
	v5 =	vadd.s32 v43, v5;
	v14 =	vshll.u32 v8, $0x3;
	v4 =	vld.idx.msk [tilespmem:v4+s13+$0x0], $0xffff  }
0xa4f: {  	v5 =	vor.u32 v13, v5;
	v9 =	vand.u32 $0xFFFFFC00, v14;
	[tilespmem:v12+s31+$0x0] =	vst.idx.msk $0xffff, v3;
	v12 =	vld.idx.msk [tilespmem:v63+s13+$0x0], $0xffff  }
0xa50: {  	v5 =	vor.u32 v42, v5;
	v3 =	vand.u32 $0x7F, v8;
	v8 =	vadd.s32 v45, v9;
	v14 =	vld [tilespmem:$0x1FED0]  }
0xa51: {  	v63 =	vshll.u32 v7, $0x3;
	v9 =	vld [tilespmem:$0x260];
	v3 =	vor.u32 v3, v8  }
0xa52: {  	[tilespmem:v10+s31+$0x0] =	vst.idx.msk $0xffff, v1;
	v1 =	vld.idx.msk [tilespmem:v2+s13+$0x0], $0xffff;
	v2 =	vor.u32 v46, v3;
	v3 =	vand.u32 $0xFFFFFC00, v63  }
0xa53: {  	v63 =	vshll.u32 v6, $0x3;
	[tilespmem:v11+s31+$0x0] =	vst.idx.msk $0xffff, v4;
	v4 =	vand.u32 $0x7F, v7;
	v3 =	vadd.s32 v49, v3  }
0xa54: {  	v7 =	vand.u32 $0xFFFFFC00, v63;
	v8 =	vld [tilespmem:$0x260];
	v3 =	vor.u32 v4, v3;
	v4 =	vand.u32 $0x7F, v6  }
0xa55: {  	v5 =	vld.idx.msk [tilespmem:v5+s13+$0x0], $0xffff;
	v6 =	vadd.s32 v50, v7;
	v3 =	vor.u32 v48, v3;
	v0 =	vor.u32 v14, v36  }
0xa56: {  	v7 =	vld [tilespmem:$0x260];
	v4 =	vor.u32 v4, v6;
	v13 =	vor.u32 v14, v40;
	v6 =	vshll.u32 v9, $0x3  }
0xa57: {  	[tilespmem:v62+s31+$0x0] =	vst.idx.msk $0xffff, v12;
	v4 =	vor.u32 v52, v4;
	v6 =	vand.u32 $0xFFFFFC00, v6  }
0xa58: {  	v10 =	vor.u32 v14, v44;
	v9 =	vand.u32 $0x7F, v9;
	v2 =	vld.idx.msk [tilespmem:v2+s13+$0x0], $0xffff;
	v6 =	vadd.s32 v55, v6  }
0xa59: {  	v11 =	vld [tilespmem:$0x270];
	v12 =	vshll.u32 v8, $0x3;
	v63 =	vor.u32 v9, v6  }
0xa5a: {  	v9 =	vor.u32 v14, v47;
	[tilespmem:v0+s31+$0x0] =	vst.idx.msk $0xffff, v1;
	v0 =	vor.u32 v53, v63;
	v1 =	vand.u32 $0xFFFFFC00, v12  }
0xa5b: {  	v62 =	vshll.u32 v7, $0x3;
	v3 =	vld.idx.msk [tilespmem:v3+s13+$0x0], $0xffff;
	[tilespmem:v13+s31+$0x0] =	vst.idx.msk $0xffff, v5;
	v5 =	vand.u32 $0x7F, v8;
	v1 =	vadd.s32 v56, v1  }
0xa5c: {  	v63 =	vor.u32 v14, v51;
	v4 =	vld.idx.msk [tilespmem:v4+s13+$0x0], $0xffff;
	v1 =	vor.u32 v5, v1;
	v5 =	vand.u32 $0xFFFFFC00, v62  }
0xa5d: {  	v13 =	vand.u32 $0x7F, v7;
	v6 =	vld [tilespmem:$0x270];
	[tilespmem:v10+s31+$0x0] =	vst.idx.msk $0xffff, v2;
	v5 =	vadd.s32 v61, v5  }
0xa5e: {  	v7 =	vshll.u32 v11, $0x3;
	v10 =	vld [tilespmem:$0x270];
	v1 =	vor.u32 v57, v1;
	v2 =	vor.u32 v13, v5  }
0xa5f: {  	v5 =	vand.u32 $0xFFFFFC00, v7;
	v7 =	vor.u32 v14, v54;
	v0 =	vld.idx.msk [tilespmem:v0+s13+$0x0], $0xffff;
	v2 =	vor.u32 v60, v2  }
0xa60: {  	v8 =	vld [tilespmem:$0x270];
	[tilespmem:v9+s31+$0x0] =	vst.idx.msk $0xffff, v3;
	v3 =	vand.u32 $0x7F, v11;
	v5 =	vadd.s32 v38, v5  }
0xa61: {  	[tilespmem:v63+s31+$0x0] =	vst.idx.msk $0xffff, v4;
	v3 =	vor.u32 v3, v5;
	v5 =	vld [tilespmem:$0x270]  }
0xa62: {  	v63 =	vor.u32 v14, v58;
	v62 =	vshll.u32 v6, $0x3;
	v3 =	vor.u32 v35, v3;
	v35 =	vld [tilespmem:$0x270]  }
0xa63: {  	v6 =	vand.u32 $0x7F, v6;
	v4 =	vand.u32 $0xFFFFFC00, v62;
	v38 =	vshll.u32 v10, $0x3;
	v1 =	vld.idx.msk [tilespmem:v1+s13+$0x0], $0xffff  }
0xa64: {  	v4 =	vadd.s32 v41, v4;
	[tilespmem:v7+s31+$0x0] =	vst.idx.msk $0xffff, v0;
	v7 =	vor.u32 v14, v59;
	v2 =	vld.idx.msk [tilespmem:v2+s13+$0x0], $0xffff  }
0xa65: {  	v10 =	vand.u32 $0x7F, v10;
	v4 =	vor.u32 v6, v4;
	v6 =	vshll.u32 v8, $0x3  }
0xa66: {  	v8 =	vand.u32 $0x7F, v8;
	v6 =	vand.u32 $0xFFFFFC00, v6;
	v0 =	vand.u32 $0xFFFFFC00, v38  }
0xa67: {  	v4 =	vor.u32 v39, v4;
	v6 =	vadd.s32 v43, v6;
	v39 =	vld [tilespmem:$0x270];
	v0 =	vadd.s32 v45, v0  }
0xa68: {  	v41 =	vor.u32 v8, v6;
	v0 =	vor.u32 v10, v0;
	v45 =	vshll.u32 v35, $0x3;
	[tilespmem:v63+s31+$0x0] =	vst.idx.msk $0xffff, v1  }
0xa69: {  	v6 =	vshll.u32 v5, $0x3;
	v0 =	vor.u32 v46, v0;
	v43 =	vld [tilespmem:$0x270];
	[tilespmem:v7+s31+$0x0] =	vst.idx.msk $0xffff, v2;
	v2 =	vand.u32 $0xFFFFFC00, v45  }
0xa6a: {  	v6 =	vand.u32 $0xFFFFFC00, v6;
	v46 =	vand.u32 $0x7F, v35;
	v2 =	vadd.s32 v50, v2  }
0xa6b: {  	v5 =	vand.u32 $0x7F, v5;
	v6 =	vadd.s32 v49, v6;
	v7 =	vld [tilespmem:$0x270];
	v2 =	vor.u32 v46, v2  }
0xa6c: {  	v5 =	vor.u32 v5, v6;
	v6 =	vshll.u32 v39, $0x3;
	v2 =	vor.u32 v52, v2;
	v52 =	vld [tilespmem:$0x1FF50]  }
0xa6d: {  	v1 =	vor.u32 v42, v41;
	v5 =	vor.u32 v48, v5;
	v6 =	vand.u32 $0xFFFFFC00, v6  }
0xa6e: {  	v48 =	vand.u32 $0x7F, v39;
	v6 =	vadd.s32 v55, v6;
	v49 =	vshll.u32 v43, $0x3  }
0xa6f: {  	v6 =	vor.u32 v48, v6;
	v8 =	vand.u32 $0x7F, v43;
	v9 =	vand.u32 $0xFFFFFC00, v49  }
0xa70: {  	v6 =	vor.u32 v53, v6;
	v9 =	vadd.s32 v56, v9;
	v50 =	vshll.u32 v7, $0x3  }
0xa71: {  	v3 =	vld.idx.msk [tilespmem:v3+s13+$0x0], $0xffff;
	v7 =	vand.u32 $0x7F, v7;
	v10 =	vand.u32 $0xFFFFFC00, v50;
	v53 =	vor.u32 v52, v37  }
0xa72: {  	v4 =	vld.idx.msk [tilespmem:v4+s13+$0x0], $0xffff;
	v8 =	vor.u32 v8, v9;
	v10 =	vadd.s32 v61, v10;
	v55 =	vor.u32 v52, v36  }
0xa73: {  	v1 =	vld.idx.msk [tilespmem:v1+s13+$0x0], $0xffff;
	v8 =	vor.u32 v57, v8;
	v56 =	vor.u32 v52, v40;
	v7 =	vor.u32 v7, v10  }
0xa74: {  	v0 =	vld.idx.msk [tilespmem:v0+s13+$0x0], $0xffff;
	v57 =	vor.u32 v52, v44;
	v7 =	vor.u32 v60, v7  }
0xa75: {  	v5 =	vld.idx.msk [tilespmem:v5+s13+$0x0], $0xffff;
	v60 =	vor.u32 v52, v47  }
0xa76: {  	v2 =	vld.idx.msk [tilespmem:v2+s13+$0x0], $0xffff;
	[tilespmem:v53+s31+$0x0] =	vst.idx.msk $0xffff, v3;
	v3 =	vor.u32 v52, v51  }
0xa77: {  	[tilespmem:v55+s31+$0x0] =	vst.idx.msk $0xffff, v4;
	v4 =	vld.idx.msk [tilespmem:v6+s13+$0x0], $0xffff;
	v6 =	vor.u32 v52, v54  }
0xa78: {  	v62 =	vor.u32 v52, v58;
	[tilespmem:v56+s31+$0x0] =	vst.idx.msk $0xffff, v1;
	v61 =	vld.idx.msk [tilespmem:v8+s13+$0x0], $0xffff  }
0xa79: {  	[tilespmem:v57+s31+$0x0] =	vst.idx.msk $0xffff, v0;
	v63 =	vld.idx.msk [tilespmem:v7+s13+$0x0], $0xffff;
	v7 =	vor.u32 v52, v59  }
0xa7a: {  	[tilespmem:v60+s31+$0x0] =	vst.idx.msk $0xffff, v5  }
0xa7b: {  	[tilespmem:v3+s31+$0x0] =	vst.idx.msk $0xffff, v2  }
0xa7c: {  	s0 =	sadd.s32 $0x1, s0;
	[tilespmem:v6+s31+$0x0] =	vst.idx.msk $0xffff, v4  }
0xa7d: {  	p0 =	sne.s32 s0, s10;
	[tilespmem:v62+s31+$0x0] =	vst.idx.msk $0xffff, v61  }
.Ltmp2:
0xa7e: {  	[tilespmem:v7+s31+$0x0] =	vst.idx.msk $0xffff, v63;
	(pc) =	sbr.rel @p0 .LBB2_1-.Ltmp2, $4  }
0xa7f: {  	[hbm4b:s9+s2] =	stream.linear.scatter [tilespmem:s31], [sflag:$0x2], $0x8000, $0x38;
	[tilespmem:$0x10280] =	vst v63  }
0xa80: {  	_ =	swait.ge [sflag:s12], $0x8000  }
0xa81: {  	[sflag:s12] =	ssyncset.done $0x0  }
0xa82: {  	v17 =	vlaneseq.u32;
	v32 =	vmov v16;
	v4 =	vld [tilespmem:$0x1FEE0];
	[sflag:s12] =	ssyncadd.s32 $0xFFFF8000  }
0xa83: {  	_ =	sfence.sel $0x180000  }
0xa84: {  	[bflag:$0x0] =	sbarrier.arrive $0xFFFF  }
0xa85: {  	_ =	strace $0x90000047  }
0xa86: {  	s0 =	stileid.u32;
	[bflag:$0x2] =	sbarrier.arrive $0xFFFF  }
0xa87: {  	p0 =	sne.s32 s0, $0x0;
	s0 =	rddreg [dreg:$0x1]  }
0xa88: {  	s0 =	sadd.s32 @!p0 $0x100000, s0  }
0xa89: {  	[sflag:s0] =	ssyncadd.tile.s32 @!p0 $0x1;
	_ =	shalt  }
.Lfunc_end2:
_tile_overlayer_lowered:
.L_overlay_start_2:
0xa8a: {  	(tag) =	ssettag $0x2  }
0xa8b: {  	s0 =	rddreg [dreg:$0x0];
	s2 =	stileid.u32  }
0xa8c: {  	s1 =	rddreg [dreg:$0x1];
	p0 =	sne.s32 s2, $0x0  }
0xa8d: {  	s3 =	rddreg [dreg:$0x2];
	[bflag:$0x3] =	sbarrier.arrive $0xFFFF;
	s2 =	simm.s32 @!p0 $0x1C02  }
0xa8e: {  	[timem:s3], [sflag:s2] =	dma.local @!p0 [hbm:s0], s1  }
0xa8f: {  	s0 =	simm.s32 @!p0 $0x2  }
0xa90: {  	_ =	swait.ge @!p0 [sflag:s0], s1  }
0xa91: {  	s1 =	ssub.s32 @!p0 $0x0, s1;
	[sflag:s0] =	ssyncset.done @!p0 $0x0  }
0xa92: {  	[sflag:s0] =	ssyncadd.s32 @!p0 s1  }
0xa93: {  	[bflag:$0x3] =	sbarrier.arrive $0xFFFF  }
0xa94: {  	_ =	shalt  }

</sc_bundles>
